<compile_context>
chip_gen: v7x
topology: tpu7x:2x2x1
jax: 0.10.2.dev20260603
libtpu: 0.0.44.dev20260713+nightly
codegen_flags: <defaults>
</compile_context>

<pallas_src>
import functools

import jax
import jax.numpy as jnp
from jax import lax
from jax.experimental import pallas as pl
from jax.experimental.pallas import tpu as pltpu
from jax.experimental.pallas import tpu_sc as plsc

_NUM_MATERIALS = 1000000
_EMBED_DIM = 64
_BATCH = 16384

_NC = 2
_NS = 16
_NW = _NC * _NS
_B_PER_W = _BATCH // _NW
_GRP = 16
_NGRP = _B_PER_W // _GRP
_NPH = 2
_BPP = 8 // _NPH

_mesh = plsc.VectorSubcoreMesh(core_axis_name="c", subcore_axis_name="s")


@functools.partial(
    pl.kernel,
    mesh=_mesh,
    out_type=jax.ShapeDtypeStruct((_BATCH, _EMBED_DIM), jnp.float32),
    scratch_types=[
        pltpu.VMEM((_B_PER_W,), jnp.int32),
        pltpu.VMEM((_B_PER_W,), jnp.int32),
        pltpu.VMEM((_GRP,), jnp.int32),
        pltpu.VMEM((_GRP, _BPP, 8, 128), jnp.float32),
        pltpu.VMEM((_GRP, _EMBED_DIM), jnp.float32),
        pltpu.SemaphoreType.DMA,
        pltpu.SemaphoreType.DMA,
    ],
    compiler_params=pltpu.CompilerParams(needs_layout_passes=False),
)
def _gather_kernel(table_hbm, idx_hbm, pos_hbm, out_hbm, idx_v, pos_v,
                   blk_v, buf_v, row_v, sem, sem_out):
    wid = lax.axis_index("s") * _NC + lax.axis_index("c")
    base = wid * _B_PER_W

    pltpu.sync_copy(idx_hbm.at[pl.ds(base, _B_PER_W)], idx_v)
    pltpu.sync_copy(pos_hbm.at[pl.ds(base, _B_PER_W)], pos_v)
    lane = lax.iota(jnp.int32, 16)
    lprev = jnp.maximum(lane - 1, 0)
    zeros = jnp.full((16,), 0, jnp.int32)

    def wave_body(w, carry):
        goff = pl.multiple_of(w * _GRP, _GRP)
        rvec = idx_v[pl.ds(goff, _GRP)]
        pvec = pos_v[pl.ds(goff, _GRP)]
        rm_vec = rvec & 127
        blk = lax.shift_right_logical(rvec, 7)
        blk_v[pl.ds(0, _GRP)] = blk
        blk_prev = plsc.load_gather(blk_v, [lprev])
        newi = jnp.where((blk != blk_prev) | (lane == 0), 1, 0).astype(
            jnp.int32
        )
        slot_vec = plsc.cumsum(newi) - 1

        for ph in range(_NPH):
            for l in range(_GRP):
                @pl.when(newi[l] > 0)
                def _(l=l, ph=ph):
                    pltpu.make_async_copy(
                        table_hbm.at[
                            pl.ds(ph * _BPP, _BPP),
                            :,
                            pl.ds(
                                pl.multiple_of(rvec[l] & -128, 128), 128
                            ),
                        ],
                        buf_v.at[slot_vec[l]],
                        sem,
                    ).start()

            if ph == 0:
                @pl.when(w > 0)
                def _():
                    for l in range(_GRP):
                        pltpu.make_async_copy(
                            row_v.at[l], out_hbm.at[0], sem_out
                        ).wait()

            for l in range(_GRP):
                @pl.when(newi[l] > 0)
                def _(l=l):
                    pltpu.make_async_copy(
                        table_hbm.at[pl.ds(0, _BPP), :, pl.ds(0, 128)],
                        buf_v.at[0],
                        sem,
                    ).wait()

            for half in range(2):
                for l in range(_GRP):
                    vals = plsc.load_gather(
                        buf_v,
                        [
                            zeros + slot_vec[l],
                            half * 2 + (lane >> 3),
                            lane & 7,
                            zeros + rm_vec[l],
                        ],
                    )
                    row_v[l, pl.ds(ph * 32 + half * 16, 16)] = vals

        for l in range(_GRP):
            pltpu.make_async_copy(
                row_v.at[l], out_hbm.at[pvec[l]], sem_out
            ).start()
        return carry

    lax.fori_loop(0, _NGRP, wave_body, 0)
    for l in range(_GRP):
        pltpu.make_async_copy(row_v.at[l], out_hbm.at[0], sem_out).wait()


def kernel(embeddings, material_index):
    table3 = embeddings.T.reshape(8, 8, _NUM_MATERIALS)
    sidx, spos = lax.sort_key_val(
        material_index, lax.iota(jnp.int32, _BATCH)
    )
    return _gather_kernel(table3, sidx, spos)

# --- scband reference (transcript-rebuilt; emitter-appended) ---
"""Pipeline reference for scband-embedding-manager-30502857736542 (READ-ONLY COPY).

The authoritative reference and input builder live on the scoring server;
editing this copy changes nothing except your own understanding.
"""

import jax, jax.numpy as jnp
import numpy as np

NUM_MATERIALS = 1000000
EMBED_DIM = 64
BATCH = 16384


def setup_inputs(seed: int = 0) -> dict:
    key = jax.random.key(seed)
    k_emb, k_idx = jax.random.split(key)
    embeddings = jax.random.normal(k_emb, (NUM_MATERIALS, EMBED_DIM), dtype=jnp.float32)
    material_index = jax.random.randint(k_idx, (BATCH,), 0, NUM_MATERIALS, dtype=jnp.int32)
    return {"embeddings": embeddings, "material_index": material_index}


def reference(embeddings, material_index):
    # Faithful translation of EmbeddingManager.forward: self.embeddings[material_index]
    return jnp.take(embeddings, material_index, axis=0)

if __name__ == "__main__":
    import jax
    _d = setup_inputs()
    print(jax.jit(kernel)(*tuple(_d.values())))

</pallas_src>

<mosaic_0001>
#map = affine_map<(d0, d1) -> (0, 0, 0)>
#map1 = affine_map<(d0, d1) -> (0)>
#map2 = affine_map<(d0, d1) -> (0, 0)>
module attributes {stable_mosaic.version = 14 : i64} {
  func.func @_gather_kernel(%arg0: i32, %arg1: i32, %arg2: memref<8x8x1000000xf32, #tpu.memory_space<hbm>>, %arg3: memref<16384xi32, #tpu.memory_space<hbm>>, %arg4: memref<16384xi32, #tpu.memory_space<hbm>>, %arg5: memref<16384x64xf32, #tpu.memory_space<hbm>>, %arg6: memref<512xi32, #tpu.memory_space<vmem>>, %arg7: memref<512xi32, #tpu.memory_space<vmem>>, %arg8: memref<16xi32, #tpu.memory_space<vmem>>, %arg9: memref<16x4x8x128xf32, #tpu.memory_space<vmem>>, %arg10: memref<16x64xf32, #tpu.memory_space<vmem>>, %arg11: memref<!tpu.dma_semaphore, #tpu.memory_space<semaphore_mem>>, %arg12: memref<!tpu.dma_semaphore, #tpu.memory_space<semaphore_mem>>) attributes {dimension_semantics = [#tpu.dimension_semantics<core_parallel>, #tpu.dimension_semantics<subcore_parallel>], iteration_bounds = array<i64: 2, 16>, scalar_prefetch = 0 : i64, scratch_operands = 7 : i64, tpu.core_type = #tpu.core_type<sc_vector_subcore>, window_params = [{transform_indices = #map}, {transform_indices = #map1}, {transform_indices = #map1}, {transform_indices = #map2}]} {
    %mul3A = arith.constant 2 : i32
    %mul3A_0 = arith.muli %arg1, %mul3A : i32
    %add3A = arith.addi %mul3A_0, %arg0 : i32
    %mul3A_1 = arith.constant 512 : i32
    %mul3A_2 = arith.muli %add3A, %mul3A_1 : i32
    "tpu.region"() ({
      %run_scoped3A = tpu.sem_alloc : memref<!tpu.dma_semaphore, #tpu.memory_space<semaphore_mem>>
      %dma_start3A = tpu.memref_slice %arg3[%mul3A_2] : memref<16384xi32, #tpu.memory_space<hbm>> -> memref<512xi32, #tpu.memory_space<hbm>>
      %dma_start3A_236 = tpu.memref_slice %arg3[%mul3A_2] : memref<16384xi32, #tpu.memory_space<hbm>> -> memref<512xi32, #tpu.memory_space<hbm>>
      tpu.enqueue_dma source(%dma_start3A_236 : memref<512xi32, #tpu.memory_space<hbm>>) target(%arg6 : memref<512xi32, #tpu.memory_space<vmem>>) target_semaphore(%run_scoped3A : memref<!tpu.dma_semaphore, #tpu.memory_space<semaphore_mem>>)
      %dma_wait3A_237 = tpu.memref_slice %arg3[%mul3A_2] : memref<16384xi32, #tpu.memory_space<hbm>> -> memref<512xi32, #tpu.memory_space<hbm>>
      %dma_wait3A_238 = tpu.memref_slice %arg3[%mul3A_2] : memref<16384xi32, #tpu.memory_space<hbm>> -> memref<512xi32, #tpu.memory_space<hbm>>
      tpu.wait_dma2 semaphore(%run_scoped3A : memref<!tpu.dma_semaphore, #tpu.memory_space<semaphore_mem>>) src(%dma_wait3A_238 : memref<512xi32, #tpu.memory_space<hbm>>) dst(%arg6 : memref<512xi32, #tpu.memory_space<vmem>>)
      tpu.yield
    }) : () -> ()
    "tpu.region"() ({
      %run_scoped3A = tpu.sem_alloc : memref<!tpu.dma_semaphore, #tpu.memory_space<semaphore_mem>>
      %dma_start3A = tpu.memref_slice %arg4[%mul3A_2] : memref<16384xi32, #tpu.memory_space<hbm>> -> memref<512xi32, #tpu.memory_space<hbm>>
      %dma_start3A_236 = tpu.memref_slice %arg4[%mul3A_2] : memref<16384xi32, #tpu.memory_space<hbm>> -> memref<512xi32, #tpu.memory_space<hbm>>
      tpu.enqueue_dma source(%dma_start3A_236 : memref<512xi32, #tpu.memory_space<hbm>>) target(%arg7 : memref<512xi32, #tpu.memory_space<vmem>>) target_semaphore(%run_scoped3A : memref<!tpu.dma_semaphore, #tpu.memory_space<semaphore_mem>>)
      %dma_wait3A_237 = tpu.memref_slice %arg4[%mul3A_2] : memref<16384xi32, #tpu.memory_space<hbm>> -> memref<512xi32, #tpu.memory_space<hbm>>
      %dma_wait3A_238 = tpu.memref_slice %arg4[%mul3A_2] : memref<16384xi32, #tpu.memory_space<hbm>> -> memref<512xi32, #tpu.memory_space<hbm>>
      tpu.wait_dma2 semaphore(%run_scoped3A : memref<!tpu.dma_semaphore, #tpu.memory_space<semaphore_mem>>) src(%dma_wait3A_238 : memref<512xi32, #tpu.memory_space<hbm>>) dst(%arg7 : memref<512xi32, #tpu.memory_space<vmem>>)
      tpu.yield
    }) : () -> ()
    %iota3A = tpu.iota {dimensions = array<i32: 0>} : vector<16xi32>
    %sub3A = arith.constant 1 : i32
    %sub3A_3 = vector.broadcast %sub3A : i32 to vector<16xi32>
    %sub3A_4 = arith.subi %iota3A, %sub3A_3 : vector<16xi32>
    %max3A = arith.constant 0 : i32
    %max3A_5 = vector.broadcast %max3A : i32 to vector<16xi32>
    %max3A_6 = arith.maxsi %sub3A_4, %max3A_5 : vector<16xi32>
    %broadcast_in_dim3A = arith.constant 0 : i32
    %broadcast_in_dim3A_7 = vector.broadcast %broadcast_in_dim3A : i32 to vector<16xi32>
    %scan3A = arith.constant 0 : i32
    %scan3A_8 = arith.constant 0 : i32
    %scan3A_9 = arith.constant 32 : i32
    %scan3A_10 = arith.addi %scan3A_8, %scan3A_9 : i32
    %scan3A_11 = arith.constant 1 : i32
    scf.for %scan3A_236 = %scan3A_8 to %scan3A_10 step %scan3A_11  : i32 {
      %mul3A_237 = arith.constant 16 : i32
      %mul3A_238 = arith.muli %scan3A_236, %mul3A_237 : i32
      %multiple_of3A = tpu.assume_multiple %mul3A_238, 16 : i32
      %get3A = arith.index_cast %multiple_of3A : i32 to index
      %get3A_239 = tpu.vector_load %arg6[%get3A] {strides = array<i32>} : memref<512xi32, #tpu.memory_space<vmem>>, vector<16xi32>,
      %get3A_240 = arith.index_cast %multiple_of3A : i32 to index
      %get3A_241 = tpu.vector_load %arg7[%get3A_240] {strides = array<i32>} : memref<512xi32, #tpu.memory_space<vmem>>, vector<16xi32>,
      %and3A = arith.constant 127 : i32
      %and3A_242 = vector.broadcast %and3A : i32 to vector<16xi32>
      %and3A_243 = arith.andi %get3A_239, %and3A_242 : vector<16xi32>
      %shift_right_logical3A = arith.constant 7 : i32
      %shift_right_logical3A_244 = vector.broadcast %shift_right_logical3A : i32 to vector<16xi32>
      %shift_right_logical3A_245 = arith.shrui %get3A_239, %shift_right_logical3A_244 : vector<16xi32>
      %swap3A = arith.constant 0 : index
      %swap3A_246 = tpu.vector_load %arg8[%swap3A] {strides = array<i32>} : memref<16xi32, #tpu.memory_space<vmem>>, vector<16xi32>,
      tpu.vector_store %arg8[%swap3A], %shift_right_logical3A_245 {strides = array<i32>} : memref<16xi32, #tpu.memory_space<vmem>>, vector<16xi32>,
      %gather3A = tpu.vector_load_idx %arg8[%max3A_6] : memref<16xi32, #tpu.memory_space<vmem>>[vector<16xi32>], vector<16xi32>,
      %ne3A = arith.cmpi ne, %shift_right_logical3A_245, %gather3A : vector<16xi32>
      %eq3A = arith.constant 0 : i32
      %eq3A_247 = vector.broadcast %eq3A : i32 to vector<16xi32>
      %eq3A_248 = arith.cmpi eq, %iota3A, %eq3A_247 : vector<16xi32>
      %or3A = arith.ori %ne3A, %eq3A_248 : vector<16xi1>
      %jit3A = arith.constant 1 : i32
      %jit3A_249 = arith.constant 0 : i32
      %broadcast_in_dim3A_250 = vector.broadcast %jit3A : i32 to vector<16xi32>
      %broadcast_in_dim3A_251 = vector.broadcast %jit3A_249 : i32 to vector<16xi32>
      %select_n3A = arith.select %or3A, %broadcast_in_dim3A_250, %broadcast_in_dim3A_251 : vector<16xi1>, vector<16xi32>
      %broadcast_in_dim3A_252 = arith.constant true
      %broadcast_in_dim3A_253 = vector.broadcast %broadcast_in_dim3A_252 : i1 to vector<16xi1>
      %masked_cumsum3A = tpu.scan <sum>, %select_n3A masked %broadcast_in_dim3A_253 : vector<16xi32>, vector<16xi1> -> vector<16xi32>
      %sub3A_254 = arith.constant 1 : i32
      %sub3A_255 = vector.broadcast %sub3A_254 : i32 to vector<16xi32>
      %sub3A_256 = arith.subi %masked_cumsum3A, %sub3A_255 : vector<16xi32>
      %slice3A = vector.extract_strided_slice %select_n3A {offsets = [0], sizes = [1], strides = [1]} : vector<16xi32> to vector<1xi32>
      %squeeze3A = vector.extract %slice3A[0] : i32 from vector<1xi32>
      %gt3A = arith.constant 0 : i32
      %gt3A_257 = arith.cmpi sgt, %squeeze3A, %gt3A : i32
      %convert_element_type3A = arith.extui %gt3A_257 : i1 to i32
      %cond3A = arith.constant 0 : i32
      %cond3A_258 = arith.cmpi ne, %convert_element_type3A, %cond3A : i32
      scf.if %cond3A_258 {
        %slice3A_2351 = vector.extract_strided_slice %get3A_239 {offsets = [0], sizes = [1], strides = [1]} : vector<16xi32> to vector<1xi32>
        %squeeze3A_2352 = vector.extract %slice3A_2351[0] : i32 from vector<1xi32>
        %and3A_2353 = arith.constant -128 : i32
        %and3A_2354 = arith.andi %squeeze3A_2352, %and3A_2353 : i32
        %multiple_of3A_2355 = tpu.assume_multiple %and3A_2354, 128 : i32
        %slice3A_2356 = vector.extract_strided_slice %sub3A_256 {offsets = [0], sizes = [1], strides = [1]} : vector<16xi32> to vector<1xi32>
        %squeeze3A_2357 = vector.extract %slice3A_2356[0] : i32 from vector<1xi32>
        %dma_start3A_2358 = arith.constant 0 : i32
        %dma_start3A_2359 = arith.constant 0 : i32
        %dma_start3A_2360 = arith.constant 0 : i32
        %dma_start3A_2361 = tpu.memref_slice %arg9[%squeeze3A_2357, %dma_start3A_2358, %dma_start3A_2359, %dma_start3A_2360] : memref<16x4x8x128xf32, #tpu.memory_space<vmem>> -> memref<1x4x8x128xf32, #tpu.memory_space<vmem>>
        %dma_start3A_2362 = tpu.memref_squeeze %dma_start3A_2361 : memref<1x4x8x128xf32, #tpu.memory_space<vmem>> -> memref<4x8x128xf32, #tpu.memory_space<vmem>>
        %dma_start3A_2363 = arith.constant 0 : i32
        %dma_start3A_2364 = arith.constant 0 : i32
        %dma_start3A_2365 = tpu.memref_slice %arg2[%dma_start3A_2363, %dma_start3A_2364, %multiple_of3A_2355] : memref<8x8x1000000xf32, #tpu.memory_space<hbm>> -> memref<4x8x128xf32, #tpu.memory_space<hbm>>
        %dma_start3A_2366 = arith.constant 0 : i32
        %dma_start3A_2367 = arith.constant 0 : i32
        %dma_start3A_2368 = arith.constant 0 : i32
        %dma_start3A_2369 = tpu.memref_slice %arg9[%squeeze3A_2357, %dma_start3A_2366, %dma_start3A_2367, %dma_start3A_2368] : memref<16x4x8x128xf32, #tpu.memory_space<vmem>> -> memref<1x4x8x128xf32, #tpu.memory_space<vmem>>
        %dma_start3A_2370 = tpu.memref_squeeze %dma_start3A_2369 : memref<1x4x8x128xf32, #tpu.memory_space<vmem>> -> memref<4x8x128xf32, #tpu.memory_space<vmem>>
        %dma_start3A_2371 = arith.constant 0 : i32
        %dma_start3A_2372 = arith.constant 0 : i32
        %dma_start3A_2373 = tpu.memref_slice %arg2[%dma_start3A_2371, %dma_start3A_2372, %multiple_of3A_2355] : memref<8x8x1000000xf32, #tpu.memory_space<hbm>> -> memref<4x8x128xf32, #tpu.memory_space<hbm>>
        tpu.enqueue_dma source(%dma_start3A_2373 : memref<4x8x128xf32, #tpu.memory_space<hbm>>) target(%dma_start3A_2370 : memref<4x8x128xf32, #tpu.memory_space<vmem>>) target_semaphore(%arg11 : memref<!tpu.dma_semaphore, #tpu.memory_space<semaphore_mem>>)
      } else {
      }
      %slice3A_259 = vector.extract_strided_slice %select_n3A {offsets = [1], sizes = [1], strides = [1]} : vector<16xi32> to vector<1xi32>
      %squeeze3A_260 = vector.extract %slice3A_259[0] : i32 from vector<1xi32>
      %gt3A_261 = arith.constant 0 : i32
      %gt3A_262 = arith.cmpi sgt, %squeeze3A_260, %gt3A_261 : i32
      %convert_element_type3A_263 = arith.extui %gt3A_262 : i1 to i32
      %cond3A_264 = arith.constant 0 : i32
      %cond3A_265 = arith.cmpi ne, %convert_element_type3A_263, %cond3A_264 : i32
      scf.if %cond3A_265 {
        %slice3A_2351 = vector.extract_strided_slice %get3A_239 {offsets = [1], sizes = [1], strides = [1]} : vector<16xi32> to vector<1xi32>
        %squeeze3A_2352 = vector.extract %slice3A_2351[0] : i32 from vector<1xi32>
        %and3A_2353 = arith.constant -128 : i32
        %and3A_2354 = arith.andi %squeeze3A_2352, %and3A_2353 : i32
        %multiple_of3A_2355 = tpu.assume_multiple %and3A_2354, 128 : i32
        %slice3A_2356 = vector.extract_strided_slice %sub3A_256 {offsets = [1], sizes = [1], strides = [1]} : vector<16xi32> to vector<1xi32>
        %squeeze3A_2357 = vector.extract %slice3A_2356[0] : i32 from vector<1xi32>
        %dma_start3A_2358 = arith.constant 0 : i32
        %dma_start3A_2359 = arith.constant 0 : i32
        %dma_start3A_2360 = arith.constant 0 : i32
        %dma_start3A_2361 = tpu.memref_slice %arg9[%squeeze3A_2357, %dma_start3A_2358, %dma_start3A_2359, %dma_start3A_2360] : memref<16x4x8x128xf32, #tpu.memory_space<vmem>> -> memref<1x4x8x128xf32, #tpu.memory_space<vmem>>
        %dma_start3A_2362 = tpu.memref_squeeze %dma_start3A_2361 : memref<1x4x8x128xf32, #tpu.memory_space<vmem>> -> memref<4x8x128xf32, #tpu.memory_space<vmem>>
        %dma_start3A_2363 = arith.constant 0 : i32
        %dma_start3A_2364 = arith.constant 0 : i32
        %dma_start3A_2365 = tpu.memref_slice %arg2[%dma_start3A_2363, %dma_start3A_2364, %multiple_of3A_2355] : memref<8x8x1000000xf32, #tpu.memory_space<hbm>> -> memref<4x8x128xf32, #tpu.memory_space<hbm>>
        %dma_start3A_2366 = arith.constant 0 : i32
        %dma_start3A_2367 = arith.constant 0 : i32
        %dma_start3A_2368 = arith.constant 0 : i32
        %dma_start3A_2369 = tpu.memref_slice %arg9[%squeeze3A_2357, %dma_start3A_2366, %dma_start3A_2367, %dma_start3A_2368] : memref<16x4x8x128xf32, #tpu.memory_space<vmem>> -> memref<1x4x8x128xf32, #tpu.memory_space<vmem>>
        %dma_start3A_2370 = tpu.memref_squeeze %dma_start3A_2369 : memref<1x4x8x128xf32, #tpu.memory_space<vmem>> -> memref<4x8x128xf32, #tpu.memory_space<vmem>>
        %dma_start3A_2371 = arith.constant 0 : i32
        %dma_start3A_2372 = arith.constant 0 : i32
        %dma_start3A_2373 = tpu.memref_slice %arg2[%dma_start3A_2371, %dma_start3A_2372, %multiple_of3A_2355] : memref<8x8x1000000xf32, #tpu.memory_space<hbm>> -> memref<4x8x128xf32, #tpu.memory_space<hbm>>
        tpu.enqueue_dma source(%dma_start3A_2373 : memref<4x8x128xf32, #tpu.memory_space<hbm>>) target(%dma_start3A_2370 : memref<4x8x128xf32, #tpu.memory_space<vmem>>) target_semaphore(%arg11 : memref<!tpu.dma_semaphore, #tpu.memory_space<semaphore_mem>>)
      } else {
      }
      %slice3A_266 = vector.extract_strided_slice %select_n3A {offsets = [2], sizes = [1], strides = [1]} : vector<16xi32> to vector<1xi32>
      %squeeze3A_267 = vector.extract %slice3A_266[0] : i32 from vector<1xi32>
      %gt3A_268 = arith.constant 0 : i32
      %gt3A_269 = arith.cmpi sgt, %squeeze3A_267, %gt3A_268 : i32
      %convert_element_type3A_270 = arith.extui %gt3A_269 : i1 to i32
      %cond3A_271 = arith.constant 0 : i32
      %cond3A_272 = arith.cmpi ne, %convert_element_type3A_270, %cond3A_271 : i32
      scf.if %cond3A_272 {
        %slice3A_2351 = vector.extract_strided_slice %get3A_239 {offsets = [2], sizes = [1], strides = [1]} : vector<16xi32> to vector<1xi32>
        %squeeze3A_2352 = vector.extract %slice3A_2351[0] : i32 from vector<1xi32>
        %and3A_2353 = arith.constant -128 : i32
        %and3A_2354 = arith.andi %squeeze3A_2352, %and3A_2353 : i32
        %multiple_of3A_2355 = tpu.assume_multiple %and3A_2354, 128 : i32
        %slice3A_2356 = vector.extract_strided_slice %sub3A_256 {offsets = [2], sizes = [1], strides = [1]} : vector<16xi32> to vector<1xi32>
        %squeeze3A_2357 = vector.extract %slice3A_2356[0] : i32 from vector<1xi32>
        %dma_start3A_2358 = arith.constant 0 : i32
        %dma_start3A_2359 = arith.constant 0 : i32
        %dma_start3A_2360 = arith.constant 0 : i32
        %dma_start3A_2361 = tpu.memref_slice %arg9[%squeeze3A_2357, %dma_start3A_2358, %dma_start3A_2359, %dma_start3A_2360] : memref<16x4x8x128xf32, #tpu.memory_space<vmem>> -> memref<1x4x8x128xf32, #tpu.memory_space<vmem>>
        %dma_start3A_2362 = tpu.memref_squeeze %dma_start3A_2361 : memref<1x4x8x128xf32, #tpu.memory_space<vmem>> -> memref<4x8x128xf32, #tpu.memory_space<vmem>>
        %dma_start3A_2363 = arith.constant 0 : i32
        %dma_start3A_2364 = arith.constant 0 : i32
        %dma_start3A_2365 = tpu.memref_slice %arg2[%dma_start3A_2363, %dma_start3A_2364, %multiple_of3A_2355] : memref<8x8x1000000xf32, #tpu.memory_space<hbm>> -> memref<4x8x128xf32, #tpu.memory_space<hbm>>
        %dma_start3A_2366 = arith.constant 0 : i32
        %dma_start3A_2367 = arith.constant 0 : i32
        %dma_start3A_2368 = arith.constant 0 : i32
        %dma_start3A_2369 = tpu.memref_slice %arg9[%squeeze3A_2357, %dma_start3A_2366, %dma_start3A_2367, %dma_start3A_2368] : memref<16x4x8x128xf32, #tpu.memory_space<vmem>> -> memref<1x4x8x128xf32, #tpu.memory_space<vmem>>
        %dma_start3A_2370 = tpu.memref_squeeze %dma_start3A_2369 : memref<1x4x8x128xf32, #tpu.memory_space<vmem>> -> memref<4x8x128xf32, #tpu.memory_space<vmem>>
        %dma_start3A_2371 = arith.constant 0 : i32
        %dma_start3A_2372 = arith.constant 0 : i32
        %dma_start3A_2373 = tpu.memref_slice %arg2[%dma_start3A_2371, %dma_start3A_2372, %multiple_of3A_2355] : memref<8x8x1000000xf32, #tpu.memory_space<hbm>> -> memref<4x8x128xf32, #tpu.memory_space<hbm>>
        tpu.enqueue_dma source(%dma_start3A_2373 : memref<4x8x128xf32, #tpu.memory_space<hbm>>) target(%dma_start3A_2370 : memref<4x8x128xf32, #tpu.memory_space<vmem>>) target_semaphore(%arg11 : memref<!tpu.dma_semaphore, #tpu.memory_space<semaphore_mem>>)
      } else {
      }
      %slice3A_273 = vector.extract_strided_slice %select_n3A {offsets = [3], sizes = [1], strides = [1]} : vector<16xi32> to vector<1xi32>
      %squeeze3A_274 = vector.extract %slice3A_273[0] : i32 from vector<1xi32>
      %gt3A_275 = arith.constant 0 : i32
      %gt3A_276 = arith.cmpi sgt, %squeeze3A_274, %gt3A_275 : i32
      %convert_element_type3A_277 = arith.extui %gt3A_276 : i1 to i32
      %cond3A_278 = arith.constant 0 : i32
      %cond3A_279 = arith.cmpi ne, %convert_element_type3A_277, %cond3A_278 : i32
      scf.if %cond3A_279 {
        %slice3A_2351 = vector.extract_strided_slice %get3A_239 {offsets = [3], sizes = [1], strides = [1]} : vector<16xi32> to vector<1xi32>
        %squeeze3A_2352 = vector.extract %slice3A_2351[0] : i32 from vector<1xi32>
        %and3A_2353 = arith.constant -128 : i32
        %and3A_2354 = arith.andi %squeeze3A_2352, %and3A_2353 : i32
        %multiple_of3A_2355 = tpu.assume_multiple %and3A_2354, 128 : i32
        %slice3A_2356 = vector.extract_strided_slice %sub3A_256 {offsets = [3], sizes = [1], strides = [1]} : vector<16xi32> to vector<1xi32>
        %squeeze3A_2357 = vector.extract %slice3A_2356[0] : i32 from vector<1xi32>
        %dma_start3A_2358 = arith.constant 0 : i32
        %dma_start3A_2359 = arith.constant 0 : i32
        %dma_start3A_2360 = arith.constant 0 : i32
        %dma_start3A_2361 = tpu.memref_slice %arg9[%squeeze3A_2357, %dma_start3A_2358, %dma_start3A_2359, %dma_start3A_2360] : memref<16x4x8x128xf32, #tpu.memory_space<vmem>> -> memref<1x4x8x128xf32, #tpu.memory_space<vmem>>
        %dma_start3A_2362 = tpu.memref_squeeze %dma_start3A_2361 : memref<1x4x8x128xf32, #tpu.memory_space<vmem>> -> memref<4x8x128xf32, #tpu.memory_space<vmem>>
        %dma_start3A_2363 = arith.constant 0 : i32
        %dma_start3A_2364 = arith.constant 0 : i32
        %dma_start3A_2365 = tpu.memref_slice %arg2[%dma_start3A_2363, %dma_start3A_2364, %multiple_of3A_2355] : memref<8x8x1000000xf32, #tpu.memory_space<hbm>> -> memref<4x8x128xf32, #tpu.memory_space<hbm>>
        %dma_start3A_2366 = arith.constant 0 : i32
        %dma_start3A_2367 = arith.constant 0 : i32
        %dma_start3A_2368 = arith.constant 0 : i32
        %dma_start3A_2369 = tpu.memref_slice %arg9[%squeeze3A_2357, %dma_start3A_2366, %dma_start3A_2367, %dma_start3A_2368] : memref<16x4x8x128xf32, #tpu.memory_space<vmem>> -> memref<1x4x8x128xf32, #tpu.memory_space<vmem>>
        %dma_start3A_2370 = tpu.memref_squeeze %dma_start3A_2369 : memref<1x4x8x128xf32, #tpu.memory_space<vmem>> -> memref<4x8x128xf32, #tpu.memory_space<vmem>>
        %dma_start3A_2371 = arith.constant 0 : i32
        %dma_start3A_2372 = arith.constant 0 : i32
        %dma_start3A_2373 = tpu.memref_slice %arg2[%dma_start3A_2371, %dma_start3A_2372, %multiple_of3A_2355] : memref<8x8x1000000xf32, #tpu.memory_space<hbm>> -> memref<4x8x128xf32, #tpu.memory_space<hbm>>
        tpu.enqueue_dma source(%dma_start3A_2373 : memref<4x8x128xf32, #tpu.memory_space<hbm>>) target(%dma_start3A_2370 : memref<4x8x128xf32, #tpu.memory_space<vmem>>) target_semaphore(%arg11 : memref<!tpu.dma_semaphore, #tpu.memory_space<semaphore_mem>>)
      } else {
      }
      %slice3A_280 = vector.extract_strided_slice %select_n3A {offsets = [4], sizes = [1], strides = [1]} : vector<16xi32> to vector<1xi32>
      %squeeze3A_281 = vector.extract %slice3A_280[0] : i32 from vector<1xi32>
      %gt3A_282 = arith.constant 0 : i32
      %gt3A_283 = arith.cmpi sgt, %squeeze3A_281, %gt3A_282 : i32
      %convert_element_type3A_284 = arith.extui %gt3A_283 : i1 to i32
      %cond3A_285 = arith.constant 0 : i32
      %cond3A_286 = arith.cmpi ne, %convert_element_type3A_284, %cond3A_285 : i32
      scf.if %cond3A_286 {
        %slice3A_2351 = vector.extract_strided_slice %get3A_239 {offsets = [4], sizes = [1], strides = [1]} : vector<16xi32> to vector<1xi32>
        %squeeze3A_2352 = vector.extract %slice3A_2351[0] : i32 from vector<1xi32>
        %and3A_2353 = arith.constant -128 : i32
        %and3A_2354 = arith.andi %squeeze3A_2352, %and3A_2353 : i32
        %multiple_of3A_2355 = tpu.assume_multiple %and3A_2354, 128 : i32
        %slice3A_2356 = vector.extract_strided_slice %sub3A_256 {offsets = [4], sizes = [1], strides = [1]} : vector<16xi32> to vector<1xi32>
        %squeeze3A_2357 = vector.extract %slice3A_2356[0] : i32 from vector<1xi32>
        %dma_start3A_2358 = arith.constant 0 : i32
        %dma_start3A_2359 = arith.constant 0 : i32
        %dma_start3A_2360 = arith.constant 0 : i32
        %dma_start3A_2361 = tpu.memref_slice %arg9[%squeeze3A_2357, %dma_start3A_2358, %dma_start3A_2359, %dma_start3A_2360] : memref<16x4x8x128xf32, #tpu.memory_space<vmem>> -> memref<1x4x8x128xf32, #tpu.memory_space<vmem>>
        %dma_start3A_2362 = tpu.memref_squeeze %dma_start3A_2361 : memref<1x4x8x128xf32, #tpu.memory_space<vmem>> -> memref<4x8x128xf32, #tpu.memory_space<vmem>>
        %dma_start3A_2363 = arith.constant 0 : i32
        %dma_start3A_2364 = arith.constant 0 : i32
        %dma_start3A_2365 = tpu.memref_slice %arg2[%dma_start3A_2363, %dma_start3A_2364, %multiple_of3A_2355] : memref<8x8x1000000xf32, #tpu.memory_space<hbm>> -> memref<4x8x128xf32, #tpu.memory_space<hbm>>
        %dma_start3A_2366 = arith.constant 0 : i32
        %dma_start3A_2367 = arith.constant 0 : i32
        %dma_start3A_2368 = arith.constant 0 : i32
        %dma_start3A_2369 = tpu.memref_slice %arg9[%squeeze3A_2357, %dma_start3A_2366, %dma_start3A_2367, %dma_start3A_2368] : memref<16x4x8x128xf32, #tpu.memory_space<vmem>> -> memref<1x4x8x128xf32, #tpu.memory_space<vmem>>
        %dma_start3A_2370 = tpu.memref_squeeze %dma_start3A_2369 : memref<1x4x8x128xf32, #tpu.memory_space<vmem>> -> memref<4x8x128xf32, #tpu.memory_space<vmem>>
        %dma_start3A_2371 = arith.constant 0 : i32
        %dma_start3A_2372 = arith.constant 0 : i32
        %dma_start3A_2373 = tpu.memref_slice %arg2[%dma_start3A_2371, %dma_start3A_2372, %multiple_of3A_2355] : memref<8x8x1000000xf32, #tpu.memory_space<hbm>> -> memref<4x8x128xf32, #tpu.memory_space<hbm>>
        tpu.enqueue_dma source(%dma_start3A_2373 : memref<4x8x128xf32, #tpu.memory_space<hbm>>) target(%dma_start3A_2370 : memref<4x8x128xf32, #tpu.memory_space<vmem>>) target_semaphore(%arg11 : memref<!tpu.dma_semaphore, #tpu.memory_space<semaphore_mem>>)
      } else {
      }
      %slice3A_287 = vector.extract_strided_slice %select_n3A {offsets = [5], sizes = [1], strides = [1]} : vector<16xi32> to vector<1xi32>
      %squeeze3A_288 = vector.extract %slice3A_287[0] : i32 from vector<1xi32>
      %gt3A_289 = arith.constant 0 : i32
      %gt3A_290 = arith.cmpi sgt, %squeeze3A_288, %gt3A_289 : i32
      %convert_element_type3A_291 = arith.extui %gt3A_290 : i1 to i32
      %cond3A_292 = arith.constant 0 : i32
      %cond3A_293 = arith.cmpi ne, %convert_element_type3A_291, %cond3A_292 : i32
      scf.if %cond3A_293 {
        %slice3A_2351 = vector.extract_strided_slice %get3A_239 {offsets = [5], sizes = [1], strides = [1]} : vector<16xi32> to vector<1xi32>
        %squeeze3A_2352 = vector.extract %slice3A_2351[0] : i32 from vector<1xi32>
        %and3A_2353 = arith.constant -128 : i32
        %and3A_2354 = arith.andi %squeeze3A_2352, %and3A_2353 : i32
        %multiple_of3A_2355 = tpu.assume_multiple %and3A_2354, 128 : i32
        %slice3A_2356 = vector.extract_strided_slice %sub3A_256 {offsets = [5], sizes = [1], strides = [1]} : vector<16xi32> to vector<1xi32>
        %squeeze3A_2357 = vector.extract %slice3A_2356[0] : i32 from vector<1xi32>
        %dma_start3A_2358 = arith.constant 0 : i32
        %dma_start3A_2359 = arith.constant 0 : i32
        %dma_start3A_2360 = arith.constant 0 : i32
        %dma_start3A_2361 = tpu.memref_slice %arg9[%squeeze3A_2357, %dma_start3A_2358, %dma_start3A_2359, %dma_start3A_2360] : memref<16x4x8x128xf32, #tpu.memory_space<vmem>> -> memref<1x4x8x128xf32, #tpu.memory_space<vmem>>
        %dma_start3A_2362 = tpu.memref_squeeze %dma_start3A_2361 : memref<1x4x8x128xf32, #tpu.memory_space<vmem>> -> memref<4x8x128xf32, #tpu.memory_space<vmem>>
        %dma_start3A_2363 = arith.constant 0 : i32
        %dma_start3A_2364 = arith.constant 0 : i32
        %dma_start3A_2365 = tpu.memref_slice %arg2[%dma_start3A_2363, %dma_start3A_2364, %multiple_of3A_2355] : memref<8x8x1000000xf32, #tpu.memory_space<hbm>> -> memref<4x8x128xf32, #tpu.memory_space<hbm>>
        %dma_start3A_2366 = arith.constant 0 : i32
        %dma_start3A_2367 = arith.constant 0 : i32
        %dma_start3A_2368 = arith.constant 0 : i32
        %dma_start3A_2369 = tpu.memref_slice %arg9[%squeeze3A_2357, %dma_start3A_2366, %dma_start3A_2367, %dma_start3A_2368] : memref<16x4x8x128xf32, #tpu.memory_space<vmem>> -> memref<1x4x8x128xf32, #tpu.memory_space<vmem>>
        %dma_start3A_2370 = tpu.memref_squeeze %dma_start3A_2369 : memref<1x4x8x128xf32, #tpu.memory_space<vmem>> -> memref<4x8x128xf32, #tpu.memory_space<vmem>>
        %dma_start3A_2371 = arith.constant 0 : i32
        %dma_start3A_2372 = arith.constant 0 : i32
        %dma_start3A_2373 = tpu.memref_slice %arg2[%dma_start3A_2371, %dma_start3A_2372, %multiple_of3A_2355] : memref<8x8x1000000xf32, #tpu.memory_space<hbm>> -> memref<4x8x128xf32, #tpu.memory_space<hbm>>
        tpu.enqueue_dma source(%dma_start3A_2373 : memref<4x8x128xf32, #tpu.memory_space<hbm>>) target(%dma_start3A_2370 : memref<4x8x128xf32, #tpu.memory_space<vmem>>) target_semaphore(%arg11 : memref<!tpu.dma_semaphore, #tpu.memory_space<semaphore_mem>>)
      } else {
      }
      %slice3A_294 = vector.extract_strided_slice %select_n3A {offsets = [6], sizes = [1], strides = [1]} : vector<16xi32> to vector<1xi32>
      %squeeze3A_295 = vector.extract %slice3A_294[0] : i32 from vector<1xi32>
      %gt3A_296 = arith.constant 0 : i32
      %gt3A_297 = arith.cmpi sgt, %squeeze3A_295, %gt3A_296 : i32
      %convert_element_type3A_298 = arith.extui %gt3A_297 : i1 to i32
      %cond3A_299 = arith.constant 0 : i32
      %cond3A_300 = arith.cmpi ne, %convert_element_type3A_298, %cond3A_299 : i32
      scf.if %cond3A_300 {
        %slice3A_2351 = vector.extract_strided_slice %get3A_239 {offsets = [6], sizes = [1], strides = [1]} : vector<16xi32> to vector<1xi32>
        %squeeze3A_2352 = vector.extract %slice3A_2351[0] : i32 from vector<1xi32>
        %and3A_2353 = arith.constant -128 : i32
        %and3A_2354 = arith.andi %squeeze3A_2352, %and3A_2353 : i32
        %multiple_of3A_2355 = tpu.assume_multiple %and3A_2354, 128 : i32
        %slice3A_2356 = vector.extract_strided_slice %sub3A_256 {offsets = [6], sizes = [1], strides = [1]} : vector<16xi32> to vector<1xi32>
        %squeeze3A_2357 = vector.extract %slice3A_2356[0] : i32 from vector<1xi32>
        %dma_start3A_2358 = arith.constant 0 : i32
        %dma_start3A_2359 = arith.constant 0 : i32
        %dma_start3A_2360 = arith.constant 0 : i32
        %dma_start3A_2361 = tpu.memref_slice %arg9[%squeeze3A_2357, %dma_start3A_2358, %dma_start3A_2359, %dma_start3A_2360] : memref<16x4x8x128xf32, #tpu.memory_space<vmem>> -> memref<1x4x8x128xf32, #tpu.memory_space<vmem>>
        %dma_start3A_2362 = tpu.memref_squeeze %dma_start3A_2361 : memref<1x4x8x128xf32, #tpu.memory_space<vmem>> -> memref<4x8x128xf32, #tpu.memory_space<vmem>>
        %dma_start3A_2363 = arith.constant 0 : i32
        %dma_start3A_2364 = arith.constant 0 : i32
        %dma_start3A_2365 = tpu.memref_slice %arg2[%dma_start3A_2363, %dma_start3A_2364, %multiple_of3A_2355] : memref<8x8x1000000xf32, #tpu.memory_space<hbm>> -> memref<4x8x128xf32, #tpu.memory_space<hbm>>
        %dma_start3A_2366 = arith.constant 0 : i32
        %dma_start3A_2367 = arith.constant 0 : i32
        %dma_start3A_2368 = arith.constant 0 : i32
        %dma_start3A_2369 = tpu.memref_slice %arg9[%squeeze3A_2357, %dma_start3A_2366, %dma_start3A_2367, %dma_start3A_2368] : memref<16x4x8x128xf32, #tpu.memory_space<vmem>> -> memref<1x4x8x128xf32, #tpu.memory_space<vmem>>
        %dma_start3A_2370 = tpu.memref_squeeze %dma_start3A_2369 : memref<1x4x8x128xf32, #tpu.memory_space<vmem>> -> memref<4x8x128xf32, #tpu.memory_space<vmem>>
        %dma_start3A_2371 = arith.constant 0 : i32
        %dma_start3A_2372 = arith.constant 0 : i32
        %dma_start3A_2373 = tpu.memref_slice %arg2[%dma_start3A_2371, %dma_start3A_2372, %multiple_of3A_2355] : memref<8x8x1000000xf32, #tpu.memory_space<hbm>> -> memref<4x8x128xf32, #tpu.memory_space<hbm>>
        tpu.enqueue_dma source(%dma_start3A_2373 : memref<4x8x128xf32, #tpu.memory_space<hbm>>) target(%dma_start3A_2370 : memref<4x8x128xf32, #tpu.memory_space<vmem>>) target_semaphore(%arg11 : memref<!tpu.dma_semaphore, #tpu.memory_space<semaphore_mem>>)
      } else {
      }
      %slice3A_301 = vector.extract_strided_slice %select_n3A {offsets = [7], sizes = [1], strides = [1]} : vector<16xi32> to vector<1xi32>
      %squeeze3A_302 = vector.extract %slice3A_301[0] : i32 from vector<1xi32>
      %gt3A_303 = arith.constant 0 : i32
      %gt3A_304 = arith.cmpi sgt, %squeeze3A_302, %gt3A_303 : i32
      %convert_element_type3A_305 = arith.extui %gt3A_304 : i1 to i32
      %cond3A_306 = arith.constant 0 : i32
      %cond3A_307 = arith.cmpi ne, %convert_element_type3A_305, %cond3A_306 : i32
      scf.if %cond3A_307 {
        %slice3A_2351 = vector.extract_strided_slice %get3A_239 {offsets = [7], sizes = [1], strides = [1]} : vector<16xi32> to vector<1xi32>
        %squeeze3A_2352 = vector.extract %slice3A_2351[0] : i32 from vector<1xi32>
        %and3A_2353 = arith.constant -128 : i32
        %and3A_2354 = arith.andi %squeeze3A_2352, %and3A_2353 : i32
        %multiple_of3A_2355 = tpu.assume_multiple %and3A_2354, 128 : i32
        %slice3A_2356 = vector.extract_strided_slice %sub3A_256 {offsets = [7], sizes = [1], strides = [1]} : vector<16xi32> to vector<1xi32>
        %squeeze3A_2357 = vector.extract %slice3A_2356[0] : i32 from vector<1xi32>
        %dma_start3A_2358 = arith.constant 0 : i32
        %dma_start3A_2359 = arith.constant 0 : i32
        %dma_start3A_2360 = arith.constant 0 : i32
        %dma_start3A_2361 = tpu.memref_slice %arg9[%squeeze3A_2357, %dma_start3A_2358, %dma_start3A_2359, %dma_start3A_2360] : memref<16x4x8x128xf32, #tpu.memory_space<vmem>> -> memref<1x4x8x128xf32, #tpu.memory_space<vmem>>
        %dma_start3A_2362 = tpu.memref_squeeze %dma_start3A_2361 : memref<1x4x8x128xf32, #tpu.memory_space<vmem>> -> memref<4x8x128xf32, #tpu.memory_space<vmem>>
        %dma_start3A_2363 = arith.constant 0 : i32
        %dma_start3A_2364 = arith.constant 0 : i32
        %dma_start3A_2365 = tpu.memref_slice %arg2[%dma_start3A_2363, %dma_start3A_2364, %multiple_of3A_2355] : memref<8x8x1000000xf32, #tpu.memory_space<hbm>> -> memref<4x8x128xf32, #tpu.memory_space<hbm>>
        %dma_start3A_2366 = arith.constant 0 : i32
        %dma_start3A_2367 = arith.constant 0 : i32
        %dma_start3A_2368 = arith.constant 0 : i32
        %dma_start3A_2369 = tpu.memref_slice %arg9[%squeeze3A_2357, %dma_start3A_2366, %dma_start3A_2367, %dma_start3A_2368] : memref<16x4x8x128xf32, #tpu.memory_space<vmem>> -> memref<1x4x8x128xf32, #tpu.memory_space<vmem>>
        %dma_start3A_2370 = tpu.memref_squeeze %dma_start3A_2369 : memref<1x4x8x128xf32, #tpu.memory_space<vmem>> -> memref<4x8x128xf32, #tpu.memory_space<vmem>>
        %dma_start3A_2371 = arith.constant 0 : i32
        %dma_start3A_2372 = arith.constant 0 : i32
        %dma_start3A_2373 = tpu.memref_slice %arg2[%dma_start3A_2371, %dma_start3A_2372, %multiple_of3A_2355] : memref<8x8x1000000xf32, #tpu.memory_space<hbm>> -> memref<4x8x128xf32, #tpu.memory_space<hbm>>
        tpu.enqueue_dma source(%dma_start3A_2373 : memref<4x8x128xf32, #tpu.memory_space<hbm>>) target(%dma_start3A_2370 : memref<4x8x128xf32, #tpu.memory_space<vmem>>) target_semaphore(%arg11 : memref<!tpu.dma_semaphore, #tpu.memory_space<semaphore_mem>>)
      } else {
      }
      %slice3A_308 = vector.extract_strided_slice %select_n3A {offsets = [8], sizes = [1], strides = [1]} : vector<16xi32> to vector<1xi32>
      %squeeze3A_309 = vector.extract %slice3A_308[0] : i32 from vector<1xi32>
      %gt3A_310 = arith.constant 0 : i32
      %gt3A_311 = arith.cmpi sgt, %squeeze3A_309, %gt3A_310 : i32
      %convert_element_type3A_312 = arith.extui %gt3A_311 : i1 to i32
      %cond3A_313 = arith.constant 0 : i32
      %cond3A_314 = arith.cmpi ne, %convert_element_type3A_312, %cond3A_313 : i32
      scf.if %cond3A_314 {
        %slice3A_2351 = vector.extract_strided_slice %get3A_239 {offsets = [8], sizes = [1], strides = [1]} : vector<16xi32> to vector<1xi32>
        %squeeze3A_2352 = vector.extract %slice3A_2351[0] : i32 from vector<1xi32>
        %and3A_2353 = arith.constant -128 : i32
        %and3A_2354 = arith.andi %squeeze3A_2352, %and3A_2353 : i32
        %multiple_of3A_2355 = tpu.assume_multiple %and3A_2354, 128 : i32
        %slice3A_2356 = vector.extract_strided_slice %sub3A_256 {offsets = [8], sizes = [1], strides = [1]} : vector<16xi32> to vector<1xi32>
        %squeeze3A_2357 = vector.extract %slice3A_2356[0] : i32 from vector<1xi32>
        %dma_start3A_2358 = arith.constant 0 : i32
        %dma_start3A_2359 = arith.constant 0 : i32
        %dma_start3A_2360 = arith.constant 0 : i32
        %dma_start3A_2361 = tpu.memref_slice %arg9[%squeeze3A_2357, %dma_start3A_2358, %dma_start3A_2359, %dma_start3A_2360] : memref<16x4x8x128xf32, #tpu.memory_space<vmem>> -> memref<1x4x8x128xf32, #tpu.memory_space<vmem>>
        %dma_start3A_2362 = tpu.memref_squeeze %dma_start3A_2361 : memref<1x4x8x128xf32, #tpu.memory_space<vmem>> -> memref<4x8x128xf32, #tpu.memory_space<vmem>>
        %dma_start3A_2363 = arith.constant 0 : i32
        %dma_start3A_2364 = arith.constant 0 : i32
        %dma_start3A_2365 = tpu.memref_slice %arg2[%dma_start3A_2363, %dma_start3A_2364, %multiple_of3A_2355] : memref<8x8x1000000xf32, #tpu.memory_space<hbm>> -> memref<4x8x128xf32, #tpu.memory_space<hbm>>
        %dma_start3A_2366 = arith.constant 0 : i32
        %dma_start3A_2367 = arith.constant 0 : i32
        %dma_start3A_2368 = arith.constant 0 : i32
        %dma_start3A_2369 = tpu.memref_slice %arg9[%squeeze3A_2357, %dma_start3A_2366, %dma_start3A_2367, %dma_start3A_2368] : memref<16x4x8x128xf32, #tpu.memory_space<vmem>> -> memref<1x4x8x128xf32, #tpu.memory_space<vmem>>
        %dma_start3A_2370 = tpu.memref_squeeze %dma_start3A_2369 : memref<1x4x8x128xf32, #tpu.memory_space<vmem>> -> memref<4x8x128xf32, #tpu.memory_space<vmem>>
        %dma_start3A_2371 = arith.constant 0 : i32
        %dma_start3A_2372 = arith.constant 0 : i32
        %dma_start3A_2373 = tpu.memref_slice %arg2[%dma_start3A_2371, %dma_start3A_2372, %multiple_of3A_2355] : memref<8x8x1000000xf32, #tpu.memory_space<hbm>> -> memref<4x8x128xf32, #tpu.memory_space<hbm>>
        tpu.enqueue_dma source(%dma_start3A_2373 : memref<4x8x128xf32, #tpu.memory_space<hbm>>) target(%dma_start3A_2370 : memref<4x8x128xf32, #tpu.memory_space<vmem>>) target_semaphore(%arg11 : memref<!tpu.dma_semaphore, #tpu.memory_space<semaphore_mem>>)
      } else {
      }
      %slice3A_315 = vector.extract_strided_slice %select_n3A {offsets = [9], sizes = [1], strides = [1]} : vector<16xi32> to vector<1xi32>
      %squeeze3A_316 = vector.extract %slice3A_315[0] : i32 from vector<1xi32>
      %gt3A_317 = arith.constant 0 : i32
      %gt3A_318 = arith.cmpi sgt, %squeeze3A_316, %gt3A_317 : i32
      %convert_element_type3A_319 = arith.extui %gt3A_318 : i1 to i32
      %cond3A_320 = arith.constant 0 : i32
      %cond3A_321 = arith.cmpi ne, %convert_element_type3A_319, %cond3A_320 : i32
      scf.if %cond3A_321 {
        %slice3A_2351 = vector.extract_strided_slice %get3A_239 {offsets = [9], sizes = [1], strides = [1]} : vector<16xi32> to vector<1xi32>
        %squeeze3A_2352 = vector.extract %slice3A_2351[0] : i32 from vector<1xi32>
        %and3A_2353 = arith.constant -128 : i32
        %and3A_2354 = arith.andi %squeeze3A_2352, %and3A_2353 : i32
        %multiple_of3A_2355 = tpu.assume_multiple %and3A_2354, 128 : i32
        %slice3A_2356 = vector.extract_strided_slice %sub3A_256 {offsets = [9], sizes = [1], strides = [1]} : vector<16xi32> to vector<1xi32>
        %squeeze3A_2357 = vector.extract %slice3A_2356[0] : i32 from vector<1xi32>
        %dma_start3A_2358 = arith.constant 0 : i32
        %dma_start3A_2359 = arith.constant 0 : i32
        %dma_start3A_2360 = arith.constant 0 : i32
        %dma_start3A_2361 = tpu.memref_slice %arg9[%squeeze3A_2357, %dma_start3A_2358, %dma_start3A_2359, %dma_start3A_2360] : memref<16x4x8x128xf32, #tpu.memory_space<vmem>> -> memref<1x4x8x128xf32, #tpu.memory_space<vmem>>
        %dma_start3A_2362 = tpu.memref_squeeze %dma_start3A_2361 : memref<1x4x8x128xf32, #tpu.memory_space<vmem>> -> memref<4x8x128xf32, #tpu.memory_space<vmem>>
        %dma_start3A_2363 = arith.constant 0 : i32
        %dma_start3A_2364 = arith.constant 0 : i32
        %dma_start3A_2365 = tpu.memref_slice %arg2[%dma_start3A_2363, %dma_start3A_2364, %multiple_of3A_2355] : memref<8x8x1000000xf32, #tpu.memory_space<hbm>> -> memref<4x8x128xf32, #tpu.memory_space<hbm>>
        %dma_start3A_2366 = arith.constant 0 : i32
        %dma_start3A_2367 = arith.constant 0 : i32
        %dma_start3A_2368 = arith.constant 0 : i32
        %dma_start3A_2369 = tpu.memref_slice %arg9[%squeeze3A_2357, %dma_start3A_2366, %dma_start3A_2367, %dma_start3A_2368] : memref<16x4x8x128xf32, #tpu.memory_space<vmem>> -> memref<1x4x8x128xf32, #tpu.memory_space<vmem>>
        %dma_start3A_2370 = tpu.memref_squeeze %dma_start3A_2369 : memref<1x4x8x128xf32, #tpu.memory_space<vmem>> -> memref<4x8x128xf32, #tpu.memory_space<vmem>>
        %dma_start3A_2371 = arith.constant 0 : i32
        %dma_start3A_2372 = arith.constant 0 : i32
        %dma_start3A_2373 = tpu.memref_slice %arg2[%dma_start3A_2371, %dma_start3A_2372, %multiple_of3A_2355] : memref<8x8x1000000xf32, #tpu.memory_space<hbm>> -> memref<4x8x128xf32, #tpu.memory_space<hbm>>
        tpu.enqueue_dma source(%dma_start3A_2373 : memref<4x8x128xf32, #tpu.memory_space<hbm>>) target(%dma_start3A_2370 : memref<4x8x128xf32, #tpu.memory_space<vmem>>) target_semaphore(%arg11 : memref<!tpu.dma_semaphore, #tpu.memory_space<semaphore_mem>>)
      } else {
      }
      %slice3A_322 = vector.extract_strided_slice %select_n3A {offsets = [10], sizes = [1], strides = [1]} : vector<16xi32> to vector<1xi32>
      %squeeze3A_323 = vector.extract %slice3A_322[0] : i32 from vector<1xi32>
      %gt3A_324 = arith.constant 0 : i32
      %gt3A_325 = arith.cmpi sgt, %squeeze3A_323, %gt3A_324 : i32
      %convert_element_type3A_326 = arith.extui %gt3A_325 : i1 to i32
      %cond3A_327 = arith.constant 0 : i32
      %cond3A_328 = arith.cmpi ne, %convert_element_type3A_326, %cond3A_327 : i32
      scf.if %cond3A_328 {
        %slice3A_2351 = vector.extract_strided_slice %get3A_239 {offsets = [10], sizes = [1], strides = [1]} : vector<16xi32> to vector<1xi32>
        %squeeze3A_2352 = vector.extract %slice3A_2351[0] : i32 from vector<1xi32>
        %and3A_2353 = arith.constant -128 : i32
        %and3A_2354 = arith.andi %squeeze3A_2352, %and3A_2353 : i32
        %multiple_of3A_2355 = tpu.assume_multiple %and3A_2354, 128 : i32
        %slice3A_2356 = vector.extract_strided_slice %sub3A_256 {offsets = [10], sizes = [1], strides = [1]} : vector<16xi32> to vector<1xi32>
        %squeeze3A_2357 = vector.extract %slice3A_2356[0] : i32 from vector<1xi32>
        %dma_start3A_2358 = arith.constant 0 : i32
        %dma_start3A_2359 = arith.constant 0 : i32
        %dma_start3A_2360 = arith.constant 0 : i32
        %dma_start3A_2361 = tpu.memref_slice %arg9[%squeeze3A_2357, %dma_start3A_2358, %dma_start3A_2359, %dma_start3A_2360] : memref<16x4x8x128xf32, #tpu.memory_space<vmem>> -> memref<1x4x8x128xf32, #tpu.memory_space<vmem>>
        %dma_start3A_2362 = tpu.memref_squeeze %dma_start3A_2361 : memref<1x4x8x128xf32, #tpu.memory_space<vmem>> -> memref<4x8x128xf32, #tpu.memory_space<vmem>>
        %dma_start3A_2363 = arith.constant 0 : i32
        %dma_start3A_2364 = arith.constant 0 : i32
        %dma_start3A_2365 = tpu.memref_slice %arg2[%dma_start3A_2363, %dma_start3A_2364, %multiple_of3A_2355] : memref<8x8x1000000xf32, #tpu.memory_space<hbm>> -> memref<4x8x128xf32, #tpu.memory_space<hbm>>
        %dma_start3A_2366 = arith.constant 0 : i32
        %dma_start3A_2367 = arith.constant 0 : i32
        %dma_start3A_2368 = arith.constant 0 : i32
        %dma_start3A_2369 = tpu.memref_slice %arg9[%squeeze3A_2357, %dma_start3A_2366, %dma_start3A_2367, %dma_start3A_2368] : memref<16x4x8x128xf32, #tpu.memory_space<vmem>> -> memref<1x4x8x128xf32, #tpu.memory_space<vmem>>
        %dma_start3A_2370 = tpu.memref_squeeze %dma_start3A_2369 : memref<1x4x8x128xf32, #tpu.memory_space<vmem>> -> memref<4x8x128xf32, #tpu.memory_space<vmem>>
        %dma_start3A_2371 = arith.constant 0 : i32
        %dma_start3A_2372 = arith.constant 0 : i32
        %dma_start3A_2373 = tpu.memref_slice %arg2[%dma_start3A_2371, %dma_start3A_2372, %multiple_of3A_2355] : memref<8x8x1000000xf32, #tpu.memory_space<hbm>> -> memref<4x8x128xf32, #tpu.memory_space<hbm>>
        tpu.enqueue_dma source(%dma_start3A_2373 : memref<4x8x128xf32, #tpu.memory_space<hbm>>) target(%dma_start3A_2370 : memref<4x8x128xf32, #tpu.memory_space<vmem>>) target_semaphore(%arg11 : memref<!tpu.dma_semaphore, #tpu.memory_space<semaphore_mem>>)
      } else {
      }
      %slice3A_329 = vector.extract_strided_slice %select_n3A {offsets = [11], sizes = [1], strides = [1]} : vector<16xi32> to vector<1xi32>
      %squeeze3A_330 = vector.extract %slice3A_329[0] : i32 from vector<1xi32>
      %gt3A_331 = arith.constant 0 : i32
      %gt3A_332 = arith.cmpi sgt, %squeeze3A_330, %gt3A_331 : i32
      %convert_element_type3A_333 = arith.extui %gt3A_332 : i1 to i32
      %cond3A_334 = arith.constant 0 : i32
      %cond3A_335 = arith.cmpi ne, %convert_element_type3A_333, %cond3A_334 : i32
      scf.if %cond3A_335 {
        %slice3A_2351 = vector.extract_strided_slice %get3A_239 {offsets = [11], sizes = [1], strides = [1]} : vector<16xi32> to vector<1xi32>
        %squeeze3A_2352 = vector.extract %slice3A_2351[0] : i32 from vector<1xi32>
        %and3A_2353 = arith.constant -128 : i32
        %and3A_2354 = arith.andi %squeeze3A_2352, %and3A_2353 : i32
        %multiple_of3A_2355 = tpu.assume_multiple %and3A_2354, 128 : i32
        %slice3A_2356 = vector.extract_strided_slice %sub3A_256 {offsets = [11], sizes = [1], strides = [1]} : vector<16xi32> to vector<1xi32>
        %squeeze3A_2357 = vector.extract %slice3A_2356[0] : i32 from vector<1xi32>
        %dma_start3A_2358 = arith.constant 0 : i32
        %dma_start3A_2359 = arith.constant 0 : i32
        %dma_start3A_2360 = arith.constant 0 : i32
        %dma_start3A_2361 = tpu.memref_slice %arg9[%squeeze3A_2357, %dma_start3A_2358, %dma_start3A_2359, %dma_start3A_2360] : memref<16x4x8x128xf32, #tpu.memory_space<vmem>> -> memref<1x4x8x128xf32, #tpu.memory_space<vmem>>
        %dma_start3A_2362 = tpu.memref_squeeze %dma_start3A_2361 : memref<1x4x8x128xf32, #tpu.memory_space<vmem>> -> memref<4x8x128xf32, #tpu.memory_space<vmem>>
        %dma_start3A_2363 = arith.constant 0 : i32
        %dma_start3A_2364 = arith.constant 0 : i32
        %dma_start3A_2365 = tpu.memref_slice %arg2[%dma_start3A_2363, %dma_start3A_2364, %multiple_of3A_2355] : memref<8x8x1000000xf32, #tpu.memory_space<hbm>> -> memref<4x8x128xf32, #tpu.memory_space<hbm>>
        %dma_start3A_2366 = arith.constant 0 : i32
        %dma_start3A_2367 = arith.constant 0 : i32
        %dma_start3A_2368 = arith.constant 0 : i32
        %dma_start3A_2369 = tpu.memref_slice %arg9[%squeeze3A_2357, %dma_start3A_2366, %dma_start3A_2367, %dma_start3A_2368] : memref<16x4x8x128xf32, #tpu.memory_space<vmem>> -> memref<1x4x8x128xf32, #tpu.memory_space<vmem>>
        %dma_start3A_2370 = tpu.memref_squeeze %dma_start3A_2369 : memref<1x4x8x128xf32, #tpu.memory_space<vmem>> -> memref<4x8x128xf32, #tpu.memory_space<vmem>>
        %dma_start3A_2371 = arith.constant 0 : i32
        %dma_start3A_2372 = arith.constant 0 : i32
        %dma_start3A_2373 = tpu.memref_slice %arg2[%dma_start3A_2371, %dma_start3A_2372, %multiple_of3A_2355] : memref<8x8x1000000xf32, #tpu.memory_space<hbm>> -> memref<4x8x128xf32, #tpu.memory_space<hbm>>
        tpu.enqueue_dma source(%dma_start3A_2373 : memref<4x8x128xf32, #tpu.memory_space<hbm>>) target(%dma_start3A_2370 : memref<4x8x128xf32, #tpu.memory_space<vmem>>) target_semaphore(%arg11 : memref<!tpu.dma_semaphore, #tpu.memory_space<semaphore_mem>>)
      } else {
      }
      %slice3A_336 = vector.extract_strided_slice %select_n3A {offsets = [12], sizes = [1], strides = [1]} : vector<16xi32> to vector<1xi32>
      %squeeze3A_337 = vector.extract %slice3A_336[0] : i32 from vector<1xi32>
      %gt3A_338 = arith.constant 0 : i32
      %gt3A_339 = arith.cmpi sgt, %squeeze3A_337, %gt3A_338 : i32
      %convert_element_type3A_340 = arith.extui %gt3A_339 : i1 to i32
      %cond3A_341 = arith.constant 0 : i32
      %cond3A_342 = arith.cmpi ne, %convert_element_type3A_340, %cond3A_341 : i32
      scf.if %cond3A_342 {
        %slice3A_2351 = vector.extract_strided_slice %get3A_239 {offsets = [12], sizes = [1], strides = [1]} : vector<16xi32> to vector<1xi32>
        %squeeze3A_2352 = vector.extract %slice3A_2351[0] : i32 from vector<1xi32>
        %and3A_2353 = arith.constant -128 : i32
        %and3A_2354 = arith.andi %squeeze3A_2352, %and3A_2353 : i32
        %multiple_of3A_2355 = tpu.assume_multiple %and3A_2354, 128 : i32
        %slice3A_2356 = vector.extract_strided_slice %sub3A_256 {offsets = [12], sizes = [1], strides = [1]} : vector<16xi32> to vector<1xi32>
        %squeeze3A_2357 = vector.extract %slice3A_2356[0] : i32 from vector<1xi32>
        %dma_start3A_2358 = arith.constant 0 : i32
        %dma_start3A_2359 = arith.constant 0 : i32
        %dma_start3A_2360 = arith.constant 0 : i32
        %dma_start3A_2361 = tpu.memref_slice %arg9[%squeeze3A_2357, %dma_start3A_2358, %dma_start3A_2359, %dma_start3A_2360] : memref<16x4x8x128xf32, #tpu.memory_space<vmem>> -> memref<1x4x8x128xf32, #tpu.memory_space<vmem>>
        %dma_start3A_2362 = tpu.memref_squeeze %dma_start3A_2361 : memref<1x4x8x128xf32, #tpu.memory_space<vmem>> -> memref<4x8x128xf32, #tpu.memory_space<vmem>>
        %dma_start3A_2363 = arith.constant 0 : i32
        %dma_start3A_2364 = arith.constant 0 : i32
        %dma_start3A_2365 = tpu.memref_slice %arg2[%dma_start3A_2363, %dma_start3A_2364, %multiple_of3A_2355] : memref<8x8x1000000xf32, #tpu.memory_space<hbm>> -> memref<4x8x128xf32, #tpu.memory_space<hbm>>
        %dma_start3A_2366 = arith.constant 0 : i32
        %dma_start3A_2367 = arith.constant 0 : i32
        %dma_start3A_2368 = arith.constant 0 : i32
        %dma_start3A_2369 = tpu.memref_slice %arg9[%squeeze3A_2357, %dma_start3A_2366, %dma_start3A_2367, %dma_start3A_2368] : memref<16x4x8x128xf32, #tpu.memory_space<vmem>> -> memref<1x4x8x128xf32, #tpu.memory_space<vmem>>
        %dma_start3A_2370 = tpu.memref_squeeze %dma_start3A_2369 : memref<1x4x8x128xf32, #tpu.memory_space<vmem>> -> memref<4x8x128xf32, #tpu.memory_space<vmem>>
        %dma_start3A_2371 = arith.constant 0 : i32
        %dma_start3A_2372 = arith.constant 0 : i32
        %dma_start3A_2373 = tpu.memref_slice %arg2[%dma_start3A_2371, %dma_start3A_2372, %multiple_of3A_2355] : memref<8x8x1000000xf32, #tpu.memory_space<hbm>> -> memref<4x8x128xf32, #tpu.memory_space<hbm>>
        tpu.enqueue_dma source(%dma_start3A_2373 : memref<4x8x128xf32, #tpu.memory_space<hbm>>) target(%dma_start3A_2370 : memref<4x8x128xf32, #tpu.memory_space<vmem>>) target_semaphore(%arg11 : memref<!tpu.dma_semaphore, #tpu.memory_space<semaphore_mem>>)
      } else {
      }
      %slice3A_343 = vector.extract_strided_slice %select_n3A {offsets = [13], sizes = [1], strides = [1]} : vector<16xi32> to vector<1xi32>
      %squeeze3A_344 = vector.extract %slice3A_343[0] : i32 from vector<1xi32>
      %gt3A_345 = arith.constant 0 : i32
      %gt3A_346 = arith.cmpi sgt, %squeeze3A_344, %gt3A_345 : i32
      %convert_element_type3A_347 = arith.extui %gt3A_346 : i1 to i32
      %cond3A_348 = arith.constant 0 : i32
      %cond3A_349 = arith.cmpi ne, %convert_element_type3A_347, %cond3A_348 : i32
      scf.if %cond3A_349 {
        %slice3A_2351 = vector.extract_strided_slice %get3A_239 {offsets = [13], sizes = [1], strides = [1]} : vector<16xi32> to vector<1xi32>
        %squeeze3A_2352 = vector.extract %slice3A_2351[0] : i32 from vector<1xi32>
        %and3A_2353 = arith.constant -128 : i32
        %and3A_2354 = arith.andi %squeeze3A_2352, %and3A_2353 : i32
        %multiple_of3A_2355 = tpu.assume_multiple %and3A_2354, 128 : i32
        %slice3A_2356 = vector.extract_strided_slice %sub3A_256 {offsets = [13], sizes = [1], strides = [1]} : vector<16xi32> to vector<1xi32>
        %squeeze3A_2357 = vector.extract %slice3A_2356[0] : i32 from vector<1xi32>
        %dma_start3A_2358 = arith.constant 0 : i32
        %dma_start3A_2359 = arith.constant 0 : i32
        %dma_start3A_2360 = arith.constant 0 : i32
        %dma_start3A_2361 = tpu.memref_slice %arg9[%squeeze3A_2357, %dma_start3A_2358, %dma_start3A_2359, %dma_start3A_2360] : memref<16x4x8x128xf32, #tpu.memory_space<vmem>> -> memref<1x4x8x128xf32, #tpu.memory_space<vmem>>
        %dma_start3A_2362 = tpu.memref_squeeze %dma_start3A_2361 : memref<1x4x8x128xf32, #tpu.memory_space<vmem>> -> memref<4x8x128xf32, #tpu.memory_space<vmem>>
        %dma_start3A_2363 = arith.constant 0 : i32
        %dma_start3A_2364 = arith.constant 0 : i32
        %dma_start3A_2365 = tpu.memref_slice %arg2[%dma_start3A_2363, %dma_start3A_2364, %multiple_of3A_2355] : memref<8x8x1000000xf32, #tpu.memory_space<hbm>> -> memref<4x8x128xf32, #tpu.memory_space<hbm>>
        %dma_start3A_2366 = arith.constant 0 : i32
        %dma_start3A_2367 = arith.constant 0 : i32
        %dma_start3A_2368 = arith.constant 0 : i32
        %dma_start3A_2369 = tpu.memref_slice %arg9[%squeeze3A_2357, %dma_start3A_2366, %dma_start3A_2367, %dma_start3A_2368] : memref<16x4x8x128xf32, #tpu.memory_space<vmem>> -> memref<1x4x8x128xf32, #tpu.memory_space<vmem>>
        %dma_start3A_2370 = tpu.memref_squeeze %dma_start3A_2369 : memref<1x4x8x128xf32, #tpu.memory_space<vmem>> -> memref<4x8x128xf32, #tpu.memory_space<vmem>>
        %dma_start3A_2371 = arith.constant 0 : i32
        %dma_start3A_2372 = arith.constant 0 : i32
        %dma_start3A_2373 = tpu.memref_slice %arg2[%dma_start3A_2371, %dma_start3A_2372, %multiple_of3A_2355] : memref<8x8x1000000xf32, #tpu.memory_space<hbm>> -> memref<4x8x128xf32, #tpu.memory_space<hbm>>
        tpu.enqueue_dma source(%dma_start3A_2373 : memref<4x8x128xf32, #tpu.memory_space<hbm>>) target(%dma_start3A_2370 : memref<4x8x128xf32, #tpu.memory_space<vmem>>) target_semaphore(%arg11 : memref<!tpu.dma_semaphore, #tpu.memory_space<semaphore_mem>>)
      } else {
      }
      %slice3A_350 = vector.extract_strided_slice %select_n3A {offsets = [14], sizes = [1], strides = [1]} : vector<16xi32> to vector<1xi32>
      %squeeze3A_351 = vector.extract %slice3A_350[0] : i32 from vector<1xi32>
      %gt3A_352 = arith.constant 0 : i32
      %gt3A_353 = arith.cmpi sgt, %squeeze3A_351, %gt3A_352 : i32
      %convert_element_type3A_354 = arith.extui %gt3A_353 : i1 to i32
      %cond3A_355 = arith.constant 0 : i32
      %cond3A_356 = arith.cmpi ne, %convert_element_type3A_354, %cond3A_355 : i32
      scf.if %cond3A_356 {
        %slice3A_2351 = vector.extract_strided_slice %get3A_239 {offsets = [14], sizes = [1], strides = [1]} : vector<16xi32> to vector<1xi32>
        %squeeze3A_2352 = vector.extract %slice3A_2351[0] : i32 from vector<1xi32>
        %and3A_2353 = arith.constant -128 : i32
        %and3A_2354 = arith.andi %squeeze3A_2352, %and3A_2353 : i32
        %multiple_of3A_2355 = tpu.assume_multiple %and3A_2354, 128 : i32
        %slice3A_2356 = vector.extract_strided_slice %sub3A_256 {offsets = [14], sizes = [1], strides = [1]} : vector<16xi32> to vector<1xi32>
        %squeeze3A_2357 = vector.extract %slice3A_2356[0] : i32 from vector<1xi32>
        %dma_start3A_2358 = arith.constant 0 : i32
        %dma_start3A_2359 = arith.constant 0 : i32
        %dma_start3A_2360 = arith.constant 0 : i32
        %dma_start3A_2361 = tpu.memref_slice %arg9[%squeeze3A_2357, %dma_start3A_2358, %dma_start3A_2359, %dma_start3A_2360] : memref<16x4x8x128xf32, #tpu.memory_space<vmem>> -> memref<1x4x8x128xf32, #tpu.memory_space<vmem>>
        %dma_start3A_2362 = tpu.memref_squeeze %dma_start3A_2361 : memref<1x4x8x128xf32, #tpu.memory_space<vmem>> -> memref<4x8x128xf32, #tpu.memory_space<vmem>>
        %dma_start3A_2363 = arith.constant 0 : i32
        %dma_start3A_2364 = arith.constant 0 : i32
        %dma_start3A_2365 = tpu.memref_slice %arg2[%dma_start3A_2363, %dma_start3A_2364, %multiple_of3A_2355] : memref<8x8x1000000xf32, #tpu.memory_space<hbm>> -> memref<4x8x128xf32, #tpu.memory_space<hbm>>
        %dma_start3A_2366 = arith.constant 0 : i32
        %dma_start3A_2367 = arith.constant 0 : i32
        %dma_start3A_2368 = arith.constant 0 : i32
        %dma_start3A_2369 = tpu.memref_slice %arg9[%squeeze3A_2357, %dma_start3A_2366, %dma_start3A_2367, %dma_start3A_2368] : memref<16x4x8x128xf32, #tpu.memory_space<vmem>> -> memref<1x4x8x128xf32, #tpu.memory_space<vmem>>
        %dma_start3A_2370 = tpu.memref_squeeze %dma_start3A_2369 : memref<1x4x8x128xf32, #tpu.memory_space<vmem>> -> memref<4x8x128xf32, #tpu.memory_space<vmem>>
        %dma_start3A_2371 = arith.constant 0 : i32
        %dma_start3A_2372 = arith.constant 0 : i32
        %dma_start3A_2373 = tpu.memref_slice %arg2[%dma_start3A_2371, %dma_start3A_2372, %multiple_of3A_2355] : memref<8x8x1000000xf32, #tpu.memory_space<hbm>> -> memref<4x8x128xf32, #tpu.memory_space<hbm>>
        tpu.enqueue_dma source(%dma_start3A_2373 : memref<4x8x128xf32, #tpu.memory_space<hbm>>) target(%dma_start3A_2370 : memref<4x8x128xf32, #tpu.memory_space<vmem>>) target_semaphore(%arg11 : memref<!tpu.dma_semaphore, #tpu.memory_space<semaphore_mem>>)
      } else {
      }
      %slice3A_357 = vector.extract_strided_slice %select_n3A {offsets = [15], sizes = [1], strides = [1]} : vector<16xi32> to vector<1xi32>
      %squeeze3A_358 = vector.extract %slice3A_357[0] : i32 from vector<1xi32>
      %gt3A_359 = arith.constant 0 : i32
      %gt3A_360 = arith.cmpi sgt, %squeeze3A_358, %gt3A_359 : i32
      %convert_element_type3A_361 = arith.extui %gt3A_360 : i1 to i32
      %cond3A_362 = arith.constant 0 : i32
      %cond3A_363 = arith.cmpi ne, %convert_element_type3A_361, %cond3A_362 : i32
      scf.if %cond3A_363 {
        %slice3A_2351 = vector.extract_strided_slice %get3A_239 {offsets = [15], sizes = [1], strides = [1]} : vector<16xi32> to vector<1xi32>
        %squeeze3A_2352 = vector.extract %slice3A_2351[0] : i32 from vector<1xi32>
        %and3A_2353 = arith.constant -128 : i32
        %and3A_2354 = arith.andi %squeeze3A_2352, %and3A_2353 : i32
        %multiple_of3A_2355 = tpu.assume_multiple %and3A_2354, 128 : i32
        %slice3A_2356 = vector.extract_strided_slice %sub3A_256 {offsets = [15], sizes = [1], strides = [1]} : vector<16xi32> to vector<1xi32>
        %squeeze3A_2357 = vector.extract %slice3A_2356[0] : i32 from vector<1xi32>
        %dma_start3A_2358 = arith.constant 0 : i32
        %dma_start3A_2359 = arith.constant 0 : i32
        %dma_start3A_2360 = arith.constant 0 : i32
        %dma_start3A_2361 = tpu.memref_slice %arg9[%squeeze3A_2357, %dma_start3A_2358, %dma_start3A_2359, %dma_start3A_2360] : memref<16x4x8x128xf32, #tpu.memory_space<vmem>> -> memref<1x4x8x128xf32, #tpu.memory_space<vmem>>
        %dma_start3A_2362 = tpu.memref_squeeze %dma_start3A_2361 : memref<1x4x8x128xf32, #tpu.memory_space<vmem>> -> memref<4x8x128xf32, #tpu.memory_space<vmem>>
        %dma_start3A_2363 = arith.constant 0 : i32
        %dma_start3A_2364 = arith.constant 0 : i32
        %dma_start3A_2365 = tpu.memref_slice %arg2[%dma_start3A_2363, %dma_start3A_2364, %multiple_of3A_2355] : memref<8x8x1000000xf32, #tpu.memory_space<hbm>> -> memref<4x8x128xf32, #tpu.memory_space<hbm>>
        %dma_start3A_2366 = arith.constant 0 : i32
        %dma_start3A_2367 = arith.constant 0 : i32
        %dma_start3A_2368 = arith.constant 0 : i32
        %dma_start3A_2369 = tpu.memref_slice %arg9[%squeeze3A_2357, %dma_start3A_2366, %dma_start3A_2367, %dma_start3A_2368] : memref<16x4x8x128xf32, #tpu.memory_space<vmem>> -> memref<1x4x8x128xf32, #tpu.memory_space<vmem>>
        %dma_start3A_2370 = tpu.memref_squeeze %dma_start3A_2369 : memref<1x4x8x128xf32, #tpu.memory_space<vmem>> -> memref<4x8x128xf32, #tpu.memory_space<vmem>>
        %dma_start3A_2371 = arith.constant 0 : i32
        %dma_start3A_2372 = arith.constant 0 : i32
        %dma_start3A_2373 = tpu.memref_slice %arg2[%dma_start3A_2371, %dma_start3A_2372, %multiple_of3A_2355] : memref<8x8x1000000xf32, #tpu.memory_space<hbm>> -> memref<4x8x128xf32, #tpu.memory_space<hbm>>
        tpu.enqueue_dma source(%dma_start3A_2373 : memref<4x8x128xf32, #tpu.memory_space<hbm>>) target(%dma_start3A_2370 : memref<4x8x128xf32, #tpu.memory_space<vmem>>) target_semaphore(%arg11 : memref<!tpu.dma_semaphore, #tpu.memory_space<semaphore_mem>>)
      } else {
      }
      %gt3A_364 = arith.constant 0 : i32
      %gt3A_365 = arith.cmpi sgt, %scan3A_236, %gt3A_364 : i32
      %convert_element_type3A_366 = arith.extui %gt3A_365 : i1 to i32
      %cond3A_367 = arith.constant 0 : i32
      %cond3A_368 = arith.cmpi ne, %convert_element_type3A_366, %cond3A_367 : i32
      scf.if %cond3A_368 {
        %dma_wait3A_2351 = arith.constant 0 : i32
        %dma_wait3A_2352 = arith.constant 0 : i32
        %dma_wait3A_2353 = arith.constant 0 : i32
        %dma_wait3A_2354 = tpu.memref_slice %arg10[%dma_wait3A_2351, %dma_wait3A_2353] : memref<16x64xf32, #tpu.memory_space<vmem>> -> memref<1x64xf32, #tpu.memory_space<vmem>>
        %dma_wait3A_2355 = tpu.memref_squeeze %dma_wait3A_2354 : memref<1x64xf32, #tpu.memory_space<vmem>> -> memref<64xf32, #tpu.memory_space<vmem>>
        %dma_wait3A_2356 = arith.constant 0 : i32
        %dma_wait3A_2357 = tpu.memref_slice %arg5[%dma_wait3A_2352, %dma_wait3A_2356] : memref<16384x64xf32, #tpu.memory_space<hbm>> -> memref<1x64xf32, #tpu.memory_space<hbm>>
        %dma_wait3A_2358 = tpu.memref_squeeze %dma_wait3A_2357 : memref<1x64xf32, #tpu.memory_space<hbm>> -> memref<64xf32, #tpu.memory_space<hbm>>
        %dma_wait3A_2359 = arith.constant 0 : i32
        %dma_wait3A_2360 = tpu.memref_slice %arg5[%dma_wait3A_2352, %dma_wait3A_2359] : memref<16384x64xf32, #tpu.memory_space<hbm>> -> memref<1x64xf32, #tpu.memory_space<hbm>>
        %dma_wait3A_2361 = tpu.memref_squeeze %dma_wait3A_2360 : memref<1x64xf32, #tpu.memory_space<hbm>> -> memref<64xf32, #tpu.memory_space<hbm>>
        %dma_wait3A_2362 = arith.constant 0 : i32
        %dma_wait3A_2363 = tpu.memref_slice %arg10[%dma_wait3A_2351, %dma_wait3A_2362] : memref<16x64xf32, #tpu.memory_space<vmem>> -> memref<1x64xf32, #tpu.memory_space<vmem>>
        %dma_wait3A_2364 = tpu.memref_squeeze %dma_wait3A_2363 : memref<1x64xf32, #tpu.memory_space<vmem>> -> memref<64xf32, #tpu.memory_space<vmem>>
        tpu.wait_dma2 semaphore(%arg12 : memref<!tpu.dma_semaphore, #tpu.memory_space<semaphore_mem>>) src(%dma_wait3A_2364 : memref<64xf32, #tpu.memory_space<vmem>>) dst(%dma_wait3A_2361 : memref<64xf32, #tpu.memory_space<hbm>>)
        %dma_wait3A_2365 = arith.constant 1 : i32
        %dma_wait3A_2366 = arith.constant 0 : i32
        %dma_wait3A_2367 = arith.constant 0 : i32
        %dma_wait3A_2368 = tpu.memref_slice %arg10[%dma_wait3A_2365, %dma_wait3A_2367] : memref<16x64xf32, #tpu.memory_space<vmem>> -> memref<1x64xf32, #tpu.memory_space<vmem>>
        %dma_wait3A_2369 = tpu.memref_squeeze %dma_wait3A_2368 : memref<1x64xf32, #tpu.memory_space<vmem>> -> memref<64xf32, #tpu.memory_space<vmem>>
        %dma_wait3A_2370 = arith.constant 0 : i32
        %dma_wait3A_2371 = tpu.memref_slice %arg5[%dma_wait3A_2366, %dma_wait3A_2370] : memref<16384x64xf32, #tpu.memory_space<hbm>> -> memref<1x64xf32, #tpu.memory_space<hbm>>
        %dma_wait3A_2372 = tpu.memref_squeeze %dma_wait3A_2371 : memref<1x64xf32, #tpu.memory_space<hbm>> -> memref<64xf32, #tpu.memory_space<hbm>>
        %dma_wait3A_2373 = arith.constant 0 : i32
        %dma_wait3A_2374 = tpu.memref_slice %arg5[%dma_wait3A_2366, %dma_wait3A_2373] : memref<16384x64xf32, #tpu.memory_space<hbm>> -> memref<1x64xf32, #tpu.memory_space<hbm>>
        %dma_wait3A_2375 = tpu.memref_squeeze %dma_wait3A_2374 : memref<1x64xf32, #tpu.memory_space<hbm>> -> memref<64xf32, #tpu.memory_space<hbm>>
        %dma_wait3A_2376 = arith.constant 0 : i32
        %dma_wait3A_2377 = tpu.memref_slice %arg10[%dma_wait3A_2365, %dma_wait3A_2376] : memref<16x64xf32, #tpu.memory_space<vmem>> -> memref<1x64xf32, #tpu.memory_space<vmem>>
        %dma_wait3A_2378 = tpu.memref_squeeze %dma_wait3A_2377 : memref<1x64xf32, #tpu.memory_space<vmem>> -> memref<64xf32, #tpu.memory_space<vmem>>
        tpu.wait_dma2 semaphore(%arg12 : memref<!tpu.dma_semaphore, #tpu.memory_space<semaphore_mem>>) src(%dma_wait3A_2378 : memref<64xf32, #tpu.memory_space<vmem>>) dst(%dma_wait3A_2375 : memref<64xf32, #tpu.memory_space<hbm>>)
        %dma_wait3A_2379 = arith.constant 2 : i32
        %dma_wait3A_2380 = arith.constant 0 : i32
        %dma_wait3A_2381 = arith.constant 0 : i32
        %dma_wait3A_2382 = tpu.memref_slice %arg10[%dma_wait3A_2379, %dma_wait3A_2381] : memref<16x64xf32, #tpu.memory_space<vmem>> -> memref<1x64xf32, #tpu.memory_space<vmem>>
        %dma_wait3A_2383 = tpu.memref_squeeze %dma_wait3A_2382 : memref<1x64xf32, #tpu.memory_space<vmem>> -> memref<64xf32, #tpu.memory_space<vmem>>
        %dma_wait3A_2384 = arith.constant 0 : i32
        %dma_wait3A_2385 = tpu.memref_slice %arg5[%dma_wait3A_2380, %dma_wait3A_2384] : memref<16384x64xf32, #tpu.memory_space<hbm>> -> memref<1x64xf32, #tpu.memory_space<hbm>>
        %dma_wait3A_2386 = tpu.memref_squeeze %dma_wait3A_2385 : memref<1x64xf32, #tpu.memory_space<hbm>> -> memref<64xf32, #tpu.memory_space<hbm>>
        %dma_wait3A_2387 = arith.constant 0 : i32
        %dma_wait3A_2388 = tpu.memref_slice %arg5[%dma_wait3A_2380, %dma_wait3A_2387] : memref<16384x64xf32, #tpu.memory_space<hbm>> -> memref<1x64xf32, #tpu.memory_space<hbm>>
        %dma_wait3A_2389 = tpu.memref_squeeze %dma_wait3A_2388 : memref<1x64xf32, #tpu.memory_space<hbm>> -> memref<64xf32, #tpu.memory_space<hbm>>
        %dma_wait3A_2390 = arith.constant 0 : i32
        %dma_wait3A_2391 = tpu.memref_slice %arg10[%dma_wait3A_2379, %dma_wait3A_2390] : memref<16x64xf32, #tpu.memory_space<vmem>> -> memref<1x64xf32, #tpu.memory_space<vmem>>
        %dma_wait3A_2392 = tpu.memref_squeeze %dma_wait3A_2391 : memref<1x64xf32, #tpu.memory_space<vmem>> -> memref<64xf32, #tpu.memory_space<vmem>>
        tpu.wait_dma2 semaphore(%arg12 : memref<!tpu.dma_semaphore, #tpu.memory_space<semaphore_mem>>) src(%dma_wait3A_2392 : memref<64xf32, #tpu.memory_space<vmem>>) dst(%dma_wait3A_2389 : memref<64xf32, #tpu.memory_space<hbm>>)
        %dma_wait3A_2393 = arith.constant 3 : i32
        %dma_wait3A_2394 = arith.constant 0 : i32
        %dma_wait3A_2395 = arith.constant 0 : i32
        %dma_wait3A_2396 = tpu.memref_slice %arg10[%dma_wait3A_2393, %dma_wait3A_2395] : memref<16x64xf32, #tpu.memory_space<vmem>> -> memref<1x64xf32, #tpu.memory_space<vmem>>
        %dma_wait3A_2397 = tpu.memref_squeeze %dma_wait3A_2396 : memref<1x64xf32, #tpu.memory_space<vmem>> -> memref<64xf32, #tpu.memory_space<vmem>>
        %dma_wait3A_2398 = arith.constant 0 : i32
        %dma_wait3A_2399 = tpu.memref_slice %arg5[%dma_wait3A_2394, %dma_wait3A_2398] : memref<16384x64xf32, #tpu.memory_space<hbm>> -> memref<1x64xf32, #tpu.memory_space<hbm>>
        %dma_wait3A_2400 = tpu.memref_squeeze %dma_wait3A_2399 : memref<1x64xf32, #tpu.memory_space<hbm>> -> memref<64xf32, #tpu.memory_space<hbm>>
        %dma_wait3A_2401 = arith.constant 0 : i32
        %dma_wait3A_2402 = tpu.memref_slice %arg5[%dma_wait3A_2394, %dma_wait3A_2401] : memref<16384x64xf32, #tpu.memory_space<hbm>> -> memref<1x64xf32, #tpu.memory_space<hbm>>
        %dma_wait3A_2403 = tpu.memref_squeeze %dma_wait3A_2402 : memref<1x64xf32, #tpu.memory_space<hbm>> -> memref<64xf32, #tpu.memory_space<hbm>>
        %dma_wait3A_2404 = arith.constant 0 : i32
        %dma_wait3A_2405 = tpu.memref_slice %arg10[%dma_wait3A_2393, %dma_wait3A_2404] : memref<16x64xf32, #tpu.memory_space<vmem>> -> memref<1x64xf32, #tpu.memory_space<vmem>>
        %dma_wait3A_2406 = tpu.memref_squeeze %dma_wait3A_2405 : memref<1x64xf32, #tpu.memory_space<vmem>> -> memref<64xf32, #tpu.memory_space<vmem>>
        tpu.wait_dma2 semaphore(%arg12 : memref<!tpu.dma_semaphore, #tpu.memory_space<semaphore_mem>>) src(%dma_wait3A_2406 : memref<64xf32, #tpu.memory_space<vmem>>) dst(%dma_wait3A_2403 : memref<64xf32, #tpu.memory_space<hbm>>)
        %dma_wait3A_2407 = arith.constant 4 : i32
        %dma_wait3A_2408 = arith.constant 0 : i32
        %dma_wait3A_2409 = arith.constant 0 : i32
        %dma_wait3A_2410 = tpu.memref_slice %arg10[%dma_wait3A_2407, %dma_wait3A_2409] : memref<16x64xf32, #tpu.memory_space<vmem>> -> memref<1x64xf32, #tpu.memory_space<vmem>>
        %dma_wait3A_2411 = tpu.memref_squeeze %dma_wait3A_2410 : memref<1x64xf32, #tpu.memory_space<vmem>> -> memref<64xf32, #tpu.memory_space<vmem>>
        %dma_wait3A_2412 = arith.constant 0 : i32
        %dma_wait3A_2413 = tpu.memref_slice %arg5[%dma_wait3A_2408, %dma_wait3A_2412] : memref<16384x64xf32, #tpu.memory_space<hbm>> -> memref<1x64xf32, #tpu.memory_space<hbm>>
        %dma_wait3A_2414 = tpu.memref_squeeze %dma_wait3A_2413 : memref<1x64xf32, #tpu.memory_space<hbm>> -> memref<64xf32, #tpu.memory_space<hbm>>
        %dma_wait3A_2415 = arith.constant 0 : i32
        %dma_wait3A_2416 = tpu.memref_slice %arg5[%dma_wait3A_2408, %dma_wait3A_2415] : memref<16384x64xf32, #tpu.memory_space<hbm>> -> memref<1x64xf32, #tpu.memory_space<hbm>>
        %dma_wait3A_2417 = tpu.memref_squeeze %dma_wait3A_2416 : memref<1x64xf32, #tpu.memory_space<hbm>> -> memref<64xf32, #tpu.memory_space<hbm>>
        %dma_wait3A_2418 = arith.constant 0 : i32
        %dma_wait3A_2419 = tpu.memref_slice %arg10[%dma_wait3A_2407, %dma_wait3A_2418] : memref<16x64xf32, #tpu.memory_space<vmem>> -> memref<1x64xf32, #tpu.memory_space<vmem>>
        %dma_wait3A_2420 = tpu.memref_squeeze %dma_wait3A_2419 : memref<1x64xf32, #tpu.memory_space<vmem>> -> memref<64xf32, #tpu.memory_space<vmem>>
        tpu.wait_dma2 semaphore(%arg12 : memref<!tpu.dma_semaphore, #tpu.memory_space<semaphore_mem>>) src(%dma_wait3A_2420 : memref<64xf32, #tpu.memory_space<vmem>>) dst(%dma_wait3A_2417 : memref<64xf32, #tpu.memory_space<hbm>>)
        %dma_wait3A_2421 = arith.constant 5 : i32
        %dma_wait3A_2422 = arith.constant 0 : i32
        %dma_wait3A_2423 = arith.constant 0 : i32
        %dma_wait3A_2424 = tpu.memref_slice %arg10[%dma_wait3A_2421, %dma_wait3A_2423] : memref<16x64xf32, #tpu.memory_space<vmem>> -> memref<1x64xf32, #tpu.memory_space<vmem>>
        %dma_wait3A_2425 = tpu.memref_squeeze %dma_wait3A_2424 : memref<1x64xf32, #tpu.memory_space<vmem>> -> memref<64xf32, #tpu.memory_space<vmem>>
        %dma_wait3A_2426 = arith.constant 0 : i32
        %dma_wait3A_2427 = tpu.memref_slice %arg5[%dma_wait3A_2422, %dma_wait3A_2426] : memref<16384x64xf32, #tpu.memory_space<hbm>> -> memref<1x64xf32, #tpu.memory_space<hbm>>
        %dma_wait3A_2428 = tpu.memref_squeeze %dma_wait3A_2427 : memref<1x64xf32, #tpu.memory_space<hbm>> -> memref<64xf32, #tpu.memory_space<hbm>>
        %dma_wait3A_2429 = arith.constant 0 : i32
        %dma_wait3A_2430 = tpu.memref_slice %arg5[%dma_wait3A_2422, %dma_wait3A_2429] : memref<16384x64xf32, #tpu.memory_space<hbm>> -> memref<1x64xf32, #tpu.memory_space<hbm>>
        %dma_wait3A_2431 = tpu.memref_squeeze %dma_wait3A_2430 : memref<1x64xf32, #tpu.memory_space<hbm>> -> memref<64xf32, #tpu.memory_space<hbm>>
        %dma_wait3A_2432 = arith.constant 0 : i32
        %dma_wait3A_2433 = tpu.memref_slice %arg10[%dma_wait3A_2421, %dma_wait3A_2432] : memref<16x64xf32, #tpu.memory_space<vmem>> -> memref<1x64xf32, #tpu.memory_space<vmem>>
        %dma_wait3A_2434 = tpu.memref_squeeze %dma_wait3A_2433 : memref<1x64xf32, #tpu.memory_space<vmem>> -> memref<64xf32, #tpu.memory_space<vmem>>
        tpu.wait_dma2 semaphore(%arg12 : memref<!tpu.dma_semaphore, #tpu.memory_space<semaphore_mem>>) src(%dma_wait3A_2434 : memref<64xf32, #tpu.memory_space<vmem>>) dst(%dma_wait3A_2431 : memref<64xf32, #tpu.memory_space<hbm>>)
        %dma_wait3A_2435 = arith.constant 6 : i32
        %dma_wait3A_2436 = arith.constant 0 : i32
        %dma_wait3A_2437 = arith.constant 0 : i32
        %dma_wait3A_2438 = tpu.memref_slice %arg10[%dma_wait3A_2435, %dma_wait3A_2437] : memref<16x64xf32, #tpu.memory_space<vmem>> -> memref<1x64xf32, #tpu.memory_space<vmem>>
        %dma_wait3A_2439 = tpu.memref_squeeze %dma_wait3A_2438 : memref<1x64xf32, #tpu.memory_space<vmem>> -> memref<64xf32, #tpu.memory_space<vmem>>
        %dma_wait3A_2440 = arith.constant 0 : i32
        %dma_wait3A_2441 = tpu.memref_slice %arg5[%dma_wait3A_2436, %dma_wait3A_2440] : memref<16384x64xf32, #tpu.memory_space<hbm>> -> memref<1x64xf32, #tpu.memory_space<hbm>>
        %dma_wait3A_2442 = tpu.memref_squeeze %dma_wait3A_2441 : memref<1x64xf32, #tpu.memory_space<hbm>> -> memref<64xf32, #tpu.memory_space<hbm>>
        %dma_wait3A_2443 = arith.constant 0 : i32
        %dma_wait3A_2444 = tpu.memref_slice %arg5[%dma_wait3A_2436, %dma_wait3A_2443] : memref<16384x64xf32, #tpu.memory_space<hbm>> -> memref<1x64xf32, #tpu.memory_space<hbm>>
        %dma_wait3A_2445 = tpu.memref_squeeze %dma_wait3A_2444 : memref<1x64xf32, #tpu.memory_space<hbm>> -> memref<64xf32, #tpu.memory_space<hbm>>
        %dma_wait3A_2446 = arith.constant 0 : i32
        %dma_wait3A_2447 = tpu.memref_slice %arg10[%dma_wait3A_2435, %dma_wait3A_2446] : memref<16x64xf32, #tpu.memory_space<vmem>> -> memref<1x64xf32, #tpu.memory_space<vmem>>
        %dma_wait3A_2448 = tpu.memref_squeeze %dma_wait3A_2447 : memref<1x64xf32, #tpu.memory_space<vmem>> -> memref<64xf32, #tpu.memory_space<vmem>>
        tpu.wait_dma2 semaphore(%arg12 : memref<!tpu.dma_semaphore, #tpu.memory_space<semaphore_mem>>) src(%dma_wait3A_2448 : memref<64xf32, #tpu.memory_space<vmem>>) dst(%dma_wait3A_2445 : memref<64xf32, #tpu.memory_space<hbm>>)
        %dma_wait3A_2449 = arith.constant 7 : i32
        %dma_wait3A_2450 = arith.constant 0 : i32
        %dma_wait3A_2451 = arith.constant 0 : i32
        %dma_wait3A_2452 = tpu.memref_slice %arg10[%dma_wait3A_2449, %dma_wait3A_2451] : memref<16x64xf32, #tpu.memory_space<vmem>> -> memref<1x64xf32, #tpu.memory_space<vmem>>
        %dma_wait3A_2453 = tpu.memref_squeeze %dma_wait3A_2452 : memref<1x64xf32, #tpu.memory_space<vmem>> -> memref<64xf32, #tpu.memory_space<vmem>>
        %dma_wait3A_2454 = arith.constant 0 : i32
        %dma_wait3A_2455 = tpu.memref_slice %arg5[%dma_wait3A_2450, %dma_wait3A_2454] : memref<16384x64xf32, #tpu.memory_space<hbm>> -> memref<1x64xf32, #tpu.memory_space<hbm>>
        %dma_wait3A_2456 = tpu.memref_squeeze %dma_wait3A_2455 : memref<1x64xf32, #tpu.memory_space<hbm>> -> memref<64xf32, #tpu.memory_space<hbm>>
        %dma_wait3A_2457 = arith.constant 0 : i32
        %dma_wait3A_2458 = tpu.memref_slice %arg5[%dma_wait3A_2450, %dma_wait3A_2457] : memref<16384x64xf32, #tpu.memory_space<hbm>> -> memref<1x64xf32, #tpu.memory_space<hbm>>
        %dma_wait3A_2459 = tpu.memref_squeeze %dma_wait3A_2458 : memref<1x64xf32, #tpu.memory_space<hbm>> -> memref<64xf32, #tpu.memory_space<hbm>>
        %dma_wait3A_2460 = arith.constant 0 : i32
        %dma_wait3A_2461 = tpu.memref_slice %arg10[%dma_wait3A_2449, %dma_wait3A_2460] : memref<16x64xf32, #tpu.memory_space<vmem>> -> memref<1x64xf32, #tpu.memory_space<vmem>>
        %dma_wait3A_2462 = tpu.memref_squeeze %dma_wait3A_2461 : memref<1x64xf32, #tpu.memory_space<vmem>> -> memref<64xf32, #tpu.memory_space<vmem>>
        tpu.wait_dma2 semaphore(%arg12 : memref<!tpu.dma_semaphore, #tpu.memory_space<semaphore_mem>>) src(%dma_wait3A_2462 : memref<64xf32, #tpu.memory_space<vmem>>) dst(%dma_wait3A_2459 : memref<64xf32, #tpu.memory_space<hbm>>)
        %dma_wait3A_2463 = arith.constant 8 : i32
        %dma_wait3A_2464 = arith.constant 0 : i32
        %dma_wait3A_2465 = arith.constant 0 : i32
        %dma_wait3A_2466 = tpu.memref_slice %arg10[%dma_wait3A_2463, %dma_wait3A_2465] : memref<16x64xf32, #tpu.memory_space<vmem>> -> memref<1x64xf32, #tpu.memory_space<vmem>>
        %dma_wait3A_2467 = tpu.memref_squeeze %dma_wait3A_2466 : memref<1x64xf32, #tpu.memory_space<vmem>> -> memref<64xf32, #tpu.memory_space<vmem>>
        %dma_wait3A_2468 = arith.constant 0 : i32
        %dma_wait3A_2469 = tpu.memref_slice %arg5[%dma_wait3A_2464, %dma_wait3A_2468] : memref<16384x64xf32, #tpu.memory_space<hbm>> -> memref<1x64xf32, #tpu.memory_space<hbm>>
        %dma_wait3A_2470 = tpu.memref_squeeze %dma_wait3A_2469 : memref<1x64xf32, #tpu.memory_space<hbm>> -> memref<64xf32, #tpu.memory_space<hbm>>
        %dma_wait3A_2471 = arith.constant 0 : i32
        %dma_wait3A_2472 = tpu.memref_slice %arg5[%dma_wait3A_2464, %dma_wait3A_2471] : memref<16384x64xf32, #tpu.memory_space<hbm>> -> memref<1x64xf32, #tpu.memory_space<hbm>>
        %dma_wait3A_2473 = tpu.memref_squeeze %dma_wait3A_2472 : memref<1x64xf32, #tpu.memory_space<hbm>> -> memref<64xf32, #tpu.memory_space<hbm>>
        %dma_wait3A_2474 = arith.constant 0 : i32
        %dma_wait3A_2475 = tpu.memref_slice %arg10[%dma_wait3A_2463, %dma_wait3A_2474] : memref<16x64xf32, #tpu.memory_space<vmem>> -> memref<1x64xf32, #tpu.memory_space<vmem>>
        %dma_wait3A_2476 = tpu.memref_squeeze %dma_wait3A_2475 : memref<1x64xf32, #tpu.memory_space<vmem>> -> memref<64xf32, #tpu.memory_space<vmem>>
        tpu.wait_dma2 semaphore(%arg12 : memref<!tpu.dma_semaphore, #tpu.memory_space<semaphore_mem>>) src(%dma_wait3A_2476 : memref<64xf32, #tpu.memory_space<vmem>>) dst(%dma_wait3A_2473 : memref<64xf32, #tpu.memory_space<hbm>>)
        %dma_wait3A_2477 = arith.constant 9 : i32
        %dma_wait3A_2478 = arith.constant 0 : i32
        %dma_wait3A_2479 = arith.constant 0 : i32
        %dma_wait3A_2480 = tpu.memref_slice %arg10[%dma_wait3A_2477, %dma_wait3A_2479] : memref<16x64xf32, #tpu.memory_space<vmem>> -> memref<1x64xf32, #tpu.memory_space<vmem>>
        %dma_wait3A_2481 = tpu.memref_squeeze %dma_wait3A_2480 : memref<1x64xf32, #tpu.memory_space<vmem>> -> memref<64xf32, #tpu.memory_space<vmem>>
        %dma_wait3A_2482 = arith.constant 0 : i32
        %dma_wait3A_2483 = tpu.memref_slice %arg5[%dma_wait3A_2478, %dma_wait3A_2482] : memref<16384x64xf32, #tpu.memory_space<hbm>> -> memref<1x64xf32, #tpu.memory_space<hbm>>
        %dma_wait3A_2484 = tpu.memref_squeeze %dma_wait3A_2483 : memref<1x64xf32, #tpu.memory_space<hbm>> -> memref<64xf32, #tpu.memory_space<hbm>>
        %dma_wait3A_2485 = arith.constant 0 : i32
        %dma_wait3A_2486 = tpu.memref_slice %arg5[%dma_wait3A_2478, %dma_wait3A_2485] : memref<16384x64xf32, #tpu.memory_space<hbm>> -> memref<1x64xf32, #tpu.memory_space<hbm>>
        %dma_wait3A_2487 = tpu.memref_squeeze %dma_wait3A_2486 : memref<1x64xf32, #tpu.memory_space<hbm>> -> memref<64xf32, #tpu.memory_space<hbm>>
        %dma_wait3A_2488 = arith.constant 0 : i32
        %dma_wait3A_2489 = tpu.memref_slice %arg10[%dma_wait3A_2477, %dma_wait3A_2488] : memref<16x64xf32, #tpu.memory_space<vmem>> -> memref<1x64xf32, #tpu.memory_space<vmem>>
        %dma_wait3A_2490 = tpu.memref_squeeze %dma_wait3A_2489 : memref<1x64xf32, #tpu.memory_space<vmem>> -> memref<64xf32, #tpu.memory_space<vmem>>
        tpu.wait_dma2 semaphore(%arg12 : memref<!tpu.dma_semaphore, #tpu.memory_space<semaphore_mem>>) src(%dma_wait3A_2490 : memref<64xf32, #tpu.memory_space<vmem>>) dst(%dma_wait3A_2487 : memref<64xf32, #tpu.memory_space<hbm>>)
        %dma_wait3A_2491 = arith.constant 10 : i32
        %dma_wait3A_2492 = arith.constant 0 : i32
        %dma_wait3A_2493 = arith.constant 0 : i32
        %dma_wait3A_2494 = tpu.memref_slice %arg10[%dma_wait3A_2491, %dma_wait3A_2493] : memref<16x64xf32, #tpu.memory_space<vmem>> -> memref<1x64xf32, #tpu.memory_space<vmem>>
        %dma_wait3A_2495 = tpu.memref_squeeze %dma_wait3A_2494 : memref<1x64xf32, #tpu.memory_space<vmem>> -> memref<64xf32, #tpu.memory_space<vmem>>
        %dma_wait3A_2496 = arith.constant 0 : i32
        %dma_wait3A_2497 = tpu.memref_slice %arg5[%dma_wait3A_2492, %dma_wait3A_2496] : memref<16384x64xf32, #tpu.memory_space<hbm>> -> memref<1x64xf32, #tpu.memory_space<hbm>>
        %dma_wait3A_2498 = tpu.memref_squeeze %dma_wait3A_2497 : memref<1x64xf32, #tpu.memory_space<hbm>> -> memref<64xf32, #tpu.memory_space<hbm>>
        %dma_wait3A_2499 = arith.constant 0 : i32
        %dma_wait3A_2500 = tpu.memref_slice %arg5[%dma_wait3A_2492, %dma_wait3A_2499] : memref<16384x64xf32, #tpu.memory_space<hbm>> -> memref<1x64xf32, #tpu.memory_space<hbm>>
        %dma_wait3A_2501 = tpu.memref_squeeze %dma_wait3A_2500 : memref<1x64xf32, #tpu.memory_space<hbm>> -> memref<64xf32, #tpu.memory_space<hbm>>
        %dma_wait3A_2502 = arith.constant 0 : i32
        %dma_wait3A_2503 = tpu.memref_slice %arg10[%dma_wait3A_2491, %dma_wait3A_2502] : memref<16x64xf32, #tpu.memory_space<vmem>> -> memref<1x64xf32, #tpu.memory_space<vmem>>
        %dma_wait3A_2504 = tpu.memref_squeeze %dma_wait3A_2503 : memref<1x64xf32, #tpu.memory_space<vmem>> -> memref<64xf32, #tpu.memory_space<vmem>>
        tpu.wait_dma2 semaphore(%arg12 : memref<!tpu.dma_semaphore, #tpu.memory_space<semaphore_mem>>) src(%dma_wait3A_2504 : memref<64xf32, #tpu.memory_space<vmem>>) dst(%dma_wait3A_2501 : memref<64xf32, #tpu.memory_space<hbm>>)
        %dma_wait3A_2505 = arith.constant 11 : i32
        %dma_wait3A_2506 = arith.constant 0 : i32
        %dma_wait3A_2507 = arith.constant 0 : i32
        %dma_wait3A_2508 = tpu.memref_slice %arg10[%dma_wait3A_2505, %dma_wait3A_2507] : memref<16x64xf32, #tpu.memory_space<vmem>> -> memref<1x64xf32, #tpu.memory_space<vmem>>
        %dma_wait3A_2509 = tpu.memref_squeeze %dma_wait3A_2508 : memref<1x64xf32, #tpu.memory_space<vmem>> -> memref<64xf32, #tpu.memory_space<vmem>>
        %dma_wait3A_2510 = arith.constant 0 : i32
        %dma_wait3A_2511 = tpu.memref_slice %arg5[%dma_wait3A_2506, %dma_wait3A_2510] : memref<16384x64xf32, #tpu.memory_space<hbm>> -> memref<1x64xf32, #tpu.memory_space<hbm>>
        %dma_wait3A_2512 = tpu.memref_squeeze %dma_wait3A_2511 : memref<1x64xf32, #tpu.memory_space<hbm>> -> memref<64xf32, #tpu.memory_space<hbm>>
        %dma_wait3A_2513 = arith.constant 0 : i32
        %dma_wait3A_2514 = tpu.memref_slice %arg5[%dma_wait3A_2506, %dma_wait3A_2513] : memref<16384x64xf32, #tpu.memory_space<hbm>> -> memref<1x64xf32, #tpu.memory_space<hbm>>
        %dma_wait3A_2515 = tpu.memref_squeeze %dma_wait3A_2514 : memref<1x64xf32, #tpu.memory_space<hbm>> -> memref<64xf32, #tpu.memory_space<hbm>>
        %dma_wait3A_2516 = arith.constant 0 : i32
        %dma_wait3A_2517 = tpu.memref_slice %arg10[%dma_wait3A_2505, %dma_wait3A_2516] : memref<16x64xf32, #tpu.memory_space<vmem>> -> memref<1x64xf32, #tpu.memory_space<vmem>>
        %dma_wait3A_2518 = tpu.memref_squeeze %dma_wait3A_2517 : memref<1x64xf32, #tpu.memory_space<vmem>> -> memref<64xf32, #tpu.memory_space<vmem>>
        tpu.wait_dma2 semaphore(%arg12 : memref<!tpu.dma_semaphore, #tpu.memory_space<semaphore_mem>>) src(%dma_wait3A_2518 : memref<64xf32, #tpu.memory_space<vmem>>) dst(%dma_wait3A_2515 : memref<64xf32, #tpu.memory_space<hbm>>)
        %dma_wait3A_2519 = arith.constant 12 : i32
        %dma_wait3A_2520 = arith.constant 0 : i32
        %dma_wait3A_2521 = arith.constant 0 : i32
        %dma_wait3A_2522 = tpu.memref_slice %arg10[%dma_wait3A_2519, %dma_wait3A_2521] : memref<16x64xf32, #tpu.memory_space<vmem>> -> memref<1x64xf32, #tpu.memory_space<vmem>>
        %dma_wait3A_2523 = tpu.memref_squeeze %dma_wait3A_2522 : memref<1x64xf32, #tpu.memory_space<vmem>> -> memref<64xf32, #tpu.memory_space<vmem>>
        %dma_wait3A_2524 = arith.constant 0 : i32
        %dma_wait3A_2525 = tpu.memref_slice %arg5[%dma_wait3A_2520, %dma_wait3A_2524] : memref<16384x64xf32, #tpu.memory_space<hbm>> -> memref<1x64xf32, #tpu.memory_space<hbm>>
        %dma_wait3A_2526 = tpu.memref_squeeze %dma_wait3A_2525 : memref<1x64xf32, #tpu.memory_space<hbm>> -> memref<64xf32, #tpu.memory_space<hbm>>
        %dma_wait3A_2527 = arith.constant 0 : i32
        %dma_wait3A_2528 = tpu.memref_slice %arg5[%dma_wait3A_2520, %dma_wait3A_2527] : memref<16384x64xf32, #tpu.memory_space<hbm>> -> memref<1x64xf32, #tpu.memory_space<hbm>>
        %dma_wait3A_2529 = tpu.memref_squeeze %dma_wait3A_2528 : memref<1x64xf32, #tpu.memory_space<hbm>> -> memref<64xf32, #tpu.memory_space<hbm>>
        %dma_wait3A_2530 = arith.constant 0 : i32
        %dma_wait3A_2531 = tpu.memref_slice %arg10[%dma_wait3A_2519, %dma_wait3A_2530] : memref<16x64xf32, #tpu.memory_space<vmem>> -> memref<1x64xf32, #tpu.memory_space<vmem>>
        %dma_wait3A_2532 = tpu.memref_squeeze %dma_wait3A_2531 : memref<1x64xf32, #tpu.memory_space<vmem>> -> memref<64xf32, #tpu.memory_space<vmem>>
        tpu.wait_dma2 semaphore(%arg12 : memref<!tpu.dma_semaphore, #tpu.memory_space<semaphore_mem>>) src(%dma_wait3A_2532 : memref<64xf32, #tpu.memory_space<vmem>>) dst(%dma_wait3A_2529 : memref<64xf32, #tpu.memory_space<hbm>>)
        %dma_wait3A_2533 = arith.constant 13 : i32
        %dma_wait3A_2534 = arith.constant 0 : i32
        %dma_wait3A_2535 = arith.constant 0 : i32
        %dma_wait3A_2536 = tpu.memref_slice %arg10[%dma_wait3A_2533, %dma_wait3A_2535] : memref<16x64xf32, #tpu.memory_space<vmem>> -> memref<1x64xf32, #tpu.memory_space<vmem>>
        %dma_wait3A_2537 = tpu.memref_squeeze %dma_wait3A_2536 : memref<1x64xf32, #tpu.memory_space<vmem>> -> memref<64xf32, #tpu.memory_space<vmem>>
        %dma_wait3A_2538 = arith.constant 0 : i32
        %dma_wait3A_2539 = tpu.memref_slice %arg5[%dma_wait3A_2534, %dma_wait3A_2538] : memref<16384x64xf32, #tpu.memory_space<hbm>> -> memref<1x64xf32, #tpu.memory_space<hbm>>
        %dma_wait3A_2540 = tpu.memref_squeeze %dma_wait3A_2539 : memref<1x64xf32, #tpu.memory_space<hbm>> -> memref<64xf32, #tpu.memory_space<hbm>>
        %dma_wait3A_2541 = arith.constant 0 : i32
        %dma_wait3A_2542 = tpu.memref_slice %arg5[%dma_wait3A_2534, %dma_wait3A_2541] : memref<16384x64xf32, #tpu.memory_space<hbm>> -> memref<1x64xf32, #tpu.memory_space<hbm>>
        %dma_wait3A_2543 = tpu.memref_squeeze %dma_wait3A_2542 : memref<1x64xf32, #tpu.memory_space<hbm>> -> memref<64xf32, #tpu.memory_space<hbm>>
        %dma_wait3A_2544 = arith.constant 0 : i32
        %dma_wait3A_2545 = tpu.memref_slice %arg10[%dma_wait3A_2533, %dma_wait3A_2544] : memref<16x64xf32, #tpu.memory_space<vmem>> -> memref<1x64xf32, #tpu.memory_space<vmem>>
        %dma_wait3A_2546 = tpu.memref_squeeze %dma_wait3A_2545 : memref<1x64xf32, #tpu.memory_space<vmem>> -> memref<64xf32, #tpu.memory_space<vmem>>
        tpu.wait_dma2 semaphore(%arg12 : memref<!tpu.dma_semaphore, #tpu.memory_space<semaphore_mem>>) src(%dma_wait3A_2546 : memref<64xf32, #tpu.memory_space<vmem>>) dst(%dma_wait3A_2543 : memref<64xf32, #tpu.memory_space<hbm>>)
        %dma_wait3A_2547 = arith.constant 14 : i32
        %dma_wait3A_2548 = arith.constant 0 : i32
        %dma_wait3A_2549 = arith.constant 0 : i32
        %dma_wait3A_2550 = tpu.memref_slice %arg10[%dma_wait3A_2547, %dma_wait3A_2549] : memref<16x64xf32, #tpu.memory_space<vmem>> -> memref<1x64xf32, #tpu.memory_space<vmem>>
        %dma_wait3A_2551 = tpu.memref_squeeze %dma_wait3A_2550 : memref<1x64xf32, #tpu.memory_space<vmem>> -> memref<64xf32, #tpu.memory_space<vmem>>
        %dma_wait3A_2552 = arith.constant 0 : i32
        %dma_wait3A_2553 = tpu.memref_slice %arg5[%dma_wait3A_2548, %dma_wait3A_2552] : memref<16384x64xf32, #tpu.memory_space<hbm>> -> memref<1x64xf32, #tpu.memory_space<hbm>>
        %dma_wait3A_2554 = tpu.memref_squeeze %dma_wait3A_2553 : memref<1x64xf32, #tpu.memory_space<hbm>> -> memref<64xf32, #tpu.memory_space<hbm>>
        %dma_wait3A_2555 = arith.constant 0 : i32
        %dma_wait3A_2556 = tpu.memref_slice %arg5[%dma_wait3A_2548, %dma_wait3A_2555] : memref<16384x64xf32, #tpu.memory_space<hbm>> -> memref<1x64xf32, #tpu.memory_space<hbm>>
        %dma_wait3A_2557 = tpu.memref_squeeze %dma_wait3A_2556 : memref<1x64xf32, #tpu.memory_space<hbm>> -> memref<64xf32, #tpu.memory_space<hbm>>
        %dma_wait3A_2558 = arith.constant 0 : i32
        %dma_wait3A_2559 = tpu.memref_slice %arg10[%dma_wait3A_2547, %dma_wait3A_2558] : memref<16x64xf32, #tpu.memory_space<vmem>> -> memref<1x64xf32, #tpu.memory_space<vmem>>
        %dma_wait3A_2560 = tpu.memref_squeeze %dma_wait3A_2559 : memref<1x64xf32, #tpu.memory_space<vmem>> -> memref<64xf32, #tpu.memory_space<vmem>>
        tpu.wait_dma2 semaphore(%arg12 : memref<!tpu.dma_semaphore, #tpu.memory_space<semaphore_mem>>) src(%dma_wait3A_2560 : memref<64xf32, #tpu.memory_space<vmem>>) dst(%dma_wait3A_2557 : memref<64xf32, #tpu.memory_space<hbm>>)
        %dma_wait3A_2561 = arith.constant 15 : i32
        %dma_wait3A_2562 = arith.constant 0 : i32
        %dma_wait3A_2563 = arith.constant 0 : i32
        %dma_wait3A_2564 = tpu.memref_slice %arg10[%dma_wait3A_2561, %dma_wait3A_2563] : memref<16x64xf32, #tpu.memory_space<vmem>> -> memref<1x64xf32, #tpu.memory_space<vmem>>
        %dma_wait3A_2565 = tpu.memref_squeeze %dma_wait3A_2564 : memref<1x64xf32, #tpu.memory_space<vmem>> -> memref<64xf32, #tpu.memory_space<vmem>>
        %dma_wait3A_2566 = arith.constant 0 : i32
        %dma_wait3A_2567 = tpu.memref_slice %arg5[%dma_wait3A_2562, %dma_wait3A_2566] : memref<16384x64xf32, #tpu.memory_space<hbm>> -> memref<1x64xf32, #tpu.memory_space<hbm>>
        %dma_wait3A_2568 = tpu.memref_squeeze %dma_wait3A_2567 : memref<1x64xf32, #tpu.memory_space<hbm>> -> memref<64xf32, #tpu.memory_space<hbm>>
        %dma_wait3A_2569 = arith.constant 0 : i32
        %dma_wait3A_2570 = tpu.memref_slice %arg5[%dma_wait3A_2562, %dma_wait3A_2569] : memref<16384x64xf32, #tpu.memory_space<hbm>> -> memref<1x64xf32, #tpu.memory_space<hbm>>
        %dma_wait3A_2571 = tpu.memref_squeeze %dma_wait3A_2570 : memref<1x64xf32, #tpu.memory_space<hbm>> -> memref<64xf32, #tpu.memory_space<hbm>>
        %dma_wait3A_2572 = arith.constant 0 : i32
        %dma_wait3A_2573 = tpu.memref_slice %arg10[%dma_wait3A_2561, %dma_wait3A_2572] : memref<16x64xf32, #tpu.memory_space<vmem>> -> memref<1x64xf32, #tpu.memory_space<vmem>>
        %dma_wait3A_2574 = tpu.memref_squeeze %dma_wait3A_2573 : memref<1x64xf32, #tpu.memory_space<vmem>> -> memref<64xf32, #tpu.memory_space<vmem>>
        tpu.wait_dma2 semaphore(%arg12 : memref<!tpu.dma_semaphore, #tpu.memory_space<semaphore_mem>>) src(%dma_wait3A_2574 : memref<64xf32, #tpu.memory_space<vmem>>) dst(%dma_wait3A_2571 : memref<64xf32, #tpu.memory_space<hbm>>)
      } else {
      }
      %slice3A_369 = vector.extract_strided_slice %select_n3A {offsets = [0], sizes = [1], strides = [1]} : vector<16xi32> to vector<1xi32>
      %squeeze3A_370 = vector.extract %slice3A_369[0] : i32 from vector<1xi32>
      %gt3A_371 = arith.constant 0 : i32
      %gt3A_372 = arith.cmpi sgt, %squeeze3A_370, %gt3A_371 : i32
      %convert_element_type3A_373 = arith.extui %gt3A_372 : i1 to i32
      %cond3A_374 = arith.constant 0 : i32
      %cond3A_375 = arith.cmpi ne, %convert_element_type3A_373, %cond3A_374 : i32
      scf.if %cond3A_375 {
        %dma_wait3A_2351 = arith.constant 0 : i32
        %dma_wait3A_2352 = arith.constant 0 : i32
        %dma_wait3A_2353 = arith.constant 0 : i32
        %dma_wait3A_2354 = arith.constant 0 : i32
        %dma_wait3A_2355 = tpu.memref_slice %arg9[%dma_wait3A_2351, %dma_wait3A_2352, %dma_wait3A_2353, %dma_wait3A_2354] : memref<16x4x8x128xf32, #tpu.memory_space<vmem>> -> memref<1x4x8x128xf32, #tpu.memory_space<vmem>>
        %dma_wait3A_2356 = tpu.memref_squeeze %dma_wait3A_2355 : memref<1x4x8x128xf32, #tpu.memory_space<vmem>> -> memref<4x8x128xf32, #tpu.memory_space<vmem>>
        %dma_wait3A_2357 = arith.constant 0 : i32
        %dma_wait3A_2358 = arith.constant 0 : i32
        %dma_wait3A_2359 = arith.constant 0 : i32
        %dma_wait3A_2360 = tpu.memref_slice %arg2[%dma_wait3A_2357, %dma_wait3A_2358, %dma_wait3A_2359] : memref<8x8x1000000xf32, #tpu.memory_space<hbm>> -> memref<4x8x128xf32, #tpu.memory_space<hbm>>
        %dma_wait3A_2361 = arith.constant 0 : i32
        %dma_wait3A_2362 = arith.constant 0 : i32
        %dma_wait3A_2363 = arith.constant 0 : i32
        %dma_wait3A_2364 = tpu.memref_slice %arg9[%dma_wait3A_2351, %dma_wait3A_2361, %dma_wait3A_2362, %dma_wait3A_2363] : memref<16x4x8x128xf32, #tpu.memory_space<vmem>> -> memref<1x4x8x128xf32, #tpu.memory_space<vmem>>
        %dma_wait3A_2365 = tpu.memref_squeeze %dma_wait3A_2364 : memref<1x4x8x128xf32, #tpu.memory_space<vmem>> -> memref<4x8x128xf32, #tpu.memory_space<vmem>>
        %dma_wait3A_2366 = arith.constant 0 : i32
        %dma_wait3A_2367 = arith.constant 0 : i32
        %dma_wait3A_2368 = arith.constant 0 : i32
        %dma_wait3A_2369 = tpu.memref_slice %arg2[%dma_wait3A_2366, %dma_wait3A_2367, %dma_wait3A_2368] : memref<8x8x1000000xf32, #tpu.memory_space<hbm>> -> memref<4x8x128xf32, #tpu.memory_space<hbm>>
        tpu.wait_dma2 semaphore(%arg11 : memref<!tpu.dma_semaphore, #tpu.memory_space<semaphore_mem>>) src(%dma_wait3A_2369 : memref<4x8x128xf32, #tpu.memory_space<hbm>>) dst(%dma_wait3A_2365 : memref<4x8x128xf32, #tpu.memory_space<vmem>>)
      } else {
      }
      %slice3A_376 = vector.extract_strided_slice %select_n3A {offsets = [1], sizes = [1], strides = [1]} : vector<16xi32> to vector<1xi32>
      %squeeze3A_377 = vector.extract %slice3A_376[0] : i32 from vector<1xi32>
      %gt3A_378 = arith.constant 0 : i32
      %gt3A_379 = arith.cmpi sgt, %squeeze3A_377, %gt3A_378 : i32
      %convert_element_type3A_380 = arith.extui %gt3A_379 : i1 to i32
      %cond3A_381 = arith.constant 0 : i32
      %cond3A_382 = arith.cmpi ne, %convert_element_type3A_380, %cond3A_381 : i32
      scf.if %cond3A_382 {
        %dma_wait3A_2351 = arith.constant 0 : i32
        %dma_wait3A_2352 = arith.constant 0 : i32
        %dma_wait3A_2353 = arith.constant 0 : i32
        %dma_wait3A_2354 = arith.constant 0 : i32
        %dma_wait3A_2355 = tpu.memref_slice %arg9[%dma_wait3A_2351, %dma_wait3A_2352, %dma_wait3A_2353, %dma_wait3A_2354] : memref<16x4x8x128xf32, #tpu.memory_space<vmem>> -> memref<1x4x8x128xf32, #tpu.memory_space<vmem>>
        %dma_wait3A_2356 = tpu.memref_squeeze %dma_wait3A_2355 : memref<1x4x8x128xf32, #tpu.memory_space<vmem>> -> memref<4x8x128xf32, #tpu.memory_space<vmem>>
        %dma_wait3A_2357 = arith.constant 0 : i32
        %dma_wait3A_2358 = arith.constant 0 : i32
        %dma_wait3A_2359 = arith.constant 0 : i32
        %dma_wait3A_2360 = tpu.memref_slice %arg2[%dma_wait3A_2357, %dma_wait3A_2358, %dma_wait3A_2359] : memref<8x8x1000000xf32, #tpu.memory_space<hbm>> -> memref<4x8x128xf32, #tpu.memory_space<hbm>>
        %dma_wait3A_2361 = arith.constant 0 : i32
        %dma_wait3A_2362 = arith.constant 0 : i32
        %dma_wait3A_2363 = arith.constant 0 : i32
        %dma_wait3A_2364 = tpu.memref_slice %arg9[%dma_wait3A_2351, %dma_wait3A_2361, %dma_wait3A_2362, %dma_wait3A_2363] : memref<16x4x8x128xf32, #tpu.memory_space<vmem>> -> memref<1x4x8x128xf32, #tpu.memory_space<vmem>>
        %dma_wait3A_2365 = tpu.memref_squeeze %dma_wait3A_2364 : memref<1x4x8x128xf32, #tpu.memory_space<vmem>> -> memref<4x8x128xf32, #tpu.memory_space<vmem>>
        %dma_wait3A_2366 = arith.constant 0 : i32
        %dma_wait3A_2367 = arith.constant 0 : i32
        %dma_wait3A_2368 = arith.constant 0 : i32
        %dma_wait3A_2369 = tpu.memref_slice %arg2[%dma_wait3A_2366, %dma_wait3A_2367, %dma_wait3A_2368] : memref<8x8x1000000xf32, #tpu.memory_space<hbm>> -> memref<4x8x128xf32, #tpu.memory_space<hbm>>
        tpu.wait_dma2 semaphore(%arg11 : memref<!tpu.dma_semaphore, #tpu.memory_space<semaphore_mem>>) src(%dma_wait3A_2369 : memref<4x8x128xf32, #tpu.memory_space<hbm>>) dst(%dma_wait3A_2365 : memref<4x8x128xf32, #tpu.memory_space<vmem>>)
      } else {
      }
      %slice3A_383 = vector.extract_strided_slice %select_n3A {offsets = [2], sizes = [1], strides = [1]} : vector<16xi32> to vector<1xi32>
      %squeeze3A_384 = vector.extract %slice3A_383[0] : i32 from vector<1xi32>
      %gt3A_385 = arith.constant 0 : i32
      %gt3A_386 = arith.cmpi sgt, %squeeze3A_384, %gt3A_385 : i32
      %convert_element_type3A_387 = arith.extui %gt3A_386 : i1 to i32
      %cond3A_388 = arith.constant 0 : i32
      %cond3A_389 = arith.cmpi ne, %convert_element_type3A_387, %cond3A_388 : i32
      scf.if %cond3A_389 {
        %dma_wait3A_2351 = arith.constant 0 : i32
        %dma_wait3A_2352 = arith.constant 0 : i32
        %dma_wait3A_2353 = arith.constant 0 : i32
        %dma_wait3A_2354 = arith.constant 0 : i32
        %dma_wait3A_2355 = tpu.memref_slice %arg9[%dma_wait3A_2351, %dma_wait3A_2352, %dma_wait3A_2353, %dma_wait3A_2354] : memref<16x4x8x128xf32, #tpu.memory_space<vmem>> -> memref<1x4x8x128xf32, #tpu.memory_space<vmem>>
        %dma_wait3A_2356 = tpu.memref_squeeze %dma_wait3A_2355 : memref<1x4x8x128xf32, #tpu.memory_space<vmem>> -> memref<4x8x128xf32, #tpu.memory_space<vmem>>
        %dma_wait3A_2357 = arith.constant 0 : i32
        %dma_wait3A_2358 = arith.constant 0 : i32
        %dma_wait3A_2359 = arith.constant 0 : i32
        %dma_wait3A_2360 = tpu.memref_slice %arg2[%dma_wait3A_2357, %dma_wait3A_2358, %dma_wait3A_2359] : memref<8x8x1000000xf32, #tpu.memory_space<hbm>> -> memref<4x8x128xf32, #tpu.memory_space<hbm>>
        %dma_wait3A_2361 = arith.constant 0 : i32
        %dma_wait3A_2362 = arith.constant 0 : i32
        %dma_wait3A_2363 = arith.constant 0 : i32
        %dma_wait3A_2364 = tpu.memref_slice %arg9[%dma_wait3A_2351, %dma_wait3A_2361, %dma_wait3A_2362, %dma_wait3A_2363] : memref<16x4x8x128xf32, #tpu.memory_space<vmem>> -> memref<1x4x8x128xf32, #tpu.memory_space<vmem>>
        %dma_wait3A_2365 = tpu.memref_squeeze %dma_wait3A_2364 : memref<1x4x8x128xf32, #tpu.memory_space<vmem>> -> memref<4x8x128xf32, #tpu.memory_space<vmem>>
        %dma_wait3A_2366 = arith.constant 0 : i32
        %dma_wait3A_2367 = arith.constant 0 : i32
        %dma_wait3A_2368 = arith.constant 0 : i32
        %dma_wait3A_2369 = tpu.memref_slice %arg2[%dma_wait3A_2366, %dma_wait3A_2367, %dma_wait3A_2368] : memref<8x8x1000000xf32, #tpu.memory_space<hbm>> -> memref<4x8x128xf32, #tpu.memory_space<hbm>>
        tpu.wait_dma2 semaphore(%arg11 : memref<!tpu.dma_semaphore, #tpu.memory_space<semaphore_mem>>) src(%dma_wait3A_2369 : memref<4x8x128xf32, #tpu.memory_space<hbm>>) dst(%dma_wait3A_2365 : memref<4x8x128xf32, #tpu.memory_space<vmem>>)
      } else {
      }
      %slice3A_390 = vector.extract_strided_slice %select_n3A {offsets = [3], sizes = [1], strides = [1]} : vector<16xi32> to vector<1xi32>
      %squeeze3A_391 = vector.extract %slice3A_390[0] : i32 from vector<1xi32>
      %gt3A_392 = arith.constant 0 : i32
      %gt3A_393 = arith.cmpi sgt, %squeeze3A_391, %gt3A_392 : i32
      %convert_element_type3A_394 = arith.extui %gt3A_393 : i1 to i32
      %cond3A_395 = arith.constant 0 : i32
      %cond3A_396 = arith.cmpi ne, %convert_element_type3A_394, %cond3A_395 : i32
      scf.if %cond3A_396 {
        %dma_wait3A_2351 = arith.constant 0 : i32
        %dma_wait3A_2352 = arith.constant 0 : i32
        %dma_wait3A_2353 = arith.constant 0 : i32
        %dma_wait3A_2354 = arith.constant 0 : i32
        %dma_wait3A_2355 = tpu.memref_slice %arg9[%dma_wait3A_2351, %dma_wait3A_2352, %dma_wait3A_2353, %dma_wait3A_2354] : memref<16x4x8x128xf32, #tpu.memory_space<vmem>> -> memref<1x4x8x128xf32, #tpu.memory_space<vmem>>
        %dma_wait3A_2356 = tpu.memref_squeeze %dma_wait3A_2355 : memref<1x4x8x128xf32, #tpu.memory_space<vmem>> -> memref<4x8x128xf32, #tpu.memory_space<vmem>>
        %dma_wait3A_2357 = arith.constant 0 : i32
        %dma_wait3A_2358 = arith.constant 0 : i32
        %dma_wait3A_2359 = arith.constant 0 : i32
        %dma_wait3A_2360 = tpu.memref_slice %arg2[%dma_wait3A_2357, %dma_wait3A_2358, %dma_wait3A_2359] : memref<8x8x1000000xf32, #tpu.memory_space<hbm>> -> memref<4x8x128xf32, #tpu.memory_space<hbm>>
        %dma_wait3A_2361 = arith.constant 0 : i32
        %dma_wait3A_2362 = arith.constant 0 : i32
        %dma_wait3A_2363 = arith.constant 0 : i32
        %dma_wait3A_2364 = tpu.memref_slice %arg9[%dma_wait3A_2351, %dma_wait3A_2361, %dma_wait3A_2362, %dma_wait3A_2363] : memref<16x4x8x128xf32, #tpu.memory_space<vmem>> -> memref<1x4x8x128xf32, #tpu.memory_space<vmem>>
        %dma_wait3A_2365 = tpu.memref_squeeze %dma_wait3A_2364 : memref<1x4x8x128xf32, #tpu.memory_space<vmem>> -> memref<4x8x128xf32, #tpu.memory_space<vmem>>
        %dma_wait3A_2366 = arith.constant 0 : i32
        %dma_wait3A_2367 = arith.constant 0 : i32
        %dma_wait3A_2368 = arith.constant 0 : i32
        %dma_wait3A_2369 = tpu.memref_slice %arg2[%dma_wait3A_2366, %dma_wait3A_2367, %dma_wait3A_2368] : memref<8x8x1000000xf32, #tpu.memory_space<hbm>> -> memref<4x8x128xf32, #tpu.memory_space<hbm>>
        tpu.wait_dma2 semaphore(%arg11 : memref<!tpu.dma_semaphore, #tpu.memory_space<semaphore_mem>>) src(%dma_wait3A_2369 : memref<4x8x128xf32, #tpu.memory_space<hbm>>) dst(%dma_wait3A_2365 : memref<4x8x128xf32, #tpu.memory_space<vmem>>)
      } else {
      }
      %slice3A_397 = vector.extract_strided_slice %select_n3A {offsets = [4], sizes = [1], strides = [1]} : vector<16xi32> to vector<1xi32>
      %squeeze3A_398 = vector.extract %slice3A_397[0] : i32 from vector<1xi32>
      %gt3A_399 = arith.constant 0 : i32
      %gt3A_400 = arith.cmpi sgt, %squeeze3A_398, %gt3A_399 : i32
      %convert_element_type3A_401 = arith.extui %gt3A_400 : i1 to i32
      %cond3A_402 = arith.constant 0 : i32
      %cond3A_403 = arith.cmpi ne, %convert_element_type3A_401, %cond3A_402 : i32
      scf.if %cond3A_403 {
        %dma_wait3A_2351 = arith.constant 0 : i32
        %dma_wait3A_2352 = arith.constant 0 : i32
        %dma_wait3A_2353 = arith.constant 0 : i32
        %dma_wait3A_2354 = arith.constant 0 : i32
        %dma_wait3A_2355 = tpu.memref_slice %arg9[%dma_wait3A_2351, %dma_wait3A_2352, %dma_wait3A_2353, %dma_wait3A_2354] : memref<16x4x8x128xf32, #tpu.memory_space<vmem>> -> memref<1x4x8x128xf32, #tpu.memory_space<vmem>>
        %dma_wait3A_2356 = tpu.memref_squeeze %dma_wait3A_2355 : memref<1x4x8x128xf32, #tpu.memory_space<vmem>> -> memref<4x8x128xf32, #tpu.memory_space<vmem>>
        %dma_wait3A_2357 = arith.constant 0 : i32
        %dma_wait3A_2358 = arith.constant 0 : i32
        %dma_wait3A_2359 = arith.constant 0 : i32
        %dma_wait3A_2360 = tpu.memref_slice %arg2[%dma_wait3A_2357, %dma_wait3A_2358, %dma_wait3A_2359] : memref<8x8x1000000xf32, #tpu.memory_space<hbm>> -> memref<4x8x128xf32, #tpu.memory_space<hbm>>
        %dma_wait3A_2361 = arith.constant 0 : i32
        %dma_wait3A_2362 = arith.constant 0 : i32
        %dma_wait3A_2363 = arith.constant 0 : i32
        %dma_wait3A_2364 = tpu.memref_slice %arg9[%dma_wait3A_2351, %dma_wait3A_2361, %dma_wait3A_2362, %dma_wait3A_2363] : memref<16x4x8x128xf32, #tpu.memory_space<vmem>> -> memref<1x4x8x128xf32, #tpu.memory_space<vmem>>
        %dma_wait3A_2365 = tpu.memref_squeeze %dma_wait3A_2364 : memref<1x4x8x128xf32, #tpu.memory_space<vmem>> -> memref<4x8x128xf32, #tpu.memory_space<vmem>>
        %dma_wait3A_2366 = arith.constant 0 : i32
        %dma_wait3A_2367 = arith.constant 0 : i32
        %dma_wait3A_2368 = arith.constant 0 : i32
        %dma_wait3A_2369 = tpu.memref_slice %arg2[%dma_wait3A_2366, %dma_wait3A_2367, %dma_wait3A_2368] : memref<8x8x1000000xf32, #tpu.memory_space<hbm>> -> memref<4x8x128xf32, #tpu.memory_space<hbm>>
        tpu.wait_dma2 semaphore(%arg11 : memref<!tpu.dma_semaphore, #tpu.memory_space<semaphore_mem>>) src(%dma_wait3A_2369 : memref<4x8x128xf32, #tpu.memory_space<hbm>>) dst(%dma_wait3A_2365 : memref<4x8x128xf32, #tpu.memory_space<vmem>>)
      } else {
      }
      %slice3A_404 = vector.extract_strided_slice %select_n3A {offsets = [5], sizes = [1], strides = [1]} : vector<16xi32> to vector<1xi32>
      %squeeze3A_405 = vector.extract %slice3A_404[0] : i32 from vector<1xi32>
      %gt3A_406 = arith.constant 0 : i32
      %gt3A_407 = arith.cmpi sgt, %squeeze3A_405, %gt3A_406 : i32
      %convert_element_type3A_408 = arith.extui %gt3A_407 : i1 to i32
      %cond3A_409 = arith.constant 0 : i32
      %cond3A_410 = arith.cmpi ne, %convert_element_type3A_408, %cond3A_409 : i32
      scf.if %cond3A_410 {
        %dma_wait3A_2351 = arith.constant 0 : i32
        %dma_wait3A_2352 = arith.constant 0 : i32
        %dma_wait3A_2353 = arith.constant 0 : i32
        %dma_wait3A_2354 = arith.constant 0 : i32
        %dma_wait3A_2355 = tpu.memref_slice %arg9[%dma_wait3A_2351, %dma_wait3A_2352, %dma_wait3A_2353, %dma_wait3A_2354] : memref<16x4x8x128xf32, #tpu.memory_space<vmem>> -> memref<1x4x8x128xf32, #tpu.memory_space<vmem>>
        %dma_wait3A_2356 = tpu.memref_squeeze %dma_wait3A_2355 : memref<1x4x8x128xf32, #tpu.memory_space<vmem>> -> memref<4x8x128xf32, #tpu.memory_space<vmem>>
        %dma_wait3A_2357 = arith.constant 0 : i32
        %dma_wait3A_2358 = arith.constant 0 : i32
        %dma_wait3A_2359 = arith.constant 0 : i32
        %dma_wait3A_2360 = tpu.memref_slice %arg2[%dma_wait3A_2357, %dma_wait3A_2358, %dma_wait3A_2359] : memref<8x8x1000000xf32, #tpu.memory_space<hbm>> -> memref<4x8x128xf32, #tpu.memory_space<hbm>>
        %dma_wait3A_2361 = arith.constant 0 : i32
        %dma_wait3A_2362 = arith.constant 0 : i32
        %dma_wait3A_2363 = arith.constant 0 : i32
        %dma_wait3A_2364 = tpu.memref_slice %arg9[%dma_wait3A_2351, %dma_wait3A_2361, %dma_wait3A_2362, %dma_wait3A_2363] : memref<16x4x8x128xf32, #tpu.memory_space<vmem>> -> memref<1x4x8x128xf32, #tpu.memory_space<vmem>>
        %dma_wait3A_2365 = tpu.memref_squeeze %dma_wait3A_2364 : memref<1x4x8x128xf32, #tpu.memory_space<vmem>> -> memref<4x8x128xf32, #tpu.memory_space<vmem>>
        %dma_wait3A_2366 = arith.constant 0 : i32
        %dma_wait3A_2367 = arith.constant 0 : i32
        %dma_wait3A_2368 = arith.constant 0 : i32
        %dma_wait3A_2369 = tpu.memref_slice %arg2[%dma_wait3A_2366, %dma_wait3A_2367, %dma_wait3A_2368] : memref<8x8x1000000xf32, #tpu.memory_space<hbm>> -> memref<4x8x128xf32, #tpu.memory_space<hbm>>
        tpu.wait_dma2 semaphore(%arg11 : memref<!tpu.dma_semaphore, #tpu.memory_space<semaphore_mem>>) src(%dma_wait3A_2369 : memref<4x8x128xf32, #tpu.memory_space<hbm>>) dst(%dma_wait3A_2365 : memref<4x8x128xf32, #tpu.memory_space<vmem>>)
      } else {
      }
      %slice3A_411 = vector.extract_strided_slice %select_n3A {offsets = [6], sizes = [1], strides = [1]} : vector<16xi32> to vector<1xi32>
      %squeeze3A_412 = vector.extract %slice3A_411[0] : i32 from vector<1xi32>
      %gt3A_413 = arith.constant 0 : i32
      %gt3A_414 = arith.cmpi sgt, %squeeze3A_412, %gt3A_413 : i32
      %convert_element_type3A_415 = arith.extui %gt3A_414 : i1 to i32
      %cond3A_416 = arith.constant 0 : i32
      %cond3A_417 = arith.cmpi ne, %convert_element_type3A_415, %cond3A_416 : i32
      scf.if %cond3A_417 {
        %dma_wait3A_2351 = arith.constant 0 : i32
        %dma_wait3A_2352 = arith.constant 0 : i32
        %dma_wait3A_2353 = arith.constant 0 : i32
        %dma_wait3A_2354 = arith.constant 0 : i32
        %dma_wait3A_2355 = tpu.memref_slice %arg9[%dma_wait3A_2351, %dma_wait3A_2352, %dma_wait3A_2353, %dma_wait3A_2354] : memref<16x4x8x128xf32, #tpu.memory_space<vmem>> -> memref<1x4x8x128xf32, #tpu.memory_space<vmem>>
        %dma_wait3A_2356 = tpu.memref_squeeze %dma_wait3A_2355 : memref<1x4x8x128xf32, #tpu.memory_space<vmem>> -> memref<4x8x128xf32, #tpu.memory_space<vmem>>
        %dma_wait3A_2357 = arith.constant 0 : i32
        %dma_wait3A_2358 = arith.constant 0 : i32
        %dma_wait3A_2359 = arith.constant 0 : i32
        %dma_wait3A_2360 = tpu.memref_slice %arg2[%dma_wait3A_2357, %dma_wait3A_2358, %dma_wait3A_2359] : memref<8x8x1000000xf32, #tpu.memory_space<hbm>> -> memref<4x8x128xf32, #tpu.memory_space<hbm>>
        %dma_wait3A_2361 = arith.constant 0 : i32
        %dma_wait3A_2362 = arith.constant 0 : i32
        %dma_wait3A_2363 = arith.constant 0 : i32
        %dma_wait3A_2364 = tpu.memref_slice %arg9[%dma_wait3A_2351, %dma_wait3A_2361, %dma_wait3A_2362, %dma_wait3A_2363] : memref<16x4x8x128xf32, #tpu.memory_space<vmem>> -> memref<1x4x8x128xf32, #tpu.memory_space<vmem>>
        %dma_wait3A_2365 = tpu.memref_squeeze %dma_wait3A_2364 : memref<1x4x8x128xf32, #tpu.memory_space<vmem>> -> memref<4x8x128xf32, #tpu.memory_space<vmem>>
        %dma_wait3A_2366 = arith.constant 0 : i32
        %dma_wait3A_2367 = arith.constant 0 : i32
        %dma_wait3A_2368 = arith.constant 0 : i32
        %dma_wait3A_2369 = tpu.memref_slice %arg2[%dma_wait3A_2366, %dma_wait3A_2367, %dma_wait3A_2368] : memref<8x8x1000000xf32, #tpu.memory_space<hbm>> -> memref<4x8x128xf32, #tpu.memory_space<hbm>>
        tpu.wait_dma2 semaphore(%arg11 : memref<!tpu.dma_semaphore, #tpu.memory_space<semaphore_mem>>) src(%dma_wait3A_2369 : memref<4x8x128xf32, #tpu.memory_space<hbm>>) dst(%dma_wait3A_2365 : memref<4x8x128xf32, #tpu.memory_space<vmem>>)
      } else {
      }
      %slice3A_418 = vector.extract_strided_slice %select_n3A {offsets = [7], sizes = [1], strides = [1]} : vector<16xi32> to vector<1xi32>
      %squeeze3A_419 = vector.extract %slice3A_418[0] : i32 from vector<1xi32>
      %gt3A_420 = arith.constant 0 : i32
      %gt3A_421 = arith.cmpi sgt, %squeeze3A_419, %gt3A_420 : i32
      %convert_element_type3A_422 = arith.extui %gt3A_421 : i1 to i32
      %cond3A_423 = arith.constant 0 : i32
      %cond3A_424 = arith.cmpi ne, %convert_element_type3A_422, %cond3A_423 : i32
      scf.if %cond3A_424 {
        %dma_wait3A_2351 = arith.constant 0 : i32
        %dma_wait3A_2352 = arith.constant 0 : i32
        %dma_wait3A_2353 = arith.constant 0 : i32
        %dma_wait3A_2354 = arith.constant 0 : i32
        %dma_wait3A_2355 = tpu.memref_slice %arg9[%dma_wait3A_2351, %dma_wait3A_2352, %dma_wait3A_2353, %dma_wait3A_2354] : memref<16x4x8x128xf32, #tpu.memory_space<vmem>> -> memref<1x4x8x128xf32, #tpu.memory_space<vmem>>
        %dma_wait3A_2356 = tpu.memref_squeeze %dma_wait3A_2355 : memref<1x4x8x128xf32, #tpu.memory_space<vmem>> -> memref<4x8x128xf32, #tpu.memory_space<vmem>>
        %dma_wait3A_2357 = arith.constant 0 : i32
        %dma_wait3A_2358 = arith.constant 0 : i32
        %dma_wait3A_2359 = arith.constant 0 : i32
        %dma_wait3A_2360 = tpu.memref_slice %arg2[%dma_wait3A_2357, %dma_wait3A_2358, %dma_wait3A_2359] : memref<8x8x1000000xf32, #tpu.memory_space<hbm>> -> memref<4x8x128xf32, #tpu.memory_space<hbm>>
        %dma_wait3A_2361 = arith.constant 0 : i32
        %dma_wait3A_2362 = arith.constant 0 : i32
        %dma_wait3A_2363 = arith.constant 0 : i32
        %dma_wait3A_2364 = tpu.memref_slice %arg9[%dma_wait3A_2351, %dma_wait3A_2361, %dma_wait3A_2362, %dma_wait3A_2363] : memref<16x4x8x128xf32, #tpu.memory_space<vmem>> -> memref<1x4x8x128xf32, #tpu.memory_space<vmem>>
        %dma_wait3A_2365 = tpu.memref_squeeze %dma_wait3A_2364 : memref<1x4x8x128xf32, #tpu.memory_space<vmem>> -> memref<4x8x128xf32, #tpu.memory_space<vmem>>
        %dma_wait3A_2366 = arith.constant 0 : i32
        %dma_wait3A_2367 = arith.constant 0 : i32
        %dma_wait3A_2368 = arith.constant 0 : i32
        %dma_wait3A_2369 = tpu.memref_slice %arg2[%dma_wait3A_2366, %dma_wait3A_2367, %dma_wait3A_2368] : memref<8x8x1000000xf32, #tpu.memory_space<hbm>> -> memref<4x8x128xf32, #tpu.memory_space<hbm>>
        tpu.wait_dma2 semaphore(%arg11 : memref<!tpu.dma_semaphore, #tpu.memory_space<semaphore_mem>>) src(%dma_wait3A_2369 : memref<4x8x128xf32, #tpu.memory_space<hbm>>) dst(%dma_wait3A_2365 : memref<4x8x128xf32, #tpu.memory_space<vmem>>)
      } else {
      }
      %slice3A_425 = vector.extract_strided_slice %select_n3A {offsets = [8], sizes = [1], strides = [1]} : vector<16xi32> to vector<1xi32>
      %squeeze3A_426 = vector.extract %slice3A_425[0] : i32 from vector<1xi32>
      %gt3A_427 = arith.constant 0 : i32
      %gt3A_428 = arith.cmpi sgt, %squeeze3A_426, %gt3A_427 : i32
      %convert_element_type3A_429 = arith.extui %gt3A_428 : i1 to i32
      %cond3A_430 = arith.constant 0 : i32
      %cond3A_431 = arith.cmpi ne, %convert_element_type3A_429, %cond3A_430 : i32
      scf.if %cond3A_431 {
        %dma_wait3A_2351 = arith.constant 0 : i32
        %dma_wait3A_2352 = arith.constant 0 : i32
        %dma_wait3A_2353 = arith.constant 0 : i32
        %dma_wait3A_2354 = arith.constant 0 : i32
        %dma_wait3A_2355 = tpu.memref_slice %arg9[%dma_wait3A_2351, %dma_wait3A_2352, %dma_wait3A_2353, %dma_wait3A_2354] : memref<16x4x8x128xf32, #tpu.memory_space<vmem>> -> memref<1x4x8x128xf32, #tpu.memory_space<vmem>>
        %dma_wait3A_2356 = tpu.memref_squeeze %dma_wait3A_2355 : memref<1x4x8x128xf32, #tpu.memory_space<vmem>> -> memref<4x8x128xf32, #tpu.memory_space<vmem>>
        %dma_wait3A_2357 = arith.constant 0 : i32
        %dma_wait3A_2358 = arith.constant 0 : i32
        %dma_wait3A_2359 = arith.constant 0 : i32
        %dma_wait3A_2360 = tpu.memref_slice %arg2[%dma_wait3A_2357, %dma_wait3A_2358, %dma_wait3A_2359] : memref<8x8x1000000xf32, #tpu.memory_space<hbm>> -> memref<4x8x128xf32, #tpu.memory_space<hbm>>
        %dma_wait3A_2361 = arith.constant 0 : i32
        %dma_wait3A_2362 = arith.constant 0 : i32
        %dma_wait3A_2363 = arith.constant 0 : i32
        %dma_wait3A_2364 = tpu.memref_slice %arg9[%dma_wait3A_2351, %dma_wait3A_2361, %dma_wait3A_2362, %dma_wait3A_2363] : memref<16x4x8x128xf32, #tpu.memory_space<vmem>> -> memref<1x4x8x128xf32, #tpu.memory_space<vmem>>
        %dma_wait3A_2365 = tpu.memref_squeeze %dma_wait3A_2364 : memref<1x4x8x128xf32, #tpu.memory_space<vmem>> -> memref<4x8x128xf32, #tpu.memory_space<vmem>>
        %dma_wait3A_2366 = arith.constant 0 : i32
        %dma_wait3A_2367 = arith.constant 0 : i32
        %dma_wait3A_2368 = arith.constant 0 : i32
        %dma_wait3A_2369 = tpu.memref_slice %arg2[%dma_wait3A_2366, %dma_wait3A_2367, %dma_wait3A_2368] : memref<8x8x1000000xf32, #tpu.memory_space<hbm>> -> memref<4x8x128xf32, #tpu.memory_space<hbm>>
        tpu.wait_dma2 semaphore(%arg11 : memref<!tpu.dma_semaphore, #tpu.memory_space<semaphore_mem>>) src(%dma_wait3A_2369 : memref<4x8x128xf32, #tpu.memory_space<hbm>>) dst(%dma_wait3A_2365 : memref<4x8x128xf32, #tpu.memory_space<vmem>>)
      } else {
      }
      %slice3A_432 = vector.extract_strided_slice %select_n3A {offsets = [9], sizes = [1], strides = [1]} : vector<16xi32> to vector<1xi32>
      %squeeze3A_433 = vector.extract %slice3A_432[0] : i32 from vector<1xi32>
      %gt3A_434 = arith.constant 0 : i32
      %gt3A_435 = arith.cmpi sgt, %squeeze3A_433, %gt3A_434 : i32
      %convert_element_type3A_436 = arith.extui %gt3A_435 : i1 to i32
      %cond3A_437 = arith.constant 0 : i32
      %cond3A_438 = arith.cmpi ne, %convert_element_type3A_436, %cond3A_437 : i32
      scf.if %cond3A_438 {
        %dma_wait3A_2351 = arith.constant 0 : i32
        %dma_wait3A_2352 = arith.constant 0 : i32
        %dma_wait3A_2353 = arith.constant 0 : i32
        %dma_wait3A_2354 = arith.constant 0 : i32
        %dma_wait3A_2355 = tpu.memref_slice %arg9[%dma_wait3A_2351, %dma_wait3A_2352, %dma_wait3A_2353, %dma_wait3A_2354] : memref<16x4x8x128xf32, #tpu.memory_space<vmem>> -> memref<1x4x8x128xf32, #tpu.memory_space<vmem>>
        %dma_wait3A_2356 = tpu.memref_squeeze %dma_wait3A_2355 : memref<1x4x8x128xf32, #tpu.memory_space<vmem>> -> memref<4x8x128xf32, #tpu.memory_space<vmem>>
        %dma_wait3A_2357 = arith.constant 0 : i32
        %dma_wait3A_2358 = arith.constant 0 : i32
        %dma_wait3A_2359 = arith.constant 0 : i32
        %dma_wait3A_2360 = tpu.memref_slice %arg2[%dma_wait3A_2357, %dma_wait3A_2358, %dma_wait3A_2359] : memref<8x8x1000000xf32, #tpu.memory_space<hbm>> -> memref<4x8x128xf32, #tpu.memory_space<hbm>>
        %dma_wait3A_2361 = arith.constant 0 : i32
        %dma_wait3A_2362 = arith.constant 0 : i32
        %dma_wait3A_2363 = arith.constant 0 : i32
        %dma_wait3A_2364 = tpu.memref_slice %arg9[%dma_wait3A_2351, %dma_wait3A_2361, %dma_wait3A_2362, %dma_wait3A_2363] : memref<16x4x8x128xf32, #tpu.memory_space<vmem>> -> memref<1x4x8x128xf32, #tpu.memory_space<vmem>>
        %dma_wait3A_2365 = tpu.memref_squeeze %dma_wait3A_2364 : memref<1x4x8x128xf32, #tpu.memory_space<vmem>> -> memref<4x8x128xf32, #tpu.memory_space<vmem>>
        %dma_wait3A_2366 = arith.constant 0 : i32
        %dma_wait3A_2367 = arith.constant 0 : i32
        %dma_wait3A_2368 = arith.constant 0 : i32
        %dma_wait3A_2369 = tpu.memref_slice %arg2[%dma_wait3A_2366, %dma_wait3A_2367, %dma_wait3A_2368] : memref<8x8x1000000xf32, #tpu.memory_space<hbm>> -> memref<4x8x128xf32, #tpu.memory_space<hbm>>
        tpu.wait_dma2 semaphore(%arg11 : memref<!tpu.dma_semaphore, #tpu.memory_space<semaphore_mem>>) src(%dma_wait3A_2369 : memref<4x8x128xf32, #tpu.memory_space<hbm>>) dst(%dma_wait3A_2365 : memref<4x8x128xf32, #tpu.memory_space<vmem>>)
      } else {
      }
      %slice3A_439 = vector.extract_strided_slice %select_n3A {offsets = [10], sizes = [1], strides = [1]} : vector<16xi32> to vector<1xi32>
      %squeeze3A_440 = vector.extract %slice3A_439[0] : i32 from vector<1xi32>
      %gt3A_441 = arith.constant 0 : i32
      %gt3A_442 = arith.cmpi sgt, %squeeze3A_440, %gt3A_441 : i32
      %convert_element_type3A_443 = arith.extui %gt3A_442 : i1 to i32
      %cond3A_444 = arith.constant 0 : i32
      %cond3A_445 = arith.cmpi ne, %convert_element_type3A_443, %cond3A_444 : i32
      scf.if %cond3A_445 {
        %dma_wait3A_2351 = arith.constant 0 : i32
        %dma_wait3A_2352 = arith.constant 0 : i32
        %dma_wait3A_2353 = arith.constant 0 : i32
        %dma_wait3A_2354 = arith.constant 0 : i32
        %dma_wait3A_2355 = tpu.memref_slice %arg9[%dma_wait3A_2351, %dma_wait3A_2352, %dma_wait3A_2353, %dma_wait3A_2354] : memref<16x4x8x128xf32, #tpu.memory_space<vmem>> -> memref<1x4x8x128xf32, #tpu.memory_space<vmem>>
        %dma_wait3A_2356 = tpu.memref_squeeze %dma_wait3A_2355 : memref<1x4x8x128xf32, #tpu.memory_space<vmem>> -> memref<4x8x128xf32, #tpu.memory_space<vmem>>
        %dma_wait3A_2357 = arith.constant 0 : i32
        %dma_wait3A_2358 = arith.constant 0 : i32
        %dma_wait3A_2359 = arith.constant 0 : i32
        %dma_wait3A_2360 = tpu.memref_slice %arg2[%dma_wait3A_2357, %dma_wait3A_2358, %dma_wait3A_2359] : memref<8x8x1000000xf32, #tpu.memory_space<hbm>> -> memref<4x8x128xf32, #tpu.memory_space<hbm>>
        %dma_wait3A_2361 = arith.constant 0 : i32
        %dma_wait3A_2362 = arith.constant 0 : i32
        %dma_wait3A_2363 = arith.constant 0 : i32
        %dma_wait3A_2364 = tpu.memref_slice %arg9[%dma_wait3A_2351, %dma_wait3A_2361, %dma_wait3A_2362, %dma_wait3A_2363] : memref<16x4x8x128xf32, #tpu.memory_space<vmem>> -> memref<1x4x8x128xf32, #tpu.memory_space<vmem>>
        %dma_wait3A_2365 = tpu.memref_squeeze %dma_wait3A_2364 : memref<1x4x8x128xf32, #tpu.memory_space<vmem>> -> memref<4x8x128xf32, #tpu.memory_space<vmem>>
        %dma_wait3A_2366 = arith.constant 0 : i32
        %dma_wait3A_2367 = arith.constant 0 : i32
        %dma_wait3A_2368 = arith.constant 0 : i32
        %dma_wait3A_2369 = tpu.memref_slice %arg2[%dma_wait3A_2366, %dma_wait3A_2367, %dma_wait3A_2368] : memref<8x8x1000000xf32, #tpu.memory_space<hbm>> -> memref<4x8x128xf32, #tpu.memory_space<hbm>>
        tpu.wait_dma2 semaphore(%arg11 : memref<!tpu.dma_semaphore, #tpu.memory_space<semaphore_mem>>) src(%dma_wait3A_2369 : memref<4x8x128xf32, #tpu.memory_space<hbm>>) dst(%dma_wait3A_2365 : memref<4x8x128xf32, #tpu.memory_space<vmem>>)
      } else {
      }
      %slice3A_446 = vector.extract_strided_slice %select_n3A {offsets = [11], sizes = [1], strides = [1]} : vector<16xi32> to vector<1xi32>
      %squeeze3A_447 = vector.extract %slice3A_446[0] : i32 from vector<1xi32>
      %gt3A_448 = arith.constant 0 : i32
      %gt3A_449 = arith.cmpi sgt, %squeeze3A_447, %gt3A_448 : i32
      %convert_element_type3A_450 = arith.extui %gt3A_449 : i1 to i32
      %cond3A_451 = arith.constant 0 : i32
      %cond3A_452 = arith.cmpi ne, %convert_element_type3A_450, %cond3A_451 : i32
      scf.if %cond3A_452 {
        %dma_wait3A_2351 = arith.constant 0 : i32
        %dma_wait3A_2352 = arith.constant 0 : i32
        %dma_wait3A_2353 = arith.constant 0 : i32
        %dma_wait3A_2354 = arith.constant 0 : i32
        %dma_wait3A_2355 = tpu.memref_slice %arg9[%dma_wait3A_2351, %dma_wait3A_2352, %dma_wait3A_2353, %dma_wait3A_2354] : memref<16x4x8x128xf32, #tpu.memory_space<vmem>> -> memref<1x4x8x128xf32, #tpu.memory_space<vmem>>
        %dma_wait3A_2356 = tpu.memref_squeeze %dma_wait3A_2355 : memref<1x4x8x128xf32, #tpu.memory_space<vmem>> -> memref<4x8x128xf32, #tpu.memory_space<vmem>>
        %dma_wait3A_2357 = arith.constant 0 : i32
        %dma_wait3A_2358 = arith.constant 0 : i32
        %dma_wait3A_2359 = arith.constant 0 : i32
        %dma_wait3A_2360 = tpu.memref_slice %arg2[%dma_wait3A_2357, %dma_wait3A_2358, %dma_wait3A_2359] : memref<8x8x1000000xf32, #tpu.memory_space<hbm>> -> memref<4x8x128xf32, #tpu.memory_space<hbm>>
        %dma_wait3A_2361 = arith.constant 0 : i32
        %dma_wait3A_2362 = arith.constant 0 : i32
        %dma_wait3A_2363 = arith.constant 0 : i32
        %dma_wait3A_2364 = tpu.memref_slice %arg9[%dma_wait3A_2351, %dma_wait3A_2361, %dma_wait3A_2362, %dma_wait3A_2363] : memref<16x4x8x128xf32, #tpu.memory_space<vmem>> -> memref<1x4x8x128xf32, #tpu.memory_space<vmem>>
        %dma_wait3A_2365 = tpu.memref_squeeze %dma_wait3A_2364 : memref<1x4x8x128xf32, #tpu.memory_space<vmem>> -> memref<4x8x128xf32, #tpu.memory_space<vmem>>
        %dma_wait3A_2366 = arith.constant 0 : i32
        %dma_wait3A_2367 = arith.constant 0 : i32
        %dma_wait3A_2368 = arith.constant 0 : i32
        %dma_wait3A_2369 = tpu.memref_slice %arg2[%dma_wait3A_2366, %dma_wait3A_2367, %dma_wait3A_2368] : memref<8x8x1000000xf32, #tpu.memory_space<hbm>> -> memref<4x8x128xf32, #tpu.memory_space<hbm>>
        tpu.wait_dma2 semaphore(%arg11 : memref<!tpu.dma_semaphore, #tpu.memory_space<semaphore_mem>>) src(%dma_wait3A_2369 : memref<4x8x128xf32, #tpu.memory_space<hbm>>) dst(%dma_wait3A_2365 : memref<4x8x128xf32, #tpu.memory_space<vmem>>)
      } else {
      }
      %slice3A_453 = vector.extract_strided_slice %select_n3A {offsets = [12], sizes = [1], strides = [1]} : vector<16xi32> to vector<1xi32>
      %squeeze3A_454 = vector.extract %slice3A_453[0] : i32 from vector<1xi32>
      %gt3A_455 = arith.constant 0 : i32
      %gt3A_456 = arith.cmpi sgt, %squeeze3A_454, %gt3A_455 : i32
      %convert_element_type3A_457 = arith.extui %gt3A_456 : i1 to i32
      %cond3A_458 = arith.constant 0 : i32
      %cond3A_459 = arith.cmpi ne, %convert_element_type3A_457, %cond3A_458 : i32
      scf.if %cond3A_459 {
        %dma_wait3A_2351 = arith.constant 0 : i32
        %dma_wait3A_2352 = arith.constant 0 : i32
        %dma_wait3A_2353 = arith.constant 0 : i32
        %dma_wait3A_2354 = arith.constant 0 : i32
        %dma_wait3A_2355 = tpu.memref_slice %arg9[%dma_wait3A_2351, %dma_wait3A_2352, %dma_wait3A_2353, %dma_wait3A_2354] : memref<16x4x8x128xf32, #tpu.memory_space<vmem>> -> memref<1x4x8x128xf32, #tpu.memory_space<vmem>>
        %dma_wait3A_2356 = tpu.memref_squeeze %dma_wait3A_2355 : memref<1x4x8x128xf32, #tpu.memory_space<vmem>> -> memref<4x8x128xf32, #tpu.memory_space<vmem>>
        %dma_wait3A_2357 = arith.constant 0 : i32
        %dma_wait3A_2358 = arith.constant 0 : i32
        %dma_wait3A_2359 = arith.constant 0 : i32
        %dma_wait3A_2360 = tpu.memref_slice %arg2[%dma_wait3A_2357, %dma_wait3A_2358, %dma_wait3A_2359] : memref<8x8x1000000xf32, #tpu.memory_space<hbm>> -> memref<4x8x128xf32, #tpu.memory_space<hbm>>
        %dma_wait3A_2361 = arith.constant 0 : i32
        %dma_wait3A_2362 = arith.constant 0 : i32
        %dma_wait3A_2363 = arith.constant 0 : i32
        %dma_wait3A_2364 = tpu.memref_slice %arg9[%dma_wait3A_2351, %dma_wait3A_2361, %dma_wait3A_2362, %dma_wait3A_2363] : memref<16x4x8x128xf32, #tpu.memory_space<vmem>> -> memref<1x4x8x128xf32, #tpu.memory_space<vmem>>
        %dma_wait3A_2365 = tpu.memref_squeeze %dma_wait3A_2364 : memref<1x4x8x128xf32, #tpu.memory_space<vmem>> -> memref<4x8x128xf32, #tpu.memory_space<vmem>>
        %dma_wait3A_2366 = arith.constant 0 : i32
        %dma_wait3A_2367 = arith.constant 0 : i32
        %dma_wait3A_2368 = arith.constant 0 : i32
        %dma_wait3A_2369 = tpu.memref_slice %arg2[%dma_wait3A_2366, %dma_wait3A_2367, %dma_wait3A_2368] : memref<8x8x1000000xf32, #tpu.memory_space<hbm>> -> memref<4x8x128xf32, #tpu.memory_space<hbm>>
        tpu.wait_dma2 semaphore(%arg11 : memref<!tpu.dma_semaphore, #tpu.memory_space<semaphore_mem>>) src(%dma_wait3A_2369 : memref<4x8x128xf32, #tpu.memory_space<hbm>>) dst(%dma_wait3A_2365 : memref<4x8x128xf32, #tpu.memory_space<vmem>>)
      } else {
      }
      %slice3A_460 = vector.extract_strided_slice %select_n3A {offsets = [13], sizes = [1], strides = [1]} : vector<16xi32> to vector<1xi32>
      %squeeze3A_461 = vector.extract %slice3A_460[0] : i32 from vector<1xi32>
      %gt3A_462 = arith.constant 0 : i32
      %gt3A_463 = arith.cmpi sgt, %squeeze3A_461, %gt3A_462 : i32
      %convert_element_type3A_464 = arith.extui %gt3A_463 : i1 to i32
      %cond3A_465 = arith.constant 0 : i32
      %cond3A_466 = arith.cmpi ne, %convert_element_type3A_464, %cond3A_465 : i32
      scf.if %cond3A_466 {
        %dma_wait3A_2351 = arith.constant 0 : i32
        %dma_wait3A_2352 = arith.constant 0 : i32
        %dma_wait3A_2353 = arith.constant 0 : i32
        %dma_wait3A_2354 = arith.constant 0 : i32
        %dma_wait3A_2355 = tpu.memref_slice %arg9[%dma_wait3A_2351, %dma_wait3A_2352, %dma_wait3A_2353, %dma_wait3A_2354] : memref<16x4x8x128xf32, #tpu.memory_space<vmem>> -> memref<1x4x8x128xf32, #tpu.memory_space<vmem>>
        %dma_wait3A_2356 = tpu.memref_squeeze %dma_wait3A_2355 : memref<1x4x8x128xf32, #tpu.memory_space<vmem>> -> memref<4x8x128xf32, #tpu.memory_space<vmem>>
        %dma_wait3A_2357 = arith.constant 0 : i32
        %dma_wait3A_2358 = arith.constant 0 : i32
        %dma_wait3A_2359 = arith.constant 0 : i32
        %dma_wait3A_2360 = tpu.memref_slice %arg2[%dma_wait3A_2357, %dma_wait3A_2358, %dma_wait3A_2359] : memref<8x8x1000000xf32, #tpu.memory_space<hbm>> -> memref<4x8x128xf32, #tpu.memory_space<hbm>>
        %dma_wait3A_2361 = arith.constant 0 : i32
        %dma_wait3A_2362 = arith.constant 0 : i32
        %dma_wait3A_2363 = arith.constant 0 : i32
        %dma_wait3A_2364 = tpu.memref_slice %arg9[%dma_wait3A_2351, %dma_wait3A_2361, %dma_wait3A_2362, %dma_wait3A_2363] : memref<16x4x8x128xf32, #tpu.memory_space<vmem>> -> memref<1x4x8x128xf32, #tpu.memory_space<vmem>>
        %dma_wait3A_2365 = tpu.memref_squeeze %dma_wait3A_2364 : memref<1x4x8x128xf32, #tpu.memory_space<vmem>> -> memref<4x8x128xf32, #tpu.memory_space<vmem>>
        %dma_wait3A_2366 = arith.constant 0 : i32
        %dma_wait3A_2367 = arith.constant 0 : i32
        %dma_wait3A_2368 = arith.constant 0 : i32
        %dma_wait3A_2369 = tpu.memref_slice %arg2[%dma_wait3A_2366, %dma_wait3A_2367, %dma_wait3A_2368] : memref<8x8x1000000xf32, #tpu.memory_space<hbm>> -> memref<4x8x128xf32, #tpu.memory_space<hbm>>
        tpu.wait_dma2 semaphore(%arg11 : memref<!tpu.dma_semaphore, #tpu.memory_space<semaphore_mem>>) src(%dma_wait3A_2369 : memref<4x8x128xf32, #tpu.memory_space<hbm>>) dst(%dma_wait3A_2365 : memref<4x8x128xf32, #tpu.memory_space<vmem>>)
      } else {
      }
      %slice3A_467 = vector.extract_strided_slice %select_n3A {offsets = [14], sizes = [1], strides = [1]} : vector<16xi32> to vector<1xi32>
      %squeeze3A_468 = vector.extract %slice3A_467[0] : i32 from vector<1xi32>
      %gt3A_469 = arith.constant 0 : i32
      %gt3A_470 = arith.cmpi sgt, %squeeze3A_468, %gt3A_469 : i32
      %convert_element_type3A_471 = arith.extui %gt3A_470 : i1 to i32
      %cond3A_472 = arith.constant 0 : i32
      %cond3A_473 = arith.cmpi ne, %convert_element_type3A_471, %cond3A_472 : i32
      scf.if %cond3A_473 {
        %dma_wait3A_2351 = arith.constant 0 : i32
        %dma_wait3A_2352 = arith.constant 0 : i32
        %dma_wait3A_2353 = arith.constant 0 : i32
        %dma_wait3A_2354 = arith.constant 0 : i32
        %dma_wait3A_2355 = tpu.memref_slice %arg9[%dma_wait3A_2351, %dma_wait3A_2352, %dma_wait3A_2353, %dma_wait3A_2354] : memref<16x4x8x128xf32, #tpu.memory_space<vmem>> -> memref<1x4x8x128xf32, #tpu.memory_space<vmem>>
        %dma_wait3A_2356 = tpu.memref_squeeze %dma_wait3A_2355 : memref<1x4x8x128xf32, #tpu.memory_space<vmem>> -> memref<4x8x128xf32, #tpu.memory_space<vmem>>
        %dma_wait3A_2357 = arith.constant 0 : i32
        %dma_wait3A_2358 = arith.constant 0 : i32
        %dma_wait3A_2359 = arith.constant 0 : i32
        %dma_wait3A_2360 = tpu.memref_slice %arg2[%dma_wait3A_2357, %dma_wait3A_2358, %dma_wait3A_2359] : memref<8x8x1000000xf32, #tpu.memory_space<hbm>> -> memref<4x8x128xf32, #tpu.memory_space<hbm>>
        %dma_wait3A_2361 = arith.constant 0 : i32
        %dma_wait3A_2362 = arith.constant 0 : i32
        %dma_wait3A_2363 = arith.constant 0 : i32
        %dma_wait3A_2364 = tpu.memref_slice %arg9[%dma_wait3A_2351, %dma_wait3A_2361, %dma_wait3A_2362, %dma_wait3A_2363] : memref<16x4x8x128xf32, #tpu.memory_space<vmem>> -> memref<1x4x8x128xf32, #tpu.memory_space<vmem>>
        %dma_wait3A_2365 = tpu.memref_squeeze %dma_wait3A_2364 : memref<1x4x8x128xf32, #tpu.memory_space<vmem>> -> memref<4x8x128xf32, #tpu.memory_space<vmem>>
        %dma_wait3A_2366 = arith.constant 0 : i32
        %dma_wait3A_2367 = arith.constant 0 : i32
        %dma_wait3A_2368 = arith.constant 0 : i32
        %dma_wait3A_2369 = tpu.memref_slice %arg2[%dma_wait3A_2366, %dma_wait3A_2367, %dma_wait3A_2368] : memref<8x8x1000000xf32, #tpu.memory_space<hbm>> -> memref<4x8x128xf32, #tpu.memory_space<hbm>>
        tpu.wait_dma2 semaphore(%arg11 : memref<!tpu.dma_semaphore, #tpu.memory_space<semaphore_mem>>) src(%dma_wait3A_2369 : memref<4x8x128xf32, #tpu.memory_space<hbm>>) dst(%dma_wait3A_2365 : memref<4x8x128xf32, #tpu.memory_space<vmem>>)
      } else {
      }
      %slice3A_474 = vector.extract_strided_slice %select_n3A {offsets = [15], sizes = [1], strides = [1]} : vector<16xi32> to vector<1xi32>
      %squeeze3A_475 = vector.extract %slice3A_474[0] : i32 from vector<1xi32>
      %gt3A_476 = arith.constant 0 : i32
      %gt3A_477 = arith.cmpi sgt, %squeeze3A_475, %gt3A_476 : i32
      %convert_element_type3A_478 = arith.extui %gt3A_477 : i1 to i32
      %cond3A_479 = arith.constant 0 : i32
      %cond3A_480 = arith.cmpi ne, %convert_element_type3A_478, %cond3A_479 : i32
      scf.if %cond3A_480 {
        %dma_wait3A_2351 = arith.constant 0 : i32
        %dma_wait3A_2352 = arith.constant 0 : i32
        %dma_wait3A_2353 = arith.constant 0 : i32
        %dma_wait3A_2354 = arith.constant 0 : i32
        %dma_wait3A_2355 = tpu.memref_slice %arg9[%dma_wait3A_2351, %dma_wait3A_2352, %dma_wait3A_2353, %dma_wait3A_2354] : memref<16x4x8x128xf32, #tpu.memory_space<vmem>> -> memref<1x4x8x128xf32, #tpu.memory_space<vmem>>
        %dma_wait3A_2356 = tpu.memref_squeeze %dma_wait3A_2355 : memref<1x4x8x128xf32, #tpu.memory_space<vmem>> -> memref<4x8x128xf32, #tpu.memory_space<vmem>>
        %dma_wait3A_2357 = arith.constant 0 : i32
        %dma_wait3A_2358 = arith.constant 0 : i32
        %dma_wait3A_2359 = arith.constant 0 : i32
        %dma_wait3A_2360 = tpu.memref_slice %arg2[%dma_wait3A_2357, %dma_wait3A_2358, %dma_wait3A_2359] : memref<8x8x1000000xf32, #tpu.memory_space<hbm>> -> memref<4x8x128xf32, #tpu.memory_space<hbm>>
        %dma_wait3A_2361 = arith.constant 0 : i32
        %dma_wait3A_2362 = arith.constant 0 : i32
        %dma_wait3A_2363 = arith.constant 0 : i32
        %dma_wait3A_2364 = tpu.memref_slice %arg9[%dma_wait3A_2351, %dma_wait3A_2361, %dma_wait3A_2362, %dma_wait3A_2363] : memref<16x4x8x128xf32, #tpu.memory_space<vmem>> -> memref<1x4x8x128xf32, #tpu.memory_space<vmem>>
        %dma_wait3A_2365 = tpu.memref_squeeze %dma_wait3A_2364 : memref<1x4x8x128xf32, #tpu.memory_space<vmem>> -> memref<4x8x128xf32, #tpu.memory_space<vmem>>
        %dma_wait3A_2366 = arith.constant 0 : i32
        %dma_wait3A_2367 = arith.constant 0 : i32
        %dma_wait3A_2368 = arith.constant 0 : i32
        %dma_wait3A_2369 = tpu.memref_slice %arg2[%dma_wait3A_2366, %dma_wait3A_2367, %dma_wait3A_2368] : memref<8x8x1000000xf32, #tpu.memory_space<hbm>> -> memref<4x8x128xf32, #tpu.memory_space<hbm>>
        tpu.wait_dma2 semaphore(%arg11 : memref<!tpu.dma_semaphore, #tpu.memory_space<semaphore_mem>>) src(%dma_wait3A_2369 : memref<4x8x128xf32, #tpu.memory_space<hbm>>) dst(%dma_wait3A_2365 : memref<4x8x128xf32, #tpu.memory_space<vmem>>)
      } else {
      }
      %slice3A_481 = vector.extract_strided_slice %sub3A_256 {offsets = [0], sizes = [1], strides = [1]} : vector<16xi32> to vector<1xi32>
      %squeeze3A_482 = vector.extract %slice3A_481[0] : i32 from vector<1xi32>
      %add3A_483 = vector.broadcast %squeeze3A_482 : i32 to vector<16xi32>
      %add3A_484 = arith.addi %broadcast_in_dim3A_7, %add3A_483 : vector<16xi32>
      %shift_right_arithmetic3A = arith.constant 3 : i32
      %shift_right_arithmetic3A_485 = vector.broadcast %shift_right_arithmetic3A : i32 to vector<16xi32>
      %shift_right_arithmetic3A_486 = arith.shrsi %iota3A, %shift_right_arithmetic3A_485 : vector<16xi32>
      %add3A_487 = arith.constant 0 : i32
      %add3A_488 = vector.broadcast %add3A_487 : i32 to vector<16xi32>
      %add3A_489 = arith.addi %add3A_488, %shift_right_arithmetic3A_486 : vector<16xi32>
      %and3A_490 = arith.constant 7 : i32
      %and3A_491 = vector.broadcast %and3A_490 : i32 to vector<16xi32>
      %and3A_492 = arith.andi %iota3A, %and3A_491 : vector<16xi32>
      %slice3A_493 = vector.extract_strided_slice %and3A_243 {offsets = [0], sizes = [1], strides = [1]} : vector<16xi32> to vector<1xi32>
      %squeeze3A_494 = vector.extract %slice3A_493[0] : i32 from vector<1xi32>
      %add3A_495 = vector.broadcast %squeeze3A_494 : i32 to vector<16xi32>
      %add3A_496 = arith.addi %broadcast_in_dim3A_7, %add3A_495 : vector<16xi32>
      %gather3A_497 = tpu.vector_load_idx %arg9[%add3A_484, %add3A_489, %and3A_492, %add3A_496] : memref<16x4x8x128xf32, #tpu.memory_space<vmem>>[vector<16xi32>, vector<16xi32>, vector<16xi32>, vector<16xi32>], vector<16xf32>,
      %swap3A_498 = arith.constant 0 : i32
      %swap3A_499 = arith.index_cast %swap3A_498 : i32 to index
      %swap3A_500 = arith.constant 0 : index
      %swap3A_501 = tpu.vector_load %arg10[%swap3A_499, %swap3A_500] {strides = array<i32>} : memref<16x64xf32, #tpu.memory_space<vmem>>, vector<16xf32>,
      tpu.vector_store %arg10[%swap3A_499, %swap3A_500], %gather3A_497 {strides = array<i32>} : memref<16x64xf32, #tpu.memory_space<vmem>>, vector<16xf32>,
      %slice3A_502 = vector.extract_strided_slice %sub3A_256 {offsets = [1], sizes = [1], strides = [1]} : vector<16xi32> to vector<1xi32>
      %squeeze3A_503 = vector.extract %slice3A_502[0] : i32 from vector<1xi32>
      %add3A_504 = vector.broadcast %squeeze3A_503 : i32 to vector<16xi32>
      %add3A_505 = arith.addi %broadcast_in_dim3A_7, %add3A_504 : vector<16xi32>
      %shift_right_arithmetic3A_506 = arith.constant 3 : i32
      %shift_right_arithmetic3A_507 = vector.broadcast %shift_right_arithmetic3A_506 : i32 to vector<16xi32>
      %shift_right_arithmetic3A_508 = arith.shrsi %iota3A, %shift_right_arithmetic3A_507 : vector<16xi32>
      %add3A_509 = arith.constant 0 : i32
      %add3A_510 = vector.broadcast %add3A_509 : i32 to vector<16xi32>
      %add3A_511 = arith.addi %add3A_510, %shift_right_arithmetic3A_508 : vector<16xi32>
      %and3A_512 = arith.constant 7 : i32
      %and3A_513 = vector.broadcast %and3A_512 : i32 to vector<16xi32>
      %and3A_514 = arith.andi %iota3A, %and3A_513 : vector<16xi32>
      %slice3A_515 = vector.extract_strided_slice %and3A_243 {offsets = [1], sizes = [1], strides = [1]} : vector<16xi32> to vector<1xi32>
      %squeeze3A_516 = vector.extract %slice3A_515[0] : i32 from vector<1xi32>
      %add3A_517 = vector.broadcast %squeeze3A_516 : i32 to vector<16xi32>
      %add3A_518 = arith.addi %broadcast_in_dim3A_7, %add3A_517 : vector<16xi32>
      %gather3A_519 = tpu.vector_load_idx %arg9[%add3A_505, %add3A_511, %and3A_514, %add3A_518] : memref<16x4x8x128xf32, #tpu.memory_space<vmem>>[vector<16xi32>, vector<16xi32>, vector<16xi32>, vector<16xi32>], vector<16xf32>,
      %swap3A_520 = arith.constant 1 : i32
      %swap3A_521 = arith.index_cast %swap3A_520 : i32 to index
      %swap3A_522 = arith.constant 0 : index
      %swap3A_523 = tpu.vector_load %arg10[%swap3A_521, %swap3A_522] {strides = array<i32>} : memref<16x64xf32, #tpu.memory_space<vmem>>, vector<16xf32>,
      tpu.vector_store %arg10[%swap3A_521, %swap3A_522], %gather3A_519 {strides = array<i32>} : memref<16x64xf32, #tpu.memory_space<vmem>>, vector<16xf32>,
      %slice3A_524 = vector.extract_strided_slice %sub3A_256 {offsets = [2], sizes = [1], strides = [1]} : vector<16xi32> to vector<1xi32>
      %squeeze3A_525 = vector.extract %slice3A_524[0] : i32 from vector<1xi32>
      %add3A_526 = vector.broadcast %squeeze3A_525 : i32 to vector<16xi32>
      %add3A_527 = arith.addi %broadcast_in_dim3A_7, %add3A_526 : vector<16xi32>
      %shift_right_arithmetic3A_528 = arith.constant 3 : i32
      %shift_right_arithmetic3A_529 = vector.broadcast %shift_right_arithmetic3A_528 : i32 to vector<16xi32>
      %shift_right_arithmetic3A_530 = arith.shrsi %iota3A, %shift_right_arithmetic3A_529 : vector<16xi32>
      %add3A_531 = arith.constant 0 : i32
      %add3A_532 = vector.broadcast %add3A_531 : i32 to vector<16xi32>
      %add3A_533 = arith.addi %add3A_532, %shift_right_arithmetic3A_530 : vector<16xi32>
      %and3A_534 = arith.constant 7 : i32
      %and3A_535 = vector.broadcast %and3A_534 : i32 to vector<16xi32>
      %and3A_536 = arith.andi %iota3A, %and3A_535 : vector<16xi32>
      %slice3A_537 = vector.extract_strided_slice %and3A_243 {offsets = [2], sizes = [1], strides = [1]} : vector<16xi32> to vector<1xi32>
      %squeeze3A_538 = vector.extract %slice3A_537[0] : i32 from vector<1xi32>
      %add3A_539 = vector.broadcast %squeeze3A_538 : i32 to vector<16xi32>
      %add3A_540 = arith.addi %broadcast_in_dim3A_7, %add3A_539 : vector<16xi32>
      %gather3A_541 = tpu.vector_load_idx %arg9[%add3A_527, %add3A_533, %and3A_536, %add3A_540] : memref<16x4x8x128xf32, #tpu.memory_space<vmem>>[vector<16xi32>, vector<16xi32>, vector<16xi32>, vector<16xi32>], vector<16xf32>,
      %swap3A_542 = arith.constant 2 : i32
      %swap3A_543 = arith.index_cast %swap3A_542 : i32 to index
      %swap3A_544 = arith.constant 0 : index
      %swap3A_545 = tpu.vector_load %arg10[%swap3A_543, %swap3A_544] {strides = array<i32>} : memref<16x64xf32, #tpu.memory_space<vmem>>, vector<16xf32>,
      tpu.vector_store %arg10[%swap3A_543, %swap3A_544], %gather3A_541 {strides = array<i32>} : memref<16x64xf32, #tpu.memory_space<vmem>>, vector<16xf32>,
      %slice3A_546 = vector.extract_strided_slice %sub3A_256 {offsets = [3], sizes = [1], strides = [1]} : vector<16xi32> to vector<1xi32>
      %squeeze3A_547 = vector.extract %slice3A_546[0] : i32 from vector<1xi32>
      %add3A_548 = vector.broadcast %squeeze3A_547 : i32 to vector<16xi32>
      %add3A_549 = arith.addi %broadcast_in_dim3A_7, %add3A_548 : vector<16xi32>
      %shift_right_arithmetic3A_550 = arith.constant 3 : i32
      %shift_right_arithmetic3A_551 = vector.broadcast %shift_right_arithmetic3A_550 : i32 to vector<16xi32>
      %shift_right_arithmetic3A_552 = arith.shrsi %iota3A, %shift_right_arithmetic3A_551 : vector<16xi32>
      %add3A_553 = arith.constant 0 : i32
      %add3A_554 = vector.broadcast %add3A_553 : i32 to vector<16xi32>
      %add3A_555 = arith.addi %add3A_554, %shift_right_arithmetic3A_552 : vector<16xi32>
      %and3A_556 = arith.constant 7 : i32
      %and3A_557 = vector.broadcast %and3A_556 : i32 to vector<16xi32>
      %and3A_558 = arith.andi %iota3A, %and3A_557 : vector<16xi32>
      %slice3A_559 = vector.extract_strided_slice %and3A_243 {offsets = [3], sizes = [1], strides = [1]} : vector<16xi32> to vector<1xi32>
      %squeeze3A_560 = vector.extract %slice3A_559[0] : i32 from vector<1xi32>
      %add3A_561 = vector.broadcast %squeeze3A_560 : i32 to vector<16xi32>
      %add3A_562 = arith.addi %broadcast_in_dim3A_7, %add3A_561 : vector<16xi32>
      %gather3A_563 = tpu.vector_load_idx %arg9[%add3A_549, %add3A_555, %and3A_558, %add3A_562] : memref<16x4x8x128xf32, #tpu.memory_space<vmem>>[vector<16xi32>, vector<16xi32>, vector<16xi32>, vector<16xi32>], vector<16xf32>,
      %swap3A_564 = arith.constant 3 : i32
      %swap3A_565 = arith.index_cast %swap3A_564 : i32 to index
      %swap3A_566 = arith.constant 0 : index
      %swap3A_567 = tpu.vector_load %arg10[%swap3A_565, %swap3A_566] {strides = array<i32>} : memref<16x64xf32, #tpu.memory_space<vmem>>, vector<16xf32>,
      tpu.vector_store %arg10[%swap3A_565, %swap3A_566], %gather3A_563 {strides = array<i32>} : memref<16x64xf32, #tpu.memory_space<vmem>>, vector<16xf32>,
      %slice3A_568 = vector.extract_strided_slice %sub3A_256 {offsets = [4], sizes = [1], strides = [1]} : vector<16xi32> to vector<1xi32>
      %squeeze3A_569 = vector.extract %slice3A_568[0] : i32 from vector<1xi32>
      %add3A_570 = vector.broadcast %squeeze3A_569 : i32 to vector<16xi32>
      %add3A_571 = arith.addi %broadcast_in_dim3A_7, %add3A_570 : vector<16xi32>
      %shift_right_arithmetic3A_572 = arith.constant 3 : i32
      %shift_right_arithmetic3A_573 = vector.broadcast %shift_right_arithmetic3A_572 : i32 to vector<16xi32>
      %shift_right_arithmetic3A_574 = arith.shrsi %iota3A, %shift_right_arithmetic3A_573 : vector<16xi32>
      %add3A_575 = arith.constant 0 : i32
      %add3A_576 = vector.broadcast %add3A_575 : i32 to vector<16xi32>
      %add3A_577 = arith.addi %add3A_576, %shift_right_arithmetic3A_574 : vector<16xi32>
      %and3A_578 = arith.constant 7 : i32
      %and3A_579 = vector.broadcast %and3A_578 : i32 to vector<16xi32>
      %and3A_580 = arith.andi %iota3A, %and3A_579 : vector<16xi32>
      %slice3A_581 = vector.extract_strided_slice %and3A_243 {offsets = [4], sizes = [1], strides = [1]} : vector<16xi32> to vector<1xi32>
      %squeeze3A_582 = vector.extract %slice3A_581[0] : i32 from vector<1xi32>
      %add3A_583 = vector.broadcast %squeeze3A_582 : i32 to vector<16xi32>
      %add3A_584 = arith.addi %broadcast_in_dim3A_7, %add3A_583 : vector<16xi32>
      %gather3A_585 = tpu.vector_load_idx %arg9[%add3A_571, %add3A_577, %and3A_580, %add3A_584] : memref<16x4x8x128xf32, #tpu.memory_space<vmem>>[vector<16xi32>, vector<16xi32>, vector<16xi32>, vector<16xi32>], vector<16xf32>,
      %swap3A_586 = arith.constant 4 : i32
      %swap3A_587 = arith.index_cast %swap3A_586 : i32 to index
      %swap3A_588 = arith.constant 0 : index
      %swap3A_589 = tpu.vector_load %arg10[%swap3A_587, %swap3A_588] {strides = array<i32>} : memref<16x64xf32, #tpu.memory_space<vmem>>, vector<16xf32>,
      tpu.vector_store %arg10[%swap3A_587, %swap3A_588], %gather3A_585 {strides = array<i32>} : memref<16x64xf32, #tpu.memory_space<vmem>>, vector<16xf32>,
      %slice3A_590 = vector.extract_strided_slice %sub3A_256 {offsets = [5], sizes = [1], strides = [1]} : vector<16xi32> to vector<1xi32>
      %squeeze3A_591 = vector.extract %slice3A_590[0] : i32 from vector<1xi32>
      %add3A_592 = vector.broadcast %squeeze3A_591 : i32 to vector<16xi32>
      %add3A_593 = arith.addi %broadcast_in_dim3A_7, %add3A_592 : vector<16xi32>
      %shift_right_arithmetic3A_594 = arith.constant 3 : i32
      %shift_right_arithmetic3A_595 = vector.broadcast %shift_right_arithmetic3A_594 : i32 to vector<16xi32>
      %shift_right_arithmetic3A_596 = arith.shrsi %iota3A, %shift_right_arithmetic3A_595 : vector<16xi32>
      %add3A_597 = arith.constant 0 : i32
      %add3A_598 = vector.broadcast %add3A_597 : i32 to vector<16xi32>
      %add3A_599 = arith.addi %add3A_598, %shift_right_arithmetic3A_596 : vector<16xi32>
      %and3A_600 = arith.constant 7 : i32
      %and3A_601 = vector.broadcast %and3A_600 : i32 to vector<16xi32>
      %and3A_602 = arith.andi %iota3A, %and3A_601 : vector<16xi32>
      %slice3A_603 = vector.extract_strided_slice %and3A_243 {offsets = [5], sizes = [1], strides = [1]} : vector<16xi32> to vector<1xi32>
      %squeeze3A_604 = vector.extract %slice3A_603[0] : i32 from vector<1xi32>
      %add3A_605 = vector.broadcast %squeeze3A_604 : i32 to vector<16xi32>
      %add3A_606 = arith.addi %broadcast_in_dim3A_7, %add3A_605 : vector<16xi32>
      %gather3A_607 = tpu.vector_load_idx %arg9[%add3A_593, %add3A_599, %and3A_602, %add3A_606] : memref<16x4x8x128xf32, #tpu.memory_space<vmem>>[vector<16xi32>, vector<16xi32>, vector<16xi32>, vector<16xi32>], vector<16xf32>,
      %swap3A_608 = arith.constant 5 : i32
      %swap3A_609 = arith.index_cast %swap3A_608 : i32 to index
      %swap3A_610 = arith.constant 0 : index
      %swap3A_611 = tpu.vector_load %arg10[%swap3A_609, %swap3A_610] {strides = array<i32>} : memref<16x64xf32, #tpu.memory_space<vmem>>, vector<16xf32>,
      tpu.vector_store %arg10[%swap3A_609, %swap3A_610], %gather3A_607 {strides = array<i32>} : memref<16x64xf32, #tpu.memory_space<vmem>>, vector<16xf32>,
      %slice3A_612 = vector.extract_strided_slice %sub3A_256 {offsets = [6], sizes = [1], strides = [1]} : vector<16xi32> to vector<1xi32>
      %squeeze3A_613 = vector.extract %slice3A_612[0] : i32 from vector<1xi32>
      %add3A_614 = vector.broadcast %squeeze3A_613 : i32 to vector<16xi32>
      %add3A_615 = arith.addi %broadcast_in_dim3A_7, %add3A_614 : vector<16xi32>
      %shift_right_arithmetic3A_616 = arith.constant 3 : i32
      %shift_right_arithmetic3A_617 = vector.broadcast %shift_right_arithmetic3A_616 : i32 to vector<16xi32>
      %shift_right_arithmetic3A_618 = arith.shrsi %iota3A, %shift_right_arithmetic3A_617 : vector<16xi32>
      %add3A_619 = arith.constant 0 : i32
      %add3A_620 = vector.broadcast %add3A_619 : i32 to vector<16xi32>
      %add3A_621 = arith.addi %add3A_620, %shift_right_arithmetic3A_618 : vector<16xi32>
      %and3A_622 = arith.constant 7 : i32
      %and3A_623 = vector.broadcast %and3A_622 : i32 to vector<16xi32>
      %and3A_624 = arith.andi %iota3A, %and3A_623 : vector<16xi32>
      %slice3A_625 = vector.extract_strided_slice %and3A_243 {offsets = [6], sizes = [1], strides = [1]} : vector<16xi32> to vector<1xi32>
      %squeeze3A_626 = vector.extract %slice3A_625[0] : i32 from vector<1xi32>
      %add3A_627 = vector.broadcast %squeeze3A_626 : i32 to vector<16xi32>
      %add3A_628 = arith.addi %broadcast_in_dim3A_7, %add3A_627 : vector<16xi32>
      %gather3A_629 = tpu.vector_load_idx %arg9[%add3A_615, %add3A_621, %and3A_624, %add3A_628] : memref<16x4x8x128xf32, #tpu.memory_space<vmem>>[vector<16xi32>, vector<16xi32>, vector<16xi32>, vector<16xi32>], vector<16xf32>,
      %swap3A_630 = arith.constant 6 : i32
      %swap3A_631 = arith.index_cast %swap3A_630 : i32 to index
      %swap3A_632 = arith.constant 0 : index
      %swap3A_633 = tpu.vector_load %arg10[%swap3A_631, %swap3A_632] {strides = array<i32>} : memref<16x64xf32, #tpu.memory_space<vmem>>, vector<16xf32>,
      tpu.vector_store %arg10[%swap3A_631, %swap3A_632], %gather3A_629 {strides = array<i32>} : memref<16x64xf32, #tpu.memory_space<vmem>>, vector<16xf32>,
      %slice3A_634 = vector.extract_strided_slice %sub3A_256 {offsets = [7], sizes = [1], strides = [1]} : vector<16xi32> to vector<1xi32>
      %squeeze3A_635 = vector.extract %slice3A_634[0] : i32 from vector<1xi32>
      %add3A_636 = vector.broadcast %squeeze3A_635 : i32 to vector<16xi32>
      %add3A_637 = arith.addi %broadcast_in_dim3A_7, %add3A_636 : vector<16xi32>
      %shift_right_arithmetic3A_638 = arith.constant 3 : i32
      %shift_right_arithmetic3A_639 = vector.broadcast %shift_right_arithmetic3A_638 : i32 to vector<16xi32>
      %shift_right_arithmetic3A_640 = arith.shrsi %iota3A, %shift_right_arithmetic3A_639 : vector<16xi32>
      %add3A_641 = arith.constant 0 : i32
      %add3A_642 = vector.broadcast %add3A_641 : i32 to vector<16xi32>
      %add3A_643 = arith.addi %add3A_642, %shift_right_arithmetic3A_640 : vector<16xi32>
      %and3A_644 = arith.constant 7 : i32
      %and3A_645 = vector.broadcast %and3A_644 : i32 to vector<16xi32>
      %and3A_646 = arith.andi %iota3A, %and3A_645 : vector<16xi32>
      %slice3A_647 = vector.extract_strided_slice %and3A_243 {offsets = [7], sizes = [1], strides = [1]} : vector<16xi32> to vector<1xi32>
      %squeeze3A_648 = vector.extract %slice3A_647[0] : i32 from vector<1xi32>
      %add3A_649 = vector.broadcast %squeeze3A_648 : i32 to vector<16xi32>
      %add3A_650 = arith.addi %broadcast_in_dim3A_7, %add3A_649 : vector<16xi32>
      %gather3A_651 = tpu.vector_load_idx %arg9[%add3A_637, %add3A_643, %and3A_646, %add3A_650] : memref<16x4x8x128xf32, #tpu.memory_space<vmem>>[vector<16xi32>, vector<16xi32>, vector<16xi32>, vector<16xi32>], vector<16xf32>,
      %swap3A_652 = arith.constant 7 : i32
      %swap3A_653 = arith.index_cast %swap3A_652 : i32 to index
      %swap3A_654 = arith.constant 0 : index
      %swap3A_655 = tpu.vector_load %arg10[%swap3A_653, %swap3A_654] {strides = array<i32>} : memref<16x64xf32, #tpu.memory_space<vmem>>, vector<16xf32>,
      tpu.vector_store %arg10[%swap3A_653, %swap3A_654], %gather3A_651 {strides = array<i32>} : memref<16x64xf32, #tpu.memory_space<vmem>>, vector<16xf32>,
      %slice3A_656 = vector.extract_strided_slice %sub3A_256 {offsets = [8], sizes = [1], strides = [1]} : vector<16xi32> to vector<1xi32>
      %squeeze3A_657 = vector.extract %slice3A_656[0] : i32 from vector<1xi32>
      %add3A_658 = vector.broadcast %squeeze3A_657 : i32 to vector<16xi32>
      %add3A_659 = arith.addi %broadcast_in_dim3A_7, %add3A_658 : vector<16xi32>
      %shift_right_arithmetic3A_660 = arith.constant 3 : i32
      %shift_right_arithmetic3A_661 = vector.broadcast %shift_right_arithmetic3A_660 : i32 to vector<16xi32>
      %shift_right_arithmetic3A_662 = arith.shrsi %iota3A, %shift_right_arithmetic3A_661 : vector<16xi32>
      %add3A_663 = arith.constant 0 : i32
      %add3A_664 = vector.broadcast %add3A_663 : i32 to vector<16xi32>
      %add3A_665 = arith.addi %add3A_664, %shift_right_arithmetic3A_662 : vector<16xi32>
      %and3A_666 = arith.constant 7 : i32
      %and3A_667 = vector.broadcast %and3A_666 : i32 to vector<16xi32>
      %and3A_668 = arith.andi %iota3A, %and3A_667 : vector<16xi32>
      %slice3A_669 = vector.extract_strided_slice %and3A_243 {offsets = [8], sizes = [1], strides = [1]} : vector<16xi32> to vector<1xi32>
      %squeeze3A_670 = vector.extract %slice3A_669[0] : i32 from vector<1xi32>
      %add3A_671 = vector.broadcast %squeeze3A_670 : i32 to vector<16xi32>
      %add3A_672 = arith.addi %broadcast_in_dim3A_7, %add3A_671 : vector<16xi32>
      %gather3A_673 = tpu.vector_load_idx %arg9[%add3A_659, %add3A_665, %and3A_668, %add3A_672] : memref<16x4x8x128xf32, #tpu.memory_space<vmem>>[vector<16xi32>, vector<16xi32>, vector<16xi32>, vector<16xi32>], vector<16xf32>,
      %swap3A_674 = arith.constant 8 : i32
      %swap3A_675 = arith.index_cast %swap3A_674 : i32 to index
      %swap3A_676 = arith.constant 0 : index
      %swap3A_677 = tpu.vector_load %arg10[%swap3A_675, %swap3A_676] {strides = array<i32>} : memref<16x64xf32, #tpu.memory_space<vmem>>, vector<16xf32>,
      tpu.vector_store %arg10[%swap3A_675, %swap3A_676], %gather3A_673 {strides = array<i32>} : memref<16x64xf32, #tpu.memory_space<vmem>>, vector<16xf32>,
      %slice3A_678 = vector.extract_strided_slice %sub3A_256 {offsets = [9], sizes = [1], strides = [1]} : vector<16xi32> to vector<1xi32>
      %squeeze3A_679 = vector.extract %slice3A_678[0] : i32 from vector<1xi32>
      %add3A_680 = vector.broadcast %squeeze3A_679 : i32 to vector<16xi32>
      %add3A_681 = arith.addi %broadcast_in_dim3A_7, %add3A_680 : vector<16xi32>
      %shift_right_arithmetic3A_682 = arith.constant 3 : i32
      %shift_right_arithmetic3A_683 = vector.broadcast %shift_right_arithmetic3A_682 : i32 to vector<16xi32>
      %shift_right_arithmetic3A_684 = arith.shrsi %iota3A, %shift_right_arithmetic3A_683 : vector<16xi32>
      %add3A_685 = arith.constant 0 : i32
      %add3A_686 = vector.broadcast %add3A_685 : i32 to vector<16xi32>
      %add3A_687 = arith.addi %add3A_686, %shift_right_arithmetic3A_684 : vector<16xi32>
      %and3A_688 = arith.constant 7 : i32
      %and3A_689 = vector.broadcast %and3A_688 : i32 to vector<16xi32>
      %and3A_690 = arith.andi %iota3A, %and3A_689 : vector<16xi32>
      %slice3A_691 = vector.extract_strided_slice %and3A_243 {offsets = [9], sizes = [1], strides = [1]} : vector<16xi32> to vector<1xi32>
      %squeeze3A_692 = vector.extract %slice3A_691[0] : i32 from vector<1xi32>
      %add3A_693 = vector.broadcast %squeeze3A_692 : i32 to vector<16xi32>
      %add3A_694 = arith.addi %broadcast_in_dim3A_7, %add3A_693 : vector<16xi32>
      %gather3A_695 = tpu.vector_load_idx %arg9[%add3A_681, %add3A_687, %and3A_690, %add3A_694] : memref<16x4x8x128xf32, #tpu.memory_space<vmem>>[vector<16xi32>, vector<16xi32>, vector<16xi32>, vector<16xi32>], vector<16xf32>,
      %swap3A_696 = arith.constant 9 : i32
      %swap3A_697 = arith.index_cast %swap3A_696 : i32 to index
      %swap3A_698 = arith.constant 0 : index
      %swap3A_699 = tpu.vector_load %arg10[%swap3A_697, %swap3A_698] {strides = array<i32>} : memref<16x64xf32, #tpu.memory_space<vmem>>, vector<16xf32>,
      tpu.vector_store %arg10[%swap3A_697, %swap3A_698], %gather3A_695 {strides = array<i32>} : memref<16x64xf32, #tpu.memory_space<vmem>>, vector<16xf32>,
      %slice3A_700 = vector.extract_strided_slice %sub3A_256 {offsets = [10], sizes = [1], strides = [1]} : vector<16xi32> to vector<1xi32>
      %squeeze3A_701 = vector.extract %slice3A_700[0] : i32 from vector<1xi32>
      %add3A_702 = vector.broadcast %squeeze3A_701 : i32 to vector<16xi32>
      %add3A_703 = arith.addi %broadcast_in_dim3A_7, %add3A_702 : vector<16xi32>
      %shift_right_arithmetic3A_704 = arith.constant 3 : i32
      %shift_right_arithmetic3A_705 = vector.broadcast %shift_right_arithmetic3A_704 : i32 to vector<16xi32>
      %shift_right_arithmetic3A_706 = arith.shrsi %iota3A, %shift_right_arithmetic3A_705 : vector<16xi32>
      %add3A_707 = arith.constant 0 : i32
      %add3A_708 = vector.broadcast %add3A_707 : i32 to vector<16xi32>
      %add3A_709 = arith.addi %add3A_708, %shift_right_arithmetic3A_706 : vector<16xi32>
      %and3A_710 = arith.constant 7 : i32
      %and3A_711 = vector.broadcast %and3A_710 : i32 to vector<16xi32>
      %and3A_712 = arith.andi %iota3A, %and3A_711 : vector<16xi32>
      %slice3A_713 = vector.extract_strided_slice %and3A_243 {offsets = [10], sizes = [1], strides = [1]} : vector<16xi32> to vector<1xi32>
      %squeeze3A_714 = vector.extract %slice3A_713[0] : i32 from vector<1xi32>
      %add3A_715 = vector.broadcast %squeeze3A_714 : i32 to vector<16xi32>
      %add3A_716 = arith.addi %broadcast_in_dim3A_7, %add3A_715 : vector<16xi32>
      %gather3A_717 = tpu.vector_load_idx %arg9[%add3A_703, %add3A_709, %and3A_712, %add3A_716] : memref<16x4x8x128xf32, #tpu.memory_space<vmem>>[vector<16xi32>, vector<16xi32>, vector<16xi32>, vector<16xi32>], vector<16xf32>,
      %swap3A_718 = arith.constant 10 : i32
      %swap3A_719 = arith.index_cast %swap3A_718 : i32 to index
      %swap3A_720 = arith.constant 0 : index
      %swap3A_721 = tpu.vector_load %arg10[%swap3A_719, %swap3A_720] {strides = array<i32>} : memref<16x64xf32, #tpu.memory_space<vmem>>, vector<16xf32>,
      tpu.vector_store %arg10[%swap3A_719, %swap3A_720], %gather3A_717 {strides = array<i32>} : memref<16x64xf32, #tpu.memory_space<vmem>>, vector<16xf32>,
      %slice3A_722 = vector.extract_strided_slice %sub3A_256 {offsets = [11], sizes = [1], strides = [1]} : vector<16xi32> to vector<1xi32>
      %squeeze3A_723 = vector.extract %slice3A_722[0] : i32 from vector<1xi32>
      %add3A_724 = vector.broadcast %squeeze3A_723 : i32 to vector<16xi32>
      %add3A_725 = arith.addi %broadcast_in_dim3A_7, %add3A_724 : vector<16xi32>
      %shift_right_arithmetic3A_726 = arith.constant 3 : i32
      %shift_right_arithmetic3A_727 = vector.broadcast %shift_right_arithmetic3A_726 : i32 to vector<16xi32>
      %shift_right_arithmetic3A_728 = arith.shrsi %iota3A, %shift_right_arithmetic3A_727 : vector<16xi32>
      %add3A_729 = arith.constant 0 : i32
      %add3A_730 = vector.broadcast %add3A_729 : i32 to vector<16xi32>
      %add3A_731 = arith.addi %add3A_730, %shift_right_arithmetic3A_728 : vector<16xi32>
      %and3A_732 = arith.constant 7 : i32
      %and3A_733 = vector.broadcast %and3A_732 : i32 to vector<16xi32>
      %and3A_734 = arith.andi %iota3A, %and3A_733 : vector<16xi32>
      %slice3A_735 = vector.extract_strided_slice %and3A_243 {offsets = [11], sizes = [1], strides = [1]} : vector<16xi32> to vector<1xi32>
      %squeeze3A_736 = vector.extract %slice3A_735[0] : i32 from vector<1xi32>
      %add3A_737 = vector.broadcast %squeeze3A_736 : i32 to vector<16xi32>
      %add3A_738 = arith.addi %broadcast_in_dim3A_7, %add3A_737 : vector<16xi32>
      %gather3A_739 = tpu.vector_load_idx %arg9[%add3A_725, %add3A_731, %and3A_734, %add3A_738] : memref<16x4x8x128xf32, #tpu.memory_space<vmem>>[vector<16xi32>, vector<16xi32>, vector<16xi32>, vector<16xi32>], vector<16xf32>,
      %swap3A_740 = arith.constant 11 : i32
      %swap3A_741 = arith.index_cast %swap3A_740 : i32 to index
      %swap3A_742 = arith.constant 0 : index
      %swap3A_743 = tpu.vector_load %arg10[%swap3A_741, %swap3A_742] {strides = array<i32>} : memref<16x64xf32, #tpu.memory_space<vmem>>, vector<16xf32>,
      tpu.vector_store %arg10[%swap3A_741, %swap3A_742], %gather3A_739 {strides = array<i32>} : memref<16x64xf32, #tpu.memory_space<vmem>>, vector<16xf32>,
      %slice3A_744 = vector.extract_strided_slice %sub3A_256 {offsets = [12], sizes = [1], strides = [1]} : vector<16xi32> to vector<1xi32>
      %squeeze3A_745 = vector.extract %slice3A_744[0] : i32 from vector<1xi32>
      %add3A_746 = vector.broadcast %squeeze3A_745 : i32 to vector<16xi32>
      %add3A_747 = arith.addi %broadcast_in_dim3A_7, %add3A_746 : vector<16xi32>
      %shift_right_arithmetic3A_748 = arith.constant 3 : i32
      %shift_right_arithmetic3A_749 = vector.broadcast %shift_right_arithmetic3A_748 : i32 to vector<16xi32>
      %shift_right_arithmetic3A_750 = arith.shrsi %iota3A, %shift_right_arithmetic3A_749 : vector<16xi32>
      %add3A_751 = arith.constant 0 : i32
      %add3A_752 = vector.broadcast %add3A_751 : i32 to vector<16xi32>
      %add3A_753 = arith.addi %add3A_752, %shift_right_arithmetic3A_750 : vector<16xi32>
      %and3A_754 = arith.constant 7 : i32
      %and3A_755 = vector.broadcast %and3A_754 : i32 to vector<16xi32>
      %and3A_756 = arith.andi %iota3A, %and3A_755 : vector<16xi32>
      %slice3A_757 = vector.extract_strided_slice %and3A_243 {offsets = [12], sizes = [1], strides = [1]} : vector<16xi32> to vector<1xi32>
      %squeeze3A_758 = vector.extract %slice3A_757[0] : i32 from vector<1xi32>
      %add3A_759 = vector.broadcast %squeeze3A_758 : i32 to vector<16xi32>
      %add3A_760 = arith.addi %broadcast_in_dim3A_7, %add3A_759 : vector<16xi32>
      %gather3A_761 = tpu.vector_load_idx %arg9[%add3A_747, %add3A_753, %and3A_756, %add3A_760] : memref<16x4x8x128xf32, #tpu.memory_space<vmem>>[vector<16xi32>, vector<16xi32>, vector<16xi32>, vector<16xi32>], vector<16xf32>,
      %swap3A_762 = arith.constant 12 : i32
      %swap3A_763 = arith.index_cast %swap3A_762 : i32 to index
      %swap3A_764 = arith.constant 0 : index
      %swap3A_765 = tpu.vector_load %arg10[%swap3A_763, %swap3A_764] {strides = array<i32>} : memref<16x64xf32, #tpu.memory_space<vmem>>, vector<16xf32>,
      tpu.vector_store %arg10[%swap3A_763, %swap3A_764], %gather3A_761 {strides = array<i32>} : memref<16x64xf32, #tpu.memory_space<vmem>>, vector<16xf32>,
      %slice3A_766 = vector.extract_strided_slice %sub3A_256 {offsets = [13], sizes = [1], strides = [1]} : vector<16xi32> to vector<1xi32>
      %squeeze3A_767 = vector.extract %slice3A_766[0] : i32 from vector<1xi32>
      %add3A_768 = vector.broadcast %squeeze3A_767 : i32 to vector<16xi32>
      %add3A_769 = arith.addi %broadcast_in_dim3A_7, %add3A_768 : vector<16xi32>
      %shift_right_arithmetic3A_770 = arith.constant 3 : i32
      %shift_right_arithmetic3A_771 = vector.broadcast %shift_right_arithmetic3A_770 : i32 to vector<16xi32>
      %shift_right_arithmetic3A_772 = arith.shrsi %iota3A, %shift_right_arithmetic3A_771 : vector<16xi32>
      %add3A_773 = arith.constant 0 : i32
      %add3A_774 = vector.broadcast %add3A_773 : i32 to vector<16xi32>
      %add3A_775 = arith.addi %add3A_774, %shift_right_arithmetic3A_772 : vector<16xi32>
      %and3A_776 = arith.constant 7 : i32
      %and3A_777 = vector.broadcast %and3A_776 : i32 to vector<16xi32>
      %and3A_778 = arith.andi %iota3A, %and3A_777 : vector<16xi32>
      %slice3A_779 = vector.extract_strided_slice %and3A_243 {offsets = [13], sizes = [1], strides = [1]} : vector<16xi32> to vector<1xi32>
      %squeeze3A_780 = vector.extract %slice3A_779[0] : i32 from vector<1xi32>
      %add3A_781 = vector.broadcast %squeeze3A_780 : i32 to vector<16xi32>
      %add3A_782 = arith.addi %broadcast_in_dim3A_7, %add3A_781 : vector<16xi32>
      %gather3A_783 = tpu.vector_load_idx %arg9[%add3A_769, %add3A_775, %and3A_778, %add3A_782] : memref<16x4x8x128xf32, #tpu.memory_space<vmem>>[vector<16xi32>, vector<16xi32>, vector<16xi32>, vector<16xi32>], vector<16xf32>,
      %swap3A_784 = arith.constant 13 : i32
      %swap3A_785 = arith.index_cast %swap3A_784 : i32 to index
      %swap3A_786 = arith.constant 0 : index
      %swap3A_787 = tpu.vector_load %arg10[%swap3A_785, %swap3A_786] {strides = array<i32>} : memref<16x64xf32, #tpu.memory_space<vmem>>, vector<16xf32>,
      tpu.vector_store %arg10[%swap3A_785, %swap3A_786], %gather3A_783 {strides = array<i32>} : memref<16x64xf32, #tpu.memory_space<vmem>>, vector<16xf32>,
      %slice3A_788 = vector.extract_strided_slice %sub3A_256 {offsets = [14], sizes = [1], strides = [1]} : vector<16xi32> to vector<1xi32>
      %squeeze3A_789 = vector.extract %slice3A_788[0] : i32 from vector<1xi32>
      %add3A_790 = vector.broadcast %squeeze3A_789 : i32 to vector<16xi32>
      %add3A_791 = arith.addi %broadcast_in_dim3A_7, %add3A_790 : vector<16xi32>
      %shift_right_arithmetic3A_792 = arith.constant 3 : i32
      %shift_right_arithmetic3A_793 = vector.broadcast %shift_right_arithmetic3A_792 : i32 to vector<16xi32>
      %shift_right_arithmetic3A_794 = arith.shrsi %iota3A, %shift_right_arithmetic3A_793 : vector<16xi32>
      %add3A_795 = arith.constant 0 : i32
      %add3A_796 = vector.broadcast %add3A_795 : i32 to vector<16xi32>
      %add3A_797 = arith.addi %add3A_796, %shift_right_arithmetic3A_794 : vector<16xi32>
      %and3A_798 = arith.constant 7 : i32
      %and3A_799 = vector.broadcast %and3A_798 : i32 to vector<16xi32>
      %and3A_800 = arith.andi %iota3A, %and3A_799 : vector<16xi32>
      %slice3A_801 = vector.extract_strided_slice %and3A_243 {offsets = [14], sizes = [1], strides = [1]} : vector<16xi32> to vector<1xi32>
      %squeeze3A_802 = vector.extract %slice3A_801[0] : i32 from vector<1xi32>
      %add3A_803 = vector.broadcast %squeeze3A_802 : i32 to vector<16xi32>
      %add3A_804 = arith.addi %broadcast_in_dim3A_7, %add3A_803 : vector<16xi32>
      %gather3A_805 = tpu.vector_load_idx %arg9[%add3A_791, %add3A_797, %and3A_800, %add3A_804] : memref<16x4x8x128xf32, #tpu.memory_space<vmem>>[vector<16xi32>, vector<16xi32>, vector<16xi32>, vector<16xi32>], vector<16xf32>,
      %swap3A_806 = arith.constant 14 : i32
      %swap3A_807 = arith.index_cast %swap3A_806 : i32 to index
      %swap3A_808 = arith.constant 0 : index
      %swap3A_809 = tpu.vector_load %arg10[%swap3A_807, %swap3A_808] {strides = array<i32>} : memref<16x64xf32, #tpu.memory_space<vmem>>, vector<16xf32>,
      tpu.vector_store %arg10[%swap3A_807, %swap3A_808], %gather3A_805 {strides = array<i32>} : memref<16x64xf32, #tpu.memory_space<vmem>>, vector<16xf32>,
      %slice3A_810 = vector.extract_strided_slice %sub3A_256 {offsets = [15], sizes = [1], strides = [1]} : vector<16xi32> to vector<1xi32>
      %squeeze3A_811 = vector.extract %slice3A_810[0] : i32 from vector<1xi32>
      %add3A_812 = vector.broadcast %squeeze3A_811 : i32 to vector<16xi32>
      %add3A_813 = arith.addi %broadcast_in_dim3A_7, %add3A_812 : vector<16xi32>
      %shift_right_arithmetic3A_814 = arith.constant 3 : i32
      %shift_right_arithmetic3A_815 = vector.broadcast %shift_right_arithmetic3A_814 : i32 to vector<16xi32>
      %shift_right_arithmetic3A_816 = arith.shrsi %iota3A, %shift_right_arithmetic3A_815 : vector<16xi32>
      %add3A_817 = arith.constant 0 : i32
      %add3A_818 = vector.broadcast %add3A_817 : i32 to vector<16xi32>
      %add3A_819 = arith.addi %add3A_818, %shift_right_arithmetic3A_816 : vector<16xi32>
      %and3A_820 = arith.constant 7 : i32
      %and3A_821 = vector.broadcast %and3A_820 : i32 to vector<16xi32>
      %and3A_822 = arith.andi %iota3A, %and3A_821 : vector<16xi32>
      %slice3A_823 = vector.extract_strided_slice %and3A_243 {offsets = [15], sizes = [1], strides = [1]} : vector<16xi32> to vector<1xi32>
      %squeeze3A_824 = vector.extract %slice3A_823[0] : i32 from vector<1xi32>
      %add3A_825 = vector.broadcast %squeeze3A_824 : i32 to vector<16xi32>
      %add3A_826 = arith.addi %broadcast_in_dim3A_7, %add3A_825 : vector<16xi32>
      %gather3A_827 = tpu.vector_load_idx %arg9[%add3A_813, %add3A_819, %and3A_822, %add3A_826] : memref<16x4x8x128xf32, #tpu.memory_space<vmem>>[vector<16xi32>, vector<16xi32>, vector<16xi32>, vector<16xi32>], vector<16xf32>,
      %swap3A_828 = arith.constant 15 : i32
      %swap3A_829 = arith.index_cast %swap3A_828 : i32 to index
      %swap3A_830 = arith.constant 0 : index
      %swap3A_831 = tpu.vector_load %arg10[%swap3A_829, %swap3A_830] {strides = array<i32>} : memref<16x64xf32, #tpu.memory_space<vmem>>, vector<16xf32>,
      tpu.vector_store %arg10[%swap3A_829, %swap3A_830], %gather3A_827 {strides = array<i32>} : memref<16x64xf32, #tpu.memory_space<vmem>>, vector<16xf32>,
      %slice3A_832 = vector.extract_strided_slice %sub3A_256 {offsets = [0], sizes = [1], strides = [1]} : vector<16xi32> to vector<1xi32>
      %squeeze3A_833 = vector.extract %slice3A_832[0] : i32 from vector<1xi32>
      %add3A_834 = vector.broadcast %squeeze3A_833 : i32 to vector<16xi32>
      %add3A_835 = arith.addi %broadcast_in_dim3A_7, %add3A_834 : vector<16xi32>
      %shift_right_arithmetic3A_836 = arith.constant 3 : i32
      %shift_right_arithmetic3A_837 = vector.broadcast %shift_right_arithmetic3A_836 : i32 to vector<16xi32>
      %shift_right_arithmetic3A_838 = arith.shrsi %iota3A, %shift_right_arithmetic3A_837 : vector<16xi32>
      %add3A_839 = arith.constant 2 : i32
      %add3A_840 = vector.broadcast %add3A_839 : i32 to vector<16xi32>
      %add3A_841 = arith.addi %add3A_840, %shift_right_arithmetic3A_838 : vector<16xi32>
      %and3A_842 = arith.constant 7 : i32
      %and3A_843 = vector.broadcast %and3A_842 : i32 to vector<16xi32>
      %and3A_844 = arith.andi %iota3A, %and3A_843 : vector<16xi32>
      %slice3A_845 = vector.extract_strided_slice %and3A_243 {offsets = [0], sizes = [1], strides = [1]} : vector<16xi32> to vector<1xi32>
      %squeeze3A_846 = vector.extract %slice3A_845[0] : i32 from vector<1xi32>
      %add3A_847 = vector.broadcast %squeeze3A_846 : i32 to vector<16xi32>
      %add3A_848 = arith.addi %broadcast_in_dim3A_7, %add3A_847 : vector<16xi32>
      %gather3A_849 = tpu.vector_load_idx %arg9[%add3A_835, %add3A_841, %and3A_844, %add3A_848] : memref<16x4x8x128xf32, #tpu.memory_space<vmem>>[vector<16xi32>, vector<16xi32>, vector<16xi32>, vector<16xi32>], vector<16xf32>,
      %swap3A_850 = arith.constant 0 : i32
      %swap3A_851 = arith.index_cast %swap3A_850 : i32 to index
      %swap3A_852 = arith.constant 16 : index
      %swap3A_853 = tpu.vector_load %arg10[%swap3A_851, %swap3A_852] {strides = array<i32>} : memref<16x64xf32, #tpu.memory_space<vmem>>, vector<16xf32>,
      tpu.vector_store %arg10[%swap3A_851, %swap3A_852], %gather3A_849 {strides = array<i32>} : memref<16x64xf32, #tpu.memory_space<vmem>>, vector<16xf32>,
      %slice3A_854 = vector.extract_strided_slice %sub3A_256 {offsets = [1], sizes = [1], strides = [1]} : vector<16xi32> to vector<1xi32>
      %squeeze3A_855 = vector.extract %slice3A_854[0] : i32 from vector<1xi32>
      %add3A_856 = vector.broadcast %squeeze3A_855 : i32 to vector<16xi32>
      %add3A_857 = arith.addi %broadcast_in_dim3A_7, %add3A_856 : vector<16xi32>
      %shift_right_arithmetic3A_858 = arith.constant 3 : i32
      %shift_right_arithmetic3A_859 = vector.broadcast %shift_right_arithmetic3A_858 : i32 to vector<16xi32>
      %shift_right_arithmetic3A_860 = arith.shrsi %iota3A, %shift_right_arithmetic3A_859 : vector<16xi32>
      %add3A_861 = arith.constant 2 : i32
      %add3A_862 = vector.broadcast %add3A_861 : i32 to vector<16xi32>
      %add3A_863 = arith.addi %add3A_862, %shift_right_arithmetic3A_860 : vector<16xi32>
      %and3A_864 = arith.constant 7 : i32
      %and3A_865 = vector.broadcast %and3A_864 : i32 to vector<16xi32>
      %and3A_866 = arith.andi %iota3A, %and3A_865 : vector<16xi32>
      %slice3A_867 = vector.extract_strided_slice %and3A_243 {offsets = [1], sizes = [1], strides = [1]} : vector<16xi32> to vector<1xi32>
      %squeeze3A_868 = vector.extract %slice3A_867[0] : i32 from vector<1xi32>
      %add3A_869 = vector.broadcast %squeeze3A_868 : i32 to vector<16xi32>
      %add3A_870 = arith.addi %broadcast_in_dim3A_7, %add3A_869 : vector<16xi32>
      %gather3A_871 = tpu.vector_load_idx %arg9[%add3A_857, %add3A_863, %and3A_866, %add3A_870] : memref<16x4x8x128xf32, #tpu.memory_space<vmem>>[vector<16xi32>, vector<16xi32>, vector<16xi32>, vector<16xi32>], vector<16xf32>,
      %swap3A_872 = arith.constant 1 : i32
      %swap3A_873 = arith.index_cast %swap3A_872 : i32 to index
      %swap3A_874 = arith.constant 16 : index
      %swap3A_875 = tpu.vector_load %arg10[%swap3A_873, %swap3A_874] {strides = array<i32>} : memref<16x64xf32, #tpu.memory_space<vmem>>, vector<16xf32>,
      tpu.vector_store %arg10[%swap3A_873, %swap3A_874], %gather3A_871 {strides = array<i32>} : memref<16x64xf32, #tpu.memory_space<vmem>>, vector<16xf32>,
      %slice3A_876 = vector.extract_strided_slice %sub3A_256 {offsets = [2], sizes = [1], strides = [1]} : vector<16xi32> to vector<1xi32>
      %squeeze3A_877 = vector.extract %slice3A_876[0] : i32 from vector<1xi32>
      %add3A_878 = vector.broadcast %squeeze3A_877 : i32 to vector<16xi32>
      %add3A_879 = arith.addi %broadcast_in_dim3A_7, %add3A_878 : vector<16xi32>
      %shift_right_arithmetic3A_880 = arith.constant 3 : i32
      %shift_right_arithmetic3A_881 = vector.broadcast %shift_right_arithmetic3A_880 : i32 to vector<16xi32>
      %shift_right_arithmetic3A_882 = arith.shrsi %iota3A, %shift_right_arithmetic3A_881 : vector<16xi32>
      %add3A_883 = arith.constant 2 : i32
      %add3A_884 = vector.broadcast %add3A_883 : i32 to vector<16xi32>
      %add3A_885 = arith.addi %add3A_884, %shift_right_arithmetic3A_882 : vector<16xi32>
      %and3A_886 = arith.constant 7 : i32
      %and3A_887 = vector.broadcast %and3A_886 : i32 to vector<16xi32>
      %and3A_888 = arith.andi %iota3A, %and3A_887 : vector<16xi32>
      %slice3A_889 = vector.extract_strided_slice %and3A_243 {offsets = [2], sizes = [1], strides = [1]} : vector<16xi32> to vector<1xi32>
      %squeeze3A_890 = vector.extract %slice3A_889[0] : i32 from vector<1xi32>
      %add3A_891 = vector.broadcast %squeeze3A_890 : i32 to vector<16xi32>
      %add3A_892 = arith.addi %broadcast_in_dim3A_7, %add3A_891 : vector<16xi32>
      %gather3A_893 = tpu.vector_load_idx %arg9[%add3A_879, %add3A_885, %and3A_888, %add3A_892] : memref<16x4x8x128xf32, #tpu.memory_space<vmem>>[vector<16xi32>, vector<16xi32>, vector<16xi32>, vector<16xi32>], vector<16xf32>,
      %swap3A_894 = arith.constant 2 : i32
      %swap3A_895 = arith.index_cast %swap3A_894 : i32 to index
      %swap3A_896 = arith.constant 16 : index
      %swap3A_897 = tpu.vector_load %arg10[%swap3A_895, %swap3A_896] {strides = array<i32>} : memref<16x64xf32, #tpu.memory_space<vmem>>, vector<16xf32>,
      tpu.vector_store %arg10[%swap3A_895, %swap3A_896], %gather3A_893 {strides = array<i32>} : memref<16x64xf32, #tpu.memory_space<vmem>>, vector<16xf32>,
      %slice3A_898 = vector.extract_strided_slice %sub3A_256 {offsets = [3], sizes = [1], strides = [1]} : vector<16xi32> to vector<1xi32>
      %squeeze3A_899 = vector.extract %slice3A_898[0] : i32 from vector<1xi32>
      %add3A_900 = vector.broadcast %squeeze3A_899 : i32 to vector<16xi32>
      %add3A_901 = arith.addi %broadcast_in_dim3A_7, %add3A_900 : vector<16xi32>
      %shift_right_arithmetic3A_902 = arith.constant 3 : i32
      %shift_right_arithmetic3A_903 = vector.broadcast %shift_right_arithmetic3A_902 : i32 to vector<16xi32>
      %shift_right_arithmetic3A_904 = arith.shrsi %iota3A, %shift_right_arithmetic3A_903 : vector<16xi32>
      %add3A_905 = arith.constant 2 : i32
      %add3A_906 = vector.broadcast %add3A_905 : i32 to vector<16xi32>
      %add3A_907 = arith.addi %add3A_906, %shift_right_arithmetic3A_904 : vector<16xi32>
      %and3A_908 = arith.constant 7 : i32
      %and3A_909 = vector.broadcast %and3A_908 : i32 to vector<16xi32>
      %and3A_910 = arith.andi %iota3A, %and3A_909 : vector<16xi32>
      %slice3A_911 = vector.extract_strided_slice %and3A_243 {offsets = [3], sizes = [1], strides = [1]} : vector<16xi32> to vector<1xi32>
      %squeeze3A_912 = vector.extract %slice3A_911[0] : i32 from vector<1xi32>
      %add3A_913 = vector.broadcast %squeeze3A_912 : i32 to vector<16xi32>
      %add3A_914 = arith.addi %broadcast_in_dim3A_7, %add3A_913 : vector<16xi32>
      %gather3A_915 = tpu.vector_load_idx %arg9[%add3A_901, %add3A_907, %and3A_910, %add3A_914] : memref<16x4x8x128xf32, #tpu.memory_space<vmem>>[vector<16xi32>, vector<16xi32>, vector<16xi32>, vector<16xi32>], vector<16xf32>,
      %swap3A_916 = arith.constant 3 : i32
      %swap3A_917 = arith.index_cast %swap3A_916 : i32 to index
      %swap3A_918 = arith.constant 16 : index
      %swap3A_919 = tpu.vector_load %arg10[%swap3A_917, %swap3A_918] {strides = array<i32>} : memref<16x64xf32, #tpu.memory_space<vmem>>, vector<16xf32>,
      tpu.vector_store %arg10[%swap3A_917, %swap3A_918], %gather3A_915 {strides = array<i32>} : memref<16x64xf32, #tpu.memory_space<vmem>>, vector<16xf32>,
      %slice3A_920 = vector.extract_strided_slice %sub3A_256 {offsets = [4], sizes = [1], strides = [1]} : vector<16xi32> to vector<1xi32>
      %squeeze3A_921 = vector.extract %slice3A_920[0] : i32 from vector<1xi32>
      %add3A_922 = vector.broadcast %squeeze3A_921 : i32 to vector<16xi32>
      %add3A_923 = arith.addi %broadcast_in_dim3A_7, %add3A_922 : vector<16xi32>
      %shift_right_arithmetic3A_924 = arith.constant 3 : i32
      %shift_right_arithmetic3A_925 = vector.broadcast %shift_right_arithmetic3A_924 : i32 to vector<16xi32>
      %shift_right_arithmetic3A_926 = arith.shrsi %iota3A, %shift_right_arithmetic3A_925 : vector<16xi32>
      %add3A_927 = arith.constant 2 : i32
      %add3A_928 = vector.broadcast %add3A_927 : i32 to vector<16xi32>
      %add3A_929 = arith.addi %add3A_928, %shift_right_arithmetic3A_926 : vector<16xi32>
      %and3A_930 = arith.constant 7 : i32
      %and3A_931 = vector.broadcast %and3A_930 : i32 to vector<16xi32>
      %and3A_932 = arith.andi %iota3A, %and3A_931 : vector<16xi32>
      %slice3A_933 = vector.extract_strided_slice %and3A_243 {offsets = [4], sizes = [1], strides = [1]} : vector<16xi32> to vector<1xi32>
      %squeeze3A_934 = vector.extract %slice3A_933[0] : i32 from vector<1xi32>
      %add3A_935 = vector.broadcast %squeeze3A_934 : i32 to vector<16xi32>
      %add3A_936 = arith.addi %broadcast_in_dim3A_7, %add3A_935 : vector<16xi32>
      %gather3A_937 = tpu.vector_load_idx %arg9[%add3A_923, %add3A_929, %and3A_932, %add3A_936] : memref<16x4x8x128xf32, #tpu.memory_space<vmem>>[vector<16xi32>, vector<16xi32>, vector<16xi32>, vector<16xi32>], vector<16xf32>,
      %swap3A_938 = arith.constant 4 : i32
      %swap3A_939 = arith.index_cast %swap3A_938 : i32 to index
      %swap3A_940 = arith.constant 16 : index
      %swap3A_941 = tpu.vector_load %arg10[%swap3A_939, %swap3A_940] {strides = array<i32>} : memref<16x64xf32, #tpu.memory_space<vmem>>, vector<16xf32>,
      tpu.vector_store %arg10[%swap3A_939, %swap3A_940], %gather3A_937 {strides = array<i32>} : memref<16x64xf32, #tpu.memory_space<vmem>>, vector<16xf32>,
      %slice3A_942 = vector.extract_strided_slice %sub3A_256 {offsets = [5], sizes = [1], strides = [1]} : vector<16xi32> to vector<1xi32>
      %squeeze3A_943 = vector.extract %slice3A_942[0] : i32 from vector<1xi32>
      %add3A_944 = vector.broadcast %squeeze3A_943 : i32 to vector<16xi32>
      %add3A_945 = arith.addi %broadcast_in_dim3A_7, %add3A_944 : vector<16xi32>
      %shift_right_arithmetic3A_946 = arith.constant 3 : i32
      %shift_right_arithmetic3A_947 = vector.broadcast %shift_right_arithmetic3A_946 : i32 to vector<16xi32>
      %shift_right_arithmetic3A_948 = arith.shrsi %iota3A, %shift_right_arithmetic3A_947 : vector<16xi32>
      %add3A_949 = arith.constant 2 : i32
      %add3A_950 = vector.broadcast %add3A_949 : i32 to vector<16xi32>
      %add3A_951 = arith.addi %add3A_950, %shift_right_arithmetic3A_948 : vector<16xi32>
      %and3A_952 = arith.constant 7 : i32
      %and3A_953 = vector.broadcast %and3A_952 : i32 to vector<16xi32>
      %and3A_954 = arith.andi %iota3A, %and3A_953 : vector<16xi32>
      %slice3A_955 = vector.extract_strided_slice %and3A_243 {offsets = [5], sizes = [1], strides = [1]} : vector<16xi32> to vector<1xi32>
      %squeeze3A_956 = vector.extract %slice3A_955[0] : i32 from vector<1xi32>
      %add3A_957 = vector.broadcast %squeeze3A_956 : i32 to vector<16xi32>
      %add3A_958 = arith.addi %broadcast_in_dim3A_7, %add3A_957 : vector<16xi32>
      %gather3A_959 = tpu.vector_load_idx %arg9[%add3A_945, %add3A_951, %and3A_954, %add3A_958] : memref<16x4x8x128xf32, #tpu.memory_space<vmem>>[vector<16xi32>, vector<16xi32>, vector<16xi32>, vector<16xi32>], vector<16xf32>,
      %swap3A_960 = arith.constant 5 : i32
      %swap3A_961 = arith.index_cast %swap3A_960 : i32 to index
      %swap3A_962 = arith.constant 16 : index
      %swap3A_963 = tpu.vector_load %arg10[%swap3A_961, %swap3A_962] {strides = array<i32>} : memref<16x64xf32, #tpu.memory_space<vmem>>, vector<16xf32>,
      tpu.vector_store %arg10[%swap3A_961, %swap3A_962], %gather3A_959 {strides = array<i32>} : memref<16x64xf32, #tpu.memory_space<vmem>>, vector<16xf32>,
      %slice3A_964 = vector.extract_strided_slice %sub3A_256 {offsets = [6], sizes = [1], strides = [1]} : vector<16xi32> to vector<1xi32>
      %squeeze3A_965 = vector.extract %slice3A_964[0] : i32 from vector<1xi32>
      %add3A_966 = vector.broadcast %squeeze3A_965 : i32 to vector<16xi32>
      %add3A_967 = arith.addi %broadcast_in_dim3A_7, %add3A_966 : vector<16xi32>
      %shift_right_arithmetic3A_968 = arith.constant 3 : i32
      %shift_right_arithmetic3A_969 = vector.broadcast %shift_right_arithmetic3A_968 : i32 to vector<16xi32>
      %shift_right_arithmetic3A_970 = arith.shrsi %iota3A, %shift_right_arithmetic3A_969 : vector<16xi32>
      %add3A_971 = arith.constant 2 : i32
      %add3A_972 = vector.broadcast %add3A_971 : i32 to vector<16xi32>
      %add3A_973 = arith.addi %add3A_972, %shift_right_arithmetic3A_970 : vector<16xi32>
      %and3A_974 = arith.constant 7 : i32
      %and3A_975 = vector.broadcast %and3A_974 : i32 to vector<16xi32>
      %and3A_976 = arith.andi %iota3A, %and3A_975 : vector<16xi32>
      %slice3A_977 = vector.extract_strided_slice %and3A_243 {offsets = [6], sizes = [1], strides = [1]} : vector<16xi32> to vector<1xi32>
      %squeeze3A_978 = vector.extract %slice3A_977[0] : i32 from vector<1xi32>
      %add3A_979 = vector.broadcast %squeeze3A_978 : i32 to vector<16xi32>
      %add3A_980 = arith.addi %broadcast_in_dim3A_7, %add3A_979 : vector<16xi32>
      %gather3A_981 = tpu.vector_load_idx %arg9[%add3A_967, %add3A_973, %and3A_976, %add3A_980] : memref<16x4x8x128xf32, #tpu.memory_space<vmem>>[vector<16xi32>, vector<16xi32>, vector<16xi32>, vector<16xi32>], vector<16xf32>,
      %swap3A_982 = arith.constant 6 : i32
      %swap3A_983 = arith.index_cast %swap3A_982 : i32 to index
      %swap3A_984 = arith.constant 16 : index
      %swap3A_985 = tpu.vector_load %arg10[%swap3A_983, %swap3A_984] {strides = array<i32>} : memref<16x64xf32, #tpu.memory_space<vmem>>, vector<16xf32>,
      tpu.vector_store %arg10[%swap3A_983, %swap3A_984], %gather3A_981 {strides = array<i32>} : memref<16x64xf32, #tpu.memory_space<vmem>>, vector<16xf32>,
      %slice3A_986 = vector.extract_strided_slice %sub3A_256 {offsets = [7], sizes = [1], strides = [1]} : vector<16xi32> to vector<1xi32>
      %squeeze3A_987 = vector.extract %slice3A_986[0] : i32 from vector<1xi32>
      %add3A_988 = vector.broadcast %squeeze3A_987 : i32 to vector<16xi32>
      %add3A_989 = arith.addi %broadcast_in_dim3A_7, %add3A_988 : vector<16xi32>
      %shift_right_arithmetic3A_990 = arith.constant 3 : i32
      %shift_right_arithmetic3A_991 = vector.broadcast %shift_right_arithmetic3A_990 : i32 to vector<16xi32>
      %shift_right_arithmetic3A_992 = arith.shrsi %iota3A, %shift_right_arithmetic3A_991 : vector<16xi32>
      %add3A_993 = arith.constant 2 : i32
      %add3A_994 = vector.broadcast %add3A_993 : i32 to vector<16xi32>
      %add3A_995 = arith.addi %add3A_994, %shift_right_arithmetic3A_992 : vector<16xi32>
      %and3A_996 = arith.constant 7 : i32
      %and3A_997 = vector.broadcast %and3A_996 : i32 to vector<16xi32>
      %and3A_998 = arith.andi %iota3A, %and3A_997 : vector<16xi32>
      %slice3A_999 = vector.extract_strided_slice %and3A_243 {offsets = [7], sizes = [1], strides = [1]} : vector<16xi32> to vector<1xi32>
      %squeeze3A_1000 = vector.extract %slice3A_999[0] : i32 from vector<1xi32>
      %add3A_1001 = vector.broadcast %squeeze3A_1000 : i32 to vector<16xi32>
      %add3A_1002 = arith.addi %broadcast_in_dim3A_7, %add3A_1001 : vector<16xi32>
      %gather3A_1003 = tpu.vector_load_idx %arg9[%add3A_989, %add3A_995, %and3A_998, %add3A_1002] : memref<16x4x8x128xf32, #tpu.memory_space<vmem>>[vector<16xi32>, vector<16xi32>, vector<16xi32>, vector<16xi32>], vector<16xf32>,
      %swap3A_1004 = arith.constant 7 : i32
      %swap3A_1005 = arith.index_cast %swap3A_1004 : i32 to index
      %swap3A_1006 = arith.constant 16 : index
      %swap3A_1007 = tpu.vector_load %arg10[%swap3A_1005, %swap3A_1006] {strides = array<i32>} : memref<16x64xf32, #tpu.memory_space<vmem>>, vector<16xf32>,
      tpu.vector_store %arg10[%swap3A_1005, %swap3A_1006], %gather3A_1003 {strides = array<i32>} : memref<16x64xf32, #tpu.memory_space<vmem>>, vector<16xf32>,
      %slice3A_1008 = vector.extract_strided_slice %sub3A_256 {offsets = [8], sizes = [1], strides = [1]} : vector<16xi32> to vector<1xi32>
      %squeeze3A_1009 = vector.extract %slice3A_1008[0] : i32 from vector<1xi32>
      %add3A_1010 = vector.broadcast %squeeze3A_1009 : i32 to vector<16xi32>
      %add3A_1011 = arith.addi %broadcast_in_dim3A_7, %add3A_1010 : vector<16xi32>
      %shift_right_arithmetic3A_1012 = arith.constant 3 : i32
      %shift_right_arithmetic3A_1013 = vector.broadcast %shift_right_arithmetic3A_1012 : i32 to vector<16xi32>
      %shift_right_arithmetic3A_1014 = arith.shrsi %iota3A, %shift_right_arithmetic3A_1013 : vector<16xi32>
      %add3A_1015 = arith.constant 2 : i32
      %add3A_1016 = vector.broadcast %add3A_1015 : i32 to vector<16xi32>
      %add3A_1017 = arith.addi %add3A_1016, %shift_right_arithmetic3A_1014 : vector<16xi32>
      %and3A_1018 = arith.constant 7 : i32
      %and3A_1019 = vector.broadcast %and3A_1018 : i32 to vector<16xi32>
      %and3A_1020 = arith.andi %iota3A, %and3A_1019 : vector<16xi32>
      %slice3A_1021 = vector.extract_strided_slice %and3A_243 {offsets = [8], sizes = [1], strides = [1]} : vector<16xi32> to vector<1xi32>
      %squeeze3A_1022 = vector.extract %slice3A_1021[0] : i32 from vector<1xi32>
      %add3A_1023 = vector.broadcast %squeeze3A_1022 : i32 to vector<16xi32>
      %add3A_1024 = arith.addi %broadcast_in_dim3A_7, %add3A_1023 : vector<16xi32>
      %gather3A_1025 = tpu.vector_load_idx %arg9[%add3A_1011, %add3A_1017, %and3A_1020, %add3A_1024] : memref<16x4x8x128xf32, #tpu.memory_space<vmem>>[vector<16xi32>, vector<16xi32>, vector<16xi32>, vector<16xi32>], vector<16xf32>,
      %swap3A_1026 = arith.constant 8 : i32
      %swap3A_1027 = arith.index_cast %swap3A_1026 : i32 to index
      %swap3A_1028 = arith.constant 16 : index
      %swap3A_1029 = tpu.vector_load %arg10[%swap3A_1027, %swap3A_1028] {strides = array<i32>} : memref<16x64xf32, #tpu.memory_space<vmem>>, vector<16xf32>,
      tpu.vector_store %arg10[%swap3A_1027, %swap3A_1028], %gather3A_1025 {strides = array<i32>} : memref<16x64xf32, #tpu.memory_space<vmem>>, vector<16xf32>,
      %slice3A_1030 = vector.extract_strided_slice %sub3A_256 {offsets = [9], sizes = [1], strides = [1]} : vector<16xi32> to vector<1xi32>
      %squeeze3A_1031 = vector.extract %slice3A_1030[0] : i32 from vector<1xi32>
      %add3A_1032 = vector.broadcast %squeeze3A_1031 : i32 to vector<16xi32>
      %add3A_1033 = arith.addi %broadcast_in_dim3A_7, %add3A_1032 : vector<16xi32>
      %shift_right_arithmetic3A_1034 = arith.constant 3 : i32
      %shift_right_arithmetic3A_1035 = vector.broadcast %shift_right_arithmetic3A_1034 : i32 to vector<16xi32>
      %shift_right_arithmetic3A_1036 = arith.shrsi %iota3A, %shift_right_arithmetic3A_1035 : vector<16xi32>
      %add3A_1037 = arith.constant 2 : i32
      %add3A_1038 = vector.broadcast %add3A_1037 : i32 to vector<16xi32>
      %add3A_1039 = arith.addi %add3A_1038, %shift_right_arithmetic3A_1036 : vector<16xi32>
      %and3A_1040 = arith.constant 7 : i32
      %and3A_1041 = vector.broadcast %and3A_1040 : i32 to vector<16xi32>
      %and3A_1042 = arith.andi %iota3A, %and3A_1041 : vector<16xi32>
      %slice3A_1043 = vector.extract_strided_slice %and3A_243 {offsets = [9], sizes = [1], strides = [1]} : vector<16xi32> to vector<1xi32>
      %squeeze3A_1044 = vector.extract %slice3A_1043[0] : i32 from vector<1xi32>
      %add3A_1045 = vector.broadcast %squeeze3A_1044 : i32 to vector<16xi32>
      %add3A_1046 = arith.addi %broadcast_in_dim3A_7, %add3A_1045 : vector<16xi32>
      %gather3A_1047 = tpu.vector_load_idx %arg9[%add3A_1033, %add3A_1039, %and3A_1042, %add3A_1046] : memref<16x4x8x128xf32, #tpu.memory_space<vmem>>[vector<16xi32>, vector<16xi32>, vector<16xi32>, vector<16xi32>], vector<16xf32>,
      %swap3A_1048 = arith.constant 9 : i32
      %swap3A_1049 = arith.index_cast %swap3A_1048 : i32 to index
      %swap3A_1050 = arith.constant 16 : index
      %swap3A_1051 = tpu.vector_load %arg10[%swap3A_1049, %swap3A_1050] {strides = array<i32>} : memref<16x64xf32, #tpu.memory_space<vmem>>, vector<16xf32>,
      tpu.vector_store %arg10[%swap3A_1049, %swap3A_1050], %gather3A_1047 {strides = array<i32>} : memref<16x64xf32, #tpu.memory_space<vmem>>, vector<16xf32>,
      %slice3A_1052 = vector.extract_strided_slice %sub3A_256 {offsets = [10], sizes = [1], strides = [1]} : vector<16xi32> to vector<1xi32>
      %squeeze3A_1053 = vector.extract %slice3A_1052[0] : i32 from vector<1xi32>
      %add3A_1054 = vector.broadcast %squeeze3A_1053 : i32 to vector<16xi32>
      %add3A_1055 = arith.addi %broadcast_in_dim3A_7, %add3A_1054 : vector<16xi32>
      %shift_right_arithmetic3A_1056 = arith.constant 3 : i32
      %shift_right_arithmetic3A_1057 = vector.broadcast %shift_right_arithmetic3A_1056 : i32 to vector<16xi32>
      %shift_right_arithmetic3A_1058 = arith.shrsi %iota3A, %shift_right_arithmetic3A_1057 : vector<16xi32>
      %add3A_1059 = arith.constant 2 : i32
      %add3A_1060 = vector.broadcast %add3A_1059 : i32 to vector<16xi32>
      %add3A_1061 = arith.addi %add3A_1060, %shift_right_arithmetic3A_1058 : vector<16xi32>
      %and3A_1062 = arith.constant 7 : i32
      %and3A_1063 = vector.broadcast %and3A_1062 : i32 to vector<16xi32>
      %and3A_1064 = arith.andi %iota3A, %and3A_1063 : vector<16xi32>
      %slice3A_1065 = vector.extract_strided_slice %and3A_243 {offsets = [10], sizes = [1], strides = [1]} : vector<16xi32> to vector<1xi32>
      %squeeze3A_1066 = vector.extract %slice3A_1065[0] : i32 from vector<1xi32>
      %add3A_1067 = vector.broadcast %squeeze3A_1066 : i32 to vector<16xi32>
      %add3A_1068 = arith.addi %broadcast_in_dim3A_7, %add3A_1067 : vector<16xi32>
      %gather3A_1069 = tpu.vector_load_idx %arg9[%add3A_1055, %add3A_1061, %and3A_1064, %add3A_1068] : memref<16x4x8x128xf32, #tpu.memory_space<vmem>>[vector<16xi32>, vector<16xi32>, vector<16xi32>, vector<16xi32>], vector<16xf32>,
      %swap3A_1070 = arith.constant 10 : i32
      %swap3A_1071 = arith.index_cast %swap3A_1070 : i32 to index
      %swap3A_1072 = arith.constant 16 : index
      %swap3A_1073 = tpu.vector_load %arg10[%swap3A_1071, %swap3A_1072] {strides = array<i32>} : memref<16x64xf32, #tpu.memory_space<vmem>>, vector<16xf32>,
      tpu.vector_store %arg10[%swap3A_1071, %swap3A_1072], %gather3A_1069 {strides = array<i32>} : memref<16x64xf32, #tpu.memory_space<vmem>>, vector<16xf32>,
      %slice3A_1074 = vector.extract_strided_slice %sub3A_256 {offsets = [11], sizes = [1], strides = [1]} : vector<16xi32> to vector<1xi32>
      %squeeze3A_1075 = vector.extract %slice3A_1074[0] : i32 from vector<1xi32>
      %add3A_1076 = vector.broadcast %squeeze3A_1075 : i32 to vector<16xi32>
      %add3A_1077 = arith.addi %broadcast_in_dim3A_7, %add3A_1076 : vector<16xi32>
      %shift_right_arithmetic3A_1078 = arith.constant 3 : i32
      %shift_right_arithmetic3A_1079 = vector.broadcast %shift_right_arithmetic3A_1078 : i32 to vector<16xi32>
      %shift_right_arithmetic3A_1080 = arith.shrsi %iota3A, %shift_right_arithmetic3A_1079 : vector<16xi32>
      %add3A_1081 = arith.constant 2 : i32
      %add3A_1082 = vector.broadcast %add3A_1081 : i32 to vector<16xi32>
      %add3A_1083 = arith.addi %add3A_1082, %shift_right_arithmetic3A_1080 : vector<16xi32>
      %and3A_1084 = arith.constant 7 : i32
      %and3A_1085 = vector.broadcast %and3A_1084 : i32 to vector<16xi32>
      %and3A_1086 = arith.andi %iota3A, %and3A_1085 : vector<16xi32>
      %slice3A_1087 = vector.extract_strided_slice %and3A_243 {offsets = [11], sizes = [1], strides = [1]} : vector<16xi32> to vector<1xi32>
      %squeeze3A_1088 = vector.extract %slice3A_1087[0] : i32 from vector<1xi32>
      %add3A_1089 = vector.broadcast %squeeze3A_1088 : i32 to vector<16xi32>
      %add3A_1090 = arith.addi %broadcast_in_dim3A_7, %add3A_1089 : vector<16xi32>
      %gather3A_1091 = tpu.vector_load_idx %arg9[%add3A_1077, %add3A_1083, %and3A_1086, %add3A_1090] : memref<16x4x8x128xf32, #tpu.memory_space<vmem>>[vector<16xi32>, vector<16xi32>, vector<16xi32>, vector<16xi32>], vector<16xf32>,
      %swap3A_1092 = arith.constant 11 : i32
      %swap3A_1093 = arith.index_cast %swap3A_1092 : i32 to index
      %swap3A_1094 = arith.constant 16 : index
      %swap3A_1095 = tpu.vector_load %arg10[%swap3A_1093, %swap3A_1094] {strides = array<i32>} : memref<16x64xf32, #tpu.memory_space<vmem>>, vector<16xf32>,
      tpu.vector_store %arg10[%swap3A_1093, %swap3A_1094], %gather3A_1091 {strides = array<i32>} : memref<16x64xf32, #tpu.memory_space<vmem>>, vector<16xf32>,
      %slice3A_1096 = vector.extract_strided_slice %sub3A_256 {offsets = [12], sizes = [1], strides = [1]} : vector<16xi32> to vector<1xi32>
      %squeeze3A_1097 = vector.extract %slice3A_1096[0] : i32 from vector<1xi32>
      %add3A_1098 = vector.broadcast %squeeze3A_1097 : i32 to vector<16xi32>
      %add3A_1099 = arith.addi %broadcast_in_dim3A_7, %add3A_1098 : vector<16xi32>
      %shift_right_arithmetic3A_1100 = arith.constant 3 : i32
      %shift_right_arithmetic3A_1101 = vector.broadcast %shift_right_arithmetic3A_1100 : i32 to vector<16xi32>
      %shift_right_arithmetic3A_1102 = arith.shrsi %iota3A, %shift_right_arithmetic3A_1101 : vector<16xi32>
      %add3A_1103 = arith.constant 2 : i32
      %add3A_1104 = vector.broadcast %add3A_1103 : i32 to vector<16xi32>
      %add3A_1105 = arith.addi %add3A_1104, %shift_right_arithmetic3A_1102 : vector<16xi32>
      %and3A_1106 = arith.constant 7 : i32
      %and3A_1107 = vector.broadcast %and3A_1106 : i32 to vector<16xi32>
      %and3A_1108 = arith.andi %iota3A, %and3A_1107 : vector<16xi32>
      %slice3A_1109 = vector.extract_strided_slice %and3A_243 {offsets = [12], sizes = [1], strides = [1]} : vector<16xi32> to vector<1xi32>
      %squeeze3A_1110 = vector.extract %slice3A_1109[0] : i32 from vector<1xi32>
      %add3A_1111 = vector.broadcast %squeeze3A_1110 : i32 to vector<16xi32>
      %add3A_1112 = arith.addi %broadcast_in_dim3A_7, %add3A_1111 : vector<16xi32>
      %gather3A_1113 = tpu.vector_load_idx %arg9[%add3A_1099, %add3A_1105, %and3A_1108, %add3A_1112] : memref<16x4x8x128xf32, #tpu.memory_space<vmem>>[vector<16xi32>, vector<16xi32>, vector<16xi32>, vector<16xi32>], vector<16xf32>,
      %swap3A_1114 = arith.constant 12 : i32
      %swap3A_1115 = arith.index_cast %swap3A_1114 : i32 to index
      %swap3A_1116 = arith.constant 16 : index
      %swap3A_1117 = tpu.vector_load %arg10[%swap3A_1115, %swap3A_1116] {strides = array<i32>} : memref<16x64xf32, #tpu.memory_space<vmem>>, vector<16xf32>,
      tpu.vector_store %arg10[%swap3A_1115, %swap3A_1116], %gather3A_1113 {strides = array<i32>} : memref<16x64xf32, #tpu.memory_space<vmem>>, vector<16xf32>,
      %slice3A_1118 = vector.extract_strided_slice %sub3A_256 {offsets = [13], sizes = [1], strides = [1]} : vector<16xi32> to vector<1xi32>
      %squeeze3A_1119 = vector.extract %slice3A_1118[0] : i32 from vector<1xi32>
      %add3A_1120 = vector.broadcast %squeeze3A_1119 : i32 to vector<16xi32>
      %add3A_1121 = arith.addi %broadcast_in_dim3A_7, %add3A_1120 : vector<16xi32>
      %shift_right_arithmetic3A_1122 = arith.constant 3 : i32
      %shift_right_arithmetic3A_1123 = vector.broadcast %shift_right_arithmetic3A_1122 : i32 to vector<16xi32>
      %shift_right_arithmetic3A_1124 = arith.shrsi %iota3A, %shift_right_arithmetic3A_1123 : vector<16xi32>
      %add3A_1125 = arith.constant 2 : i32
      %add3A_1126 = vector.broadcast %add3A_1125 : i32 to vector<16xi32>
      %add3A_1127 = arith.addi %add3A_1126, %shift_right_arithmetic3A_1124 : vector<16xi32>
      %and3A_1128 = arith.constant 7 : i32
      %and3A_1129 = vector.broadcast %and3A_1128 : i32 to vector<16xi32>
      %and3A_1130 = arith.andi %iota3A, %and3A_1129 : vector<16xi32>
      %slice3A_1131 = vector.extract_strided_slice %and3A_243 {offsets = [13], sizes = [1], strides = [1]} : vector<16xi32> to vector<1xi32>
      %squeeze3A_1132 = vector.extract %slice3A_1131[0] : i32 from vector<1xi32>
      %add3A_1133 = vector.broadcast %squeeze3A_1132 : i32 to vector<16xi32>
      %add3A_1134 = arith.addi %broadcast_in_dim3A_7, %add3A_1133 : vector<16xi32>
      %gather3A_1135 = tpu.vector_load_idx %arg9[%add3A_1121, %add3A_1127, %and3A_1130, %add3A_1134] : memref<16x4x8x128xf32, #tpu.memory_space<vmem>>[vector<16xi32>, vector<16xi32>, vector<16xi32>, vector<16xi32>], vector<16xf32>,
      %swap3A_1136 = arith.constant 13 : i32
      %swap3A_1137 = arith.index_cast %swap3A_1136 : i32 to index
      %swap3A_1138 = arith.constant 16 : index
      %swap3A_1139 = tpu.vector_load %arg10[%swap3A_1137, %swap3A_1138] {strides = array<i32>} : memref<16x64xf32, #tpu.memory_space<vmem>>, vector<16xf32>,
      tpu.vector_store %arg10[%swap3A_1137, %swap3A_1138], %gather3A_1135 {strides = array<i32>} : memref<16x64xf32, #tpu.memory_space<vmem>>, vector<16xf32>,
      %slice3A_1140 = vector.extract_strided_slice %sub3A_256 {offsets = [14], sizes = [1], strides = [1]} : vector<16xi32> to vector<1xi32>
      %squeeze3A_1141 = vector.extract %slice3A_1140[0] : i32 from vector<1xi32>
      %add3A_1142 = vector.broadcast %squeeze3A_1141 : i32 to vector<16xi32>
      %add3A_1143 = arith.addi %broadcast_in_dim3A_7, %add3A_1142 : vector<16xi32>
      %shift_right_arithmetic3A_1144 = arith.constant 3 : i32
      %shift_right_arithmetic3A_1145 = vector.broadcast %shift_right_arithmetic3A_1144 : i32 to vector<16xi32>
      %shift_right_arithmetic3A_1146 = arith.shrsi %iota3A, %shift_right_arithmetic3A_1145 : vector<16xi32>
      %add3A_1147 = arith.constant 2 : i32
      %add3A_1148 = vector.broadcast %add3A_1147 : i32 to vector<16xi32>
      %add3A_1149 = arith.addi %add3A_1148, %shift_right_arithmetic3A_1146 : vector<16xi32>
      %and3A_1150 = arith.constant 7 : i32
      %and3A_1151 = vector.broadcast %and3A_1150 : i32 to vector<16xi32>
      %and3A_1152 = arith.andi %iota3A, %and3A_1151 : vector<16xi32>
      %slice3A_1153 = vector.extract_strided_slice %and3A_243 {offsets = [14], sizes = [1], strides = [1]} : vector<16xi32> to vector<1xi32>
      %squeeze3A_1154 = vector.extract %slice3A_1153[0] : i32 from vector<1xi32>
      %add3A_1155 = vector.broadcast %squeeze3A_1154 : i32 to vector<16xi32>
      %add3A_1156 = arith.addi %broadcast_in_dim3A_7, %add3A_1155 : vector<16xi32>
      %gather3A_1157 = tpu.vector_load_idx %arg9[%add3A_1143, %add3A_1149, %and3A_1152, %add3A_1156] : memref<16x4x8x128xf32, #tpu.memory_space<vmem>>[vector<16xi32>, vector<16xi32>, vector<16xi32>, vector<16xi32>], vector<16xf32>,
      %swap3A_1158 = arith.constant 14 : i32
      %swap3A_1159 = arith.index_cast %swap3A_1158 : i32 to index
      %swap3A_1160 = arith.constant 16 : index
      %swap3A_1161 = tpu.vector_load %arg10[%swap3A_1159, %swap3A_1160] {strides = array<i32>} : memref<16x64xf32, #tpu.memory_space<vmem>>, vector<16xf32>,
      tpu.vector_store %arg10[%swap3A_1159, %swap3A_1160], %gather3A_1157 {strides = array<i32>} : memref<16x64xf32, #tpu.memory_space<vmem>>, vector<16xf32>,
      %slice3A_1162 = vector.extract_strided_slice %sub3A_256 {offsets = [15], sizes = [1], strides = [1]} : vector<16xi32> to vector<1xi32>
      %squeeze3A_1163 = vector.extract %slice3A_1162[0] : i32 from vector<1xi32>
      %add3A_1164 = vector.broadcast %squeeze3A_1163 : i32 to vector<16xi32>
      %add3A_1165 = arith.addi %broadcast_in_dim3A_7, %add3A_1164 : vector<16xi32>
      %shift_right_arithmetic3A_1166 = arith.constant 3 : i32
      %shift_right_arithmetic3A_1167 = vector.broadcast %shift_right_arithmetic3A_1166 : i32 to vector<16xi32>
      %shift_right_arithmetic3A_1168 = arith.shrsi %iota3A, %shift_right_arithmetic3A_1167 : vector<16xi32>
      %add3A_1169 = arith.constant 2 : i32
      %add3A_1170 = vector.broadcast %add3A_1169 : i32 to vector<16xi32>
      %add3A_1171 = arith.addi %add3A_1170, %shift_right_arithmetic3A_1168 : vector<16xi32>
      %and3A_1172 = arith.constant 7 : i32
      %and3A_1173 = vector.broadcast %and3A_1172 : i32 to vector<16xi32>
      %and3A_1174 = arith.andi %iota3A, %and3A_1173 : vector<16xi32>
      %slice3A_1175 = vector.extract_strided_slice %and3A_243 {offsets = [15], sizes = [1], strides = [1]} : vector<16xi32> to vector<1xi32>
      %squeeze3A_1176 = vector.extract %slice3A_1175[0] : i32 from vector<1xi32>
      %add3A_1177 = vector.broadcast %squeeze3A_1176 : i32 to vector<16xi32>
      %add3A_1178 = arith.addi %broadcast_in_dim3A_7, %add3A_1177 : vector<16xi32>
      %gather3A_1179 = tpu.vector_load_idx %arg9[%add3A_1165, %add3A_1171, %and3A_1174, %add3A_1178] : memref<16x4x8x128xf32, #tpu.memory_space<vmem>>[vector<16xi32>, vector<16xi32>, vector<16xi32>, vector<16xi32>], vector<16xf32>,
      %swap3A_1180 = arith.constant 15 : i32
      %swap3A_1181 = arith.index_cast %swap3A_1180 : i32 to index
      %swap3A_1182 = arith.constant 16 : index
      %swap3A_1183 = tpu.vector_load %arg10[%swap3A_1181, %swap3A_1182] {strides = array<i32>} : memref<16x64xf32, #tpu.memory_space<vmem>>, vector<16xf32>,
      tpu.vector_store %arg10[%swap3A_1181, %swap3A_1182], %gather3A_1179 {strides = array<i32>} : memref<16x64xf32, #tpu.memory_space<vmem>>, vector<16xf32>,
      %slice3A_1184 = vector.extract_strided_slice %select_n3A {offsets = [0], sizes = [1], strides = [1]} : vector<16xi32> to vector<1xi32>
      %squeeze3A_1185 = vector.extract %slice3A_1184[0] : i32 from vector<1xi32>
      %gt3A_1186 = arith.constant 0 : i32
      %gt3A_1187 = arith.cmpi sgt, %squeeze3A_1185, %gt3A_1186 : i32
      %convert_element_type3A_1188 = arith.extui %gt3A_1187 : i1 to i32
      %cond3A_1189 = arith.constant 0 : i32
      %cond3A_1190 = arith.cmpi ne, %convert_element_type3A_1188, %cond3A_1189 : i32
      scf.if %cond3A_1190 {
        %slice3A_2351 = vector.extract_strided_slice %get3A_239 {offsets = [0], sizes = [1], strides = [1]} : vector<16xi32> to vector<1xi32>
        %squeeze3A_2352 = vector.extract %slice3A_2351[0] : i32 from vector<1xi32>
        %and3A_2353 = arith.constant -128 : i32
        %and3A_2354 = arith.andi %squeeze3A_2352, %and3A_2353 : i32
        %multiple_of3A_2355 = tpu.assume_multiple %and3A_2354, 128 : i32
        %slice3A_2356 = vector.extract_strided_slice %sub3A_256 {offsets = [0], sizes = [1], strides = [1]} : vector<16xi32> to vector<1xi32>
        %squeeze3A_2357 = vector.extract %slice3A_2356[0] : i32 from vector<1xi32>
        %dma_start3A_2358 = arith.constant 0 : i32
        %dma_start3A_2359 = arith.constant 0 : i32
        %dma_start3A_2360 = arith.constant 0 : i32
        %dma_start3A_2361 = tpu.memref_slice %arg9[%squeeze3A_2357, %dma_start3A_2358, %dma_start3A_2359, %dma_start3A_2360] : memref<16x4x8x128xf32, #tpu.memory_space<vmem>> -> memref<1x4x8x128xf32, #tpu.memory_space<vmem>>
        %dma_start3A_2362 = tpu.memref_squeeze %dma_start3A_2361 : memref<1x4x8x128xf32, #tpu.memory_space<vmem>> -> memref<4x8x128xf32, #tpu.memory_space<vmem>>
        %dma_start3A_2363 = arith.constant 4 : i32
        %dma_start3A_2364 = arith.constant 0 : i32
        %dma_start3A_2365 = tpu.memref_slice %arg2[%dma_start3A_2363, %dma_start3A_2364, %multiple_of3A_2355] : memref<8x8x1000000xf32, #tpu.memory_space<hbm>> -> memref<4x8x128xf32, #tpu.memory_space<hbm>>
        %dma_start3A_2366 = arith.constant 0 : i32
        %dma_start3A_2367 = arith.constant 0 : i32
        %dma_start3A_2368 = arith.constant 0 : i32
        %dma_start3A_2369 = tpu.memref_slice %arg9[%squeeze3A_2357, %dma_start3A_2366, %dma_start3A_2367, %dma_start3A_2368] : memref<16x4x8x128xf32, #tpu.memory_space<vmem>> -> memref<1x4x8x128xf32, #tpu.memory_space<vmem>>
        %dma_start3A_2370 = tpu.memref_squeeze %dma_start3A_2369 : memref<1x4x8x128xf32, #tpu.memory_space<vmem>> -> memref<4x8x128xf32, #tpu.memory_space<vmem>>
        %dma_start3A_2371 = arith.constant 4 : i32
        %dma_start3A_2372 = arith.constant 0 : i32
        %dma_start3A_2373 = tpu.memref_slice %arg2[%dma_start3A_2371, %dma_start3A_2372, %multiple_of3A_2355] : memref<8x8x1000000xf32, #tpu.memory_space<hbm>> -> memref<4x8x128xf32, #tpu.memory_space<hbm>>
        tpu.enqueue_dma source(%dma_start3A_2373 : memref<4x8x128xf32, #tpu.memory_space<hbm>>) target(%dma_start3A_2370 : memref<4x8x128xf32, #tpu.memory_space<vmem>>) target_semaphore(%arg11 : memref<!tpu.dma_semaphore, #tpu.memory_space<semaphore_mem>>)
      } else {
      }
      %slice3A_1191 = vector.extract_strided_slice %select_n3A {offsets = [1], sizes = [1], strides = [1]} : vector<16xi32> to vector<1xi32>
      %squeeze3A_1192 = vector.extract %slice3A_1191[0] : i32 from vector<1xi32>
      %gt3A_1193 = arith.constant 0 : i32
      %gt3A_1194 = arith.cmpi sgt, %squeeze3A_1192, %gt3A_1193 : i32
      %convert_element_type3A_1195 = arith.extui %gt3A_1194 : i1 to i32
      %cond3A_1196 = arith.constant 0 : i32
      %cond3A_1197 = arith.cmpi ne, %convert_element_type3A_1195, %cond3A_1196 : i32
      scf.if %cond3A_1197 {
        %slice3A_2351 = vector.extract_strided_slice %get3A_239 {offsets = [1], sizes = [1], strides = [1]} : vector<16xi32> to vector<1xi32>
        %squeeze3A_2352 = vector.extract %slice3A_2351[0] : i32 from vector<1xi32>
        %and3A_2353 = arith.constant -128 : i32
        %and3A_2354 = arith.andi %squeeze3A_2352, %and3A_2353 : i32
        %multiple_of3A_2355 = tpu.assume_multiple %and3A_2354, 128 : i32
        %slice3A_2356 = vector.extract_strided_slice %sub3A_256 {offsets = [1], sizes = [1], strides = [1]} : vector<16xi32> to vector<1xi32>
        %squeeze3A_2357 = vector.extract %slice3A_2356[0] : i32 from vector<1xi32>
        %dma_start3A_2358 = arith.constant 0 : i32
        %dma_start3A_2359 = arith.constant 0 : i32
        %dma_start3A_2360 = arith.constant 0 : i32
        %dma_start3A_2361 = tpu.memref_slice %arg9[%squeeze3A_2357, %dma_start3A_2358, %dma_start3A_2359, %dma_start3A_2360] : memref<16x4x8x128xf32, #tpu.memory_space<vmem>> -> memref<1x4x8x128xf32, #tpu.memory_space<vmem>>
        %dma_start3A_2362 = tpu.memref_squeeze %dma_start3A_2361 : memref<1x4x8x128xf32, #tpu.memory_space<vmem>> -> memref<4x8x128xf32, #tpu.memory_space<vmem>>
        %dma_start3A_2363 = arith.constant 4 : i32
        %dma_start3A_2364 = arith.constant 0 : i32
        %dma_start3A_2365 = tpu.memref_slice %arg2[%dma_start3A_2363, %dma_start3A_2364, %multiple_of3A_2355] : memref<8x8x1000000xf32, #tpu.memory_space<hbm>> -> memref<4x8x128xf32, #tpu.memory_space<hbm>>
        %dma_start3A_2366 = arith.constant 0 : i32
        %dma_start3A_2367 = arith.constant 0 : i32
        %dma_start3A_2368 = arith.constant 0 : i32
        %dma_start3A_2369 = tpu.memref_slice %arg9[%squeeze3A_2357, %dma_start3A_2366, %dma_start3A_2367, %dma_start3A_2368] : memref<16x4x8x128xf32, #tpu.memory_space<vmem>> -> memref<1x4x8x128xf32, #tpu.memory_space<vmem>>
        %dma_start3A_2370 = tpu.memref_squeeze %dma_start3A_2369 : memref<1x4x8x128xf32, #tpu.memory_space<vmem>> -> memref<4x8x128xf32, #tpu.memory_space<vmem>>
        %dma_start3A_2371 = arith.constant 4 : i32
        %dma_start3A_2372 = arith.constant 0 : i32
        %dma_start3A_2373 = tpu.memref_slice %arg2[%dma_start3A_2371, %dma_start3A_2372, %multiple_of3A_2355] : memref<8x8x1000000xf32, #tpu.memory_space<hbm>> -> memref<4x8x128xf32, #tpu.memory_space<hbm>>
        tpu.enqueue_dma source(%dma_start3A_2373 : memref<4x8x128xf32, #tpu.memory_space<hbm>>) target(%dma_start3A_2370 : memref<4x8x128xf32, #tpu.memory_space<vmem>>) target_semaphore(%arg11 : memref<!tpu.dma_semaphore, #tpu.memory_space<semaphore_mem>>)
      } else {
      }
      %slice3A_1198 = vector.extract_strided_slice %select_n3A {offsets = [2], sizes = [1], strides = [1]} : vector<16xi32> to vector<1xi32>
      %squeeze3A_1199 = vector.extract %slice3A_1198[0] : i32 from vector<1xi32>
      %gt3A_1200 = arith.constant 0 : i32
      %gt3A_1201 = arith.cmpi sgt, %squeeze3A_1199, %gt3A_1200 : i32
      %convert_element_type3A_1202 = arith.extui %gt3A_1201 : i1 to i32
      %cond3A_1203 = arith.constant 0 : i32
      %cond3A_1204 = arith.cmpi ne, %convert_element_type3A_1202, %cond3A_1203 : i32
      scf.if %cond3A_1204 {
        %slice3A_2351 = vector.extract_strided_slice %get3A_239 {offsets = [2], sizes = [1], strides = [1]} : vector<16xi32> to vector<1xi32>
        %squeeze3A_2352 = vector.extract %slice3A_2351[0] : i32 from vector<1xi32>
        %and3A_2353 = arith.constant -128 : i32
        %and3A_2354 = arith.andi %squeeze3A_2352, %and3A_2353 : i32
        %multiple_of3A_2355 = tpu.assume_multiple %and3A_2354, 128 : i32
        %slice3A_2356 = vector.extract_strided_slice %sub3A_256 {offsets = [2], sizes = [1], strides = [1]} : vector<16xi32> to vector<1xi32>
        %squeeze3A_2357 = vector.extract %slice3A_2356[0] : i32 from vector<1xi32>
        %dma_start3A_2358 = arith.constant 0 : i32
        %dma_start3A_2359 = arith.constant 0 : i32
        %dma_start3A_2360 = arith.constant 0 : i32
        %dma_start3A_2361 = tpu.memref_slice %arg9[%squeeze3A_2357, %dma_start3A_2358, %dma_start3A_2359, %dma_start3A_2360] : memref<16x4x8x128xf32, #tpu.memory_space<vmem>> -> memref<1x4x8x128xf32, #tpu.memory_space<vmem>>
        %dma_start3A_2362 = tpu.memref_squeeze %dma_start3A_2361 : memref<1x4x8x128xf32, #tpu.memory_space<vmem>> -> memref<4x8x128xf32, #tpu.memory_space<vmem>>
        %dma_start3A_2363 = arith.constant 4 : i32
        %dma_start3A_2364 = arith.constant 0 : i32
        %dma_start3A_2365 = tpu.memref_slice %arg2[%dma_start3A_2363, %dma_start3A_2364, %multiple_of3A_2355] : memref<8x8x1000000xf32, #tpu.memory_space<hbm>> -> memref<4x8x128xf32, #tpu.memory_space<hbm>>
        %dma_start3A_2366 = arith.constant 0 : i32
        %dma_start3A_2367 = arith.constant 0 : i32
        %dma_start3A_2368 = arith.constant 0 : i32
        %dma_start3A_2369 = tpu.memref_slice %arg9[%squeeze3A_2357, %dma_start3A_2366, %dma_start3A_2367, %dma_start3A_2368] : memref<16x4x8x128xf32, #tpu.memory_space<vmem>> -> memref<1x4x8x128xf32, #tpu.memory_space<vmem>>
        %dma_start3A_2370 = tpu.memref_squeeze %dma_start3A_2369 : memref<1x4x8x128xf32, #tpu.memory_space<vmem>> -> memref<4x8x128xf32, #tpu.memory_space<vmem>>
        %dma_start3A_2371 = arith.constant 4 : i32
        %dma_start3A_2372 = arith.constant 0 : i32
        %dma_start3A_2373 = tpu.memref_slice %arg2[%dma_start3A_2371, %dma_start3A_2372, %multiple_of3A_2355] : memref<8x8x1000000xf32, #tpu.memory_space<hbm>> -> memref<4x8x128xf32, #tpu.memory_space<hbm>>
        tpu.enqueue_dma source(%dma_start3A_2373 : memref<4x8x128xf32, #tpu.memory_space<hbm>>) target(%dma_start3A_2370 : memref<4x8x128xf32, #tpu.memory_space<vmem>>) target_semaphore(%arg11 : memref<!tpu.dma_semaphore, #tpu.memory_space<semaphore_mem>>)
      } else {
      }
      %slice3A_1205 = vector.extract_strided_slice %select_n3A {offsets = [3], sizes = [1], strides = [1]} : vector<16xi32> to vector<1xi32>
      %squeeze3A_1206 = vector.extract %slice3A_1205[0] : i32 from vector<1xi32>
      %gt3A_1207 = arith.constant 0 : i32
      %gt3A_1208 = arith.cmpi sgt, %squeeze3A_1206, %gt3A_1207 : i32
      %convert_element_type3A_1209 = arith.extui %gt3A_1208 : i1 to i32
      %cond3A_1210 = arith.constant 0 : i32
      %cond3A_1211 = arith.cmpi ne, %convert_element_type3A_1209, %cond3A_1210 : i32
      scf.if %cond3A_1211 {
        %slice3A_2351 = vector.extract_strided_slice %get3A_239 {offsets = [3], sizes = [1], strides = [1]} : vector<16xi32> to vector<1xi32>
        %squeeze3A_2352 = vector.extract %slice3A_2351[0] : i32 from vector<1xi32>
        %and3A_2353 = arith.constant -128 : i32
        %and3A_2354 = arith.andi %squeeze3A_2352, %and3A_2353 : i32
        %multiple_of3A_2355 = tpu.assume_multiple %and3A_2354, 128 : i32
        %slice3A_2356 = vector.extract_strided_slice %sub3A_256 {offsets = [3], sizes = [1], strides = [1]} : vector<16xi32> to vector<1xi32>
        %squeeze3A_2357 = vector.extract %slice3A_2356[0] : i32 from vector<1xi32>
        %dma_start3A_2358 = arith.constant 0 : i32
        %dma_start3A_2359 = arith.constant 0 : i32
        %dma_start3A_2360 = arith.constant 0 : i32
        %dma_start3A_2361 = tpu.memref_slice %arg9[%squeeze3A_2357, %dma_start3A_2358, %dma_start3A_2359, %dma_start3A_2360] : memref<16x4x8x128xf32, #tpu.memory_space<vmem>> -> memref<1x4x8x128xf32, #tpu.memory_space<vmem>>
        %dma_start3A_2362 = tpu.memref_squeeze %dma_start3A_2361 : memref<1x4x8x128xf32, #tpu.memory_space<vmem>> -> memref<4x8x128xf32, #tpu.memory_space<vmem>>
        %dma_start3A_2363 = arith.constant 4 : i32
        %dma_start3A_2364 = arith.constant 0 : i32
        %dma_start3A_2365 = tpu.memref_slice %arg2[%dma_start3A_2363, %dma_start3A_2364, %multiple_of3A_2355] : memref<8x8x1000000xf32, #tpu.memory_space<hbm>> -> memref<4x8x128xf32, #tpu.memory_space<hbm>>
        %dma_start3A_2366 = arith.constant 0 : i32
        %dma_start3A_2367 = arith.constant 0 : i32
        %dma_start3A_2368 = arith.constant 0 : i32
        %dma_start3A_2369 = tpu.memref_slice %arg9[%squeeze3A_2357, %dma_start3A_2366, %dma_start3A_2367, %dma_start3A_2368] : memref<16x4x8x128xf32, #tpu.memory_space<vmem>> -> memref<1x4x8x128xf32, #tpu.memory_space<vmem>>
        %dma_start3A_2370 = tpu.memref_squeeze %dma_start3A_2369 : memref<1x4x8x128xf32, #tpu.memory_space<vmem>> -> memref<4x8x128xf32, #tpu.memory_space<vmem>>
        %dma_start3A_2371 = arith.constant 4 : i32
        %dma_start3A_2372 = arith.constant 0 : i32
        %dma_start3A_2373 = tpu.memref_slice %arg2[%dma_start3A_2371, %dma_start3A_2372, %multiple_of3A_2355] : memref<8x8x1000000xf32, #tpu.memory_space<hbm>> -> memref<4x8x128xf32, #tpu.memory_space<hbm>>
        tpu.enqueue_dma source(%dma_start3A_2373 : memref<4x8x128xf32, #tpu.memory_space<hbm>>) target(%dma_start3A_2370 : memref<4x8x128xf32, #tpu.memory_space<vmem>>) target_semaphore(%arg11 : memref<!tpu.dma_semaphore, #tpu.memory_space<semaphore_mem>>)
      } else {
      }
      %slice3A_1212 = vector.extract_strided_slice %select_n3A {offsets = [4], sizes = [1], strides = [1]} : vector<16xi32> to vector<1xi32>
      %squeeze3A_1213 = vector.extract %slice3A_1212[0] : i32 from vector<1xi32>
      %gt3A_1214 = arith.constant 0 : i32
      %gt3A_1215 = arith.cmpi sgt, %squeeze3A_1213, %gt3A_1214 : i32
      %convert_element_type3A_1216 = arith.extui %gt3A_1215 : i1 to i32
      %cond3A_1217 = arith.constant 0 : i32
      %cond3A_1218 = arith.cmpi ne, %convert_element_type3A_1216, %cond3A_1217 : i32
      scf.if %cond3A_1218 {
        %slice3A_2351 = vector.extract_strided_slice %get3A_239 {offsets = [4], sizes = [1], strides = [1]} : vector<16xi32> to vector<1xi32>
        %squeeze3A_2352 = vector.extract %slice3A_2351[0] : i32 from vector<1xi32>
        %and3A_2353 = arith.constant -128 : i32
        %and3A_2354 = arith.andi %squeeze3A_2352, %and3A_2353 : i32
        %multiple_of3A_2355 = tpu.assume_multiple %and3A_2354, 128 : i32
        %slice3A_2356 = vector.extract_strided_slice %sub3A_256 {offsets = [4], sizes = [1], strides = [1]} : vector<16xi32> to vector<1xi32>
        %squeeze3A_2357 = vector.extract %slice3A_2356[0] : i32 from vector<1xi32>
        %dma_start3A_2358 = arith.constant 0 : i32
        %dma_start3A_2359 = arith.constant 0 : i32
        %dma_start3A_2360 = arith.constant 0 : i32
        %dma_start3A_2361 = tpu.memref_slice %arg9[%squeeze3A_2357, %dma_start3A_2358, %dma_start3A_2359, %dma_start3A_2360] : memref<16x4x8x128xf32, #tpu.memory_space<vmem>> -> memref<1x4x8x128xf32, #tpu.memory_space<vmem>>
        %dma_start3A_2362 = tpu.memref_squeeze %dma_start3A_2361 : memref<1x4x8x128xf32, #tpu.memory_space<vmem>> -> memref<4x8x128xf32, #tpu.memory_space<vmem>>
        %dma_start3A_2363 = arith.constant 4 : i32
        %dma_start3A_2364 = arith.constant 0 : i32
        %dma_start3A_2365 = tpu.memref_slice %arg2[%dma_start3A_2363, %dma_start3A_2364, %multiple_of3A_2355] : memref<8x8x1000000xf32, #tpu.memory_space<hbm>> -> memref<4x8x128xf32, #tpu.memory_space<hbm>>
        %dma_start3A_2366 = arith.constant 0 : i32
        %dma_start3A_2367 = arith.constant 0 : i32
        %dma_start3A_2368 = arith.constant 0 : i32
        %dma_start3A_2369 = tpu.memref_slice %arg9[%squeeze3A_2357, %dma_start3A_2366, %dma_start3A_2367, %dma_start3A_2368] : memref<16x4x8x128xf32, #tpu.memory_space<vmem>> -> memref<1x4x8x128xf32, #tpu.memory_space<vmem>>
        %dma_start3A_2370 = tpu.memref_squeeze %dma_start3A_2369 : memref<1x4x8x128xf32, #tpu.memory_space<vmem>> -> memref<4x8x128xf32, #tpu.memory_space<vmem>>
        %dma_start3A_2371 = arith.constant 4 : i32
        %dma_start3A_2372 = arith.constant 0 : i32
        %dma_start3A_2373 = tpu.memref_slice %arg2[%dma_start3A_2371, %dma_start3A_2372, %multiple_of3A_2355] : memref<8x8x1000000xf32, #tpu.memory_space<hbm>> -> memref<4x8x128xf32, #tpu.memory_space<hbm>>
        tpu.enqueue_dma source(%dma_start3A_2373 : memref<4x8x128xf32, #tpu.memory_space<hbm>>) target(%dma_start3A_2370 : memref<4x8x128xf32, #tpu.memory_space<vmem>>) target_semaphore(%arg11 : memref<!tpu.dma_semaphore, #tpu.memory_space<semaphore_mem>>)
      } else {
      }
      %slice3A_1219 = vector.extract_strided_slice %select_n3A {offsets = [5], sizes = [1], strides = [1]} : vector<16xi32> to vector<1xi32>
      %squeeze3A_1220 = vector.extract %slice3A_1219[0] : i32 from vector<1xi32>
      %gt3A_1221 = arith.constant 0 : i32
      %gt3A_1222 = arith.cmpi sgt, %squeeze3A_1220, %gt3A_1221 : i32
      %convert_element_type3A_1223 = arith.extui %gt3A_1222 : i1 to i32
      %cond3A_1224 = arith.constant 0 : i32
      %cond3A_1225 = arith.cmpi ne, %convert_element_type3A_1223, %cond3A_1224 : i32
      scf.if %cond3A_1225 {
        %slice3A_2351 = vector.extract_strided_slice %get3A_239 {offsets = [5], sizes = [1], strides = [1]} : vector<16xi32> to vector<1xi32>
        %squeeze3A_2352 = vector.extract %slice3A_2351[0] : i32 from vector<1xi32>
        %and3A_2353 = arith.constant -128 : i32
        %and3A_2354 = arith.andi %squeeze3A_2352, %and3A_2353 : i32
        %multiple_of3A_2355 = tpu.assume_multiple %and3A_2354, 128 : i32
        %slice3A_2356 = vector.extract_strided_slice %sub3A_256 {offsets = [5], sizes = [1], strides = [1]} : vector<16xi32> to vector<1xi32>
        %squeeze3A_2357 = vector.extract %slice3A_2356[0] : i32 from vector<1xi32>
        %dma_start3A_2358 = arith.constant 0 : i32
        %dma_start3A_2359 = arith.constant 0 : i32
        %dma_start3A_2360 = arith.constant 0 : i32
        %dma_start3A_2361 = tpu.memref_slice %arg9[%squeeze3A_2357, %dma_start3A_2358, %dma_start3A_2359, %dma_start3A_2360] : memref<16x4x8x128xf32, #tpu.memory_space<vmem>> -> memref<1x4x8x128xf32, #tpu.memory_space<vmem>>
        %dma_start3A_2362 = tpu.memref_squeeze %dma_start3A_2361 : memref<1x4x8x128xf32, #tpu.memory_space<vmem>> -> memref<4x8x128xf32, #tpu.memory_space<vmem>>
        %dma_start3A_2363 = arith.constant 4 : i32
        %dma_start3A_2364 = arith.constant 0 : i32
        %dma_start3A_2365 = tpu.memref_slice %arg2[%dma_start3A_2363, %dma_start3A_2364, %multiple_of3A_2355] : memref<8x8x1000000xf32, #tpu.memory_space<hbm>> -> memref<4x8x128xf32, #tpu.memory_space<hbm>>
        %dma_start3A_2366 = arith.constant 0 : i32
        %dma_start3A_2367 = arith.constant 0 : i32
        %dma_start3A_2368 = arith.constant 0 : i32
        %dma_start3A_2369 = tpu.memref_slice %arg9[%squeeze3A_2357, %dma_start3A_2366, %dma_start3A_2367, %dma_start3A_2368] : memref<16x4x8x128xf32, #tpu.memory_space<vmem>> -> memref<1x4x8x128xf32, #tpu.memory_space<vmem>>
        %dma_start3A_2370 = tpu.memref_squeeze %dma_start3A_2369 : memref<1x4x8x128xf32, #tpu.memory_space<vmem>> -> memref<4x8x128xf32, #tpu.memory_space<vmem>>
        %dma_start3A_2371 = arith.constant 4 : i32
        %dma_start3A_2372 = arith.constant 0 : i32
        %dma_start3A_2373 = tpu.memref_slice %arg2[%dma_start3A_2371, %dma_start3A_2372, %multiple_of3A_2355] : memref<8x8x1000000xf32, #tpu.memory_space<hbm>> -> memref<4x8x128xf32, #tpu.memory_space<hbm>>
        tpu.enqueue_dma source(%dma_start3A_2373 : memref<4x8x128xf32, #tpu.memory_space<hbm>>) target(%dma_start3A_2370 : memref<4x8x128xf32, #tpu.memory_space<vmem>>) target_semaphore(%arg11 : memref<!tpu.dma_semaphore, #tpu.memory_space<semaphore_mem>>)
      } else {
      }
      %slice3A_1226 = vector.extract_strided_slice %select_n3A {offsets = [6], sizes = [1], strides = [1]} : vector<16xi32> to vector<1xi32>
      %squeeze3A_1227 = vector.extract %slice3A_1226[0] : i32 from vector<1xi32>
      %gt3A_1228 = arith.constant 0 : i32
      %gt3A_1229 = arith.cmpi sgt, %squeeze3A_1227, %gt3A_1228 : i32
      %convert_element_type3A_1230 = arith.extui %gt3A_1229 : i1 to i32
      %cond3A_1231 = arith.constant 0 : i32
      %cond3A_1232 = arith.cmpi ne, %convert_element_type3A_1230, %cond3A_1231 : i32
      scf.if %cond3A_1232 {
        %slice3A_2351 = vector.extract_strided_slice %get3A_239 {offsets = [6], sizes = [1], strides = [1]} : vector<16xi32> to vector<1xi32>
        %squeeze3A_2352 = vector.extract %slice3A_2351[0] : i32 from vector<1xi32>
        %and3A_2353 = arith.constant -128 : i32
        %and3A_2354 = arith.andi %squeeze3A_2352, %and3A_2353 : i32
        %multiple_of3A_2355 = tpu.assume_multiple %and3A_2354, 128 : i32
        %slice3A_2356 = vector.extract_strided_slice %sub3A_256 {offsets = [6], sizes = [1], strides = [1]} : vector<16xi32> to vector<1xi32>
        %squeeze3A_2357 = vector.extract %slice3A_2356[0] : i32 from vector<1xi32>
        %dma_start3A_2358 = arith.constant 0 : i32
        %dma_start3A_2359 = arith.constant 0 : i32
        %dma_start3A_2360 = arith.constant 0 : i32
        %dma_start3A_2361 = tpu.memref_slice %arg9[%squeeze3A_2357, %dma_start3A_2358, %dma_start3A_2359, %dma_start3A_2360] : memref<16x4x8x128xf32, #tpu.memory_space<vmem>> -> memref<1x4x8x128xf32, #tpu.memory_space<vmem>>
        %dma_start3A_2362 = tpu.memref_squeeze %dma_start3A_2361 : memref<1x4x8x128xf32, #tpu.memory_space<vmem>> -> memref<4x8x128xf32, #tpu.memory_space<vmem>>
        %dma_start3A_2363 = arith.constant 4 : i32
        %dma_start3A_2364 = arith.constant 0 : i32
        %dma_start3A_2365 = tpu.memref_slice %arg2[%dma_start3A_2363, %dma_start3A_2364, %multiple_of3A_2355] : memref<8x8x1000000xf32, #tpu.memory_space<hbm>> -> memref<4x8x128xf32, #tpu.memory_space<hbm>>
        %dma_start3A_2366 = arith.constant 0 : i32
        %dma_start3A_2367 = arith.constant 0 : i32
        %dma_start3A_2368 = arith.constant 0 : i32
        %dma_start3A_2369 = tpu.memref_slice %arg9[%squeeze3A_2357, %dma_start3A_2366, %dma_start3A_2367, %dma_start3A_2368] : memref<16x4x8x128xf32, #tpu.memory_space<vmem>> -> memref<1x4x8x128xf32, #tpu.memory_space<vmem>>
        %dma_start3A_2370 = tpu.memref_squeeze %dma_start3A_2369 : memref<1x4x8x128xf32, #tpu.memory_space<vmem>> -> memref<4x8x128xf32, #tpu.memory_space<vmem>>
        %dma_start3A_2371 = arith.constant 4 : i32
        %dma_start3A_2372 = arith.constant 0 : i32
        %dma_start3A_2373 = tpu.memref_slice %arg2[%dma_start3A_2371, %dma_start3A_2372, %multiple_of3A_2355] : memref<8x8x1000000xf32, #tpu.memory_space<hbm>> -> memref<4x8x128xf32, #tpu.memory_space<hbm>>
        tpu.enqueue_dma source(%dma_start3A_2373 : memref<4x8x128xf32, #tpu.memory_space<hbm>>) target(%dma_start3A_2370 : memref<4x8x128xf32, #tpu.memory_space<vmem>>) target_semaphore(%arg11 : memref<!tpu.dma_semaphore, #tpu.memory_space<semaphore_mem>>)
      } else {
      }
      %slice3A_1233 = vector.extract_strided_slice %select_n3A {offsets = [7], sizes = [1], strides = [1]} : vector<16xi32> to vector<1xi32>
      %squeeze3A_1234 = vector.extract %slice3A_1233[0] : i32 from vector<1xi32>
      %gt3A_1235 = arith.constant 0 : i32
      %gt3A_1236 = arith.cmpi sgt, %squeeze3A_1234, %gt3A_1235 : i32
      %convert_element_type3A_1237 = arith.extui %gt3A_1236 : i1 to i32
      %cond3A_1238 = arith.constant 0 : i32
      %cond3A_1239 = arith.cmpi ne, %convert_element_type3A_1237, %cond3A_1238 : i32
      scf.if %cond3A_1239 {
        %slice3A_2351 = vector.extract_strided_slice %get3A_239 {offsets = [7], sizes = [1], strides = [1]} : vector<16xi32> to vector<1xi32>
        %squeeze3A_2352 = vector.extract %slice3A_2351[0] : i32 from vector<1xi32>
        %and3A_2353 = arith.constant -128 : i32
        %and3A_2354 = arith.andi %squeeze3A_2352, %and3A_2353 : i32
        %multiple_of3A_2355 = tpu.assume_multiple %and3A_2354, 128 : i32
        %slice3A_2356 = vector.extract_strided_slice %sub3A_256 {offsets = [7], sizes = [1], strides = [1]} : vector<16xi32> to vector<1xi32>
        %squeeze3A_2357 = vector.extract %slice3A_2356[0] : i32 from vector<1xi32>
        %dma_start3A_2358 = arith.constant 0 : i32
        %dma_start3A_2359 = arith.constant 0 : i32
        %dma_start3A_2360 = arith.constant 0 : i32
        %dma_start3A_2361 = tpu.memref_slice %arg9[%squeeze3A_2357, %dma_start3A_2358, %dma_start3A_2359, %dma_start3A_2360] : memref<16x4x8x128xf32, #tpu.memory_space<vmem>> -> memref<1x4x8x128xf32, #tpu.memory_space<vmem>>
        %dma_start3A_2362 = tpu.memref_squeeze %dma_start3A_2361 : memref<1x4x8x128xf32, #tpu.memory_space<vmem>> -> memref<4x8x128xf32, #tpu.memory_space<vmem>>
        %dma_start3A_2363 = arith.constant 4 : i32
        %dma_start3A_2364 = arith.constant 0 : i32
        %dma_start3A_2365 = tpu.memref_slice %arg2[%dma_start3A_2363, %dma_start3A_2364, %multiple_of3A_2355] : memref<8x8x1000000xf32, #tpu.memory_space<hbm>> -> memref<4x8x128xf32, #tpu.memory_space<hbm>>
        %dma_start3A_2366 = arith.constant 0 : i32
        %dma_start3A_2367 = arith.constant 0 : i32
        %dma_start3A_2368 = arith.constant 0 : i32
        %dma_start3A_2369 = tpu.memref_slice %arg9[%squeeze3A_2357, %dma_start3A_2366, %dma_start3A_2367, %dma_start3A_2368] : memref<16x4x8x128xf32, #tpu.memory_space<vmem>> -> memref<1x4x8x128xf32, #tpu.memory_space<vmem>>
        %dma_start3A_2370 = tpu.memref_squeeze %dma_start3A_2369 : memref<1x4x8x128xf32, #tpu.memory_space<vmem>> -> memref<4x8x128xf32, #tpu.memory_space<vmem>>
        %dma_start3A_2371 = arith.constant 4 : i32
        %dma_start3A_2372 = arith.constant 0 : i32
        %dma_start3A_2373 = tpu.memref_slice %arg2[%dma_start3A_2371, %dma_start3A_2372, %multiple_of3A_2355] : memref<8x8x1000000xf32, #tpu.memory_space<hbm>> -> memref<4x8x128xf32, #tpu.memory_space<hbm>>
        tpu.enqueue_dma source(%dma_start3A_2373 : memref<4x8x128xf32, #tpu.memory_space<hbm>>) target(%dma_start3A_2370 : memref<4x8x128xf32, #tpu.memory_space<vmem>>) target_semaphore(%arg11 : memref<!tpu.dma_semaphore, #tpu.memory_space<semaphore_mem>>)
      } else {
      }
      %slice3A_1240 = vector.extract_strided_slice %select_n3A {offsets = [8], sizes = [1], strides = [1]} : vector<16xi32> to vector<1xi32>
      %squeeze3A_1241 = vector.extract %slice3A_1240[0] : i32 from vector<1xi32>
      %gt3A_1242 = arith.constant 0 : i32
      %gt3A_1243 = arith.cmpi sgt, %squeeze3A_1241, %gt3A_1242 : i32
      %convert_element_type3A_1244 = arith.extui %gt3A_1243 : i1 to i32
      %cond3A_1245 = arith.constant 0 : i32
      %cond3A_1246 = arith.cmpi ne, %convert_element_type3A_1244, %cond3A_1245 : i32
      scf.if %cond3A_1246 {
        %slice3A_2351 = vector.extract_strided_slice %get3A_239 {offsets = [8], sizes = [1], strides = [1]} : vector<16xi32> to vector<1xi32>
        %squeeze3A_2352 = vector.extract %slice3A_2351[0] : i32 from vector<1xi32>
        %and3A_2353 = arith.constant -128 : i32
        %and3A_2354 = arith.andi %squeeze3A_2352, %and3A_2353 : i32
        %multiple_of3A_2355 = tpu.assume_multiple %and3A_2354, 128 : i32
        %slice3A_2356 = vector.extract_strided_slice %sub3A_256 {offsets = [8], sizes = [1], strides = [1]} : vector<16xi32> to vector<1xi32>
        %squeeze3A_2357 = vector.extract %slice3A_2356[0] : i32 from vector<1xi32>
        %dma_start3A_2358 = arith.constant 0 : i32
        %dma_start3A_2359 = arith.constant 0 : i32
        %dma_start3A_2360 = arith.constant 0 : i32
        %dma_start3A_2361 = tpu.memref_slice %arg9[%squeeze3A_2357, %dma_start3A_2358, %dma_start3A_2359, %dma_start3A_2360] : memref<16x4x8x128xf32, #tpu.memory_space<vmem>> -> memref<1x4x8x128xf32, #tpu.memory_space<vmem>>
        %dma_start3A_2362 = tpu.memref_squeeze %dma_start3A_2361 : memref<1x4x8x128xf32, #tpu.memory_space<vmem>> -> memref<4x8x128xf32, #tpu.memory_space<vmem>>
        %dma_start3A_2363 = arith.constant 4 : i32
        %dma_start3A_2364 = arith.constant 0 : i32
        %dma_start3A_2365 = tpu.memref_slice %arg2[%dma_start3A_2363, %dma_start3A_2364, %multiple_of3A_2355] : memref<8x8x1000000xf32, #tpu.memory_space<hbm>> -> memref<4x8x128xf32, #tpu.memory_space<hbm>>
        %dma_start3A_2366 = arith.constant 0 : i32
        %dma_start3A_2367 = arith.constant 0 : i32
        %dma_start3A_2368 = arith.constant 0 : i32
        %dma_start3A_2369 = tpu.memref_slice %arg9[%squeeze3A_2357, %dma_start3A_2366, %dma_start3A_2367, %dma_start3A_2368] : memref<16x4x8x128xf32, #tpu.memory_space<vmem>> -> memref<1x4x8x128xf32, #tpu.memory_space<vmem>>
        %dma_start3A_2370 = tpu.memref_squeeze %dma_start3A_2369 : memref<1x4x8x128xf32, #tpu.memory_space<vmem>> -> memref<4x8x128xf32, #tpu.memory_space<vmem>>
        %dma_start3A_2371 = arith.constant 4 : i32
        %dma_start3A_2372 = arith.constant 0 : i32
        %dma_start3A_2373 = tpu.memref_slice %arg2[%dma_start3A_2371, %dma_start3A_2372, %multiple_of3A_2355] : memref<8x8x1000000xf32, #tpu.memory_space<hbm>> -> memref<4x8x128xf32, #tpu.memory_space<hbm>>
        tpu.enqueue_dma source(%dma_start3A_2373 : memref<4x8x128xf32, #tpu.memory_space<hbm>>) target(%dma_start3A_2370 : memref<4x8x128xf32, #tpu.memory_space<vmem>>) target_semaphore(%arg11 : memref<!tpu.dma_semaphore, #tpu.memory_space<semaphore_mem>>)
      } else {
      }
      %slice3A_1247 = vector.extract_strided_slice %select_n3A {offsets = [9], sizes = [1], strides = [1]} : vector<16xi32> to vector<1xi32>
      %squeeze3A_1248 = vector.extract %slice3A_1247[0] : i32 from vector<1xi32>
      %gt3A_1249 = arith.constant 0 : i32
      %gt3A_1250 = arith.cmpi sgt, %squeeze3A_1248, %gt3A_1249 : i32
      %convert_element_type3A_1251 = arith.extui %gt3A_1250 : i1 to i32
      %cond3A_1252 = arith.constant 0 : i32
      %cond3A_1253 = arith.cmpi ne, %convert_element_type3A_1251, %cond3A_1252 : i32
      scf.if %cond3A_1253 {
        %slice3A_2351 = vector.extract_strided_slice %get3A_239 {offsets = [9], sizes = [1], strides = [1]} : vector<16xi32> to vector<1xi32>
        %squeeze3A_2352 = vector.extract %slice3A_2351[0] : i32 from vector<1xi32>
        %and3A_2353 = arith.constant -128 : i32
        %and3A_2354 = arith.andi %squeeze3A_2352, %and3A_2353 : i32
        %multiple_of3A_2355 = tpu.assume_multiple %and3A_2354, 128 : i32
        %slice3A_2356 = vector.extract_strided_slice %sub3A_256 {offsets = [9], sizes = [1], strides = [1]} : vector<16xi32> to vector<1xi32>
        %squeeze3A_2357 = vector.extract %slice3A_2356[0] : i32 from vector<1xi32>
        %dma_start3A_2358 = arith.constant 0 : i32
        %dma_start3A_2359 = arith.constant 0 : i32
        %dma_start3A_2360 = arith.constant 0 : i32
        %dma_start3A_2361 = tpu.memref_slice %arg9[%squeeze3A_2357, %dma_start3A_2358, %dma_start3A_2359, %dma_start3A_2360] : memref<16x4x8x128xf32, #tpu.memory_space<vmem>> -> memref<1x4x8x128xf32, #tpu.memory_space<vmem>>
        %dma_start3A_2362 = tpu.memref_squeeze %dma_start3A_2361 : memref<1x4x8x128xf32, #tpu.memory_space<vmem>> -> memref<4x8x128xf32, #tpu.memory_space<vmem>>
        %dma_start3A_2363 = arith.constant 4 : i32
        %dma_start3A_2364 = arith.constant 0 : i32
        %dma_start3A_2365 = tpu.memref_slice %arg2[%dma_start3A_2363, %dma_start3A_2364, %multiple_of3A_2355] : memref<8x8x1000000xf32, #tpu.memory_space<hbm>> -> memref<4x8x128xf32, #tpu.memory_space<hbm>>
        %dma_start3A_2366 = arith.constant 0 : i32
        %dma_start3A_2367 = arith.constant 0 : i32
        %dma_start3A_2368 = arith.constant 0 : i32
        %dma_start3A_2369 = tpu.memref_slice %arg9[%squeeze3A_2357, %dma_start3A_2366, %dma_start3A_2367, %dma_start3A_2368] : memref<16x4x8x128xf32, #tpu.memory_space<vmem>> -> memref<1x4x8x128xf32, #tpu.memory_space<vmem>>
        %dma_start3A_2370 = tpu.memref_squeeze %dma_start3A_2369 : memref<1x4x8x128xf32, #tpu.memory_space<vmem>> -> memref<4x8x128xf32, #tpu.memory_space<vmem>>
        %dma_start3A_2371 = arith.constant 4 : i32
        %dma_start3A_2372 = arith.constant 0 : i32
        %dma_start3A_2373 = tpu.memref_slice %arg2[%dma_start3A_2371, %dma_start3A_2372, %multiple_of3A_2355] : memref<8x8x1000000xf32, #tpu.memory_space<hbm>> -> memref<4x8x128xf32, #tpu.memory_space<hbm>>
        tpu.enqueue_dma source(%dma_start3A_2373 : memref<4x8x128xf32, #tpu.memory_space<hbm>>) target(%dma_start3A_2370 : memref<4x8x128xf32, #tpu.memory_space<vmem>>) target_semaphore(%arg11 : memref<!tpu.dma_semaphore, #tpu.memory_space<semaphore_mem>>)
      } else {
      }
      %slice3A_1254 = vector.extract_strided_slice %select_n3A {offsets = [10], sizes = [1], strides = [1]} : vector<16xi32> to vector<1xi32>
      %squeeze3A_1255 = vector.extract %slice3A_1254[0] : i32 from vector<1xi32>
      %gt3A_1256 = arith.constant 0 : i32
      %gt3A_1257 = arith.cmpi sgt, %squeeze3A_1255, %gt3A_1256 : i32
      %convert_element_type3A_1258 = arith.extui %gt3A_1257 : i1 to i32
      %cond3A_1259 = arith.constant 0 : i32
      %cond3A_1260 = arith.cmpi ne, %convert_element_type3A_1258, %cond3A_1259 : i32
      scf.if %cond3A_1260 {
        %slice3A_2351 = vector.extract_strided_slice %get3A_239 {offsets = [10], sizes = [1], strides = [1]} : vector<16xi32> to vector<1xi32>
        %squeeze3A_2352 = vector.extract %slice3A_2351[0] : i32 from vector<1xi32>
        %and3A_2353 = arith.constant -128 : i32
        %and3A_2354 = arith.andi %squeeze3A_2352, %and3A_2353 : i32
        %multiple_of3A_2355 = tpu.assume_multiple %and3A_2354, 128 : i32
        %slice3A_2356 = vector.extract_strided_slice %sub3A_256 {offsets = [10], sizes = [1], strides = [1]} : vector<16xi32> to vector<1xi32>
        %squeeze3A_2357 = vector.extract %slice3A_2356[0] : i32 from vector<1xi32>
        %dma_start3A_2358 = arith.constant 0 : i32
        %dma_start3A_2359 = arith.constant 0 : i32
        %dma_start3A_2360 = arith.constant 0 : i32
        %dma_start3A_2361 = tpu.memref_slice %arg9[%squeeze3A_2357, %dma_start3A_2358, %dma_start3A_2359, %dma_start3A_2360] : memref<16x4x8x128xf32, #tpu.memory_space<vmem>> -> memref<1x4x8x128xf32, #tpu.memory_space<vmem>>
        %dma_start3A_2362 = tpu.memref_squeeze %dma_start3A_2361 : memref<1x4x8x128xf32, #tpu.memory_space<vmem>> -> memref<4x8x128xf32, #tpu.memory_space<vmem>>
        %dma_start3A_2363 = arith.constant 4 : i32
        %dma_start3A_2364 = arith.constant 0 : i32
        %dma_start3A_2365 = tpu.memref_slice %arg2[%dma_start3A_2363, %dma_start3A_2364, %multiple_of3A_2355] : memref<8x8x1000000xf32, #tpu.memory_space<hbm>> -> memref<4x8x128xf32, #tpu.memory_space<hbm>>
        %dma_start3A_2366 = arith.constant 0 : i32
        %dma_start3A_2367 = arith.constant 0 : i32
        %dma_start3A_2368 = arith.constant 0 : i32
        %dma_start3A_2369 = tpu.memref_slice %arg9[%squeeze3A_2357, %dma_start3A_2366, %dma_start3A_2367, %dma_start3A_2368] : memref<16x4x8x128xf32, #tpu.memory_space<vmem>> -> memref<1x4x8x128xf32, #tpu.memory_space<vmem>>
        %dma_start3A_2370 = tpu.memref_squeeze %dma_start3A_2369 : memref<1x4x8x128xf32, #tpu.memory_space<vmem>> -> memref<4x8x128xf32, #tpu.memory_space<vmem>>
        %dma_start3A_2371 = arith.constant 4 : i32
        %dma_start3A_2372 = arith.constant 0 : i32
        %dma_start3A_2373 = tpu.memref_slice %arg2[%dma_start3A_2371, %dma_start3A_2372, %multiple_of3A_2355] : memref<8x8x1000000xf32, #tpu.memory_space<hbm>> -> memref<4x8x128xf32, #tpu.memory_space<hbm>>
        tpu.enqueue_dma source(%dma_start3A_2373 : memref<4x8x128xf32, #tpu.memory_space<hbm>>) target(%dma_start3A_2370 : memref<4x8x128xf32, #tpu.memory_space<vmem>>) target_semaphore(%arg11 : memref<!tpu.dma_semaphore, #tpu.memory_space<semaphore_mem>>)
      } else {
      }
      %slice3A_1261 = vector.extract_strided_slice %select_n3A {offsets = [11], sizes = [1], strides = [1]} : vector<16xi32> to vector<1xi32>
      %squeeze3A_1262 = vector.extract %slice3A_1261[0] : i32 from vector<1xi32>
      %gt3A_1263 = arith.constant 0 : i32
      %gt3A_1264 = arith.cmpi sgt, %squeeze3A_1262, %gt3A_1263 : i32
      %convert_element_type3A_1265 = arith.extui %gt3A_1264 : i1 to i32
      %cond3A_1266 = arith.constant 0 : i32
      %cond3A_1267 = arith.cmpi ne, %convert_element_type3A_1265, %cond3A_1266 : i32
      scf.if %cond3A_1267 {
        %slice3A_2351 = vector.extract_strided_slice %get3A_239 {offsets = [11], sizes = [1], strides = [1]} : vector<16xi32> to vector<1xi32>
        %squeeze3A_2352 = vector.extract %slice3A_2351[0] : i32 from vector<1xi32>
        %and3A_2353 = arith.constant -128 : i32
        %and3A_2354 = arith.andi %squeeze3A_2352, %and3A_2353 : i32
        %multiple_of3A_2355 = tpu.assume_multiple %and3A_2354, 128 : i32
        %slice3A_2356 = vector.extract_strided_slice %sub3A_256 {offsets = [11], sizes = [1], strides = [1]} : vector<16xi32> to vector<1xi32>
        %squeeze3A_2357 = vector.extract %slice3A_2356[0] : i32 from vector<1xi32>
        %dma_start3A_2358 = arith.constant 0 : i32
        %dma_start3A_2359 = arith.constant 0 : i32
        %dma_start3A_2360 = arith.constant 0 : i32
        %dma_start3A_2361 = tpu.memref_slice %arg9[%squeeze3A_2357, %dma_start3A_2358, %dma_start3A_2359, %dma_start3A_2360] : memref<16x4x8x128xf32, #tpu.memory_space<vmem>> -> memref<1x4x8x128xf32, #tpu.memory_space<vmem>>
        %dma_start3A_2362 = tpu.memref_squeeze %dma_start3A_2361 : memref<1x4x8x128xf32, #tpu.memory_space<vmem>> -> memref<4x8x128xf32, #tpu.memory_space<vmem>>
        %dma_start3A_2363 = arith.constant 4 : i32
        %dma_start3A_2364 = arith.constant 0 : i32
        %dma_start3A_2365 = tpu.memref_slice %arg2[%dma_start3A_2363, %dma_start3A_2364, %multiple_of3A_2355] : memref<8x8x1000000xf32, #tpu.memory_space<hbm>> -> memref<4x8x128xf32, #tpu.memory_space<hbm>>
        %dma_start3A_2366 = arith.constant 0 : i32
        %dma_start3A_2367 = arith.constant 0 : i32
        %dma_start3A_2368 = arith.constant 0 : i32
        %dma_start3A_2369 = tpu.memref_slice %arg9[%squeeze3A_2357, %dma_start3A_2366, %dma_start3A_2367, %dma_start3A_2368] : memref<16x4x8x128xf32, #tpu.memory_space<vmem>> -> memref<1x4x8x128xf32, #tpu.memory_space<vmem>>
        %dma_start3A_2370 = tpu.memref_squeeze %dma_start3A_2369 : memref<1x4x8x128xf32, #tpu.memory_space<vmem>> -> memref<4x8x128xf32, #tpu.memory_space<vmem>>
        %dma_start3A_2371 = arith.constant 4 : i32
        %dma_start3A_2372 = arith.constant 0 : i32
        %dma_start3A_2373 = tpu.memref_slice %arg2[%dma_start3A_2371, %dma_start3A_2372, %multiple_of3A_2355] : memref<8x8x1000000xf32, #tpu.memory_space<hbm>> -> memref<4x8x128xf32, #tpu.memory_space<hbm>>
        tpu.enqueue_dma source(%dma_start3A_2373 : memref<4x8x128xf32, #tpu.memory_space<hbm>>) target(%dma_start3A_2370 : memref<4x8x128xf32, #tpu.memory_space<vmem>>) target_semaphore(%arg11 : memref<!tpu.dma_semaphore, #tpu.memory_space<semaphore_mem>>)
      } else {
      }
      %slice3A_1268 = vector.extract_strided_slice %select_n3A {offsets = [12], sizes = [1], strides = [1]} : vector<16xi32> to vector<1xi32>
      %squeeze3A_1269 = vector.extract %slice3A_1268[0] : i32 from vector<1xi32>
      %gt3A_1270 = arith.constant 0 : i32
      %gt3A_1271 = arith.cmpi sgt, %squeeze3A_1269, %gt3A_1270 : i32
      %convert_element_type3A_1272 = arith.extui %gt3A_1271 : i1 to i32
      %cond3A_1273 = arith.constant 0 : i32
      %cond3A_1274 = arith.cmpi ne, %convert_element_type3A_1272, %cond3A_1273 : i32
      scf.if %cond3A_1274 {
        %slice3A_2351 = vector.extract_strided_slice %get3A_239 {offsets = [12], sizes = [1], strides = [1]} : vector<16xi32> to vector<1xi32>
        %squeeze3A_2352 = vector.extract %slice3A_2351[0] : i32 from vector<1xi32>
        %and3A_2353 = arith.constant -128 : i32
        %and3A_2354 = arith.andi %squeeze3A_2352, %and3A_2353 : i32
        %multiple_of3A_2355 = tpu.assume_multiple %and3A_2354, 128 : i32
        %slice3A_2356 = vector.extract_strided_slice %sub3A_256 {offsets = [12], sizes = [1], strides = [1]} : vector<16xi32> to vector<1xi32>
        %squeeze3A_2357 = vector.extract %slice3A_2356[0] : i32 from vector<1xi32>
        %dma_start3A_2358 = arith.constant 0 : i32
        %dma_start3A_2359 = arith.constant 0 : i32
        %dma_start3A_2360 = arith.constant 0 : i32
        %dma_start3A_2361 = tpu.memref_slice %arg9[%squeeze3A_2357, %dma_start3A_2358, %dma_start3A_2359, %dma_start3A_2360] : memref<16x4x8x128xf32, #tpu.memory_space<vmem>> -> memref<1x4x8x128xf32, #tpu.memory_space<vmem>>
        %dma_start3A_2362 = tpu.memref_squeeze %dma_start3A_2361 : memref<1x4x8x128xf32, #tpu.memory_space<vmem>> -> memref<4x8x128xf32, #tpu.memory_space<vmem>>
        %dma_start3A_2363 = arith.constant 4 : i32
        %dma_start3A_2364 = arith.constant 0 : i32
        %dma_start3A_2365 = tpu.memref_slice %arg2[%dma_start3A_2363, %dma_start3A_2364, %multiple_of3A_2355] : memref<8x8x1000000xf32, #tpu.memory_space<hbm>> -> memref<4x8x128xf32, #tpu.memory_space<hbm>>
        %dma_start3A_2366 = arith.constant 0 : i32
        %dma_start3A_2367 = arith.constant 0 : i32
        %dma_start3A_2368 = arith.constant 0 : i32
        %dma_start3A_2369 = tpu.memref_slice %arg9[%squeeze3A_2357, %dma_start3A_2366, %dma_start3A_2367, %dma_start3A_2368] : memref<16x4x8x128xf32, #tpu.memory_space<vmem>> -> memref<1x4x8x128xf32, #tpu.memory_space<vmem>>
        %dma_start3A_2370 = tpu.memref_squeeze %dma_start3A_2369 : memref<1x4x8x128xf32, #tpu.memory_space<vmem>> -> memref<4x8x128xf32, #tpu.memory_space<vmem>>
        %dma_start3A_2371 = arith.constant 4 : i32
        %dma_start3A_2372 = arith.constant 0 : i32
        %dma_start3A_2373 = tpu.memref_slice %arg2[%dma_start3A_2371, %dma_start3A_2372, %multiple_of3A_2355] : memref<8x8x1000000xf32, #tpu.memory_space<hbm>> -> memref<4x8x128xf32, #tpu.memory_space<hbm>>
        tpu.enqueue_dma source(%dma_start3A_2373 : memref<4x8x128xf32, #tpu.memory_space<hbm>>) target(%dma_start3A_2370 : memref<4x8x128xf32, #tpu.memory_space<vmem>>) target_semaphore(%arg11 : memref<!tpu.dma_semaphore, #tpu.memory_space<semaphore_mem>>)
      } else {
      }
      %slice3A_1275 = vector.extract_strided_slice %select_n3A {offsets = [13], sizes = [1], strides = [1]} : vector<16xi32> to vector<1xi32>
      %squeeze3A_1276 = vector.extract %slice3A_1275[0] : i32 from vector<1xi32>
      %gt3A_1277 = arith.constant 0 : i32
      %gt3A_1278 = arith.cmpi sgt, %squeeze3A_1276, %gt3A_1277 : i32
      %convert_element_type3A_1279 = arith.extui %gt3A_1278 : i1 to i32
      %cond3A_1280 = arith.constant 0 : i32
      %cond3A_1281 = arith.cmpi ne, %convert_element_type3A_1279, %cond3A_1280 : i32
      scf.if %cond3A_1281 {
        %slice3A_2351 = vector.extract_strided_slice %get3A_239 {offsets = [13], sizes = [1], strides = [1]} : vector<16xi32> to vector<1xi32>
        %squeeze3A_2352 = vector.extract %slice3A_2351[0] : i32 from vector<1xi32>
        %and3A_2353 = arith.constant -128 : i32
        %and3A_2354 = arith.andi %squeeze3A_2352, %and3A_2353 : i32
        %multiple_of3A_2355 = tpu.assume_multiple %and3A_2354, 128 : i32
        %slice3A_2356 = vector.extract_strided_slice %sub3A_256 {offsets = [13], sizes = [1], strides = [1]} : vector<16xi32> to vector<1xi32>
        %squeeze3A_2357 = vector.extract %slice3A_2356[0] : i32 from vector<1xi32>
        %dma_start3A_2358 = arith.constant 0 : i32
        %dma_start3A_2359 = arith.constant 0 : i32
        %dma_start3A_2360 = arith.constant 0 : i32
        %dma_start3A_2361 = tpu.memref_slice %arg9[%squeeze3A_2357, %dma_start3A_2358, %dma_start3A_2359, %dma_start3A_2360] : memref<16x4x8x128xf32, #tpu.memory_space<vmem>> -> memref<1x4x8x128xf32, #tpu.memory_space<vmem>>
        %dma_start3A_2362 = tpu.memref_squeeze %dma_start3A_2361 : memref<1x4x8x128xf32, #tpu.memory_space<vmem>> -> memref<4x8x128xf32, #tpu.memory_space<vmem>>
        %dma_start3A_2363 = arith.constant 4 : i32
        %dma_start3A_2364 = arith.constant 0 : i32
        %dma_start3A_2365 = tpu.memref_slice %arg2[%dma_start3A_2363, %dma_start3A_2364, %multiple_of3A_2355] : memref<8x8x1000000xf32, #tpu.memory_space<hbm>> -> memref<4x8x128xf32, #tpu.memory_space<hbm>>
        %dma_start3A_2366 = arith.constant 0 : i32
        %dma_start3A_2367 = arith.constant 0 : i32
        %dma_start3A_2368 = arith.constant 0 : i32
        %dma_start3A_2369 = tpu.memref_slice %arg9[%squeeze3A_2357, %dma_start3A_2366, %dma_start3A_2367, %dma_start3A_2368] : memref<16x4x8x128xf32, #tpu.memory_space<vmem>> -> memref<1x4x8x128xf32, #tpu.memory_space<vmem>>
        %dma_start3A_2370 = tpu.memref_squeeze %dma_start3A_2369 : memref<1x4x8x128xf32, #tpu.memory_space<vmem>> -> memref<4x8x128xf32, #tpu.memory_space<vmem>>
        %dma_start3A_2371 = arith.constant 4 : i32
        %dma_start3A_2372 = arith.constant 0 : i32
        %dma_start3A_2373 = tpu.memref_slice %arg2[%dma_start3A_2371, %dma_start3A_2372, %multiple_of3A_2355] : memref<8x8x1000000xf32, #tpu.memory_space<hbm>> -> memref<4x8x128xf32, #tpu.memory_space<hbm>>
        tpu.enqueue_dma source(%dma_start3A_2373 : memref<4x8x128xf32, #tpu.memory_space<hbm>>) target(%dma_start3A_2370 : memref<4x8x128xf32, #tpu.memory_space<vmem>>) target_semaphore(%arg11 : memref<!tpu.dma_semaphore, #tpu.memory_space<semaphore_mem>>)
      } else {
      }
      %slice3A_1282 = vector.extract_strided_slice %select_n3A {offsets = [14], sizes = [1], strides = [1]} : vector<16xi32> to vector<1xi32>
      %squeeze3A_1283 = vector.extract %slice3A_1282[0] : i32 from vector<1xi32>
      %gt3A_1284 = arith.constant 0 : i32
      %gt3A_1285 = arith.cmpi sgt, %squeeze3A_1283, %gt3A_1284 : i32
      %convert_element_type3A_1286 = arith.extui %gt3A_1285 : i1 to i32
      %cond3A_1287 = arith.constant 0 : i32
      %cond3A_1288 = arith.cmpi ne, %convert_element_type3A_1286, %cond3A_1287 : i32
      scf.if %cond3A_1288 {
        %slice3A_2351 = vector.extract_strided_slice %get3A_239 {offsets = [14], sizes = [1], strides = [1]} : vector<16xi32> to vector<1xi32>
        %squeeze3A_2352 = vector.extract %slice3A_2351[0] : i32 from vector<1xi32>
        %and3A_2353 = arith.constant -128 : i32
        %and3A_2354 = arith.andi %squeeze3A_2352, %and3A_2353 : i32
        %multiple_of3A_2355 = tpu.assume_multiple %and3A_2354, 128 : i32
        %slice3A_2356 = vector.extract_strided_slice %sub3A_256 {offsets = [14], sizes = [1], strides = [1]} : vector<16xi32> to vector<1xi32>
        %squeeze3A_2357 = vector.extract %slice3A_2356[0] : i32 from vector<1xi32>
        %dma_start3A_2358 = arith.constant 0 : i32
        %dma_start3A_2359 = arith.constant 0 : i32
        %dma_start3A_2360 = arith.constant 0 : i32
        %dma_start3A_2361 = tpu.memref_slice %arg9[%squeeze3A_2357, %dma_start3A_2358, %dma_start3A_2359, %dma_start3A_2360] : memref<16x4x8x128xf32, #tpu.memory_space<vmem>> -> memref<1x4x8x128xf32, #tpu.memory_space<vmem>>
        %dma_start3A_2362 = tpu.memref_squeeze %dma_start3A_2361 : memref<1x4x8x128xf32, #tpu.memory_space<vmem>> -> memref<4x8x128xf32, #tpu.memory_space<vmem>>
        %dma_start3A_2363 = arith.constant 4 : i32
        %dma_start3A_2364 = arith.constant 0 : i32
        %dma_start3A_2365 = tpu.memref_slice %arg2[%dma_start3A_2363, %dma_start3A_2364, %multiple_of3A_2355] : memref<8x8x1000000xf32, #tpu.memory_space<hbm>> -> memref<4x8x128xf32, #tpu.memory_space<hbm>>
        %dma_start3A_2366 = arith.constant 0 : i32
        %dma_start3A_2367 = arith.constant 0 : i32
        %dma_start3A_2368 = arith.constant 0 : i32
        %dma_start3A_2369 = tpu.memref_slice %arg9[%squeeze3A_2357, %dma_start3A_2366, %dma_start3A_2367, %dma_start3A_2368] : memref<16x4x8x128xf32, #tpu.memory_space<vmem>> -> memref<1x4x8x128xf32, #tpu.memory_space<vmem>>
        %dma_start3A_2370 = tpu.memref_squeeze %dma_start3A_2369 : memref<1x4x8x128xf32, #tpu.memory_space<vmem>> -> memref<4x8x128xf32, #tpu.memory_space<vmem>>
        %dma_start3A_2371 = arith.constant 4 : i32
        %dma_start3A_2372 = arith.constant 0 : i32
        %dma_start3A_2373 = tpu.memref_slice %arg2[%dma_start3A_2371, %dma_start3A_2372, %multiple_of3A_2355] : memref<8x8x1000000xf32, #tpu.memory_space<hbm>> -> memref<4x8x128xf32, #tpu.memory_space<hbm>>
        tpu.enqueue_dma source(%dma_start3A_2373 : memref<4x8x128xf32, #tpu.memory_space<hbm>>) target(%dma_start3A_2370 : memref<4x8x128xf32, #tpu.memory_space<vmem>>) target_semaphore(%arg11 : memref<!tpu.dma_semaphore, #tpu.memory_space<semaphore_mem>>)
      } else {
      }
      %slice3A_1289 = vector.extract_strided_slice %select_n3A {offsets = [15], sizes = [1], strides = [1]} : vector<16xi32> to vector<1xi32>
      %squeeze3A_1290 = vector.extract %slice3A_1289[0] : i32 from vector<1xi32>
      %gt3A_1291 = arith.constant 0 : i32
      %gt3A_1292 = arith.cmpi sgt, %squeeze3A_1290, %gt3A_1291 : i32
      %convert_element_type3A_1293 = arith.extui %gt3A_1292 : i1 to i32
      %cond3A_1294 = arith.constant 0 : i32
      %cond3A_1295 = arith.cmpi ne, %convert_element_type3A_1293, %cond3A_1294 : i32
      scf.if %cond3A_1295 {
        %slice3A_2351 = vector.extract_strided_slice %get3A_239 {offsets = [15], sizes = [1], strides = [1]} : vector<16xi32> to vector<1xi32>
        %squeeze3A_2352 = vector.extract %slice3A_2351[0] : i32 from vector<1xi32>
        %and3A_2353 = arith.constant -128 : i32
        %and3A_2354 = arith.andi %squeeze3A_2352, %and3A_2353 : i32
        %multiple_of3A_2355 = tpu.assume_multiple %and3A_2354, 128 : i32
        %slice3A_2356 = vector.extract_strided_slice %sub3A_256 {offsets = [15], sizes = [1], strides = [1]} : vector<16xi32> to vector<1xi32>
        %squeeze3A_2357 = vector.extract %slice3A_2356[0] : i32 from vector<1xi32>
        %dma_start3A_2358 = arith.constant 0 : i32
        %dma_start3A_2359 = arith.constant 0 : i32
        %dma_start3A_2360 = arith.constant 0 : i32
        %dma_start3A_2361 = tpu.memref_slice %arg9[%squeeze3A_2357, %dma_start3A_2358, %dma_start3A_2359, %dma_start3A_2360] : memref<16x4x8x128xf32, #tpu.memory_space<vmem>> -> memref<1x4x8x128xf32, #tpu.memory_space<vmem>>
        %dma_start3A_2362 = tpu.memref_squeeze %dma_start3A_2361 : memref<1x4x8x128xf32, #tpu.memory_space<vmem>> -> memref<4x8x128xf32, #tpu.memory_space<vmem>>
        %dma_start3A_2363 = arith.constant 4 : i32
        %dma_start3A_2364 = arith.constant 0 : i32
        %dma_start3A_2365 = tpu.memref_slice %arg2[%dma_start3A_2363, %dma_start3A_2364, %multiple_of3A_2355] : memref<8x8x1000000xf32, #tpu.memory_space<hbm>> -> memref<4x8x128xf32, #tpu.memory_space<hbm>>
        %dma_start3A_2366 = arith.constant 0 : i32
        %dma_start3A_2367 = arith.constant 0 : i32
        %dma_start3A_2368 = arith.constant 0 : i32
        %dma_start3A_2369 = tpu.memref_slice %arg9[%squeeze3A_2357, %dma_start3A_2366, %dma_start3A_2367, %dma_start3A_2368] : memref<16x4x8x128xf32, #tpu.memory_space<vmem>> -> memref<1x4x8x128xf32, #tpu.memory_space<vmem>>
        %dma_start3A_2370 = tpu.memref_squeeze %dma_start3A_2369 : memref<1x4x8x128xf32, #tpu.memory_space<vmem>> -> memref<4x8x128xf32, #tpu.memory_space<vmem>>
        %dma_start3A_2371 = arith.constant 4 : i32
        %dma_start3A_2372 = arith.constant 0 : i32
        %dma_start3A_2373 = tpu.memref_slice %arg2[%dma_start3A_2371, %dma_start3A_2372, %multiple_of3A_2355] : memref<8x8x1000000xf32, #tpu.memory_space<hbm>> -> memref<4x8x128xf32, #tpu.memory_space<hbm>>
        tpu.enqueue_dma source(%dma_start3A_2373 : memref<4x8x128xf32, #tpu.memory_space<hbm>>) target(%dma_start3A_2370 : memref<4x8x128xf32, #tpu.memory_space<vmem>>) target_semaphore(%arg11 : memref<!tpu.dma_semaphore, #tpu.memory_space<semaphore_mem>>)
      } else {
      }
      %slice3A_1296 = vector.extract_strided_slice %select_n3A {offsets = [0], sizes = [1], strides = [1]} : vector<16xi32> to vector<1xi32>
      %squeeze3A_1297 = vector.extract %slice3A_1296[0] : i32 from vector<1xi32>
      %gt3A_1298 = arith.constant 0 : i32
      %gt3A_1299 = arith.cmpi sgt, %squeeze3A_1297, %gt3A_1298 : i32
      %convert_element_type3A_1300 = arith.extui %gt3A_1299 : i1 to i32
      %cond3A_1301 = arith.constant 0 : i32
      %cond3A_1302 = arith.cmpi ne, %convert_element_type3A_1300, %cond3A_1301 : i32
      scf.if %cond3A_1302 {
        %dma_wait3A_2351 = arith.constant 0 : i32
        %dma_wait3A_2352 = arith.constant 0 : i32
        %dma_wait3A_2353 = arith.constant 0 : i32
        %dma_wait3A_2354 = arith.constant 0 : i32
        %dma_wait3A_2355 = tpu.memref_slice %arg9[%dma_wait3A_2351, %dma_wait3A_2352, %dma_wait3A_2353, %dma_wait3A_2354] : memref<16x4x8x128xf32, #tpu.memory_space<vmem>> -> memref<1x4x8x128xf32, #tpu.memory_space<vmem>>
        %dma_wait3A_2356 = tpu.memref_squeeze %dma_wait3A_2355 : memref<1x4x8x128xf32, #tpu.memory_space<vmem>> -> memref<4x8x128xf32, #tpu.memory_space<vmem>>
        %dma_wait3A_2357 = arith.constant 0 : i32
        %dma_wait3A_2358 = arith.constant 0 : i32
        %dma_wait3A_2359 = arith.constant 0 : i32
        %dma_wait3A_2360 = tpu.memref_slice %arg2[%dma_wait3A_2357, %dma_wait3A_2358, %dma_wait3A_2359] : memref<8x8x1000000xf32, #tpu.memory_space<hbm>> -> memref<4x8x128xf32, #tpu.memory_space<hbm>>
        %dma_wait3A_2361 = arith.constant 0 : i32
        %dma_wait3A_2362 = arith.constant 0 : i32
        %dma_wait3A_2363 = arith.constant 0 : i32
        %dma_wait3A_2364 = tpu.memref_slice %arg9[%dma_wait3A_2351, %dma_wait3A_2361, %dma_wait3A_2362, %dma_wait3A_2363] : memref<16x4x8x128xf32, #tpu.memory_space<vmem>> -> memref<1x4x8x128xf32, #tpu.memory_space<vmem>>
        %dma_wait3A_2365 = tpu.memref_squeeze %dma_wait3A_2364 : memref<1x4x8x128xf32, #tpu.memory_space<vmem>> -> memref<4x8x128xf32, #tpu.memory_space<vmem>>
        %dma_wait3A_2366 = arith.constant 0 : i32
        %dma_wait3A_2367 = arith.constant 0 : i32
        %dma_wait3A_2368 = arith.constant 0 : i32
        %dma_wait3A_2369 = tpu.memref_slice %arg2[%dma_wait3A_2366, %dma_wait3A_2367, %dma_wait3A_2368] : memref<8x8x1000000xf32, #tpu.memory_space<hbm>> -> memref<4x8x128xf32, #tpu.memory_space<hbm>>
        tpu.wait_dma2 semaphore(%arg11 : memref<!tpu.dma_semaphore, #tpu.memory_space<semaphore_mem>>) src(%dma_wait3A_2369 : memref<4x8x128xf32, #tpu.memory_space<hbm>>) dst(%dma_wait3A_2365 : memref<4x8x128xf32, #tpu.memory_space<vmem>>)
      } else {
      }
      %slice3A_1303 = vector.extract_strided_slice %select_n3A {offsets = [1], sizes = [1], strides = [1]} : vector<16xi32> to vector<1xi32>
      %squeeze3A_1304 = vector.extract %slice3A_1303[0] : i32 from vector<1xi32>
      %gt3A_1305 = arith.constant 0 : i32
      %gt3A_1306 = arith.cmpi sgt, %squeeze3A_1304, %gt3A_1305 : i32
      %convert_element_type3A_1307 = arith.extui %gt3A_1306 : i1 to i32
      %cond3A_1308 = arith.constant 0 : i32
      %cond3A_1309 = arith.cmpi ne, %convert_element_type3A_1307, %cond3A_1308 : i32
      scf.if %cond3A_1309 {
        %dma_wait3A_2351 = arith.constant 0 : i32
        %dma_wait3A_2352 = arith.constant 0 : i32
        %dma_wait3A_2353 = arith.constant 0 : i32
        %dma_wait3A_2354 = arith.constant 0 : i32
        %dma_wait3A_2355 = tpu.memref_slice %arg9[%dma_wait3A_2351, %dma_wait3A_2352, %dma_wait3A_2353, %dma_wait3A_2354] : memref<16x4x8x128xf32, #tpu.memory_space<vmem>> -> memref<1x4x8x128xf32, #tpu.memory_space<vmem>>
        %dma_wait3A_2356 = tpu.memref_squeeze %dma_wait3A_2355 : memref<1x4x8x128xf32, #tpu.memory_space<vmem>> -> memref<4x8x128xf32, #tpu.memory_space<vmem>>
        %dma_wait3A_2357 = arith.constant 0 : i32
        %dma_wait3A_2358 = arith.constant 0 : i32
        %dma_wait3A_2359 = arith.constant 0 : i32
        %dma_wait3A_2360 = tpu.memref_slice %arg2[%dma_wait3A_2357, %dma_wait3A_2358, %dma_wait3A_2359] : memref<8x8x1000000xf32, #tpu.memory_space<hbm>> -> memref<4x8x128xf32, #tpu.memory_space<hbm>>
        %dma_wait3A_2361 = arith.constant 0 : i32
        %dma_wait3A_2362 = arith.constant 0 : i32
        %dma_wait3A_2363 = arith.constant 0 : i32
        %dma_wait3A_2364 = tpu.memref_slice %arg9[%dma_wait3A_2351, %dma_wait3A_2361, %dma_wait3A_2362, %dma_wait3A_2363] : memref<16x4x8x128xf32, #tpu.memory_space<vmem>> -> memref<1x4x8x128xf32, #tpu.memory_space<vmem>>
        %dma_wait3A_2365 = tpu.memref_squeeze %dma_wait3A_2364 : memref<1x4x8x128xf32, #tpu.memory_space<vmem>> -> memref<4x8x128xf32, #tpu.memory_space<vmem>>
        %dma_wait3A_2366 = arith.constant 0 : i32
        %dma_wait3A_2367 = arith.constant 0 : i32
        %dma_wait3A_2368 = arith.constant 0 : i32
        %dma_wait3A_2369 = tpu.memref_slice %arg2[%dma_wait3A_2366, %dma_wait3A_2367, %dma_wait3A_2368] : memref<8x8x1000000xf32, #tpu.memory_space<hbm>> -> memref<4x8x128xf32, #tpu.memory_space<hbm>>
        tpu.wait_dma2 semaphore(%arg11 : memref<!tpu.dma_semaphore, #tpu.memory_space<semaphore_mem>>) src(%dma_wait3A_2369 : memref<4x8x128xf32, #tpu.memory_space<hbm>>) dst(%dma_wait3A_2365 : memref<4x8x128xf32, #tpu.memory_space<vmem>>)
      } else {
      }
      %slice3A_1310 = vector.extract_strided_slice %select_n3A {offsets = [2], sizes = [1], strides = [1]} : vector<16xi32> to vector<1xi32>
      %squeeze3A_1311 = vector.extract %slice3A_1310[0] : i32 from vector<1xi32>
      %gt3A_1312 = arith.constant 0 : i32
      %gt3A_1313 = arith.cmpi sgt, %squeeze3A_1311, %gt3A_1312 : i32
      %convert_element_type3A_1314 = arith.extui %gt3A_1313 : i1 to i32
      %cond3A_1315 = arith.constant 0 : i32
      %cond3A_1316 = arith.cmpi ne, %convert_element_type3A_1314, %cond3A_1315 : i32
      scf.if %cond3A_1316 {
        %dma_wait3A_2351 = arith.constant 0 : i32
        %dma_wait3A_2352 = arith.constant 0 : i32
        %dma_wait3A_2353 = arith.constant 0 : i32
        %dma_wait3A_2354 = arith.constant 0 : i32
        %dma_wait3A_2355 = tpu.memref_slice %arg9[%dma_wait3A_2351, %dma_wait3A_2352, %dma_wait3A_2353, %dma_wait3A_2354] : memref<16x4x8x128xf32, #tpu.memory_space<vmem>> -> memref<1x4x8x128xf32, #tpu.memory_space<vmem>>
        %dma_wait3A_2356 = tpu.memref_squeeze %dma_wait3A_2355 : memref<1x4x8x128xf32, #tpu.memory_space<vmem>> -> memref<4x8x128xf32, #tpu.memory_space<vmem>>
        %dma_wait3A_2357 = arith.constant 0 : i32
        %dma_wait3A_2358 = arith.constant 0 : i32
        %dma_wait3A_2359 = arith.constant 0 : i32
        %dma_wait3A_2360 = tpu.memref_slice %arg2[%dma_wait3A_2357, %dma_wait3A_2358, %dma_wait3A_2359] : memref<8x8x1000000xf32, #tpu.memory_space<hbm>> -> memref<4x8x128xf32, #tpu.memory_space<hbm>>
        %dma_wait3A_2361 = arith.constant 0 : i32
        %dma_wait3A_2362 = arith.constant 0 : i32
        %dma_wait3A_2363 = arith.constant 0 : i32
        %dma_wait3A_2364 = tpu.memref_slice %arg9[%dma_wait3A_2351, %dma_wait3A_2361, %dma_wait3A_2362, %dma_wait3A_2363] : memref<16x4x8x128xf32, #tpu.memory_space<vmem>> -> memref<1x4x8x128xf32, #tpu.memory_space<vmem>>
        %dma_wait3A_2365 = tpu.memref_squeeze %dma_wait3A_2364 : memref<1x4x8x128xf32, #tpu.memory_space<vmem>> -> memref<4x8x128xf32, #tpu.memory_space<vmem>>
        %dma_wait3A_2366 = arith.constant 0 : i32
        %dma_wait3A_2367 = arith.constant 0 : i32
        %dma_wait3A_2368 = arith.constant 0 : i32
        %dma_wait3A_2369 = tpu.memref_slice %arg2[%dma_wait3A_2366, %dma_wait3A_2367, %dma_wait3A_2368] : memref<8x8x1000000xf32, #tpu.memory_space<hbm>> -> memref<4x8x128xf32, #tpu.memory_space<hbm>>
        tpu.wait_dma2 semaphore(%arg11 : memref<!tpu.dma_semaphore, #tpu.memory_space<semaphore_mem>>) src(%dma_wait3A_2369 : memref<4x8x128xf32, #tpu.memory_space<hbm>>) dst(%dma_wait3A_2365 : memref<4x8x128xf32, #tpu.memory_space<vmem>>)
      } else {
      }
      %slice3A_1317 = vector.extract_strided_slice %select_n3A {offsets = [3], sizes = [1], strides = [1]} : vector<16xi32> to vector<1xi32>
      %squeeze3A_1318 = vector.extract %slice3A_1317[0] : i32 from vector<1xi32>
      %gt3A_1319 = arith.constant 0 : i32
      %gt3A_1320 = arith.cmpi sgt, %squeeze3A_1318, %gt3A_1319 : i32
      %convert_element_type3A_1321 = arith.extui %gt3A_1320 : i1 to i32
      %cond3A_1322 = arith.constant 0 : i32
      %cond3A_1323 = arith.cmpi ne, %convert_element_type3A_1321, %cond3A_1322 : i32
      scf.if %cond3A_1323 {
        %dma_wait3A_2351 = arith.constant 0 : i32
        %dma_wait3A_2352 = arith.constant 0 : i32
        %dma_wait3A_2353 = arith.constant 0 : i32
        %dma_wait3A_2354 = arith.constant 0 : i32
        %dma_wait3A_2355 = tpu.memref_slice %arg9[%dma_wait3A_2351, %dma_wait3A_2352, %dma_wait3A_2353, %dma_wait3A_2354] : memref<16x4x8x128xf32, #tpu.memory_space<vmem>> -> memref<1x4x8x128xf32, #tpu.memory_space<vmem>>
        %dma_wait3A_2356 = tpu.memref_squeeze %dma_wait3A_2355 : memref<1x4x8x128xf32, #tpu.memory_space<vmem>> -> memref<4x8x128xf32, #tpu.memory_space<vmem>>
        %dma_wait3A_2357 = arith.constant 0 : i32
        %dma_wait3A_2358 = arith.constant 0 : i32
        %dma_wait3A_2359 = arith.constant 0 : i32
        %dma_wait3A_2360 = tpu.memref_slice %arg2[%dma_wait3A_2357, %dma_wait3A_2358, %dma_wait3A_2359] : memref<8x8x1000000xf32, #tpu.memory_space<hbm>> -> memref<4x8x128xf32, #tpu.memory_space<hbm>>
        %dma_wait3A_2361 = arith.constant 0 : i32
        %dma_wait3A_2362 = arith.constant 0 : i32
        %dma_wait3A_2363 = arith.constant 0 : i32
        %dma_wait3A_2364 = tpu.memref_slice %arg9[%dma_wait3A_2351, %dma_wait3A_2361, %dma_wait3A_2362, %dma_wait3A_2363] : memref<16x4x8x128xf32, #tpu.memory_space<vmem>> -> memref<1x4x8x128xf32, #tpu.memory_space<vmem>>
        %dma_wait3A_2365 = tpu.memref_squeeze %dma_wait3A_2364 : memref<1x4x8x128xf32, #tpu.memory_space<vmem>> -> memref<4x8x128xf32, #tpu.memory_space<vmem>>
        %dma_wait3A_2366 = arith.constant 0 : i32
        %dma_wait3A_2367 = arith.constant 0 : i32
        %dma_wait3A_2368 = arith.constant 0 : i32
        %dma_wait3A_2369 = tpu.memref_slice %arg2[%dma_wait3A_2366, %dma_wait3A_2367, %dma_wait3A_2368] : memref<8x8x1000000xf32, #tpu.memory_space<hbm>> -> memref<4x8x128xf32, #tpu.memory_space<hbm>>
        tpu.wait_dma2 semaphore(%arg11 : memref<!tpu.dma_semaphore, #tpu.memory_space<semaphore_mem>>) src(%dma_wait3A_2369 : memref<4x8x128xf32, #tpu.memory_space<hbm>>) dst(%dma_wait3A_2365 : memref<4x8x128xf32, #tpu.memory_space<vmem>>)
      } else {
      }
      %slice3A_1324 = vector.extract_strided_slice %select_n3A {offsets = [4], sizes = [1], strides = [1]} : vector<16xi32> to vector<1xi32>
      %squeeze3A_1325 = vector.extract %slice3A_1324[0] : i32 from vector<1xi32>
      %gt3A_1326 = arith.constant 0 : i32
      %gt3A_1327 = arith.cmpi sgt, %squeeze3A_1325, %gt3A_1326 : i32
      %convert_element_type3A_1328 = arith.extui %gt3A_1327 : i1 to i32
      %cond3A_1329 = arith.constant 0 : i32
      %cond3A_1330 = arith.cmpi ne, %convert_element_type3A_1328, %cond3A_1329 : i32
      scf.if %cond3A_1330 {
        %dma_wait3A_2351 = arith.constant 0 : i32
        %dma_wait3A_2352 = arith.constant 0 : i32
        %dma_wait3A_2353 = arith.constant 0 : i32
        %dma_wait3A_2354 = arith.constant 0 : i32
        %dma_wait3A_2355 = tpu.memref_slice %arg9[%dma_wait3A_2351, %dma_wait3A_2352, %dma_wait3A_2353, %dma_wait3A_2354] : memref<16x4x8x128xf32, #tpu.memory_space<vmem>> -> memref<1x4x8x128xf32, #tpu.memory_space<vmem>>
        %dma_wait3A_2356 = tpu.memref_squeeze %dma_wait3A_2355 : memref<1x4x8x128xf32, #tpu.memory_space<vmem>> -> memref<4x8x128xf32, #tpu.memory_space<vmem>>
        %dma_wait3A_2357 = arith.constant 0 : i32
        %dma_wait3A_2358 = arith.constant 0 : i32
        %dma_wait3A_2359 = arith.constant 0 : i32
        %dma_wait3A_2360 = tpu.memref_slice %arg2[%dma_wait3A_2357, %dma_wait3A_2358, %dma_wait3A_2359] : memref<8x8x1000000xf32, #tpu.memory_space<hbm>> -> memref<4x8x128xf32, #tpu.memory_space<hbm>>
        %dma_wait3A_2361 = arith.constant 0 : i32
        %dma_wait3A_2362 = arith.constant 0 : i32
        %dma_wait3A_2363 = arith.constant 0 : i32
        %dma_wait3A_2364 = tpu.memref_slice %arg9[%dma_wait3A_2351, %dma_wait3A_2361, %dma_wait3A_2362, %dma_wait3A_2363] : memref<16x4x8x128xf32, #tpu.memory_space<vmem>> -> memref<1x4x8x128xf32, #tpu.memory_space<vmem>>
        %dma_wait3A_2365 = tpu.memref_squeeze %dma_wait3A_2364 : memref<1x4x8x128xf32, #tpu.memory_space<vmem>> -> memref<4x8x128xf32, #tpu.memory_space<vmem>>
        %dma_wait3A_2366 = arith.constant 0 : i32
        %dma_wait3A_2367 = arith.constant 0 : i32
        %dma_wait3A_2368 = arith.constant 0 : i32
        %dma_wait3A_2369 = tpu.memref_slice %arg2[%dma_wait3A_2366, %dma_wait3A_2367, %dma_wait3A_2368] : memref<8x8x1000000xf32, #tpu.memory_space<hbm>> -> memref<4x8x128xf32, #tpu.memory_space<hbm>>
        tpu.wait_dma2 semaphore(%arg11 : memref<!tpu.dma_semaphore, #tpu.memory_space<semaphore_mem>>) src(%dma_wait3A_2369 : memref<4x8x128xf32, #tpu.memory_space<hbm>>) dst(%dma_wait3A_2365 : memref<4x8x128xf32, #tpu.memory_space<vmem>>)
      } else {
      }
      %slice3A_1331 = vector.extract_strided_slice %select_n3A {offsets = [5], sizes = [1], strides = [1]} : vector<16xi32> to vector<1xi32>
      %squeeze3A_1332 = vector.extract %slice3A_1331[0] : i32 from vector<1xi32>
      %gt3A_1333 = arith.constant 0 : i32
      %gt3A_1334 = arith.cmpi sgt, %squeeze3A_1332, %gt3A_1333 : i32
      %convert_element_type3A_1335 = arith.extui %gt3A_1334 : i1 to i32
      %cond3A_1336 = arith.constant 0 : i32
      %cond3A_1337 = arith.cmpi ne, %convert_element_type3A_1335, %cond3A_1336 : i32
      scf.if %cond3A_1337 {
        %dma_wait3A_2351 = arith.constant 0 : i32
        %dma_wait3A_2352 = arith.constant 0 : i32
        %dma_wait3A_2353 = arith.constant 0 : i32
        %dma_wait3A_2354 = arith.constant 0 : i32
        %dma_wait3A_2355 = tpu.memref_slice %arg9[%dma_wait3A_2351, %dma_wait3A_2352, %dma_wait3A_2353, %dma_wait3A_2354] : memref<16x4x8x128xf32, #tpu.memory_space<vmem>> -> memref<1x4x8x128xf32, #tpu.memory_space<vmem>>
        %dma_wait3A_2356 = tpu.memref_squeeze %dma_wait3A_2355 : memref<1x4x8x128xf32, #tpu.memory_space<vmem>> -> memref<4x8x128xf32, #tpu.memory_space<vmem>>
        %dma_wait3A_2357 = arith.constant 0 : i32
        %dma_wait3A_2358 = arith.constant 0 : i32
        %dma_wait3A_2359 = arith.constant 0 : i32
        %dma_wait3A_2360 = tpu.memref_slice %arg2[%dma_wait3A_2357, %dma_wait3A_2358, %dma_wait3A_2359] : memref<8x8x1000000xf32, #tpu.memory_space<hbm>> -> memref<4x8x128xf32, #tpu.memory_space<hbm>>
        %dma_wait3A_2361 = arith.constant 0 : i32
        %dma_wait3A_2362 = arith.constant 0 : i32
        %dma_wait3A_2363 = arith.constant 0 : i32
        %dma_wait3A_2364 = tpu.memref_slice %arg9[%dma_wait3A_2351, %dma_wait3A_2361, %dma_wait3A_2362, %dma_wait3A_2363] : memref<16x4x8x128xf32, #tpu.memory_space<vmem>> -> memref<1x4x8x128xf32, #tpu.memory_space<vmem>>
        %dma_wait3A_2365 = tpu.memref_squeeze %dma_wait3A_2364 : memref<1x4x8x128xf32, #tpu.memory_space<vmem>> -> memref<4x8x128xf32, #tpu.memory_space<vmem>>
        %dma_wait3A_2366 = arith.constant 0 : i32
        %dma_wait3A_2367 = arith.constant 0 : i32
        %dma_wait3A_2368 = arith.constant 0 : i32
        %dma_wait3A_2369 = tpu.memref_slice %arg2[%dma_wait3A_2366, %dma_wait3A_2367, %dma_wait3A_2368] : memref<8x8x1000000xf32, #tpu.memory_space<hbm>> -> memref<4x8x128xf32, #tpu.memory_space<hbm>>
        tpu.wait_dma2 semaphore(%arg11 : memref<!tpu.dma_semaphore, #tpu.memory_space<semaphore_mem>>) src(%dma_wait3A_2369 : memref<4x8x128xf32, #tpu.memory_space<hbm>>) dst(%dma_wait3A_2365 : memref<4x8x128xf32, #tpu.memory_space<vmem>>)
      } else {
      }
      %slice3A_1338 = vector.extract_strided_slice %select_n3A {offsets = [6], sizes = [1], strides = [1]} : vector<16xi32> to vector<1xi32>
      %squeeze3A_1339 = vector.extract %slice3A_1338[0] : i32 from vector<1xi32>
      %gt3A_1340 = arith.constant 0 : i32
      %gt3A_1341 = arith.cmpi sgt, %squeeze3A_1339, %gt3A_1340 : i32
      %convert_element_type3A_1342 = arith.extui %gt3A_1341 : i1 to i32
      %cond3A_1343 = arith.constant 0 : i32
      %cond3A_1344 = arith.cmpi ne, %convert_element_type3A_1342, %cond3A_1343 : i32
      scf.if %cond3A_1344 {
        %dma_wait3A_2351 = arith.constant 0 : i32
        %dma_wait3A_2352 = arith.constant 0 : i32
        %dma_wait3A_2353 = arith.constant 0 : i32
        %dma_wait3A_2354 = arith.constant 0 : i32
        %dma_wait3A_2355 = tpu.memref_slice %arg9[%dma_wait3A_2351, %dma_wait3A_2352, %dma_wait3A_2353, %dma_wait3A_2354] : memref<16x4x8x128xf32, #tpu.memory_space<vmem>> -> memref<1x4x8x128xf32, #tpu.memory_space<vmem>>
        %dma_wait3A_2356 = tpu.memref_squeeze %dma_wait3A_2355 : memref<1x4x8x128xf32, #tpu.memory_space<vmem>> -> memref<4x8x128xf32, #tpu.memory_space<vmem>>
        %dma_wait3A_2357 = arith.constant 0 : i32
        %dma_wait3A_2358 = arith.constant 0 : i32
        %dma_wait3A_2359 = arith.constant 0 : i32
        %dma_wait3A_2360 = tpu.memref_slice %arg2[%dma_wait3A_2357, %dma_wait3A_2358, %dma_wait3A_2359] : memref<8x8x1000000xf32, #tpu.memory_space<hbm>> -> memref<4x8x128xf32, #tpu.memory_space<hbm>>
        %dma_wait3A_2361 = arith.constant 0 : i32
        %dma_wait3A_2362 = arith.constant 0 : i32
        %dma_wait3A_2363 = arith.constant 0 : i32
        %dma_wait3A_2364 = tpu.memref_slice %arg9[%dma_wait3A_2351, %dma_wait3A_2361, %dma_wait3A_2362, %dma_wait3A_2363] : memref<16x4x8x128xf32, #tpu.memory_space<vmem>> -> memref<1x4x8x128xf32, #tpu.memory_space<vmem>>
        %dma_wait3A_2365 = tpu.memref_squeeze %dma_wait3A_2364 : memref<1x4x8x128xf32, #tpu.memory_space<vmem>> -> memref<4x8x128xf32, #tpu.memory_space<vmem>>
        %dma_wait3A_2366 = arith.constant 0 : i32
        %dma_wait3A_2367 = arith.constant 0 : i32
        %dma_wait3A_2368 = arith.constant 0 : i32
        %dma_wait3A_2369 = tpu.memref_slice %arg2[%dma_wait3A_2366, %dma_wait3A_2367, %dma_wait3A_2368] : memref<8x8x1000000xf32, #tpu.memory_space<hbm>> -> memref<4x8x128xf32, #tpu.memory_space<hbm>>
        tpu.wait_dma2 semaphore(%arg11 : memref<!tpu.dma_semaphore, #tpu.memory_space<semaphore_mem>>) src(%dma_wait3A_2369 : memref<4x8x128xf32, #tpu.memory_space<hbm>>) dst(%dma_wait3A_2365 : memref<4x8x128xf32, #tpu.memory_space<vmem>>)
      } else {
      }
      %slice3A_1345 = vector.extract_strided_slice %select_n3A {offsets = [7], sizes = [1], strides = [1]} : vector<16xi32> to vector<1xi32>
      %squeeze3A_1346 = vector.extract %slice3A_1345[0] : i32 from vector<1xi32>
      %gt3A_1347 = arith.constant 0 : i32
      %gt3A_1348 = arith.cmpi sgt, %squeeze3A_1346, %gt3A_1347 : i32
      %convert_element_type3A_1349 = arith.extui %gt3A_1348 : i1 to i32
      %cond3A_1350 = arith.constant 0 : i32
      %cond3A_1351 = arith.cmpi ne, %convert_element_type3A_1349, %cond3A_1350 : i32
      scf.if %cond3A_1351 {
        %dma_wait3A_2351 = arith.constant 0 : i32
        %dma_wait3A_2352 = arith.constant 0 : i32
        %dma_wait3A_2353 = arith.constant 0 : i32
        %dma_wait3A_2354 = arith.constant 0 : i32
        %dma_wait3A_2355 = tpu.memref_slice %arg9[%dma_wait3A_2351, %dma_wait3A_2352, %dma_wait3A_2353, %dma_wait3A_2354] : memref<16x4x8x128xf32, #tpu.memory_space<vmem>> -> memref<1x4x8x128xf32, #tpu.memory_space<vmem>>
        %dma_wait3A_2356 = tpu.memref_squeeze %dma_wait3A_2355 : memref<1x4x8x128xf32, #tpu.memory_space<vmem>> -> memref<4x8x128xf32, #tpu.memory_space<vmem>>
        %dma_wait3A_2357 = arith.constant 0 : i32
        %dma_wait3A_2358 = arith.constant 0 : i32
        %dma_wait3A_2359 = arith.constant 0 : i32
        %dma_wait3A_2360 = tpu.memref_slice %arg2[%dma_wait3A_2357, %dma_wait3A_2358, %dma_wait3A_2359] : memref<8x8x1000000xf32, #tpu.memory_space<hbm>> -> memref<4x8x128xf32, #tpu.memory_space<hbm>>
        %dma_wait3A_2361 = arith.constant 0 : i32
        %dma_wait3A_2362 = arith.constant 0 : i32
        %dma_wait3A_2363 = arith.constant 0 : i32
        %dma_wait3A_2364 = tpu.memref_slice %arg9[%dma_wait3A_2351, %dma_wait3A_2361, %dma_wait3A_2362, %dma_wait3A_2363] : memref<16x4x8x128xf32, #tpu.memory_space<vmem>> -> memref<1x4x8x128xf32, #tpu.memory_space<vmem>>
        %dma_wait3A_2365 = tpu.memref_squeeze %dma_wait3A_2364 : memref<1x4x8x128xf32, #tpu.memory_space<vmem>> -> memref<4x8x128xf32, #tpu.memory_space<vmem>>
        %dma_wait3A_2366 = arith.constant 0 : i32
        %dma_wait3A_2367 = arith.constant 0 : i32
        %dma_wait3A_2368 = arith.constant 0 : i32
        %dma_wait3A_2369 = tpu.memref_slice %arg2[%dma_wait3A_2366, %dma_wait3A_2367, %dma_wait3A_2368] : memref<8x8x1000000xf32, #tpu.memory_space<hbm>> -> memref<4x8x128xf32, #tpu.memory_space<hbm>>
        tpu.wait_dma2 semaphore(%arg11 : memref<!tpu.dma_semaphore, #tpu.memory_space<semaphore_mem>>) src(%dma_wait3A_2369 : memref<4x8x128xf32, #tpu.memory_space<hbm>>) dst(%dma_wait3A_2365 : memref<4x8x128xf32, #tpu.memory_space<vmem>>)
      } else {
      }
      %slice3A_1352 = vector.extract_strided_slice %select_n3A {offsets = [8], sizes = [1], strides = [1]} : vector<16xi32> to vector<1xi32>
      %squeeze3A_1353 = vector.extract %slice3A_1352[0] : i32 from vector<1xi32>
      %gt3A_1354 = arith.constant 0 : i32
      %gt3A_1355 = arith.cmpi sgt, %squeeze3A_1353, %gt3A_1354 : i32
      %convert_element_type3A_1356 = arith.extui %gt3A_1355 : i1 to i32
      %cond3A_1357 = arith.constant 0 : i32
      %cond3A_1358 = arith.cmpi ne, %convert_element_type3A_1356, %cond3A_1357 : i32
      scf.if %cond3A_1358 {
        %dma_wait3A_2351 = arith.constant 0 : i32
        %dma_wait3A_2352 = arith.constant 0 : i32
        %dma_wait3A_2353 = arith.constant 0 : i32
        %dma_wait3A_2354 = arith.constant 0 : i32
        %dma_wait3A_2355 = tpu.memref_slice %arg9[%dma_wait3A_2351, %dma_wait3A_2352, %dma_wait3A_2353, %dma_wait3A_2354] : memref<16x4x8x128xf32, #tpu.memory_space<vmem>> -> memref<1x4x8x128xf32, #tpu.memory_space<vmem>>
        %dma_wait3A_2356 = tpu.memref_squeeze %dma_wait3A_2355 : memref<1x4x8x128xf32, #tpu.memory_space<vmem>> -> memref<4x8x128xf32, #tpu.memory_space<vmem>>
        %dma_wait3A_2357 = arith.constant 0 : i32
        %dma_wait3A_2358 = arith.constant 0 : i32
        %dma_wait3A_2359 = arith.constant 0 : i32
        %dma_wait3A_2360 = tpu.memref_slice %arg2[%dma_wait3A_2357, %dma_wait3A_2358, %dma_wait3A_2359] : memref<8x8x1000000xf32, #tpu.memory_space<hbm>> -> memref<4x8x128xf32, #tpu.memory_space<hbm>>
        %dma_wait3A_2361 = arith.constant 0 : i32
        %dma_wait3A_2362 = arith.constant 0 : i32
        %dma_wait3A_2363 = arith.constant 0 : i32
        %dma_wait3A_2364 = tpu.memref_slice %arg9[%dma_wait3A_2351, %dma_wait3A_2361, %dma_wait3A_2362, %dma_wait3A_2363] : memref<16x4x8x128xf32, #tpu.memory_space<vmem>> -> memref<1x4x8x128xf32, #tpu.memory_space<vmem>>
        %dma_wait3A_2365 = tpu.memref_squeeze %dma_wait3A_2364 : memref<1x4x8x128xf32, #tpu.memory_space<vmem>> -> memref<4x8x128xf32, #tpu.memory_space<vmem>>
        %dma_wait3A_2366 = arith.constant 0 : i32
        %dma_wait3A_2367 = arith.constant 0 : i32
        %dma_wait3A_2368 = arith.constant 0 : i32
        %dma_wait3A_2369 = tpu.memref_slice %arg2[%dma_wait3A_2366, %dma_wait3A_2367, %dma_wait3A_2368] : memref<8x8x1000000xf32, #tpu.memory_space<hbm>> -> memref<4x8x128xf32, #tpu.memory_space<hbm>>
        tpu.wait_dma2 semaphore(%arg11 : memref<!tpu.dma_semaphore, #tpu.memory_space<semaphore_mem>>) src(%dma_wait3A_2369 : memref<4x8x128xf32, #tpu.memory_space<hbm>>) dst(%dma_wait3A_2365 : memref<4x8x128xf32, #tpu.memory_space<vmem>>)
      } else {
      }
      %slice3A_1359 = vector.extract_strided_slice %select_n3A {offsets = [9], sizes = [1], strides = [1]} : vector<16xi32> to vector<1xi32>
      %squeeze3A_1360 = vector.extract %slice3A_1359[0] : i32 from vector<1xi32>
      %gt3A_1361 = arith.constant 0 : i32
      %gt3A_1362 = arith.cmpi sgt, %squeeze3A_1360, %gt3A_1361 : i32
      %convert_element_type3A_1363 = arith.extui %gt3A_1362 : i1 to i32
      %cond3A_1364 = arith.constant 0 : i32
      %cond3A_1365 = arith.cmpi ne, %convert_element_type3A_1363, %cond3A_1364 : i32
      scf.if %cond3A_1365 {
        %dma_wait3A_2351 = arith.constant 0 : i32
        %dma_wait3A_2352 = arith.constant 0 : i32
        %dma_wait3A_2353 = arith.constant 0 : i32
        %dma_wait3A_2354 = arith.constant 0 : i32
        %dma_wait3A_2355 = tpu.memref_slice %arg9[%dma_wait3A_2351, %dma_wait3A_2352, %dma_wait3A_2353, %dma_wait3A_2354] : memref<16x4x8x128xf32, #tpu.memory_space<vmem>> -> memref<1x4x8x128xf32, #tpu.memory_space<vmem>>
        %dma_wait3A_2356 = tpu.memref_squeeze %dma_wait3A_2355 : memref<1x4x8x128xf32, #tpu.memory_space<vmem>> -> memref<4x8x128xf32, #tpu.memory_space<vmem>>
        %dma_wait3A_2357 = arith.constant 0 : i32
        %dma_wait3A_2358 = arith.constant 0 : i32
        %dma_wait3A_2359 = arith.constant 0 : i32
        %dma_wait3A_2360 = tpu.memref_slice %arg2[%dma_wait3A_2357, %dma_wait3A_2358, %dma_wait3A_2359] : memref<8x8x1000000xf32, #tpu.memory_space<hbm>> -> memref<4x8x128xf32, #tpu.memory_space<hbm>>
        %dma_wait3A_2361 = arith.constant 0 : i32
        %dma_wait3A_2362 = arith.constant 0 : i32
        %dma_wait3A_2363 = arith.constant 0 : i32
        %dma_wait3A_2364 = tpu.memref_slice %arg9[%dma_wait3A_2351, %dma_wait3A_2361, %dma_wait3A_2362, %dma_wait3A_2363] : memref<16x4x8x128xf32, #tpu.memory_space<vmem>> -> memref<1x4x8x128xf32, #tpu.memory_space<vmem>>
        %dma_wait3A_2365 = tpu.memref_squeeze %dma_wait3A_2364 : memref<1x4x8x128xf32, #tpu.memory_space<vmem>> -> memref<4x8x128xf32, #tpu.memory_space<vmem>>
        %dma_wait3A_2366 = arith.constant 0 : i32
        %dma_wait3A_2367 = arith.constant 0 : i32
        %dma_wait3A_2368 = arith.constant 0 : i32
        %dma_wait3A_2369 = tpu.memref_slice %arg2[%dma_wait3A_2366, %dma_wait3A_2367, %dma_wait3A_2368] : memref<8x8x1000000xf32, #tpu.memory_space<hbm>> -> memref<4x8x128xf32, #tpu.memory_space<hbm>>
        tpu.wait_dma2 semaphore(%arg11 : memref<!tpu.dma_semaphore, #tpu.memory_space<semaphore_mem>>) src(%dma_wait3A_2369 : memref<4x8x128xf32, #tpu.memory_space<hbm>>) dst(%dma_wait3A_2365 : memref<4x8x128xf32, #tpu.memory_space<vmem>>)
      } else {
      }
      %slice3A_1366 = vector.extract_strided_slice %select_n3A {offsets = [10], sizes = [1], strides = [1]} : vector<16xi32> to vector<1xi32>
      %squeeze3A_1367 = vector.extract %slice3A_1366[0] : i32 from vector<1xi32>
      %gt3A_1368 = arith.constant 0 : i32
      %gt3A_1369 = arith.cmpi sgt, %squeeze3A_1367, %gt3A_1368 : i32
      %convert_element_type3A_1370 = arith.extui %gt3A_1369 : i1 to i32
      %cond3A_1371 = arith.constant 0 : i32
      %cond3A_1372 = arith.cmpi ne, %convert_element_type3A_1370, %cond3A_1371 : i32
      scf.if %cond3A_1372 {
        %dma_wait3A_2351 = arith.constant 0 : i32
        %dma_wait3A_2352 = arith.constant 0 : i32
        %dma_wait3A_2353 = arith.constant 0 : i32
        %dma_wait3A_2354 = arith.constant 0 : i32
        %dma_wait3A_2355 = tpu.memref_slice %arg9[%dma_wait3A_2351, %dma_wait3A_2352, %dma_wait3A_2353, %dma_wait3A_2354] : memref<16x4x8x128xf32, #tpu.memory_space<vmem>> -> memref<1x4x8x128xf32, #tpu.memory_space<vmem>>
        %dma_wait3A_2356 = tpu.memref_squeeze %dma_wait3A_2355 : memref<1x4x8x128xf32, #tpu.memory_space<vmem>> -> memref<4x8x128xf32, #tpu.memory_space<vmem>>
        %dma_wait3A_2357 = arith.constant 0 : i32
        %dma_wait3A_2358 = arith.constant 0 : i32
        %dma_wait3A_2359 = arith.constant 0 : i32
        %dma_wait3A_2360 = tpu.memref_slice %arg2[%dma_wait3A_2357, %dma_wait3A_2358, %dma_wait3A_2359] : memref<8x8x1000000xf32, #tpu.memory_space<hbm>> -> memref<4x8x128xf32, #tpu.memory_space<hbm>>
        %dma_wait3A_2361 = arith.constant 0 : i32
        %dma_wait3A_2362 = arith.constant 0 : i32
        %dma_wait3A_2363 = arith.constant 0 : i32
        %dma_wait3A_2364 = tpu.memref_slice %arg9[%dma_wait3A_2351, %dma_wait3A_2361, %dma_wait3A_2362, %dma_wait3A_2363] : memref<16x4x8x128xf32, #tpu.memory_space<vmem>> -> memref<1x4x8x128xf32, #tpu.memory_space<vmem>>
        %dma_wait3A_2365 = tpu.memref_squeeze %dma_wait3A_2364 : memref<1x4x8x128xf32, #tpu.memory_space<vmem>> -> memref<4x8x128xf32, #tpu.memory_space<vmem>>
        %dma_wait3A_2366 = arith.constant 0 : i32
        %dma_wait3A_2367 = arith.constant 0 : i32
        %dma_wait3A_2368 = arith.constant 0 : i32
        %dma_wait3A_2369 = tpu.memref_slice %arg2[%dma_wait3A_2366, %dma_wait3A_2367, %dma_wait3A_2368] : memref<8x8x1000000xf32, #tpu.memory_space<hbm>> -> memref<4x8x128xf32, #tpu.memory_space<hbm>>
        tpu.wait_dma2 semaphore(%arg11 : memref<!tpu.dma_semaphore, #tpu.memory_space<semaphore_mem>>) src(%dma_wait3A_2369 : memref<4x8x128xf32, #tpu.memory_space<hbm>>) dst(%dma_wait3A_2365 : memref<4x8x128xf32, #tpu.memory_space<vmem>>)
      } else {
      }
      %slice3A_1373 = vector.extract_strided_slice %select_n3A {offsets = [11], sizes = [1], strides = [1]} : vector<16xi32> to vector<1xi32>
      %squeeze3A_1374 = vector.extract %slice3A_1373[0] : i32 from vector<1xi32>
      %gt3A_1375 = arith.constant 0 : i32
      %gt3A_1376 = arith.cmpi sgt, %squeeze3A_1374, %gt3A_1375 : i32
      %convert_element_type3A_1377 = arith.extui %gt3A_1376 : i1 to i32
      %cond3A_1378 = arith.constant 0 : i32
      %cond3A_1379 = arith.cmpi ne, %convert_element_type3A_1377, %cond3A_1378 : i32
      scf.if %cond3A_1379 {
        %dma_wait3A_2351 = arith.constant 0 : i32
        %dma_wait3A_2352 = arith.constant 0 : i32
        %dma_wait3A_2353 = arith.constant 0 : i32
        %dma_wait3A_2354 = arith.constant 0 : i32
        %dma_wait3A_2355 = tpu.memref_slice %arg9[%dma_wait3A_2351, %dma_wait3A_2352, %dma_wait3A_2353, %dma_wait3A_2354] : memref<16x4x8x128xf32, #tpu.memory_space<vmem>> -> memref<1x4x8x128xf32, #tpu.memory_space<vmem>>
        %dma_wait3A_2356 = tpu.memref_squeeze %dma_wait3A_2355 : memref<1x4x8x128xf32, #tpu.memory_space<vmem>> -> memref<4x8x128xf32, #tpu.memory_space<vmem>>
        %dma_wait3A_2357 = arith.constant 0 : i32
        %dma_wait3A_2358 = arith.constant 0 : i32
        %dma_wait3A_2359 = arith.constant 0 : i32
        %dma_wait3A_2360 = tpu.memref_slice %arg2[%dma_wait3A_2357, %dma_wait3A_2358, %dma_wait3A_2359] : memref<8x8x1000000xf32, #tpu.memory_space<hbm>> -> memref<4x8x128xf32, #tpu.memory_space<hbm>>
        %dma_wait3A_2361 = arith.constant 0 : i32
        %dma_wait3A_2362 = arith.constant 0 : i32
        %dma_wait3A_2363 = arith.constant 0 : i32
        %dma_wait3A_2364 = tpu.memref_slice %arg9[%dma_wait3A_2351, %dma_wait3A_2361, %dma_wait3A_2362, %dma_wait3A_2363] : memref<16x4x8x128xf32, #tpu.memory_space<vmem>> -> memref<1x4x8x128xf32, #tpu.memory_space<vmem>>
        %dma_wait3A_2365 = tpu.memref_squeeze %dma_wait3A_2364 : memref<1x4x8x128xf32, #tpu.memory_space<vmem>> -> memref<4x8x128xf32, #tpu.memory_space<vmem>>
        %dma_wait3A_2366 = arith.constant 0 : i32
        %dma_wait3A_2367 = arith.constant 0 : i32
        %dma_wait3A_2368 = arith.constant 0 : i32
        %dma_wait3A_2369 = tpu.memref_slice %arg2[%dma_wait3A_2366, %dma_wait3A_2367, %dma_wait3A_2368] : memref<8x8x1000000xf32, #tpu.memory_space<hbm>> -> memref<4x8x128xf32, #tpu.memory_space<hbm>>
        tpu.wait_dma2 semaphore(%arg11 : memref<!tpu.dma_semaphore, #tpu.memory_space<semaphore_mem>>) src(%dma_wait3A_2369 : memref<4x8x128xf32, #tpu.memory_space<hbm>>) dst(%dma_wait3A_2365 : memref<4x8x128xf32, #tpu.memory_space<vmem>>)
      } else {
      }
      %slice3A_1380 = vector.extract_strided_slice %select_n3A {offsets = [12], sizes = [1], strides = [1]} : vector<16xi32> to vector<1xi32>
      %squeeze3A_1381 = vector.extract %slice3A_1380[0] : i32 from vector<1xi32>
      %gt3A_1382 = arith.constant 0 : i32
      %gt3A_1383 = arith.cmpi sgt, %squeeze3A_1381, %gt3A_1382 : i32
      %convert_element_type3A_1384 = arith.extui %gt3A_1383 : i1 to i32
      %cond3A_1385 = arith.constant 0 : i32
      %cond3A_1386 = arith.cmpi ne, %convert_element_type3A_1384, %cond3A_1385 : i32
      scf.if %cond3A_1386 {
        %dma_wait3A_2351 = arith.constant 0 : i32
        %dma_wait3A_2352 = arith.constant 0 : i32
        %dma_wait3A_2353 = arith.constant 0 : i32
        %dma_wait3A_2354 = arith.constant 0 : i32
        %dma_wait3A_2355 = tpu.memref_slice %arg9[%dma_wait3A_2351, %dma_wait3A_2352, %dma_wait3A_2353, %dma_wait3A_2354] : memref<16x4x8x128xf32, #tpu.memory_space<vmem>> -> memref<1x4x8x128xf32, #tpu.memory_space<vmem>>
        %dma_wait3A_2356 = tpu.memref_squeeze %dma_wait3A_2355 : memref<1x4x8x128xf32, #tpu.memory_space<vmem>> -> memref<4x8x128xf32, #tpu.memory_space<vmem>>
        %dma_wait3A_2357 = arith.constant 0 : i32
        %dma_wait3A_2358 = arith.constant 0 : i32
        %dma_wait3A_2359 = arith.constant 0 : i32
        %dma_wait3A_2360 = tpu.memref_slice %arg2[%dma_wait3A_2357, %dma_wait3A_2358, %dma_wait3A_2359] : memref<8x8x1000000xf32, #tpu.memory_space<hbm>> -> memref<4x8x128xf32, #tpu.memory_space<hbm>>
        %dma_wait3A_2361 = arith.constant 0 : i32
        %dma_wait3A_2362 = arith.constant 0 : i32
        %dma_wait3A_2363 = arith.constant 0 : i32
        %dma_wait3A_2364 = tpu.memref_slice %arg9[%dma_wait3A_2351, %dma_wait3A_2361, %dma_wait3A_2362, %dma_wait3A_2363] : memref<16x4x8x128xf32, #tpu.memory_space<vmem>> -> memref<1x4x8x128xf32, #tpu.memory_space<vmem>>
        %dma_wait3A_2365 = tpu.memref_squeeze %dma_wait3A_2364 : memref<1x4x8x128xf32, #tpu.memory_space<vmem>> -> memref<4x8x128xf32, #tpu.memory_space<vmem>>
        %dma_wait3A_2366 = arith.constant 0 : i32
        %dma_wait3A_2367 = arith.constant 0 : i32
        %dma_wait3A_2368 = arith.constant 0 : i32
        %dma_wait3A_2369 = tpu.memref_slice %arg2[%dma_wait3A_2366, %dma_wait3A_2367, %dma_wait3A_2368] : memref<8x8x1000000xf32, #tpu.memory_space<hbm>> -> memref<4x8x128xf32, #tpu.memory_space<hbm>>
        tpu.wait_dma2 semaphore(%arg11 : memref<!tpu.dma_semaphore, #tpu.memory_space<semaphore_mem>>) src(%dma_wait3A_2369 : memref<4x8x128xf32, #tpu.memory_space<hbm>>) dst(%dma_wait3A_2365 : memref<4x8x128xf32, #tpu.memory_space<vmem>>)
      } else {
      }
      %slice3A_1387 = vector.extract_strided_slice %select_n3A {offsets = [13], sizes = [1], strides = [1]} : vector<16xi32> to vector<1xi32>
      %squeeze3A_1388 = vector.extract %slice3A_1387[0] : i32 from vector<1xi32>
      %gt3A_1389 = arith.constant 0 : i32
      %gt3A_1390 = arith.cmpi sgt, %squeeze3A_1388, %gt3A_1389 : i32
      %convert_element_type3A_1391 = arith.extui %gt3A_1390 : i1 to i32
      %cond3A_1392 = arith.constant 0 : i32
      %cond3A_1393 = arith.cmpi ne, %convert_element_type3A_1391, %cond3A_1392 : i32
      scf.if %cond3A_1393 {
        %dma_wait3A_2351 = arith.constant 0 : i32
        %dma_wait3A_2352 = arith.constant 0 : i32
        %dma_wait3A_2353 = arith.constant 0 : i32
        %dma_wait3A_2354 = arith.constant 0 : i32
        %dma_wait3A_2355 = tpu.memref_slice %arg9[%dma_wait3A_2351, %dma_wait3A_2352, %dma_wait3A_2353, %dma_wait3A_2354] : memref<16x4x8x128xf32, #tpu.memory_space<vmem>> -> memref<1x4x8x128xf32, #tpu.memory_space<vmem>>
        %dma_wait3A_2356 = tpu.memref_squeeze %dma_wait3A_2355 : memref<1x4x8x128xf32, #tpu.memory_space<vmem>> -> memref<4x8x128xf32, #tpu.memory_space<vmem>>
        %dma_wait3A_2357 = arith.constant 0 : i32
        %dma_wait3A_2358 = arith.constant 0 : i32
        %dma_wait3A_2359 = arith.constant 0 : i32
        %dma_wait3A_2360 = tpu.memref_slice %arg2[%dma_wait3A_2357, %dma_wait3A_2358, %dma_wait3A_2359] : memref<8x8x1000000xf32, #tpu.memory_space<hbm>> -> memref<4x8x128xf32, #tpu.memory_space<hbm>>
        %dma_wait3A_2361 = arith.constant 0 : i32
        %dma_wait3A_2362 = arith.constant 0 : i32
        %dma_wait3A_2363 = arith.constant 0 : i32
        %dma_wait3A_2364 = tpu.memref_slice %arg9[%dma_wait3A_2351, %dma_wait3A_2361, %dma_wait3A_2362, %dma_wait3A_2363] : memref<16x4x8x128xf32, #tpu.memory_space<vmem>> -> memref<1x4x8x128xf32, #tpu.memory_space<vmem>>
        %dma_wait3A_2365 = tpu.memref_squeeze %dma_wait3A_2364 : memref<1x4x8x128xf32, #tpu.memory_space<vmem>> -> memref<4x8x128xf32, #tpu.memory_space<vmem>>
        %dma_wait3A_2366 = arith.constant 0 : i32
        %dma_wait3A_2367 = arith.constant 0 : i32
        %dma_wait3A_2368 = arith.constant 0 : i32
        %dma_wait3A_2369 = tpu.memref_slice %arg2[%dma_wait3A_2366, %dma_wait3A_2367, %dma_wait3A_2368] : memref<8x8x1000000xf32, #tpu.memory_space<hbm>> -> memref<4x8x128xf32, #tpu.memory_space<hbm>>
        tpu.wait_dma2 semaphore(%arg11 : memref<!tpu.dma_semaphore, #tpu.memory_space<semaphore_mem>>) src(%dma_wait3A_2369 : memref<4x8x128xf32, #tpu.memory_space<hbm>>) dst(%dma_wait3A_2365 : memref<4x8x128xf32, #tpu.memory_space<vmem>>)
      } else {
      }
      %slice3A_1394 = vector.extract_strided_slice %select_n3A {offsets = [14], sizes = [1], strides = [1]} : vector<16xi32> to vector<1xi32>
      %squeeze3A_1395 = vector.extract %slice3A_1394[0] : i32 from vector<1xi32>
      %gt3A_1396 = arith.constant 0 : i32
      %gt3A_1397 = arith.cmpi sgt, %squeeze3A_1395, %gt3A_1396 : i32
      %convert_element_type3A_1398 = arith.extui %gt3A_1397 : i1 to i32
      %cond3A_1399 = arith.constant 0 : i32
      %cond3A_1400 = arith.cmpi ne, %convert_element_type3A_1398, %cond3A_1399 : i32
      scf.if %cond3A_1400 {
        %dma_wait3A_2351 = arith.constant 0 : i32
        %dma_wait3A_2352 = arith.constant 0 : i32
        %dma_wait3A_2353 = arith.constant 0 : i32
        %dma_wait3A_2354 = arith.constant 0 : i32
        %dma_wait3A_2355 = tpu.memref_slice %arg9[%dma_wait3A_2351, %dma_wait3A_2352, %dma_wait3A_2353, %dma_wait3A_2354] : memref<16x4x8x128xf32, #tpu.memory_space<vmem>> -> memref<1x4x8x128xf32, #tpu.memory_space<vmem>>
        %dma_wait3A_2356 = tpu.memref_squeeze %dma_wait3A_2355 : memref<1x4x8x128xf32, #tpu.memory_space<vmem>> -> memref<4x8x128xf32, #tpu.memory_space<vmem>>
        %dma_wait3A_2357 = arith.constant 0 : i32
        %dma_wait3A_2358 = arith.constant 0 : i32
        %dma_wait3A_2359 = arith.constant 0 : i32
        %dma_wait3A_2360 = tpu.memref_slice %arg2[%dma_wait3A_2357, %dma_wait3A_2358, %dma_wait3A_2359] : memref<8x8x1000000xf32, #tpu.memory_space<hbm>> -> memref<4x8x128xf32, #tpu.memory_space<hbm>>
        %dma_wait3A_2361 = arith.constant 0 : i32
        %dma_wait3A_2362 = arith.constant 0 : i32
        %dma_wait3A_2363 = arith.constant 0 : i32
        %dma_wait3A_2364 = tpu.memref_slice %arg9[%dma_wait3A_2351, %dma_wait3A_2361, %dma_wait3A_2362, %dma_wait3A_2363] : memref<16x4x8x128xf32, #tpu.memory_space<vmem>> -> memref<1x4x8x128xf32, #tpu.memory_space<vmem>>
        %dma_wait3A_2365 = tpu.memref_squeeze %dma_wait3A_2364 : memref<1x4x8x128xf32, #tpu.memory_space<vmem>> -> memref<4x8x128xf32, #tpu.memory_space<vmem>>
        %dma_wait3A_2366 = arith.constant 0 : i32
        %dma_wait3A_2367 = arith.constant 0 : i32
        %dma_wait3A_2368 = arith.constant 0 : i32
        %dma_wait3A_2369 = tpu.memref_slice %arg2[%dma_wait3A_2366, %dma_wait3A_2367, %dma_wait3A_2368] : memref<8x8x1000000xf32, #tpu.memory_space<hbm>> -> memref<4x8x128xf32, #tpu.memory_space<hbm>>
        tpu.wait_dma2 semaphore(%arg11 : memref<!tpu.dma_semaphore, #tpu.memory_space<semaphore_mem>>) src(%dma_wait3A_2369 : memref<4x8x128xf32, #tpu.memory_space<hbm>>) dst(%dma_wait3A_2365 : memref<4x8x128xf32, #tpu.memory_space<vmem>>)
      } else {
      }
      %slice3A_1401 = vector.extract_strided_slice %select_n3A {offsets = [15], sizes = [1], strides = [1]} : vector<16xi32> to vector<1xi32>
      %squeeze3A_1402 = vector.extract %slice3A_1401[0] : i32 from vector<1xi32>
      %gt3A_1403 = arith.constant 0 : i32
      %gt3A_1404 = arith.cmpi sgt, %squeeze3A_1402, %gt3A_1403 : i32
      %convert_element_type3A_1405 = arith.extui %gt3A_1404 : i1 to i32
      %cond3A_1406 = arith.constant 0 : i32
      %cond3A_1407 = arith.cmpi ne, %convert_element_type3A_1405, %cond3A_1406 : i32
      scf.if %cond3A_1407 {
        %dma_wait3A_2351 = arith.constant 0 : i32
        %dma_wait3A_2352 = arith.constant 0 : i32
        %dma_wait3A_2353 = arith.constant 0 : i32
        %dma_wait3A_2354 = arith.constant 0 : i32
        %dma_wait3A_2355 = tpu.memref_slice %arg9[%dma_wait3A_2351, %dma_wait3A_2352, %dma_wait3A_2353, %dma_wait3A_2354] : memref<16x4x8x128xf32, #tpu.memory_space<vmem>> -> memref<1x4x8x128xf32, #tpu.memory_space<vmem>>
        %dma_wait3A_2356 = tpu.memref_squeeze %dma_wait3A_2355 : memref<1x4x8x128xf32, #tpu.memory_space<vmem>> -> memref<4x8x128xf32, #tpu.memory_space<vmem>>
        %dma_wait3A_2357 = arith.constant 0 : i32
        %dma_wait3A_2358 = arith.constant 0 : i32
        %dma_wait3A_2359 = arith.constant 0 : i32
        %dma_wait3A_2360 = tpu.memref_slice %arg2[%dma_wait3A_2357, %dma_wait3A_2358, %dma_wait3A_2359] : memref<8x8x1000000xf32, #tpu.memory_space<hbm>> -> memref<4x8x128xf32, #tpu.memory_space<hbm>>
        %dma_wait3A_2361 = arith.constant 0 : i32
        %dma_wait3A_2362 = arith.constant 0 : i32
        %dma_wait3A_2363 = arith.constant 0 : i32
        %dma_wait3A_2364 = tpu.memref_slice %arg9[%dma_wait3A_2351, %dma_wait3A_2361, %dma_wait3A_2362, %dma_wait3A_2363] : memref<16x4x8x128xf32, #tpu.memory_space<vmem>> -> memref<1x4x8x128xf32, #tpu.memory_space<vmem>>
        %dma_wait3A_2365 = tpu.memref_squeeze %dma_wait3A_2364 : memref<1x4x8x128xf32, #tpu.memory_space<vmem>> -> memref<4x8x128xf32, #tpu.memory_space<vmem>>
        %dma_wait3A_2366 = arith.constant 0 : i32
        %dma_wait3A_2367 = arith.constant 0 : i32
        %dma_wait3A_2368 = arith.constant 0 : i32
        %dma_wait3A_2369 = tpu.memref_slice %arg2[%dma_wait3A_2366, %dma_wait3A_2367, %dma_wait3A_2368] : memref<8x8x1000000xf32, #tpu.memory_space<hbm>> -> memref<4x8x128xf32, #tpu.memory_space<hbm>>
        tpu.wait_dma2 semaphore(%arg11 : memref<!tpu.dma_semaphore, #tpu.memory_space<semaphore_mem>>) src(%dma_wait3A_2369 : memref<4x8x128xf32, #tpu.memory_space<hbm>>) dst(%dma_wait3A_2365 : memref<4x8x128xf32, #tpu.memory_space<vmem>>)
      } else {
      }
      %slice3A_1408 = vector.extract_strided_slice %sub3A_256 {offsets = [0], sizes = [1], strides = [1]} : vector<16xi32> to vector<1xi32>
      %squeeze3A_1409 = vector.extract %slice3A_1408[0] : i32 from vector<1xi32>
      %add3A_1410 = vector.broadcast %squeeze3A_1409 : i32 to vector<16xi32>
      %add3A_1411 = arith.addi %broadcast_in_dim3A_7, %add3A_1410 : vector<16xi32>
      %shift_right_arithmetic3A_1412 = arith.constant 3 : i32
      %shift_right_arithmetic3A_1413 = vector.broadcast %shift_right_arithmetic3A_1412 : i32 to vector<16xi32>
      %shift_right_arithmetic3A_1414 = arith.shrsi %iota3A, %shift_right_arithmetic3A_1413 : vector<16xi32>
      %add3A_1415 = arith.constant 0 : i32
      %add3A_1416 = vector.broadcast %add3A_1415 : i32 to vector<16xi32>
      %add3A_1417 = arith.addi %add3A_1416, %shift_right_arithmetic3A_1414 : vector<16xi32>
      %and3A_1418 = arith.constant 7 : i32
      %and3A_1419 = vector.broadcast %and3A_1418 : i32 to vector<16xi32>
      %and3A_1420 = arith.andi %iota3A, %and3A_1419 : vector<16xi32>
      %slice3A_1421 = vector.extract_strided_slice %and3A_243 {offsets = [0], sizes = [1], strides = [1]} : vector<16xi32> to vector<1xi32>
      %squeeze3A_1422 = vector.extract %slice3A_1421[0] : i32 from vector<1xi32>
      %add3A_1423 = vector.broadcast %squeeze3A_1422 : i32 to vector<16xi32>
      %add3A_1424 = arith.addi %broadcast_in_dim3A_7, %add3A_1423 : vector<16xi32>
      %gather3A_1425 = tpu.vector_load_idx %arg9[%add3A_1411, %add3A_1417, %and3A_1420, %add3A_1424] : memref<16x4x8x128xf32, #tpu.memory_space<vmem>>[vector<16xi32>, vector<16xi32>, vector<16xi32>, vector<16xi32>], vector<16xf32>,
      %swap3A_1426 = arith.constant 0 : i32
      %swap3A_1427 = arith.index_cast %swap3A_1426 : i32 to index
      %swap3A_1428 = arith.constant 32 : index
      %swap3A_1429 = tpu.vector_load %arg10[%swap3A_1427, %swap3A_1428] {strides = array<i32>} : memref<16x64xf32, #tpu.memory_space<vmem>>, vector<16xf32>,
      tpu.vector_store %arg10[%swap3A_1427, %swap3A_1428], %gather3A_1425 {strides = array<i32>} : memref<16x64xf32, #tpu.memory_space<vmem>>, vector<16xf32>,
      %slice3A_1430 = vector.extract_strided_slice %sub3A_256 {offsets = [1], sizes = [1], strides = [1]} : vector<16xi32> to vector<1xi32>
      %squeeze3A_1431 = vector.extract %slice3A_1430[0] : i32 from vector<1xi32>
      %add3A_1432 = vector.broadcast %squeeze3A_1431 : i32 to vector<16xi32>
      %add3A_1433 = arith.addi %broadcast_in_dim3A_7, %add3A_1432 : vector<16xi32>
      %shift_right_arithmetic3A_1434 = arith.constant 3 : i32
      %shift_right_arithmetic3A_1435 = vector.broadcast %shift_right_arithmetic3A_1434 : i32 to vector<16xi32>
      %shift_right_arithmetic3A_1436 = arith.shrsi %iota3A, %shift_right_arithmetic3A_1435 : vector<16xi32>
      %add3A_1437 = arith.constant 0 : i32
      %add3A_1438 = vector.broadcast %add3A_1437 : i32 to vector<16xi32>
      %add3A_1439 = arith.addi %add3A_1438, %shift_right_arithmetic3A_1436 : vector<16xi32>
      %and3A_1440 = arith.constant 7 : i32
      %and3A_1441 = vector.broadcast %and3A_1440 : i32 to vector<16xi32>
      %and3A_1442 = arith.andi %iota3A, %and3A_1441 : vector<16xi32>
      %slice3A_1443 = vector.extract_strided_slice %and3A_243 {offsets = [1], sizes = [1], strides = [1]} : vector<16xi32> to vector<1xi32>
      %squeeze3A_1444 = vector.extract %slice3A_1443[0] : i32 from vector<1xi32>
      %add3A_1445 = vector.broadcast %squeeze3A_1444 : i32 to vector<16xi32>
      %add3A_1446 = arith.addi %broadcast_in_dim3A_7, %add3A_1445 : vector<16xi32>
      %gather3A_1447 = tpu.vector_load_idx %arg9[%add3A_1433, %add3A_1439, %and3A_1442, %add3A_1446] : memref<16x4x8x128xf32, #tpu.memory_space<vmem>>[vector<16xi32>, vector<16xi32>, vector<16xi32>, vector<16xi32>], vector<16xf32>,
      %swap3A_1448 = arith.constant 1 : i32
      %swap3A_1449 = arith.index_cast %swap3A_1448 : i32 to index
      %swap3A_1450 = arith.constant 32 : index
      %swap3A_1451 = tpu.vector_load %arg10[%swap3A_1449, %swap3A_1450] {strides = array<i32>} : memref<16x64xf32, #tpu.memory_space<vmem>>, vector<16xf32>,
      tpu.vector_store %arg10[%swap3A_1449, %swap3A_1450], %gather3A_1447 {strides = array<i32>} : memref<16x64xf32, #tpu.memory_space<vmem>>, vector<16xf32>,
      %slice3A_1452 = vector.extract_strided_slice %sub3A_256 {offsets = [2], sizes = [1], strides = [1]} : vector<16xi32> to vector<1xi32>
      %squeeze3A_1453 = vector.extract %slice3A_1452[0] : i32 from vector<1xi32>
      %add3A_1454 = vector.broadcast %squeeze3A_1453 : i32 to vector<16xi32>
      %add3A_1455 = arith.addi %broadcast_in_dim3A_7, %add3A_1454 : vector<16xi32>
      %shift_right_arithmetic3A_1456 = arith.constant 3 : i32
      %shift_right_arithmetic3A_1457 = vector.broadcast %shift_right_arithmetic3A_1456 : i32 to vector<16xi32>
      %shift_right_arithmetic3A_1458 = arith.shrsi %iota3A, %shift_right_arithmetic3A_1457 : vector<16xi32>
      %add3A_1459 = arith.constant 0 : i32
      %add3A_1460 = vector.broadcast %add3A_1459 : i32 to vector<16xi32>
      %add3A_1461 = arith.addi %add3A_1460, %shift_right_arithmetic3A_1458 : vector<16xi32>
      %and3A_1462 = arith.constant 7 : i32
      %and3A_1463 = vector.broadcast %and3A_1462 : i32 to vector<16xi32>
      %and3A_1464 = arith.andi %iota3A, %and3A_1463 : vector<16xi32>
      %slice3A_1465 = vector.extract_strided_slice %and3A_243 {offsets = [2], sizes = [1], strides = [1]} : vector<16xi32> to vector<1xi32>
      %squeeze3A_1466 = vector.extract %slice3A_1465[0] : i32 from vector<1xi32>
      %add3A_1467 = vector.broadcast %squeeze3A_1466 : i32 to vector<16xi32>
      %add3A_1468 = arith.addi %broadcast_in_dim3A_7, %add3A_1467 : vector<16xi32>
      %gather3A_1469 = tpu.vector_load_idx %arg9[%add3A_1455, %add3A_1461, %and3A_1464, %add3A_1468] : memref<16x4x8x128xf32, #tpu.memory_space<vmem>>[vector<16xi32>, vector<16xi32>, vector<16xi32>, vector<16xi32>], vector<16xf32>,
      %swap3A_1470 = arith.constant 2 : i32
      %swap3A_1471 = arith.index_cast %swap3A_1470 : i32 to index
      %swap3A_1472 = arith.constant 32 : index
      %swap3A_1473 = tpu.vector_load %arg10[%swap3A_1471, %swap3A_1472] {strides = array<i32>} : memref<16x64xf32, #tpu.memory_space<vmem>>, vector<16xf32>,
      tpu.vector_store %arg10[%swap3A_1471, %swap3A_1472], %gather3A_1469 {strides = array<i32>} : memref<16x64xf32, #tpu.memory_space<vmem>>, vector<16xf32>,
      %slice3A_1474 = vector.extract_strided_slice %sub3A_256 {offsets = [3], sizes = [1], strides = [1]} : vector<16xi32> to vector<1xi32>
      %squeeze3A_1475 = vector.extract %slice3A_1474[0] : i32 from vector<1xi32>
      %add3A_1476 = vector.broadcast %squeeze3A_1475 : i32 to vector<16xi32>
      %add3A_1477 = arith.addi %broadcast_in_dim3A_7, %add3A_1476 : vector<16xi32>
      %shift_right_arithmetic3A_1478 = arith.constant 3 : i32
      %shift_right_arithmetic3A_1479 = vector.broadcast %shift_right_arithmetic3A_1478 : i32 to vector<16xi32>
      %shift_right_arithmetic3A_1480 = arith.shrsi %iota3A, %shift_right_arithmetic3A_1479 : vector<16xi32>
      %add3A_1481 = arith.constant 0 : i32
      %add3A_1482 = vector.broadcast %add3A_1481 : i32 to vector<16xi32>
      %add3A_1483 = arith.addi %add3A_1482, %shift_right_arithmetic3A_1480 : vector<16xi32>
      %and3A_1484 = arith.constant 7 : i32
      %and3A_1485 = vector.broadcast %and3A_1484 : i32 to vector<16xi32>
      %and3A_1486 = arith.andi %iota3A, %and3A_1485 : vector<16xi32>
      %slice3A_1487 = vector.extract_strided_slice %and3A_243 {offsets = [3], sizes = [1], strides = [1]} : vector<16xi32> to vector<1xi32>
      %squeeze3A_1488 = vector.extract %slice3A_1487[0] : i32 from vector<1xi32>
      %add3A_1489 = vector.broadcast %squeeze3A_1488 : i32 to vector<16xi32>
      %add3A_1490 = arith.addi %broadcast_in_dim3A_7, %add3A_1489 : vector<16xi32>
      %gather3A_1491 = tpu.vector_load_idx %arg9[%add3A_1477, %add3A_1483, %and3A_1486, %add3A_1490] : memref<16x4x8x128xf32, #tpu.memory_space<vmem>>[vector<16xi32>, vector<16xi32>, vector<16xi32>, vector<16xi32>], vector<16xf32>,
      %swap3A_1492 = arith.constant 3 : i32
      %swap3A_1493 = arith.index_cast %swap3A_1492 : i32 to index
      %swap3A_1494 = arith.constant 32 : index
      %swap3A_1495 = tpu.vector_load %arg10[%swap3A_1493, %swap3A_1494] {strides = array<i32>} : memref<16x64xf32, #tpu.memory_space<vmem>>, vector<16xf32>,
      tpu.vector_store %arg10[%swap3A_1493, %swap3A_1494], %gather3A_1491 {strides = array<i32>} : memref<16x64xf32, #tpu.memory_space<vmem>>, vector<16xf32>,
      %slice3A_1496 = vector.extract_strided_slice %sub3A_256 {offsets = [4], sizes = [1], strides = [1]} : vector<16xi32> to vector<1xi32>
      %squeeze3A_1497 = vector.extract %slice3A_1496[0] : i32 from vector<1xi32>
      %add3A_1498 = vector.broadcast %squeeze3A_1497 : i32 to vector<16xi32>
      %add3A_1499 = arith.addi %broadcast_in_dim3A_7, %add3A_1498 : vector<16xi32>
      %shift_right_arithmetic3A_1500 = arith.constant 3 : i32
      %shift_right_arithmetic3A_1501 = vector.broadcast %shift_right_arithmetic3A_1500 : i32 to vector<16xi32>
      %shift_right_arithmetic3A_1502 = arith.shrsi %iota3A, %shift_right_arithmetic3A_1501 : vector<16xi32>
      %add3A_1503 = arith.constant 0 : i32
      %add3A_1504 = vector.broadcast %add3A_1503 : i32 to vector<16xi32>
      %add3A_1505 = arith.addi %add3A_1504, %shift_right_arithmetic3A_1502 : vector<16xi32>
      %and3A_1506 = arith.constant 7 : i32
      %and3A_1507 = vector.broadcast %and3A_1506 : i32 to vector<16xi32>
      %and3A_1508 = arith.andi %iota3A, %and3A_1507 : vector<16xi32>
      %slice3A_1509 = vector.extract_strided_slice %and3A_243 {offsets = [4], sizes = [1], strides = [1]} : vector<16xi32> to vector<1xi32>
      %squeeze3A_1510 = vector.extract %slice3A_1509[0] : i32 from vector<1xi32>
      %add3A_1511 = vector.broadcast %squeeze3A_1510 : i32 to vector<16xi32>
      %add3A_1512 = arith.addi %broadcast_in_dim3A_7, %add3A_1511 : vector<16xi32>
      %gather3A_1513 = tpu.vector_load_idx %arg9[%add3A_1499, %add3A_1505, %and3A_1508, %add3A_1512] : memref<16x4x8x128xf32, #tpu.memory_space<vmem>>[vector<16xi32>, vector<16xi32>, vector<16xi32>, vector<16xi32>], vector<16xf32>,
      %swap3A_1514 = arith.constant 4 : i32
      %swap3A_1515 = arith.index_cast %swap3A_1514 : i32 to index
      %swap3A_1516 = arith.constant 32 : index
      %swap3A_1517 = tpu.vector_load %arg10[%swap3A_1515, %swap3A_1516] {strides = array<i32>} : memref<16x64xf32, #tpu.memory_space<vmem>>, vector<16xf32>,
      tpu.vector_store %arg10[%swap3A_1515, %swap3A_1516], %gather3A_1513 {strides = array<i32>} : memref<16x64xf32, #tpu.memory_space<vmem>>, vector<16xf32>,
      %slice3A_1518 = vector.extract_strided_slice %sub3A_256 {offsets = [5], sizes = [1], strides = [1]} : vector<16xi32> to vector<1xi32>
      %squeeze3A_1519 = vector.extract %slice3A_1518[0] : i32 from vector<1xi32>
      %add3A_1520 = vector.broadcast %squeeze3A_1519 : i32 to vector<16xi32>
      %add3A_1521 = arith.addi %broadcast_in_dim3A_7, %add3A_1520 : vector<16xi32>
      %shift_right_arithmetic3A_1522 = arith.constant 3 : i32
      %shift_right_arithmetic3A_1523 = vector.broadcast %shift_right_arithmetic3A_1522 : i32 to vector<16xi32>
      %shift_right_arithmetic3A_1524 = arith.shrsi %iota3A, %shift_right_arithmetic3A_1523 : vector<16xi32>
      %add3A_1525 = arith.constant 0 : i32
      %add3A_1526 = vector.broadcast %add3A_1525 : i32 to vector<16xi32>
      %add3A_1527 = arith.addi %add3A_1526, %shift_right_arithmetic3A_1524 : vector<16xi32>
      %and3A_1528 = arith.constant 7 : i32
      %and3A_1529 = vector.broadcast %and3A_1528 : i32 to vector<16xi32>
      %and3A_1530 = arith.andi %iota3A, %and3A_1529 : vector<16xi32>
      %slice3A_1531 = vector.extract_strided_slice %and3A_243 {offsets = [5], sizes = [1], strides = [1]} : vector<16xi32> to vector<1xi32>
      %squeeze3A_1532 = vector.extract %slice3A_1531[0] : i32 from vector<1xi32>
      %add3A_1533 = vector.broadcast %squeeze3A_1532 : i32 to vector<16xi32>
      %add3A_1534 = arith.addi %broadcast_in_dim3A_7, %add3A_1533 : vector<16xi32>
      %gather3A_1535 = tpu.vector_load_idx %arg9[%add3A_1521, %add3A_1527, %and3A_1530, %add3A_1534] : memref<16x4x8x128xf32, #tpu.memory_space<vmem>>[vector<16xi32>, vector<16xi32>, vector<16xi32>, vector<16xi32>], vector<16xf32>,
      %swap3A_1536 = arith.constant 5 : i32
      %swap3A_1537 = arith.index_cast %swap3A_1536 : i32 to index
      %swap3A_1538 = arith.constant 32 : index
      %swap3A_1539 = tpu.vector_load %arg10[%swap3A_1537, %swap3A_1538] {strides = array<i32>} : memref<16x64xf32, #tpu.memory_space<vmem>>, vector<16xf32>,
      tpu.vector_store %arg10[%swap3A_1537, %swap3A_1538], %gather3A_1535 {strides = array<i32>} : memref<16x64xf32, #tpu.memory_space<vmem>>, vector<16xf32>,
      %slice3A_1540 = vector.extract_strided_slice %sub3A_256 {offsets = [6], sizes = [1], strides = [1]} : vector<16xi32> to vector<1xi32>
      %squeeze3A_1541 = vector.extract %slice3A_1540[0] : i32 from vector<1xi32>
      %add3A_1542 = vector.broadcast %squeeze3A_1541 : i32 to vector<16xi32>
      %add3A_1543 = arith.addi %broadcast_in_dim3A_7, %add3A_1542 : vector<16xi32>
      %shift_right_arithmetic3A_1544 = arith.constant 3 : i32
      %shift_right_arithmetic3A_1545 = vector.broadcast %shift_right_arithmetic3A_1544 : i32 to vector<16xi32>
      %shift_right_arithmetic3A_1546 = arith.shrsi %iota3A, %shift_right_arithmetic3A_1545 : vector<16xi32>
      %add3A_1547 = arith.constant 0 : i32
      %add3A_1548 = vector.broadcast %add3A_1547 : i32 to vector<16xi32>
      %add3A_1549 = arith.addi %add3A_1548, %shift_right_arithmetic3A_1546 : vector<16xi32>
      %and3A_1550 = arith.constant 7 : i32
      %and3A_1551 = vector.broadcast %and3A_1550 : i32 to vector<16xi32>
      %and3A_1552 = arith.andi %iota3A, %and3A_1551 : vector<16xi32>
      %slice3A_1553 = vector.extract_strided_slice %and3A_243 {offsets = [6], sizes = [1], strides = [1]} : vector<16xi32> to vector<1xi32>
      %squeeze3A_1554 = vector.extract %slice3A_1553[0] : i32 from vector<1xi32>
      %add3A_1555 = vector.broadcast %squeeze3A_1554 : i32 to vector<16xi32>
      %add3A_1556 = arith.addi %broadcast_in_dim3A_7, %add3A_1555 : vector<16xi32>
      %gather3A_1557 = tpu.vector_load_idx %arg9[%add3A_1543, %add3A_1549, %and3A_1552, %add3A_1556] : memref<16x4x8x128xf32, #tpu.memory_space<vmem>>[vector<16xi32>, vector<16xi32>, vector<16xi32>, vector<16xi32>], vector<16xf32>,
      %swap3A_1558 = arith.constant 6 : i32
      %swap3A_1559 = arith.index_cast %swap3A_1558 : i32 to index
      %swap3A_1560 = arith.constant 32 : index
      %swap3A_1561 = tpu.vector_load %arg10[%swap3A_1559, %swap3A_1560] {strides = array<i32>} : memref<16x64xf32, #tpu.memory_space<vmem>>, vector<16xf32>,
      tpu.vector_store %arg10[%swap3A_1559, %swap3A_1560], %gather3A_1557 {strides = array<i32>} : memref<16x64xf32, #tpu.memory_space<vmem>>, vector<16xf32>,
      %slice3A_1562 = vector.extract_strided_slice %sub3A_256 {offsets = [7], sizes = [1], strides = [1]} : vector<16xi32> to vector<1xi32>
      %squeeze3A_1563 = vector.extract %slice3A_1562[0] : i32 from vector<1xi32>
      %add3A_1564 = vector.broadcast %squeeze3A_1563 : i32 to vector<16xi32>
      %add3A_1565 = arith.addi %broadcast_in_dim3A_7, %add3A_1564 : vector<16xi32>
      %shift_right_arithmetic3A_1566 = arith.constant 3 : i32
      %shift_right_arithmetic3A_1567 = vector.broadcast %shift_right_arithmetic3A_1566 : i32 to vector<16xi32>
      %shift_right_arithmetic3A_1568 = arith.shrsi %iota3A, %shift_right_arithmetic3A_1567 : vector<16xi32>
      %add3A_1569 = arith.constant 0 : i32
      %add3A_1570 = vector.broadcast %add3A_1569 : i32 to vector<16xi32>
      %add3A_1571 = arith.addi %add3A_1570, %shift_right_arithmetic3A_1568 : vector<16xi32>
      %and3A_1572 = arith.constant 7 : i32
      %and3A_1573 = vector.broadcast %and3A_1572 : i32 to vector<16xi32>
      %and3A_1574 = arith.andi %iota3A, %and3A_1573 : vector<16xi32>
      %slice3A_1575 = vector.extract_strided_slice %and3A_243 {offsets = [7], sizes = [1], strides = [1]} : vector<16xi32> to vector<1xi32>
      %squeeze3A_1576 = vector.extract %slice3A_1575[0] : i32 from vector<1xi32>
      %add3A_1577 = vector.broadcast %squeeze3A_1576 : i32 to vector<16xi32>
      %add3A_1578 = arith.addi %broadcast_in_dim3A_7, %add3A_1577 : vector<16xi32>
      %gather3A_1579 = tpu.vector_load_idx %arg9[%add3A_1565, %add3A_1571, %and3A_1574, %add3A_1578] : memref<16x4x8x128xf32, #tpu.memory_space<vmem>>[vector<16xi32>, vector<16xi32>, vector<16xi32>, vector<16xi32>], vector<16xf32>,
      %swap3A_1580 = arith.constant 7 : i32
      %swap3A_1581 = arith.index_cast %swap3A_1580 : i32 to index
      %swap3A_1582 = arith.constant 32 : index
      %swap3A_1583 = tpu.vector_load %arg10[%swap3A_1581, %swap3A_1582] {strides = array<i32>} : memref<16x64xf32, #tpu.memory_space<vmem>>, vector<16xf32>,
      tpu.vector_store %arg10[%swap3A_1581, %swap3A_1582], %gather3A_1579 {strides = array<i32>} : memref<16x64xf32, #tpu.memory_space<vmem>>, vector<16xf32>,
      %slice3A_1584 = vector.extract_strided_slice %sub3A_256 {offsets = [8], sizes = [1], strides = [1]} : vector<16xi32> to vector<1xi32>
      %squeeze3A_1585 = vector.extract %slice3A_1584[0] : i32 from vector<1xi32>
      %add3A_1586 = vector.broadcast %squeeze3A_1585 : i32 to vector<16xi32>
      %add3A_1587 = arith.addi %broadcast_in_dim3A_7, %add3A_1586 : vector<16xi32>
      %shift_right_arithmetic3A_1588 = arith.constant 3 : i32
      %shift_right_arithmetic3A_1589 = vector.broadcast %shift_right_arithmetic3A_1588 : i32 to vector<16xi32>
      %shift_right_arithmetic3A_1590 = arith.shrsi %iota3A, %shift_right_arithmetic3A_1589 : vector<16xi32>
      %add3A_1591 = arith.constant 0 : i32
      %add3A_1592 = vector.broadcast %add3A_1591 : i32 to vector<16xi32>
      %add3A_1593 = arith.addi %add3A_1592, %shift_right_arithmetic3A_1590 : vector<16xi32>
      %and3A_1594 = arith.constant 7 : i32
      %and3A_1595 = vector.broadcast %and3A_1594 : i32 to vector<16xi32>
      %and3A_1596 = arith.andi %iota3A, %and3A_1595 : vector<16xi32>
      %slice3A_1597 = vector.extract_strided_slice %and3A_243 {offsets = [8], sizes = [1], strides = [1]} : vector<16xi32> to vector<1xi32>
      %squeeze3A_1598 = vector.extract %slice3A_1597[0] : i32 from vector<1xi32>
      %add3A_1599 = vector.broadcast %squeeze3A_1598 : i32 to vector<16xi32>
      %add3A_1600 = arith.addi %broadcast_in_dim3A_7, %add3A_1599 : vector<16xi32>
      %gather3A_1601 = tpu.vector_load_idx %arg9[%add3A_1587, %add3A_1593, %and3A_1596, %add3A_1600] : memref<16x4x8x128xf32, #tpu.memory_space<vmem>>[vector<16xi32>, vector<16xi32>, vector<16xi32>, vector<16xi32>], vector<16xf32>,
      %swap3A_1602 = arith.constant 8 : i32
      %swap3A_1603 = arith.index_cast %swap3A_1602 : i32 to index
      %swap3A_1604 = arith.constant 32 : index
      %swap3A_1605 = tpu.vector_load %arg10[%swap3A_1603, %swap3A_1604] {strides = array<i32>} : memref<16x64xf32, #tpu.memory_space<vmem>>, vector<16xf32>,
      tpu.vector_store %arg10[%swap3A_1603, %swap3A_1604], %gather3A_1601 {strides = array<i32>} : memref<16x64xf32, #tpu.memory_space<vmem>>, vector<16xf32>,
      %slice3A_1606 = vector.extract_strided_slice %sub3A_256 {offsets = [9], sizes = [1], strides = [1]} : vector<16xi32> to vector<1xi32>
      %squeeze3A_1607 = vector.extract %slice3A_1606[0] : i32 from vector<1xi32>
      %add3A_1608 = vector.broadcast %squeeze3A_1607 : i32 to vector<16xi32>
      %add3A_1609 = arith.addi %broadcast_in_dim3A_7, %add3A_1608 : vector<16xi32>
      %shift_right_arithmetic3A_1610 = arith.constant 3 : i32
      %shift_right_arithmetic3A_1611 = vector.broadcast %shift_right_arithmetic3A_1610 : i32 to vector<16xi32>
      %shift_right_arithmetic3A_1612 = arith.shrsi %iota3A, %shift_right_arithmetic3A_1611 : vector<16xi32>
      %add3A_1613 = arith.constant 0 : i32
      %add3A_1614 = vector.broadcast %add3A_1613 : i32 to vector<16xi32>
      %add3A_1615 = arith.addi %add3A_1614, %shift_right_arithmetic3A_1612 : vector<16xi32>
      %and3A_1616 = arith.constant 7 : i32
      %and3A_1617 = vector.broadcast %and3A_1616 : i32 to vector<16xi32>
      %and3A_1618 = arith.andi %iota3A, %and3A_1617 : vector<16xi32>
      %slice3A_1619 = vector.extract_strided_slice %and3A_243 {offsets = [9], sizes = [1], strides = [1]} : vector<16xi32> to vector<1xi32>
      %squeeze3A_1620 = vector.extract %slice3A_1619[0] : i32 from vector<1xi32>
      %add3A_1621 = vector.broadcast %squeeze3A_1620 : i32 to vector<16xi32>
      %add3A_1622 = arith.addi %broadcast_in_dim3A_7, %add3A_1621 : vector<16xi32>
      %gather3A_1623 = tpu.vector_load_idx %arg9[%add3A_1609, %add3A_1615, %and3A_1618, %add3A_1622] : memref<16x4x8x128xf32, #tpu.memory_space<vmem>>[vector<16xi32>, vector<16xi32>, vector<16xi32>, vector<16xi32>], vector<16xf32>,
      %swap3A_1624 = arith.constant 9 : i32
      %swap3A_1625 = arith.index_cast %swap3A_1624 : i32 to index
      %swap3A_1626 = arith.constant 32 : index
      %swap3A_1627 = tpu.vector_load %arg10[%swap3A_1625, %swap3A_1626] {strides = array<i32>} : memref<16x64xf32, #tpu.memory_space<vmem>>, vector<16xf32>,
      tpu.vector_store %arg10[%swap3A_1625, %swap3A_1626], %gather3A_1623 {strides = array<i32>} : memref<16x64xf32, #tpu.memory_space<vmem>>, vector<16xf32>,
      %slice3A_1628 = vector.extract_strided_slice %sub3A_256 {offsets = [10], sizes = [1], strides = [1]} : vector<16xi32> to vector<1xi32>
      %squeeze3A_1629 = vector.extract %slice3A_1628[0] : i32 from vector<1xi32>
      %add3A_1630 = vector.broadcast %squeeze3A_1629 : i32 to vector<16xi32>
      %add3A_1631 = arith.addi %broadcast_in_dim3A_7, %add3A_1630 : vector<16xi32>
      %shift_right_arithmetic3A_1632 = arith.constant 3 : i32
      %shift_right_arithmetic3A_1633 = vector.broadcast %shift_right_arithmetic3A_1632 : i32 to vector<16xi32>
      %shift_right_arithmetic3A_1634 = arith.shrsi %iota3A, %shift_right_arithmetic3A_1633 : vector<16xi32>
      %add3A_1635 = arith.constant 0 : i32
      %add3A_1636 = vector.broadcast %add3A_1635 : i32 to vector<16xi32>
      %add3A_1637 = arith.addi %add3A_1636, %shift_right_arithmetic3A_1634 : vector<16xi32>
      %and3A_1638 = arith.constant 7 : i32
      %and3A_1639 = vector.broadcast %and3A_1638 : i32 to vector<16xi32>
      %and3A_1640 = arith.andi %iota3A, %and3A_1639 : vector<16xi32>
      %slice3A_1641 = vector.extract_strided_slice %and3A_243 {offsets = [10], sizes = [1], strides = [1]} : vector<16xi32> to vector<1xi32>
      %squeeze3A_1642 = vector.extract %slice3A_1641[0] : i32 from vector<1xi32>
      %add3A_1643 = vector.broadcast %squeeze3A_1642 : i32 to vector<16xi32>
      %add3A_1644 = arith.addi %broadcast_in_dim3A_7, %add3A_1643 : vector<16xi32>
      %gather3A_1645 = tpu.vector_load_idx %arg9[%add3A_1631, %add3A_1637, %and3A_1640, %add3A_1644] : memref<16x4x8x128xf32, #tpu.memory_space<vmem>>[vector<16xi32>, vector<16xi32>, vector<16xi32>, vector<16xi32>], vector<16xf32>,
      %swap3A_1646 = arith.constant 10 : i32
      %swap3A_1647 = arith.index_cast %swap3A_1646 : i32 to index
      %swap3A_1648 = arith.constant 32 : index
      %swap3A_1649 = tpu.vector_load %arg10[%swap3A_1647, %swap3A_1648] {strides = array<i32>} : memref<16x64xf32, #tpu.memory_space<vmem>>, vector<16xf32>,
      tpu.vector_store %arg10[%swap3A_1647, %swap3A_1648], %gather3A_1645 {strides = array<i32>} : memref<16x64xf32, #tpu.memory_space<vmem>>, vector<16xf32>,
      %slice3A_1650 = vector.extract_strided_slice %sub3A_256 {offsets = [11], sizes = [1], strides = [1]} : vector<16xi32> to vector<1xi32>
      %squeeze3A_1651 = vector.extract %slice3A_1650[0] : i32 from vector<1xi32>
      %add3A_1652 = vector.broadcast %squeeze3A_1651 : i32 to vector<16xi32>
      %add3A_1653 = arith.addi %broadcast_in_dim3A_7, %add3A_1652 : vector<16xi32>
      %shift_right_arithmetic3A_1654 = arith.constant 3 : i32
      %shift_right_arithmetic3A_1655 = vector.broadcast %shift_right_arithmetic3A_1654 : i32 to vector<16xi32>
      %shift_right_arithmetic3A_1656 = arith.shrsi %iota3A, %shift_right_arithmetic3A_1655 : vector<16xi32>
      %add3A_1657 = arith.constant 0 : i32
      %add3A_1658 = vector.broadcast %add3A_1657 : i32 to vector<16xi32>
      %add3A_1659 = arith.addi %add3A_1658, %shift_right_arithmetic3A_1656 : vector<16xi32>
      %and3A_1660 = arith.constant 7 : i32
      %and3A_1661 = vector.broadcast %and3A_1660 : i32 to vector<16xi32>
      %and3A_1662 = arith.andi %iota3A, %and3A_1661 : vector<16xi32>
      %slice3A_1663 = vector.extract_strided_slice %and3A_243 {offsets = [11], sizes = [1], strides = [1]} : vector<16xi32> to vector<1xi32>
      %squeeze3A_1664 = vector.extract %slice3A_1663[0] : i32 from vector<1xi32>
      %add3A_1665 = vector.broadcast %squeeze3A_1664 : i32 to vector<16xi32>
      %add3A_1666 = arith.addi %broadcast_in_dim3A_7, %add3A_1665 : vector<16xi32>
      %gather3A_1667 = tpu.vector_load_idx %arg9[%add3A_1653, %add3A_1659, %and3A_1662, %add3A_1666] : memref<16x4x8x128xf32, #tpu.memory_space<vmem>>[vector<16xi32>, vector<16xi32>, vector<16xi32>, vector<16xi32>], vector<16xf32>,
      %swap3A_1668 = arith.constant 11 : i32
      %swap3A_1669 = arith.index_cast %swap3A_1668 : i32 to index
      %swap3A_1670 = arith.constant 32 : index
      %swap3A_1671 = tpu.vector_load %arg10[%swap3A_1669, %swap3A_1670] {strides = array<i32>} : memref<16x64xf32, #tpu.memory_space<vmem>>, vector<16xf32>,
      tpu.vector_store %arg10[%swap3A_1669, %swap3A_1670], %gather3A_1667 {strides = array<i32>} : memref<16x64xf32, #tpu.memory_space<vmem>>, vector<16xf32>,
      %slice3A_1672 = vector.extract_strided_slice %sub3A_256 {offsets = [12], sizes = [1], strides = [1]} : vector<16xi32> to vector<1xi32>
      %squeeze3A_1673 = vector.extract %slice3A_1672[0] : i32 from vector<1xi32>
      %add3A_1674 = vector.broadcast %squeeze3A_1673 : i32 to vector<16xi32>
      %add3A_1675 = arith.addi %broadcast_in_dim3A_7, %add3A_1674 : vector<16xi32>
      %shift_right_arithmetic3A_1676 = arith.constant 3 : i32
      %shift_right_arithmetic3A_1677 = vector.broadcast %shift_right_arithmetic3A_1676 : i32 to vector<16xi32>
      %shift_right_arithmetic3A_1678 = arith.shrsi %iota3A, %shift_right_arithmetic3A_1677 : vector<16xi32>
      %add3A_1679 = arith.constant 0 : i32
      %add3A_1680 = vector.broadcast %add3A_1679 : i32 to vector<16xi32>
      %add3A_1681 = arith.addi %add3A_1680, %shift_right_arithmetic3A_1678 : vector<16xi32>
      %and3A_1682 = arith.constant 7 : i32
      %and3A_1683 = vector.broadcast %and3A_1682 : i32 to vector<16xi32>
      %and3A_1684 = arith.andi %iota3A, %and3A_1683 : vector<16xi32>
      %slice3A_1685 = vector.extract_strided_slice %and3A_243 {offsets = [12], sizes = [1], strides = [1]} : vector<16xi32> to vector<1xi32>
      %squeeze3A_1686 = vector.extract %slice3A_1685[0] : i32 from vector<1xi32>
      %add3A_1687 = vector.broadcast %squeeze3A_1686 : i32 to vector<16xi32>
      %add3A_1688 = arith.addi %broadcast_in_dim3A_7, %add3A_1687 : vector<16xi32>
      %gather3A_1689 = tpu.vector_load_idx %arg9[%add3A_1675, %add3A_1681, %and3A_1684, %add3A_1688] : memref<16x4x8x128xf32, #tpu.memory_space<vmem>>[vector<16xi32>, vector<16xi32>, vector<16xi32>, vector<16xi32>], vector<16xf32>,
      %swap3A_1690 = arith.constant 12 : i32
      %swap3A_1691 = arith.index_cast %swap3A_1690 : i32 to index
      %swap3A_1692 = arith.constant 32 : index
      %swap3A_1693 = tpu.vector_load %arg10[%swap3A_1691, %swap3A_1692] {strides = array<i32>} : memref<16x64xf32, #tpu.memory_space<vmem>>, vector<16xf32>,
      tpu.vector_store %arg10[%swap3A_1691, %swap3A_1692], %gather3A_1689 {strides = array<i32>} : memref<16x64xf32, #tpu.memory_space<vmem>>, vector<16xf32>,
      %slice3A_1694 = vector.extract_strided_slice %sub3A_256 {offsets = [13], sizes = [1], strides = [1]} : vector<16xi32> to vector<1xi32>
      %squeeze3A_1695 = vector.extract %slice3A_1694[0] : i32 from vector<1xi32>
      %add3A_1696 = vector.broadcast %squeeze3A_1695 : i32 to vector<16xi32>
      %add3A_1697 = arith.addi %broadcast_in_dim3A_7, %add3A_1696 : vector<16xi32>
      %shift_right_arithmetic3A_1698 = arith.constant 3 : i32
      %shift_right_arithmetic3A_1699 = vector.broadcast %shift_right_arithmetic3A_1698 : i32 to vector<16xi32>
      %shift_right_arithmetic3A_1700 = arith.shrsi %iota3A, %shift_right_arithmetic3A_1699 : vector<16xi32>
      %add3A_1701 = arith.constant 0 : i32
      %add3A_1702 = vector.broadcast %add3A_1701 : i32 to vector<16xi32>
      %add3A_1703 = arith.addi %add3A_1702, %shift_right_arithmetic3A_1700 : vector<16xi32>
      %and3A_1704 = arith.constant 7 : i32
      %and3A_1705 = vector.broadcast %and3A_1704 : i32 to vector<16xi32>
      %and3A_1706 = arith.andi %iota3A, %and3A_1705 : vector<16xi32>
      %slice3A_1707 = vector.extract_strided_slice %and3A_243 {offsets = [13], sizes = [1], strides = [1]} : vector<16xi32> to vector<1xi32>
      %squeeze3A_1708 = vector.extract %slice3A_1707[0] : i32 from vector<1xi32>
      %add3A_1709 = vector.broadcast %squeeze3A_1708 : i32 to vector<16xi32>
      %add3A_1710 = arith.addi %broadcast_in_dim3A_7, %add3A_1709 : vector<16xi32>
      %gather3A_1711 = tpu.vector_load_idx %arg9[%add3A_1697, %add3A_1703, %and3A_1706, %add3A_1710] : memref<16x4x8x128xf32, #tpu.memory_space<vmem>>[vector<16xi32>, vector<16xi32>, vector<16xi32>, vector<16xi32>], vector<16xf32>,
      %swap3A_1712 = arith.constant 13 : i32
      %swap3A_1713 = arith.index_cast %swap3A_1712 : i32 to index
      %swap3A_1714 = arith.constant 32 : index
      %swap3A_1715 = tpu.vector_load %arg10[%swap3A_1713, %swap3A_1714] {strides = array<i32>} : memref<16x64xf32, #tpu.memory_space<vmem>>, vector<16xf32>,
      tpu.vector_store %arg10[%swap3A_1713, %swap3A_1714], %gather3A_1711 {strides = array<i32>} : memref<16x64xf32, #tpu.memory_space<vmem>>, vector<16xf32>,
      %slice3A_1716 = vector.extract_strided_slice %sub3A_256 {offsets = [14], sizes = [1], strides = [1]} : vector<16xi32> to vector<1xi32>
      %squeeze3A_1717 = vector.extract %slice3A_1716[0] : i32 from vector<1xi32>
      %add3A_1718 = vector.broadcast %squeeze3A_1717 : i32 to vector<16xi32>
      %add3A_1719 = arith.addi %broadcast_in_dim3A_7, %add3A_1718 : vector<16xi32>
      %shift_right_arithmetic3A_1720 = arith.constant 3 : i32
      %shift_right_arithmetic3A_1721 = vector.broadcast %shift_right_arithmetic3A_1720 : i32 to vector<16xi32>
      %shift_right_arithmetic3A_1722 = arith.shrsi %iota3A, %shift_right_arithmetic3A_1721 : vector<16xi32>
      %add3A_1723 = arith.constant 0 : i32
      %add3A_1724 = vector.broadcast %add3A_1723 : i32 to vector<16xi32>
      %add3A_1725 = arith.addi %add3A_1724, %shift_right_arithmetic3A_1722 : vector<16xi32>
      %and3A_1726 = arith.constant 7 : i32
      %and3A_1727 = vector.broadcast %and3A_1726 : i32 to vector<16xi32>
      %and3A_1728 = arith.andi %iota3A, %and3A_1727 : vector<16xi32>
      %slice3A_1729 = vector.extract_strided_slice %and3A_243 {offsets = [14], sizes = [1], strides = [1]} : vector<16xi32> to vector<1xi32>
      %squeeze3A_1730 = vector.extract %slice3A_1729[0] : i32 from vector<1xi32>
      %add3A_1731 = vector.broadcast %squeeze3A_1730 : i32 to vector<16xi32>
      %add3A_1732 = arith.addi %broadcast_in_dim3A_7, %add3A_1731 : vector<16xi32>
      %gather3A_1733 = tpu.vector_load_idx %arg9[%add3A_1719, %add3A_1725, %and3A_1728, %add3A_1732] : memref<16x4x8x128xf32, #tpu.memory_space<vmem>>[vector<16xi32>, vector<16xi32>, vector<16xi32>, vector<16xi32>], vector<16xf32>,
      %swap3A_1734 = arith.constant 14 : i32
      %swap3A_1735 = arith.index_cast %swap3A_1734 : i32 to index
      %swap3A_1736 = arith.constant 32 : index
      %swap3A_1737 = tpu.vector_load %arg10[%swap3A_1735, %swap3A_1736] {strides = array<i32>} : memref<16x64xf32, #tpu.memory_space<vmem>>, vector<16xf32>,
      tpu.vector_store %arg10[%swap3A_1735, %swap3A_1736], %gather3A_1733 {strides = array<i32>} : memref<16x64xf32, #tpu.memory_space<vmem>>, vector<16xf32>,
      %slice3A_1738 = vector.extract_strided_slice %sub3A_256 {offsets = [15], sizes = [1], strides = [1]} : vector<16xi32> to vector<1xi32>
      %squeeze3A_1739 = vector.extract %slice3A_1738[0] : i32 from vector<1xi32>
      %add3A_1740 = vector.broadcast %squeeze3A_1739 : i32 to vector<16xi32>
      %add3A_1741 = arith.addi %broadcast_in_dim3A_7, %add3A_1740 : vector<16xi32>
      %shift_right_arithmetic3A_1742 = arith.constant 3 : i32
      %shift_right_arithmetic3A_1743 = vector.broadcast %shift_right_arithmetic3A_1742 : i32 to vector<16xi32>
      %shift_right_arithmetic3A_1744 = arith.shrsi %iota3A, %shift_right_arithmetic3A_1743 : vector<16xi32>
      %add3A_1745 = arith.constant 0 : i32
      %add3A_1746 = vector.broadcast %add3A_1745 : i32 to vector<16xi32>
      %add3A_1747 = arith.addi %add3A_1746, %shift_right_arithmetic3A_1744 : vector<16xi32>
      %and3A_1748 = arith.constant 7 : i32
      %and3A_1749 = vector.broadcast %and3A_1748 : i32 to vector<16xi32>
      %and3A_1750 = arith.andi %iota3A, %and3A_1749 : vector<16xi32>
      %slice3A_1751 = vector.extract_strided_slice %and3A_243 {offsets = [15], sizes = [1], strides = [1]} : vector<16xi32> to vector<1xi32>
      %squeeze3A_1752 = vector.extract %slice3A_1751[0] : i32 from vector<1xi32>
      %add3A_1753 = vector.broadcast %squeeze3A_1752 : i32 to vector<16xi32>
      %add3A_1754 = arith.addi %broadcast_in_dim3A_7, %add3A_1753 : vector<16xi32>
      %gather3A_1755 = tpu.vector_load_idx %arg9[%add3A_1741, %add3A_1747, %and3A_1750, %add3A_1754] : memref<16x4x8x128xf32, #tpu.memory_space<vmem>>[vector<16xi32>, vector<16xi32>, vector<16xi32>, vector<16xi32>], vector<16xf32>,
      %swap3A_1756 = arith.constant 15 : i32
      %swap3A_1757 = arith.index_cast %swap3A_1756 : i32 to index
      %swap3A_1758 = arith.constant 32 : index
      %swap3A_1759 = tpu.vector_load %arg10[%swap3A_1757, %swap3A_1758] {strides = array<i32>} : memref<16x64xf32, #tpu.memory_space<vmem>>, vector<16xf32>,
      tpu.vector_store %arg10[%swap3A_1757, %swap3A_1758], %gather3A_1755 {strides = array<i32>} : memref<16x64xf32, #tpu.memory_space<vmem>>, vector<16xf32>,
      %slice3A_1760 = vector.extract_strided_slice %sub3A_256 {offsets = [0], sizes = [1], strides = [1]} : vector<16xi32> to vector<1xi32>
      %squeeze3A_1761 = vector.extract %slice3A_1760[0] : i32 from vector<1xi32>
      %add3A_1762 = vector.broadcast %squeeze3A_1761 : i32 to vector<16xi32>
      %add3A_1763 = arith.addi %broadcast_in_dim3A_7, %add3A_1762 : vector<16xi32>
      %shift_right_arithmetic3A_1764 = arith.constant 3 : i32
      %shift_right_arithmetic3A_1765 = vector.broadcast %shift_right_arithmetic3A_1764 : i32 to vector<16xi32>
      %shift_right_arithmetic3A_1766 = arith.shrsi %iota3A, %shift_right_arithmetic3A_1765 : vector<16xi32>
      %add3A_1767 = arith.constant 2 : i32
      %add3A_1768 = vector.broadcast %add3A_1767 : i32 to vector<16xi32>
      %add3A_1769 = arith.addi %add3A_1768, %shift_right_arithmetic3A_1766 : vector<16xi32>
      %and3A_1770 = arith.constant 7 : i32
      %and3A_1771 = vector.broadcast %and3A_1770 : i32 to vector<16xi32>
      %and3A_1772 = arith.andi %iota3A, %and3A_1771 : vector<16xi32>
      %slice3A_1773 = vector.extract_strided_slice %and3A_243 {offsets = [0], sizes = [1], strides = [1]} : vector<16xi32> to vector<1xi32>
      %squeeze3A_1774 = vector.extract %slice3A_1773[0] : i32 from vector<1xi32>
      %add3A_1775 = vector.broadcast %squeeze3A_1774 : i32 to vector<16xi32>
      %add3A_1776 = arith.addi %broadcast_in_dim3A_7, %add3A_1775 : vector<16xi32>
      %gather3A_1777 = tpu.vector_load_idx %arg9[%add3A_1763, %add3A_1769, %and3A_1772, %add3A_1776] : memref<16x4x8x128xf32, #tpu.memory_space<vmem>>[vector<16xi32>, vector<16xi32>, vector<16xi32>, vector<16xi32>], vector<16xf32>,
      %swap3A_1778 = arith.constant 0 : i32
      %swap3A_1779 = arith.index_cast %swap3A_1778 : i32 to index
      %swap3A_1780 = arith.constant 48 : index
      %swap3A_1781 = tpu.vector_load %arg10[%swap3A_1779, %swap3A_1780] {strides = array<i32>} : memref<16x64xf32, #tpu.memory_space<vmem>>, vector<16xf32>,
      tpu.vector_store %arg10[%swap3A_1779, %swap3A_1780], %gather3A_1777 {strides = array<i32>} : memref<16x64xf32, #tpu.memory_space<vmem>>, vector<16xf32>,
      %slice3A_1782 = vector.extract_strided_slice %sub3A_256 {offsets = [1], sizes = [1], strides = [1]} : vector<16xi32> to vector<1xi32>
      %squeeze3A_1783 = vector.extract %slice3A_1782[0] : i32 from vector<1xi32>
      %add3A_1784 = vector.broadcast %squeeze3A_1783 : i32 to vector<16xi32>
      %add3A_1785 = arith.addi %broadcast_in_dim3A_7, %add3A_1784 : vector<16xi32>
      %shift_right_arithmetic3A_1786 = arith.constant 3 : i32
      %shift_right_arithmetic3A_1787 = vector.broadcast %shift_right_arithmetic3A_1786 : i32 to vector<16xi32>
      %shift_right_arithmetic3A_1788 = arith.shrsi %iota3A, %shift_right_arithmetic3A_1787 : vector<16xi32>
      %add3A_1789 = arith.constant 2 : i32
      %add3A_1790 = vector.broadcast %add3A_1789 : i32 to vector<16xi32>
      %add3A_1791 = arith.addi %add3A_1790, %shift_right_arithmetic3A_1788 : vector<16xi32>
      %and3A_1792 = arith.constant 7 : i32
      %and3A_1793 = vector.broadcast %and3A_1792 : i32 to vector<16xi32>
      %and3A_1794 = arith.andi %iota3A, %and3A_1793 : vector<16xi32>
      %slice3A_1795 = vector.extract_strided_slice %and3A_243 {offsets = [1], sizes = [1], strides = [1]} : vector<16xi32> to vector<1xi32>
      %squeeze3A_1796 = vector.extract %slice3A_1795[0] : i32 from vector<1xi32>
      %add3A_1797 = vector.broadcast %squeeze3A_1796 : i32 to vector<16xi32>
      %add3A_1798 = arith.addi %broadcast_in_dim3A_7, %add3A_1797 : vector<16xi32>
      %gather3A_1799 = tpu.vector_load_idx %arg9[%add3A_1785, %add3A_1791, %and3A_1794, %add3A_1798] : memref<16x4x8x128xf32, #tpu.memory_space<vmem>>[vector<16xi32>, vector<16xi32>, vector<16xi32>, vector<16xi32>], vector<16xf32>,
      %swap3A_1800 = arith.constant 1 : i32
      %swap3A_1801 = arith.index_cast %swap3A_1800 : i32 to index
      %swap3A_1802 = arith.constant 48 : index
      %swap3A_1803 = tpu.vector_load %arg10[%swap3A_1801, %swap3A_1802] {strides = array<i32>} : memref<16x64xf32, #tpu.memory_space<vmem>>, vector<16xf32>,
      tpu.vector_store %arg10[%swap3A_1801, %swap3A_1802], %gather3A_1799 {strides = array<i32>} : memref<16x64xf32, #tpu.memory_space<vmem>>, vector<16xf32>,
      %slice3A_1804 = vector.extract_strided_slice %sub3A_256 {offsets = [2], sizes = [1], strides = [1]} : vector<16xi32> to vector<1xi32>
      %squeeze3A_1805 = vector.extract %slice3A_1804[0] : i32 from vector<1xi32>
      %add3A_1806 = vector.broadcast %squeeze3A_1805 : i32 to vector<16xi32>
      %add3A_1807 = arith.addi %broadcast_in_dim3A_7, %add3A_1806 : vector<16xi32>
      %shift_right_arithmetic3A_1808 = arith.constant 3 : i32
      %shift_right_arithmetic3A_1809 = vector.broadcast %shift_right_arithmetic3A_1808 : i32 to vector<16xi32>
      %shift_right_arithmetic3A_1810 = arith.shrsi %iota3A, %shift_right_arithmetic3A_1809 : vector<16xi32>
      %add3A_1811 = arith.constant 2 : i32
      %add3A_1812 = vector.broadcast %add3A_1811 : i32 to vector<16xi32>
      %add3A_1813 = arith.addi %add3A_1812, %shift_right_arithmetic3A_1810 : vector<16xi32>
      %and3A_1814 = arith.constant 7 : i32
      %and3A_1815 = vector.broadcast %and3A_1814 : i32 to vector<16xi32>
      %and3A_1816 = arith.andi %iota3A, %and3A_1815 : vector<16xi32>
      %slice3A_1817 = vector.extract_strided_slice %and3A_243 {offsets = [2], sizes = [1], strides = [1]} : vector<16xi32> to vector<1xi32>
      %squeeze3A_1818 = vector.extract %slice3A_1817[0] : i32 from vector<1xi32>
      %add3A_1819 = vector.broadcast %squeeze3A_1818 : i32 to vector<16xi32>
      %add3A_1820 = arith.addi %broadcast_in_dim3A_7, %add3A_1819 : vector<16xi32>
      %gather3A_1821 = tpu.vector_load_idx %arg9[%add3A_1807, %add3A_1813, %and3A_1816, %add3A_1820] : memref<16x4x8x128xf32, #tpu.memory_space<vmem>>[vector<16xi32>, vector<16xi32>, vector<16xi32>, vector<16xi32>], vector<16xf32>,
      %swap3A_1822 = arith.constant 2 : i32
      %swap3A_1823 = arith.index_cast %swap3A_1822 : i32 to index
      %swap3A_1824 = arith.constant 48 : index
      %swap3A_1825 = tpu.vector_load %arg10[%swap3A_1823, %swap3A_1824] {strides = array<i32>} : memref<16x64xf32, #tpu.memory_space<vmem>>, vector<16xf32>,
      tpu.vector_store %arg10[%swap3A_1823, %swap3A_1824], %gather3A_1821 {strides = array<i32>} : memref<16x64xf32, #tpu.memory_space<vmem>>, vector<16xf32>,
      %slice3A_1826 = vector.extract_strided_slice %sub3A_256 {offsets = [3], sizes = [1], strides = [1]} : vector<16xi32> to vector<1xi32>
      %squeeze3A_1827 = vector.extract %slice3A_1826[0] : i32 from vector<1xi32>
      %add3A_1828 = vector.broadcast %squeeze3A_1827 : i32 to vector<16xi32>
      %add3A_1829 = arith.addi %broadcast_in_dim3A_7, %add3A_1828 : vector<16xi32>
      %shift_right_arithmetic3A_1830 = arith.constant 3 : i32
      %shift_right_arithmetic3A_1831 = vector.broadcast %shift_right_arithmetic3A_1830 : i32 to vector<16xi32>
      %shift_right_arithmetic3A_1832 = arith.shrsi %iota3A, %shift_right_arithmetic3A_1831 : vector<16xi32>
      %add3A_1833 = arith.constant 2 : i32
      %add3A_1834 = vector.broadcast %add3A_1833 : i32 to vector<16xi32>
      %add3A_1835 = arith.addi %add3A_1834, %shift_right_arithmetic3A_1832 : vector<16xi32>
      %and3A_1836 = arith.constant 7 : i32
      %and3A_1837 = vector.broadcast %and3A_1836 : i32 to vector<16xi32>
      %and3A_1838 = arith.andi %iota3A, %and3A_1837 : vector<16xi32>
      %slice3A_1839 = vector.extract_strided_slice %and3A_243 {offsets = [3], sizes = [1], strides = [1]} : vector<16xi32> to vector<1xi32>
      %squeeze3A_1840 = vector.extract %slice3A_1839[0] : i32 from vector<1xi32>
      %add3A_1841 = vector.broadcast %squeeze3A_1840 : i32 to vector<16xi32>
      %add3A_1842 = arith.addi %broadcast_in_dim3A_7, %add3A_1841 : vector<16xi32>
      %gather3A_1843 = tpu.vector_load_idx %arg9[%add3A_1829, %add3A_1835, %and3A_1838, %add3A_1842] : memref<16x4x8x128xf32, #tpu.memory_space<vmem>>[vector<16xi32>, vector<16xi32>, vector<16xi32>, vector<16xi32>], vector<16xf32>,
      %swap3A_1844 = arith.constant 3 : i32
      %swap3A_1845 = arith.index_cast %swap3A_1844 : i32 to index
      %swap3A_1846 = arith.constant 48 : index
      %swap3A_1847 = tpu.vector_load %arg10[%swap3A_1845, %swap3A_1846] {strides = array<i32>} : memref<16x64xf32, #tpu.memory_space<vmem>>, vector<16xf32>,
      tpu.vector_store %arg10[%swap3A_1845, %swap3A_1846], %gather3A_1843 {strides = array<i32>} : memref<16x64xf32, #tpu.memory_space<vmem>>, vector<16xf32>,
      %slice3A_1848 = vector.extract_strided_slice %sub3A_256 {offsets = [4], sizes = [1], strides = [1]} : vector<16xi32> to vector<1xi32>
      %squeeze3A_1849 = vector.extract %slice3A_1848[0] : i32 from vector<1xi32>
      %add3A_1850 = vector.broadcast %squeeze3A_1849 : i32 to vector<16xi32>
      %add3A_1851 = arith.addi %broadcast_in_dim3A_7, %add3A_1850 : vector<16xi32>
      %shift_right_arithmetic3A_1852 = arith.constant 3 : i32
      %shift_right_arithmetic3A_1853 = vector.broadcast %shift_right_arithmetic3A_1852 : i32 to vector<16xi32>
      %shift_right_arithmetic3A_1854 = arith.shrsi %iota3A, %shift_right_arithmetic3A_1853 : vector<16xi32>
      %add3A_1855 = arith.constant 2 : i32
      %add3A_1856 = vector.broadcast %add3A_1855 : i32 to vector<16xi32>
      %add3A_1857 = arith.addi %add3A_1856, %shift_right_arithmetic3A_1854 : vector<16xi32>
      %and3A_1858 = arith.constant 7 : i32
      %and3A_1859 = vector.broadcast %and3A_1858 : i32 to vector<16xi32>
      %and3A_1860 = arith.andi %iota3A, %and3A_1859 : vector<16xi32>
      %slice3A_1861 = vector.extract_strided_slice %and3A_243 {offsets = [4], sizes = [1], strides = [1]} : vector<16xi32> to vector<1xi32>
      %squeeze3A_1862 = vector.extract %slice3A_1861[0] : i32 from vector<1xi32>
      %add3A_1863 = vector.broadcast %squeeze3A_1862 : i32 to vector<16xi32>
      %add3A_1864 = arith.addi %broadcast_in_dim3A_7, %add3A_1863 : vector<16xi32>
      %gather3A_1865 = tpu.vector_load_idx %arg9[%add3A_1851, %add3A_1857, %and3A_1860, %add3A_1864] : memref<16x4x8x128xf32, #tpu.memory_space<vmem>>[vector<16xi32>, vector<16xi32>, vector<16xi32>, vector<16xi32>], vector<16xf32>,
      %swap3A_1866 = arith.constant 4 : i32
      %swap3A_1867 = arith.index_cast %swap3A_1866 : i32 to index
      %swap3A_1868 = arith.constant 48 : index
      %swap3A_1869 = tpu.vector_load %arg10[%swap3A_1867, %swap3A_1868] {strides = array<i32>} : memref<16x64xf32, #tpu.memory_space<vmem>>, vector<16xf32>,
      tpu.vector_store %arg10[%swap3A_1867, %swap3A_1868], %gather3A_1865 {strides = array<i32>} : memref<16x64xf32, #tpu.memory_space<vmem>>, vector<16xf32>,
      %slice3A_1870 = vector.extract_strided_slice %sub3A_256 {offsets = [5], sizes = [1], strides = [1]} : vector<16xi32> to vector<1xi32>
      %squeeze3A_1871 = vector.extract %slice3A_1870[0] : i32 from vector<1xi32>
      %add3A_1872 = vector.broadcast %squeeze3A_1871 : i32 to vector<16xi32>
      %add3A_1873 = arith.addi %broadcast_in_dim3A_7, %add3A_1872 : vector<16xi32>
      %shift_right_arithmetic3A_1874 = arith.constant 3 : i32
      %shift_right_arithmetic3A_1875 = vector.broadcast %shift_right_arithmetic3A_1874 : i32 to vector<16xi32>
      %shift_right_arithmetic3A_1876 = arith.shrsi %iota3A, %shift_right_arithmetic3A_1875 : vector<16xi32>
      %add3A_1877 = arith.constant 2 : i32
      %add3A_1878 = vector.broadcast %add3A_1877 : i32 to vector<16xi32>
      %add3A_1879 = arith.addi %add3A_1878, %shift_right_arithmetic3A_1876 : vector<16xi32>
      %and3A_1880 = arith.constant 7 : i32
      %and3A_1881 = vector.broadcast %and3A_1880 : i32 to vector<16xi32>
      %and3A_1882 = arith.andi %iota3A, %and3A_1881 : vector<16xi32>
      %slice3A_1883 = vector.extract_strided_slice %and3A_243 {offsets = [5], sizes = [1], strides = [1]} : vector<16xi32> to vector<1xi32>
      %squeeze3A_1884 = vector.extract %slice3A_1883[0] : i32 from vector<1xi32>
      %add3A_1885 = vector.broadcast %squeeze3A_1884 : i32 to vector<16xi32>
      %add3A_1886 = arith.addi %broadcast_in_dim3A_7, %add3A_1885 : vector<16xi32>
      %gather3A_1887 = tpu.vector_load_idx %arg9[%add3A_1873, %add3A_1879, %and3A_1882, %add3A_1886] : memref<16x4x8x128xf32, #tpu.memory_space<vmem>>[vector<16xi32>, vector<16xi32>, vector<16xi32>, vector<16xi32>], vector<16xf32>,
      %swap3A_1888 = arith.constant 5 : i32
      %swap3A_1889 = arith.index_cast %swap3A_1888 : i32 to index
      %swap3A_1890 = arith.constant 48 : index
      %swap3A_1891 = tpu.vector_load %arg10[%swap3A_1889, %swap3A_1890] {strides = array<i32>} : memref<16x64xf32, #tpu.memory_space<vmem>>, vector<16xf32>,
      tpu.vector_store %arg10[%swap3A_1889, %swap3A_1890], %gather3A_1887 {strides = array<i32>} : memref<16x64xf32, #tpu.memory_space<vmem>>, vector<16xf32>,
      %slice3A_1892 = vector.extract_strided_slice %sub3A_256 {offsets = [6], sizes = [1], strides = [1]} : vector<16xi32> to vector<1xi32>
      %squeeze3A_1893 = vector.extract %slice3A_1892[0] : i32 from vector<1xi32>
      %add3A_1894 = vector.broadcast %squeeze3A_1893 : i32 to vector<16xi32>
      %add3A_1895 = arith.addi %broadcast_in_dim3A_7, %add3A_1894 : vector<16xi32>
      %shift_right_arithmetic3A_1896 = arith.constant 3 : i32
      %shift_right_arithmetic3A_1897 = vector.broadcast %shift_right_arithmetic3A_1896 : i32 to vector<16xi32>
      %shift_right_arithmetic3A_1898 = arith.shrsi %iota3A, %shift_right_arithmetic3A_1897 : vector<16xi32>
      %add3A_1899 = arith.constant 2 : i32
      %add3A_1900 = vector.broadcast %add3A_1899 : i32 to vector<16xi32>
      %add3A_1901 = arith.addi %add3A_1900, %shift_right_arithmetic3A_1898 : vector<16xi32>
      %and3A_1902 = arith.constant 7 : i32
      %and3A_1903 = vector.broadcast %and3A_1902 : i32 to vector<16xi32>
      %and3A_1904 = arith.andi %iota3A, %and3A_1903 : vector<16xi32>
      %slice3A_1905 = vector.extract_strided_slice %and3A_243 {offsets = [6], sizes = [1], strides = [1]} : vector<16xi32> to vector<1xi32>
      %squeeze3A_1906 = vector.extract %slice3A_1905[0] : i32 from vector<1xi32>
      %add3A_1907 = vector.broadcast %squeeze3A_1906 : i32 to vector<16xi32>
      %add3A_1908 = arith.addi %broadcast_in_dim3A_7, %add3A_1907 : vector<16xi32>
      %gather3A_1909 = tpu.vector_load_idx %arg9[%add3A_1895, %add3A_1901, %and3A_1904, %add3A_1908] : memref<16x4x8x128xf32, #tpu.memory_space<vmem>>[vector<16xi32>, vector<16xi32>, vector<16xi32>, vector<16xi32>], vector<16xf32>,
      %swap3A_1910 = arith.constant 6 : i32
      %swap3A_1911 = arith.index_cast %swap3A_1910 : i32 to index
      %swap3A_1912 = arith.constant 48 : index
      %swap3A_1913 = tpu.vector_load %arg10[%swap3A_1911, %swap3A_1912] {strides = array<i32>} : memref<16x64xf32, #tpu.memory_space<vmem>>, vector<16xf32>,
      tpu.vector_store %arg10[%swap3A_1911, %swap3A_1912], %gather3A_1909 {strides = array<i32>} : memref<16x64xf32, #tpu.memory_space<vmem>>, vector<16xf32>,
      %slice3A_1914 = vector.extract_strided_slice %sub3A_256 {offsets = [7], sizes = [1], strides = [1]} : vector<16xi32> to vector<1xi32>
      %squeeze3A_1915 = vector.extract %slice3A_1914[0] : i32 from vector<1xi32>
      %add3A_1916 = vector.broadcast %squeeze3A_1915 : i32 to vector<16xi32>
      %add3A_1917 = arith.addi %broadcast_in_dim3A_7, %add3A_1916 : vector<16xi32>
      %shift_right_arithmetic3A_1918 = arith.constant 3 : i32
      %shift_right_arithmetic3A_1919 = vector.broadcast %shift_right_arithmetic3A_1918 : i32 to vector<16xi32>
      %shift_right_arithmetic3A_1920 = arith.shrsi %iota3A, %shift_right_arithmetic3A_1919 : vector<16xi32>
      %add3A_1921 = arith.constant 2 : i32
      %add3A_1922 = vector.broadcast %add3A_1921 : i32 to vector<16xi32>
      %add3A_1923 = arith.addi %add3A_1922, %shift_right_arithmetic3A_1920 : vector<16xi32>
      %and3A_1924 = arith.constant 7 : i32
      %and3A_1925 = vector.broadcast %and3A_1924 : i32 to vector<16xi32>
      %and3A_1926 = arith.andi %iota3A, %and3A_1925 : vector<16xi32>
      %slice3A_1927 = vector.extract_strided_slice %and3A_243 {offsets = [7], sizes = [1], strides = [1]} : vector<16xi32> to vector<1xi32>
      %squeeze3A_1928 = vector.extract %slice3A_1927[0] : i32 from vector<1xi32>
      %add3A_1929 = vector.broadcast %squeeze3A_1928 : i32 to vector<16xi32>
      %add3A_1930 = arith.addi %broadcast_in_dim3A_7, %add3A_1929 : vector<16xi32>
      %gather3A_1931 = tpu.vector_load_idx %arg9[%add3A_1917, %add3A_1923, %and3A_1926, %add3A_1930] : memref<16x4x8x128xf32, #tpu.memory_space<vmem>>[vector<16xi32>, vector<16xi32>, vector<16xi32>, vector<16xi32>], vector<16xf32>,
      %swap3A_1932 = arith.constant 7 : i32
      %swap3A_1933 = arith.index_cast %swap3A_1932 : i32 to index
      %swap3A_1934 = arith.constant 48 : index
      %swap3A_1935 = tpu.vector_load %arg10[%swap3A_1933, %swap3A_1934] {strides = array<i32>} : memref<16x64xf32, #tpu.memory_space<vmem>>, vector<16xf32>,
      tpu.vector_store %arg10[%swap3A_1933, %swap3A_1934], %gather3A_1931 {strides = array<i32>} : memref<16x64xf32, #tpu.memory_space<vmem>>, vector<16xf32>,
      %slice3A_1936 = vector.extract_strided_slice %sub3A_256 {offsets = [8], sizes = [1], strides = [1]} : vector<16xi32> to vector<1xi32>
      %squeeze3A_1937 = vector.extract %slice3A_1936[0] : i32 from vector<1xi32>
      %add3A_1938 = vector.broadcast %squeeze3A_1937 : i32 to vector<16xi32>
      %add3A_1939 = arith.addi %broadcast_in_dim3A_7, %add3A_1938 : vector<16xi32>
      %shift_right_arithmetic3A_1940 = arith.constant 3 : i32
      %shift_right_arithmetic3A_1941 = vector.broadcast %shift_right_arithmetic3A_1940 : i32 to vector<16xi32>
      %shift_right_arithmetic3A_1942 = arith.shrsi %iota3A, %shift_right_arithmetic3A_1941 : vector<16xi32>
      %add3A_1943 = arith.constant 2 : i32
      %add3A_1944 = vector.broadcast %add3A_1943 : i32 to vector<16xi32>
      %add3A_1945 = arith.addi %add3A_1944, %shift_right_arithmetic3A_1942 : vector<16xi32>
      %and3A_1946 = arith.constant 7 : i32
      %and3A_1947 = vector.broadcast %and3A_1946 : i32 to vector<16xi32>
      %and3A_1948 = arith.andi %iota3A, %and3A_1947 : vector<16xi32>
      %slice3A_1949 = vector.extract_strided_slice %and3A_243 {offsets = [8], sizes = [1], strides = [1]} : vector<16xi32> to vector<1xi32>
      %squeeze3A_1950 = vector.extract %slice3A_1949[0] : i32 from vector<1xi32>
      %add3A_1951 = vector.broadcast %squeeze3A_1950 : i32 to vector<16xi32>
      %add3A_1952 = arith.addi %broadcast_in_dim3A_7, %add3A_1951 : vector<16xi32>
      %gather3A_1953 = tpu.vector_load_idx %arg9[%add3A_1939, %add3A_1945, %and3A_1948, %add3A_1952] : memref<16x4x8x128xf32, #tpu.memory_space<vmem>>[vector<16xi32>, vector<16xi32>, vector<16xi32>, vector<16xi32>], vector<16xf32>,
      %swap3A_1954 = arith.constant 8 : i32
      %swap3A_1955 = arith.index_cast %swap3A_1954 : i32 to index
      %swap3A_1956 = arith.constant 48 : index
      %swap3A_1957 = tpu.vector_load %arg10[%swap3A_1955, %swap3A_1956] {strides = array<i32>} : memref<16x64xf32, #tpu.memory_space<vmem>>, vector<16xf32>,
      tpu.vector_store %arg10[%swap3A_1955, %swap3A_1956], %gather3A_1953 {strides = array<i32>} : memref<16x64xf32, #tpu.memory_space<vmem>>, vector<16xf32>,
      %slice3A_1958 = vector.extract_strided_slice %sub3A_256 {offsets = [9], sizes = [1], strides = [1]} : vector<16xi32> to vector<1xi32>
      %squeeze3A_1959 = vector.extract %slice3A_1958[0] : i32 from vector<1xi32>
      %add3A_1960 = vector.broadcast %squeeze3A_1959 : i32 to vector<16xi32>
      %add3A_1961 = arith.addi %broadcast_in_dim3A_7, %add3A_1960 : vector<16xi32>
      %shift_right_arithmetic3A_1962 = arith.constant 3 : i32
      %shift_right_arithmetic3A_1963 = vector.broadcast %shift_right_arithmetic3A_1962 : i32 to vector<16xi32>
      %shift_right_arithmetic3A_1964 = arith.shrsi %iota3A, %shift_right_arithmetic3A_1963 : vector<16xi32>
      %add3A_1965 = arith.constant 2 : i32
      %add3A_1966 = vector.broadcast %add3A_1965 : i32 to vector<16xi32>
      %add3A_1967 = arith.addi %add3A_1966, %shift_right_arithmetic3A_1964 : vector<16xi32>
      %and3A_1968 = arith.constant 7 : i32
      %and3A_1969 = vector.broadcast %and3A_1968 : i32 to vector<16xi32>
      %and3A_1970 = arith.andi %iota3A, %and3A_1969 : vector<16xi32>
      %slice3A_1971 = vector.extract_strided_slice %and3A_243 {offsets = [9], sizes = [1], strides = [1]} : vector<16xi32> to vector<1xi32>
      %squeeze3A_1972 = vector.extract %slice3A_1971[0] : i32 from vector<1xi32>
      %add3A_1973 = vector.broadcast %squeeze3A_1972 : i32 to vector<16xi32>
      %add3A_1974 = arith.addi %broadcast_in_dim3A_7, %add3A_1973 : vector<16xi32>
      %gather3A_1975 = tpu.vector_load_idx %arg9[%add3A_1961, %add3A_1967, %and3A_1970, %add3A_1974] : memref<16x4x8x128xf32, #tpu.memory_space<vmem>>[vector<16xi32>, vector<16xi32>, vector<16xi32>, vector<16xi32>], vector<16xf32>,
      %swap3A_1976 = arith.constant 9 : i32
      %swap3A_1977 = arith.index_cast %swap3A_1976 : i32 to index
      %swap3A_1978 = arith.constant 48 : index
      %swap3A_1979 = tpu.vector_load %arg10[%swap3A_1977, %swap3A_1978] {strides = array<i32>} : memref<16x64xf32, #tpu.memory_space<vmem>>, vector<16xf32>,
      tpu.vector_store %arg10[%swap3A_1977, %swap3A_1978], %gather3A_1975 {strides = array<i32>} : memref<16x64xf32, #tpu.memory_space<vmem>>, vector<16xf32>,
      %slice3A_1980 = vector.extract_strided_slice %sub3A_256 {offsets = [10], sizes = [1], strides = [1]} : vector<16xi32> to vector<1xi32>
      %squeeze3A_1981 = vector.extract %slice3A_1980[0] : i32 from vector<1xi32>
      %add3A_1982 = vector.broadcast %squeeze3A_1981 : i32 to vector<16xi32>
      %add3A_1983 = arith.addi %broadcast_in_dim3A_7, %add3A_1982 : vector<16xi32>
      %shift_right_arithmetic3A_1984 = arith.constant 3 : i32
      %shift_right_arithmetic3A_1985 = vector.broadcast %shift_right_arithmetic3A_1984 : i32 to vector<16xi32>
      %shift_right_arithmetic3A_1986 = arith.shrsi %iota3A, %shift_right_arithmetic3A_1985 : vector<16xi32>
      %add3A_1987 = arith.constant 2 : i32
      %add3A_1988 = vector.broadcast %add3A_1987 : i32 to vector<16xi32>
      %add3A_1989 = arith.addi %add3A_1988, %shift_right_arithmetic3A_1986 : vector<16xi32>
      %and3A_1990 = arith.constant 7 : i32
      %and3A_1991 = vector.broadcast %and3A_1990 : i32 to vector<16xi32>
      %and3A_1992 = arith.andi %iota3A, %and3A_1991 : vector<16xi32>
      %slice3A_1993 = vector.extract_strided_slice %and3A_243 {offsets = [10], sizes = [1], strides = [1]} : vector<16xi32> to vector<1xi32>
      %squeeze3A_1994 = vector.extract %slice3A_1993[0] : i32 from vector<1xi32>
      %add3A_1995 = vector.broadcast %squeeze3A_1994 : i32 to vector<16xi32>
      %add3A_1996 = arith.addi %broadcast_in_dim3A_7, %add3A_1995 : vector<16xi32>
      %gather3A_1997 = tpu.vector_load_idx %arg9[%add3A_1983, %add3A_1989, %and3A_1992, %add3A_1996] : memref<16x4x8x128xf32, #tpu.memory_space<vmem>>[vector<16xi32>, vector<16xi32>, vector<16xi32>, vector<16xi32>], vector<16xf32>,
      %swap3A_1998 = arith.constant 10 : i32
      %swap3A_1999 = arith.index_cast %swap3A_1998 : i32 to index
      %swap3A_2000 = arith.constant 48 : index
      %swap3A_2001 = tpu.vector_load %arg10[%swap3A_1999, %swap3A_2000] {strides = array<i32>} : memref<16x64xf32, #tpu.memory_space<vmem>>, vector<16xf32>,
      tpu.vector_store %arg10[%swap3A_1999, %swap3A_2000], %gather3A_1997 {strides = array<i32>} : memref<16x64xf32, #tpu.memory_space<vmem>>, vector<16xf32>,
      %slice3A_2002 = vector.extract_strided_slice %sub3A_256 {offsets = [11], sizes = [1], strides = [1]} : vector<16xi32> to vector<1xi32>
      %squeeze3A_2003 = vector.extract %slice3A_2002[0] : i32 from vector<1xi32>
      %add3A_2004 = vector.broadcast %squeeze3A_2003 : i32 to vector<16xi32>
      %add3A_2005 = arith.addi %broadcast_in_dim3A_7, %add3A_2004 : vector<16xi32>
      %shift_right_arithmetic3A_2006 = arith.constant 3 : i32
      %shift_right_arithmetic3A_2007 = vector.broadcast %shift_right_arithmetic3A_2006 : i32 to vector<16xi32>
      %shift_right_arithmetic3A_2008 = arith.shrsi %iota3A, %shift_right_arithmetic3A_2007 : vector<16xi32>
      %add3A_2009 = arith.constant 2 : i32
      %add3A_2010 = vector.broadcast %add3A_2009 : i32 to vector<16xi32>
      %add3A_2011 = arith.addi %add3A_2010, %shift_right_arithmetic3A_2008 : vector<16xi32>
      %and3A_2012 = arith.constant 7 : i32
      %and3A_2013 = vector.broadcast %and3A_2012 : i32 to vector<16xi32>
      %and3A_2014 = arith.andi %iota3A, %and3A_2013 : vector<16xi32>
      %slice3A_2015 = vector.extract_strided_slice %and3A_243 {offsets = [11], sizes = [1], strides = [1]} : vector<16xi32> to vector<1xi32>
      %squeeze3A_2016 = vector.extract %slice3A_2015[0] : i32 from vector<1xi32>
      %add3A_2017 = vector.broadcast %squeeze3A_2016 : i32 to vector<16xi32>
      %add3A_2018 = arith.addi %broadcast_in_dim3A_7, %add3A_2017 : vector<16xi32>
      %gather3A_2019 = tpu.vector_load_idx %arg9[%add3A_2005, %add3A_2011, %and3A_2014, %add3A_2018] : memref<16x4x8x128xf32, #tpu.memory_space<vmem>>[vector<16xi32>, vector<16xi32>, vector<16xi32>, vector<16xi32>], vector<16xf32>,
      %swap3A_2020 = arith.constant 11 : i32
      %swap3A_2021 = arith.index_cast %swap3A_2020 : i32 to index
      %swap3A_2022 = arith.constant 48 : index
      %swap3A_2023 = tpu.vector_load %arg10[%swap3A_2021, %swap3A_2022] {strides = array<i32>} : memref<16x64xf32, #tpu.memory_space<vmem>>, vector<16xf32>,
      tpu.vector_store %arg10[%swap3A_2021, %swap3A_2022], %gather3A_2019 {strides = array<i32>} : memref<16x64xf32, #tpu.memory_space<vmem>>, vector<16xf32>,
      %slice3A_2024 = vector.extract_strided_slice %sub3A_256 {offsets = [12], sizes = [1], strides = [1]} : vector<16xi32> to vector<1xi32>
      %squeeze3A_2025 = vector.extract %slice3A_2024[0] : i32 from vector<1xi32>
      %add3A_2026 = vector.broadcast %squeeze3A_2025 : i32 to vector<16xi32>
      %add3A_2027 = arith.addi %broadcast_in_dim3A_7, %add3A_2026 : vector<16xi32>
      %shift_right_arithmetic3A_2028 = arith.constant 3 : i32
      %shift_right_arithmetic3A_2029 = vector.broadcast %shift_right_arithmetic3A_2028 : i32 to vector<16xi32>
      %shift_right_arithmetic3A_2030 = arith.shrsi %iota3A, %shift_right_arithmetic3A_2029 : vector<16xi32>
      %add3A_2031 = arith.constant 2 : i32
      %add3A_2032 = vector.broadcast %add3A_2031 : i32 to vector<16xi32>
      %add3A_2033 = arith.addi %add3A_2032, %shift_right_arithmetic3A_2030 : vector<16xi32>
      %and3A_2034 = arith.constant 7 : i32
      %and3A_2035 = vector.broadcast %and3A_2034 : i32 to vector<16xi32>
      %and3A_2036 = arith.andi %iota3A, %and3A_2035 : vector<16xi32>
      %slice3A_2037 = vector.extract_strided_slice %and3A_243 {offsets = [12], sizes = [1], strides = [1]} : vector<16xi32> to vector<1xi32>
      %squeeze3A_2038 = vector.extract %slice3A_2037[0] : i32 from vector<1xi32>
      %add3A_2039 = vector.broadcast %squeeze3A_2038 : i32 to vector<16xi32>
      %add3A_2040 = arith.addi %broadcast_in_dim3A_7, %add3A_2039 : vector<16xi32>
      %gather3A_2041 = tpu.vector_load_idx %arg9[%add3A_2027, %add3A_2033, %and3A_2036, %add3A_2040] : memref<16x4x8x128xf32, #tpu.memory_space<vmem>>[vector<16xi32>, vector<16xi32>, vector<16xi32>, vector<16xi32>], vector<16xf32>,
      %swap3A_2042 = arith.constant 12 : i32
      %swap3A_2043 = arith.index_cast %swap3A_2042 : i32 to index
      %swap3A_2044 = arith.constant 48 : index
      %swap3A_2045 = tpu.vector_load %arg10[%swap3A_2043, %swap3A_2044] {strides = array<i32>} : memref<16x64xf32, #tpu.memory_space<vmem>>, vector<16xf32>,
      tpu.vector_store %arg10[%swap3A_2043, %swap3A_2044], %gather3A_2041 {strides = array<i32>} : memref<16x64xf32, #tpu.memory_space<vmem>>, vector<16xf32>,
      %slice3A_2046 = vector.extract_strided_slice %sub3A_256 {offsets = [13], sizes = [1], strides = [1]} : vector<16xi32> to vector<1xi32>
      %squeeze3A_2047 = vector.extract %slice3A_2046[0] : i32 from vector<1xi32>
      %add3A_2048 = vector.broadcast %squeeze3A_2047 : i32 to vector<16xi32>
      %add3A_2049 = arith.addi %broadcast_in_dim3A_7, %add3A_2048 : vector<16xi32>
      %shift_right_arithmetic3A_2050 = arith.constant 3 : i32
      %shift_right_arithmetic3A_2051 = vector.broadcast %shift_right_arithmetic3A_2050 : i32 to vector<16xi32>
      %shift_right_arithmetic3A_2052 = arith.shrsi %iota3A, %shift_right_arithmetic3A_2051 : vector<16xi32>
      %add3A_2053 = arith.constant 2 : i32
      %add3A_2054 = vector.broadcast %add3A_2053 : i32 to vector<16xi32>
      %add3A_2055 = arith.addi %add3A_2054, %shift_right_arithmetic3A_2052 : vector<16xi32>
      %and3A_2056 = arith.constant 7 : i32
      %and3A_2057 = vector.broadcast %and3A_2056 : i32 to vector<16xi32>
      %and3A_2058 = arith.andi %iota3A, %and3A_2057 : vector<16xi32>
      %slice3A_2059 = vector.extract_strided_slice %and3A_243 {offsets = [13], sizes = [1], strides = [1]} : vector<16xi32> to vector<1xi32>
      %squeeze3A_2060 = vector.extract %slice3A_2059[0] : i32 from vector<1xi32>
      %add3A_2061 = vector.broadcast %squeeze3A_2060 : i32 to vector<16xi32>
      %add3A_2062 = arith.addi %broadcast_in_dim3A_7, %add3A_2061 : vector<16xi32>
      %gather3A_2063 = tpu.vector_load_idx %arg9[%add3A_2049, %add3A_2055, %and3A_2058, %add3A_2062] : memref<16x4x8x128xf32, #tpu.memory_space<vmem>>[vector<16xi32>, vector<16xi32>, vector<16xi32>, vector<16xi32>], vector<16xf32>,
      %swap3A_2064 = arith.constant 13 : i32
      %swap3A_2065 = arith.index_cast %swap3A_2064 : i32 to index
      %swap3A_2066 = arith.constant 48 : index
      %swap3A_2067 = tpu.vector_load %arg10[%swap3A_2065, %swap3A_2066] {strides = array<i32>} : memref<16x64xf32, #tpu.memory_space<vmem>>, vector<16xf32>,
      tpu.vector_store %arg10[%swap3A_2065, %swap3A_2066], %gather3A_2063 {strides = array<i32>} : memref<16x64xf32, #tpu.memory_space<vmem>>, vector<16xf32>,
      %slice3A_2068 = vector.extract_strided_slice %sub3A_256 {offsets = [14], sizes = [1], strides = [1]} : vector<16xi32> to vector<1xi32>
      %squeeze3A_2069 = vector.extract %slice3A_2068[0] : i32 from vector<1xi32>
      %add3A_2070 = vector.broadcast %squeeze3A_2069 : i32 to vector<16xi32>
      %add3A_2071 = arith.addi %broadcast_in_dim3A_7, %add3A_2070 : vector<16xi32>
      %shift_right_arithmetic3A_2072 = arith.constant 3 : i32
      %shift_right_arithmetic3A_2073 = vector.broadcast %shift_right_arithmetic3A_2072 : i32 to vector<16xi32>
      %shift_right_arithmetic3A_2074 = arith.shrsi %iota3A, %shift_right_arithmetic3A_2073 : vector<16xi32>
      %add3A_2075 = arith.constant 2 : i32
      %add3A_2076 = vector.broadcast %add3A_2075 : i32 to vector<16xi32>
      %add3A_2077 = arith.addi %add3A_2076, %shift_right_arithmetic3A_2074 : vector<16xi32>
      %and3A_2078 = arith.constant 7 : i32
      %and3A_2079 = vector.broadcast %and3A_2078 : i32 to vector<16xi32>
      %and3A_2080 = arith.andi %iota3A, %and3A_2079 : vector<16xi32>
      %slice3A_2081 = vector.extract_strided_slice %and3A_243 {offsets = [14], sizes = [1], strides = [1]} : vector<16xi32> to vector<1xi32>
      %squeeze3A_2082 = vector.extract %slice3A_2081[0] : i32 from vector<1xi32>
      %add3A_2083 = vector.broadcast %squeeze3A_2082 : i32 to vector<16xi32>
      %add3A_2084 = arith.addi %broadcast_in_dim3A_7, %add3A_2083 : vector<16xi32>
      %gather3A_2085 = tpu.vector_load_idx %arg9[%add3A_2071, %add3A_2077, %and3A_2080, %add3A_2084] : memref<16x4x8x128xf32, #tpu.memory_space<vmem>>[vector<16xi32>, vector<16xi32>, vector<16xi32>, vector<16xi32>], vector<16xf32>,
      %swap3A_2086 = arith.constant 14 : i32
      %swap3A_2087 = arith.index_cast %swap3A_2086 : i32 to index
      %swap3A_2088 = arith.constant 48 : index
      %swap3A_2089 = tpu.vector_load %arg10[%swap3A_2087, %swap3A_2088] {strides = array<i32>} : memref<16x64xf32, #tpu.memory_space<vmem>>, vector<16xf32>,
      tpu.vector_store %arg10[%swap3A_2087, %swap3A_2088], %gather3A_2085 {strides = array<i32>} : memref<16x64xf32, #tpu.memory_space<vmem>>, vector<16xf32>,
      %slice3A_2090 = vector.extract_strided_slice %sub3A_256 {offsets = [15], sizes = [1], strides = [1]} : vector<16xi32> to vector<1xi32>
      %squeeze3A_2091 = vector.extract %slice3A_2090[0] : i32 from vector<1xi32>
      %add3A_2092 = vector.broadcast %squeeze3A_2091 : i32 to vector<16xi32>
      %add3A_2093 = arith.addi %broadcast_in_dim3A_7, %add3A_2092 : vector<16xi32>
      %shift_right_arithmetic3A_2094 = arith.constant 3 : i32
      %shift_right_arithmetic3A_2095 = vector.broadcast %shift_right_arithmetic3A_2094 : i32 to vector<16xi32>
      %shift_right_arithmetic3A_2096 = arith.shrsi %iota3A, %shift_right_arithmetic3A_2095 : vector<16xi32>
      %add3A_2097 = arith.constant 2 : i32
      %add3A_2098 = vector.broadcast %add3A_2097 : i32 to vector<16xi32>
      %add3A_2099 = arith.addi %add3A_2098, %shift_right_arithmetic3A_2096 : vector<16xi32>
      %and3A_2100 = arith.constant 7 : i32
      %and3A_2101 = vector.broadcast %and3A_2100 : i32 to vector<16xi32>
      %and3A_2102 = arith.andi %iota3A, %and3A_2101 : vector<16xi32>
      %slice3A_2103 = vector.extract_strided_slice %and3A_243 {offsets = [15], sizes = [1], strides = [1]} : vector<16xi32> to vector<1xi32>
      %squeeze3A_2104 = vector.extract %slice3A_2103[0] : i32 from vector<1xi32>
      %add3A_2105 = vector.broadcast %squeeze3A_2104 : i32 to vector<16xi32>
      %add3A_2106 = arith.addi %broadcast_in_dim3A_7, %add3A_2105 : vector<16xi32>
      %gather3A_2107 = tpu.vector_load_idx %arg9[%add3A_2093, %add3A_2099, %and3A_2102, %add3A_2106] : memref<16x4x8x128xf32, #tpu.memory_space<vmem>>[vector<16xi32>, vector<16xi32>, vector<16xi32>, vector<16xi32>], vector<16xf32>,
      %swap3A_2108 = arith.constant 15 : i32
      %swap3A_2109 = arith.index_cast %swap3A_2108 : i32 to index
      %swap3A_2110 = arith.constant 48 : index
      %swap3A_2111 = tpu.vector_load %arg10[%swap3A_2109, %swap3A_2110] {strides = array<i32>} : memref<16x64xf32, #tpu.memory_space<vmem>>, vector<16xf32>,
      tpu.vector_store %arg10[%swap3A_2109, %swap3A_2110], %gather3A_2107 {strides = array<i32>} : memref<16x64xf32, #tpu.memory_space<vmem>>, vector<16xf32>,
      %slice3A_2112 = vector.extract_strided_slice %get3A_241 {offsets = [0], sizes = [1], strides = [1]} : vector<16xi32> to vector<1xi32>
      %squeeze3A_2113 = vector.extract %slice3A_2112[0] : i32 from vector<1xi32>
      %dma_start3A = arith.constant 0 : i32
      %dma_start3A_2114 = arith.constant 0 : i32
      %dma_start3A_2115 = tpu.memref_slice %arg10[%dma_start3A, %dma_start3A_2114] : memref<16x64xf32, #tpu.memory_space<vmem>> -> memref<1x64xf32, #tpu.memory_space<vmem>>
      %dma_start3A_2116 = tpu.memref_squeeze %dma_start3A_2115 : memref<1x64xf32, #tpu.memory_space<vmem>> -> memref<64xf32, #tpu.memory_space<vmem>>
      %dma_start3A_2117 = arith.constant 0 : i32
      %dma_start3A_2118 = tpu.memref_slice %arg5[%squeeze3A_2113, %dma_start3A_2117] : memref<16384x64xf32, #tpu.memory_space<hbm>> -> memref<1x64xf32, #tpu.memory_space<hbm>>
      %dma_start3A_2119 = tpu.memref_squeeze %dma_start3A_2118 : memref<1x64xf32, #tpu.memory_space<hbm>> -> memref<64xf32, #tpu.memory_space<hbm>>
      %dma_start3A_2120 = arith.constant 0 : i32
      %dma_start3A_2121 = tpu.memref_slice %arg5[%squeeze3A_2113, %dma_start3A_2120] : memref<16384x64xf32, #tpu.memory_space<hbm>> -> memref<1x64xf32, #tpu.memory_space<hbm>>
      %dma_start3A_2122 = tpu.memref_squeeze %dma_start3A_2121 : memref<1x64xf32, #tpu.memory_space<hbm>> -> memref<64xf32, #tpu.memory_space<hbm>>
      %dma_start3A_2123 = arith.constant 0 : i32
      %dma_start3A_2124 = tpu.memref_slice %arg10[%dma_start3A, %dma_start3A_2123] : memref<16x64xf32, #tpu.memory_space<vmem>> -> memref<1x64xf32, #tpu.memory_space<vmem>>
      %dma_start3A_2125 = tpu.memref_squeeze %dma_start3A_2124 : memref<1x64xf32, #tpu.memory_space<vmem>> -> memref<64xf32, #tpu.memory_space<vmem>>
      tpu.enqueue_dma source(%dma_start3A_2125 : memref<64xf32, #tpu.memory_space<vmem>>) target(%dma_start3A_2122 : memref<64xf32, #tpu.memory_space<hbm>>) target_semaphore(%arg12 : memref<!tpu.dma_semaphore, #tpu.memory_space<semaphore_mem>>)
      %slice3A_2126 = vector.extract_strided_slice %get3A_241 {offsets = [1], sizes = [1], strides = [1]} : vector<16xi32> to vector<1xi32>
      %squeeze3A_2127 = vector.extract %slice3A_2126[0] : i32 from vector<1xi32>
      %dma_start3A_2128 = arith.constant 1 : i32
      %dma_start3A_2129 = arith.constant 0 : i32
      %dma_start3A_2130 = tpu.memref_slice %arg10[%dma_start3A_2128, %dma_start3A_2129] : memref<16x64xf32, #tpu.memory_space<vmem>> -> memref<1x64xf32, #tpu.memory_space<vmem>>
      %dma_start3A_2131 = tpu.memref_squeeze %dma_start3A_2130 : memref<1x64xf32, #tpu.memory_space<vmem>> -> memref<64xf32, #tpu.memory_space<vmem>>
      %dma_start3A_2132 = arith.constant 0 : i32
      %dma_start3A_2133 = tpu.memref_slice %arg5[%squeeze3A_2127, %dma_start3A_2132] : memref<16384x64xf32, #tpu.memory_space<hbm>> -> memref<1x64xf32, #tpu.memory_space<hbm>>
      %dma_start3A_2134 = tpu.memref_squeeze %dma_start3A_2133 : memref<1x64xf32, #tpu.memory_space<hbm>> -> memref<64xf32, #tpu.memory_space<hbm>>
      %dma_start3A_2135 = arith.constant 0 : i32
      %dma_start3A_2136 = tpu.memref_slice %arg5[%squeeze3A_2127, %dma_start3A_2135] : memref<16384x64xf32, #tpu.memory_space<hbm>> -> memref<1x64xf32, #tpu.memory_space<hbm>>
      %dma_start3A_2137 = tpu.memref_squeeze %dma_start3A_2136 : memref<1x64xf32, #tpu.memory_space<hbm>> -> memref<64xf32, #tpu.memory_space<hbm>>
      %dma_start3A_2138 = arith.constant 0 : i32
      %dma_start3A_2139 = tpu.memref_slice %arg10[%dma_start3A_2128, %dma_start3A_2138] : memref<16x64xf32, #tpu.memory_space<vmem>> -> memref<1x64xf32, #tpu.memory_space<vmem>>
      %dma_start3A_2140 = tpu.memref_squeeze %dma_start3A_2139 : memref<1x64xf32, #tpu.memory_space<vmem>> -> memref<64xf32, #tpu.memory_space<vmem>>
      tpu.enqueue_dma source(%dma_start3A_2140 : memref<64xf32, #tpu.memory_space<vmem>>) target(%dma_start3A_2137 : memref<64xf32, #tpu.memory_space<hbm>>) target_semaphore(%arg12 : memref<!tpu.dma_semaphore, #tpu.memory_space<semaphore_mem>>)
      %slice3A_2141 = vector.extract_strided_slice %get3A_241 {offsets = [2], sizes = [1], strides = [1]} : vector<16xi32> to vector<1xi32>
      %squeeze3A_2142 = vector.extract %slice3A_2141[0] : i32 from vector<1xi32>
      %dma_start3A_2143 = arith.constant 2 : i32
      %dma_start3A_2144 = arith.constant 0 : i32
      %dma_start3A_2145 = tpu.memref_slice %arg10[%dma_start3A_2143, %dma_start3A_2144] : memref<16x64xf32, #tpu.memory_space<vmem>> -> memref<1x64xf32, #tpu.memory_space<vmem>>
      %dma_start3A_2146 = tpu.memref_squeeze %dma_start3A_2145 : memref<1x64xf32, #tpu.memory_space<vmem>> -> memref<64xf32, #tpu.memory_space<vmem>>
      %dma_start3A_2147 = arith.constant 0 : i32
      %dma_start3A_2148 = tpu.memref_slice %arg5[%squeeze3A_2142, %dma_start3A_2147] : memref<16384x64xf32, #tpu.memory_space<hbm>> -> memref<1x64xf32, #tpu.memory_space<hbm>>
      %dma_start3A_2149 = tpu.memref_squeeze %dma_start3A_2148 : memref<1x64xf32, #tpu.memory_space<hbm>> -> memref<64xf32, #tpu.memory_space<hbm>>
      %dma_start3A_2150 = arith.constant 0 : i32
      %dma_start3A_2151 = tpu.memref_slice %arg5[%squeeze3A_2142, %dma_start3A_2150] : memref<16384x64xf32, #tpu.memory_space<hbm>> -> memref<1x64xf32, #tpu.memory_space<hbm>>
      %dma_start3A_2152 = tpu.memref_squeeze %dma_start3A_2151 : memref<1x64xf32, #tpu.memory_space<hbm>> -> memref<64xf32, #tpu.memory_space<hbm>>
      %dma_start3A_2153 = arith.constant 0 : i32
      %dma_start3A_2154 = tpu.memref_slice %arg10[%dma_start3A_2143, %dma_start3A_2153] : memref<16x64xf32, #tpu.memory_space<vmem>> -> memref<1x64xf32, #tpu.memory_space<vmem>>
      %dma_start3A_2155 = tpu.memref_squeeze %dma_start3A_2154 : memref<1x64xf32, #tpu.memory_space<vmem>> -> memref<64xf32, #tpu.memory_space<vmem>>
      tpu.enqueue_dma source(%dma_start3A_2155 : memref<64xf32, #tpu.memory_space<vmem>>) target(%dma_start3A_2152 : memref<64xf32, #tpu.memory_space<hbm>>) target_semaphore(%arg12 : memref<!tpu.dma_semaphore, #tpu.memory_space<semaphore_mem>>)
      %slice3A_2156 = vector.extract_strided_slice %get3A_241 {offsets = [3], sizes = [1], strides = [1]} : vector<16xi32> to vector<1xi32>
      %squeeze3A_2157 = vector.extract %slice3A_2156[0] : i32 from vector<1xi32>
      %dma_start3A_2158 = arith.constant 3 : i32
      %dma_start3A_2159 = arith.constant 0 : i32
      %dma_start3A_2160 = tpu.memref_slice %arg10[%dma_start3A_2158, %dma_start3A_2159] : memref<16x64xf32, #tpu.memory_space<vmem>> -> memref<1x64xf32, #tpu.memory_space<vmem>>
      %dma_start3A_2161 = tpu.memref_squeeze %dma_start3A_2160 : memref<1x64xf32, #tpu.memory_space<vmem>> -> memref<64xf32, #tpu.memory_space<vmem>>
      %dma_start3A_2162 = arith.constant 0 : i32
      %dma_start3A_2163 = tpu.memref_slice %arg5[%squeeze3A_2157, %dma_start3A_2162] : memref<16384x64xf32, #tpu.memory_space<hbm>> -> memref<1x64xf32, #tpu.memory_space<hbm>>
      %dma_start3A_2164 = tpu.memref_squeeze %dma_start3A_2163 : memref<1x64xf32, #tpu.memory_space<hbm>> -> memref<64xf32, #tpu.memory_space<hbm>>
      %dma_start3A_2165 = arith.constant 0 : i32
      %dma_start3A_2166 = tpu.memref_slice %arg5[%squeeze3A_2157, %dma_start3A_2165] : memref<16384x64xf32, #tpu.memory_space<hbm>> -> memref<1x64xf32, #tpu.memory_space<hbm>>
      %dma_start3A_2167 = tpu.memref_squeeze %dma_start3A_2166 : memref<1x64xf32, #tpu.memory_space<hbm>> -> memref<64xf32, #tpu.memory_space<hbm>>
      %dma_start3A_2168 = arith.constant 0 : i32
      %dma_start3A_2169 = tpu.memref_slice %arg10[%dma_start3A_2158, %dma_start3A_2168] : memref<16x64xf32, #tpu.memory_space<vmem>> -> memref<1x64xf32, #tpu.memory_space<vmem>>
      %dma_start3A_2170 = tpu.memref_squeeze %dma_start3A_2169 : memref<1x64xf32, #tpu.memory_space<vmem>> -> memref<64xf32, #tpu.memory_space<vmem>>
      tpu.enqueue_dma source(%dma_start3A_2170 : memref<64xf32, #tpu.memory_space<vmem>>) target(%dma_start3A_2167 : memref<64xf32, #tpu.memory_space<hbm>>) target_semaphore(%arg12 : memref<!tpu.dma_semaphore, #tpu.memory_space<semaphore_mem>>)
      %slice3A_2171 = vector.extract_strided_slice %get3A_241 {offsets = [4], sizes = [1], strides = [1]} : vector<16xi32> to vector<1xi32>
      %squeeze3A_2172 = vector.extract %slice3A_2171[0] : i32 from vector<1xi32>
      %dma_start3A_2173 = arith.constant 4 : i32
      %dma_start3A_2174 = arith.constant 0 : i32
      %dma_start3A_2175 = tpu.memref_slice %arg10[%dma_start3A_2173, %dma_start3A_2174] : memref<16x64xf32, #tpu.memory_space<vmem>> -> memref<1x64xf32, #tpu.memory_space<vmem>>
      %dma_start3A_2176 = tpu.memref_squeeze %dma_start3A_2175 : memref<1x64xf32, #tpu.memory_space<vmem>> -> memref<64xf32, #tpu.memory_space<vmem>>
      %dma_start3A_2177 = arith.constant 0 : i32
      %dma_start3A_2178 = tpu.memref_slice %arg5[%squeeze3A_2172, %dma_start3A_2177] : memref<16384x64xf32, #tpu.memory_space<hbm>> -> memref<1x64xf32, #tpu.memory_space<hbm>>
      %dma_start3A_2179 = tpu.memref_squeeze %dma_start3A_2178 : memref<1x64xf32, #tpu.memory_space<hbm>> -> memref<64xf32, #tpu.memory_space<hbm>>
      %dma_start3A_2180 = arith.constant 0 : i32
      %dma_start3A_2181 = tpu.memref_slice %arg5[%squeeze3A_2172, %dma_start3A_2180] : memref<16384x64xf32, #tpu.memory_space<hbm>> -> memref<1x64xf32, #tpu.memory_space<hbm>>
      %dma_start3A_2182 = tpu.memref_squeeze %dma_start3A_2181 : memref<1x64xf32, #tpu.memory_space<hbm>> -> memref<64xf32, #tpu.memory_space<hbm>>
      %dma_start3A_2183 = arith.constant 0 : i32
      %dma_start3A_2184 = tpu.memref_slice %arg10[%dma_start3A_2173, %dma_start3A_2183] : memref<16x64xf32, #tpu.memory_space<vmem>> -> memref<1x64xf32, #tpu.memory_space<vmem>>
      %dma_start3A_2185 = tpu.memref_squeeze %dma_start3A_2184 : memref<1x64xf32, #tpu.memory_space<vmem>> -> memref<64xf32, #tpu.memory_space<vmem>>
      tpu.enqueue_dma source(%dma_start3A_2185 : memref<64xf32, #tpu.memory_space<vmem>>) target(%dma_start3A_2182 : memref<64xf32, #tpu.memory_space<hbm>>) target_semaphore(%arg12 : memref<!tpu.dma_semaphore, #tpu.memory_space<semaphore_mem>>)
      %slice3A_2186 = vector.extract_strided_slice %get3A_241 {offsets = [5], sizes = [1], strides = [1]} : vector<16xi32> to vector<1xi32>
      %squeeze3A_2187 = vector.extract %slice3A_2186[0] : i32 from vector<1xi32>
      %dma_start3A_2188 = arith.constant 5 : i32
      %dma_start3A_2189 = arith.constant 0 : i32
      %dma_start3A_2190 = tpu.memref_slice %arg10[%dma_start3A_2188, %dma_start3A_2189] : memref<16x64xf32, #tpu.memory_space<vmem>> -> memref<1x64xf32, #tpu.memory_space<vmem>>
      %dma_start3A_2191 = tpu.memref_squeeze %dma_start3A_2190 : memref<1x64xf32, #tpu.memory_space<vmem>> -> memref<64xf32, #tpu.memory_space<vmem>>
      %dma_start3A_2192 = arith.constant 0 : i32
      %dma_start3A_2193 = tpu.memref_slice %arg5[%squeeze3A_2187, %dma_start3A_2192] : memref<16384x64xf32, #tpu.memory_space<hbm>> -> memref<1x64xf32, #tpu.memory_space<hbm>>
      %dma_start3A_2194 = tpu.memref_squeeze %dma_start3A_2193 : memref<1x64xf32, #tpu.memory_space<hbm>> -> memref<64xf32, #tpu.memory_space<hbm>>
      %dma_start3A_2195 = arith.constant 0 : i32
      %dma_start3A_2196 = tpu.memref_slice %arg5[%squeeze3A_2187, %dma_start3A_2195] : memref<16384x64xf32, #tpu.memory_space<hbm>> -> memref<1x64xf32, #tpu.memory_space<hbm>>
      %dma_start3A_2197 = tpu.memref_squeeze %dma_start3A_2196 : memref<1x64xf32, #tpu.memory_space<hbm>> -> memref<64xf32, #tpu.memory_space<hbm>>
      %dma_start3A_2198 = arith.constant 0 : i32
      %dma_start3A_2199 = tpu.memref_slice %arg10[%dma_start3A_2188, %dma_start3A_2198] : memref<16x64xf32, #tpu.memory_space<vmem>> -> memref<1x64xf32, #tpu.memory_space<vmem>>
      %dma_start3A_2200 = tpu.memref_squeeze %dma_start3A_2199 : memref<1x64xf32, #tpu.memory_space<vmem>> -> memref<64xf32, #tpu.memory_space<vmem>>
      tpu.enqueue_dma source(%dma_start3A_2200 : memref<64xf32, #tpu.memory_space<vmem>>) target(%dma_start3A_2197 : memref<64xf32, #tpu.memory_space<hbm>>) target_semaphore(%arg12 : memref<!tpu.dma_semaphore, #tpu.memory_space<semaphore_mem>>)
      %slice3A_2201 = vector.extract_strided_slice %get3A_241 {offsets = [6], sizes = [1], strides = [1]} : vector<16xi32> to vector<1xi32>
      %squeeze3A_2202 = vector.extract %slice3A_2201[0] : i32 from vector<1xi32>
      %dma_start3A_2203 = arith.constant 6 : i32
      %dma_start3A_2204 = arith.constant 0 : i32
      %dma_start3A_2205 = tpu.memref_slice %arg10[%dma_start3A_2203, %dma_start3A_2204] : memref<16x64xf32, #tpu.memory_space<vmem>> -> memref<1x64xf32, #tpu.memory_space<vmem>>
      %dma_start3A_2206 = tpu.memref_squeeze %dma_start3A_2205 : memref<1x64xf32, #tpu.memory_space<vmem>> -> memref<64xf32, #tpu.memory_space<vmem>>
      %dma_start3A_2207 = arith.constant 0 : i32
      %dma_start3A_2208 = tpu.memref_slice %arg5[%squeeze3A_2202, %dma_start3A_2207] : memref<16384x64xf32, #tpu.memory_space<hbm>> -> memref<1x64xf32, #tpu.memory_space<hbm>>
      %dma_start3A_2209 = tpu.memref_squeeze %dma_start3A_2208 : memref<1x64xf32, #tpu.memory_space<hbm>> -> memref<64xf32, #tpu.memory_space<hbm>>
      %dma_start3A_2210 = arith.constant 0 : i32
      %dma_start3A_2211 = tpu.memref_slice %arg5[%squeeze3A_2202, %dma_start3A_2210] : memref<16384x64xf32, #tpu.memory_space<hbm>> -> memref<1x64xf32, #tpu.memory_space<hbm>>
      %dma_start3A_2212 = tpu.memref_squeeze %dma_start3A_2211 : memref<1x64xf32, #tpu.memory_space<hbm>> -> memref<64xf32, #tpu.memory_space<hbm>>
      %dma_start3A_2213 = arith.constant 0 : i32
      %dma_start3A_2214 = tpu.memref_slice %arg10[%dma_start3A_2203, %dma_start3A_2213] : memref<16x64xf32, #tpu.memory_space<vmem>> -> memref<1x64xf32, #tpu.memory_space<vmem>>
      %dma_start3A_2215 = tpu.memref_squeeze %dma_start3A_2214 : memref<1x64xf32, #tpu.memory_space<vmem>> -> memref<64xf32, #tpu.memory_space<vmem>>
      tpu.enqueue_dma source(%dma_start3A_2215 : memref<64xf32, #tpu.memory_space<vmem>>) target(%dma_start3A_2212 : memref<64xf32, #tpu.memory_space<hbm>>) target_semaphore(%arg12 : memref<!tpu.dma_semaphore, #tpu.memory_space<semaphore_mem>>)
      %slice3A_2216 = vector.extract_strided_slice %get3A_241 {offsets = [7], sizes = [1], strides = [1]} : vector<16xi32> to vector<1xi32>
      %squeeze3A_2217 = vector.extract %slice3A_2216[0] : i32 from vector<1xi32>
      %dma_start3A_2218 = arith.constant 7 : i32
      %dma_start3A_2219 = arith.constant 0 : i32
      %dma_start3A_2220 = tpu.memref_slice %arg10[%dma_start3A_2218, %dma_start3A_2219] : memref<16x64xf32, #tpu.memory_space<vmem>> -> memref<1x64xf32, #tpu.memory_space<vmem>>
      %dma_start3A_2221 = tpu.memref_squeeze %dma_start3A_2220 : memref<1x64xf32, #tpu.memory_space<vmem>> -> memref<64xf32, #tpu.memory_space<vmem>>
      %dma_start3A_2222 = arith.constant 0 : i32
      %dma_start3A_2223 = tpu.memref_slice %arg5[%squeeze3A_2217, %dma_start3A_2222] : memref<16384x64xf32, #tpu.memory_space<hbm>> -> memref<1x64xf32, #tpu.memory_space<hbm>>
      %dma_start3A_2224 = tpu.memref_squeeze %dma_start3A_2223 : memref<1x64xf32, #tpu.memory_space<hbm>> -> memref<64xf32, #tpu.memory_space<hbm>>
      %dma_start3A_2225 = arith.constant 0 : i32
      %dma_start3A_2226 = tpu.memref_slice %arg5[%squeeze3A_2217, %dma_start3A_2225] : memref<16384x64xf32, #tpu.memory_space<hbm>> -> memref<1x64xf32, #tpu.memory_space<hbm>>
      %dma_start3A_2227 = tpu.memref_squeeze %dma_start3A_2226 : memref<1x64xf32, #tpu.memory_space<hbm>> -> memref<64xf32, #tpu.memory_space<hbm>>
      %dma_start3A_2228 = arith.constant 0 : i32
      %dma_start3A_2229 = tpu.memref_slice %arg10[%dma_start3A_2218, %dma_start3A_2228] : memref<16x64xf32, #tpu.memory_space<vmem>> -> memref<1x64xf32, #tpu.memory_space<vmem>>
      %dma_start3A_2230 = tpu.memref_squeeze %dma_start3A_2229 : memref<1x64xf32, #tpu.memory_space<vmem>> -> memref<64xf32, #tpu.memory_space<vmem>>
      tpu.enqueue_dma source(%dma_start3A_2230 : memref<64xf32, #tpu.memory_space<vmem>>) target(%dma_start3A_2227 : memref<64xf32, #tpu.memory_space<hbm>>) target_semaphore(%arg12 : memref<!tpu.dma_semaphore, #tpu.memory_space<semaphore_mem>>)
      %slice3A_2231 = vector.extract_strided_slice %get3A_241 {offsets = [8], sizes = [1], strides = [1]} : vector<16xi32> to vector<1xi32>
      %squeeze3A_2232 = vector.extract %slice3A_2231[0] : i32 from vector<1xi32>
      %dma_start3A_2233 = arith.constant 8 : i32
      %dma_start3A_2234 = arith.constant 0 : i32
      %dma_start3A_2235 = tpu.memref_slice %arg10[%dma_start3A_2233, %dma_start3A_2234] : memref<16x64xf32, #tpu.memory_space<vmem>> -> memref<1x64xf32, #tpu.memory_space<vmem>>
      %dma_start3A_2236 = tpu.memref_squeeze %dma_start3A_2235 : memref<1x64xf32, #tpu.memory_space<vmem>> -> memref<64xf32, #tpu.memory_space<vmem>>
      %dma_start3A_2237 = arith.constant 0 : i32
      %dma_start3A_2238 = tpu.memref_slice %arg5[%squeeze3A_2232, %dma_start3A_2237] : memref<16384x64xf32, #tpu.memory_space<hbm>> -> memref<1x64xf32, #tpu.memory_space<hbm>>
      %dma_start3A_2239 = tpu.memref_squeeze %dma_start3A_2238 : memref<1x64xf32, #tpu.memory_space<hbm>> -> memref<64xf32, #tpu.memory_space<hbm>>
      %dma_start3A_2240 = arith.constant 0 : i32
      %dma_start3A_2241 = tpu.memref_slice %arg5[%squeeze3A_2232, %dma_start3A_2240] : memref<16384x64xf32, #tpu.memory_space<hbm>> -> memref<1x64xf32, #tpu.memory_space<hbm>>
      %dma_start3A_2242 = tpu.memref_squeeze %dma_start3A_2241 : memref<1x64xf32, #tpu.memory_space<hbm>> -> memref<64xf32, #tpu.memory_space<hbm>>
      %dma_start3A_2243 = arith.constant 0 : i32
      %dma_start3A_2244 = tpu.memref_slice %arg10[%dma_start3A_2233, %dma_start3A_2243] : memref<16x64xf32, #tpu.memory_space<vmem>> -> memref<1x64xf32, #tpu.memory_space<vmem>>
      %dma_start3A_2245 = tpu.memref_squeeze %dma_start3A_2244 : memref<1x64xf32, #tpu.memory_space<vmem>> -> memref<64xf32, #tpu.memory_space<vmem>>
      tpu.enqueue_dma source(%dma_start3A_2245 : memref<64xf32, #tpu.memory_space<vmem>>) target(%dma_start3A_2242 : memref<64xf32, #tpu.memory_space<hbm>>) target_semaphore(%arg12 : memref<!tpu.dma_semaphore, #tpu.memory_space<semaphore_mem>>)
      %slice3A_2246 = vector.extract_strided_slice %get3A_241 {offsets = [9], sizes = [1], strides = [1]} : vector<16xi32> to vector<1xi32>
      %squeeze3A_2247 = vector.extract %slice3A_2246[0] : i32 from vector<1xi32>
      %dma_start3A_2248 = arith.constant 9 : i32
      %dma_start3A_2249 = arith.constant 0 : i32
      %dma_start3A_2250 = tpu.memref_slice %arg10[%dma_start3A_2248, %dma_start3A_2249] : memref<16x64xf32, #tpu.memory_space<vmem>> -> memref<1x64xf32, #tpu.memory_space<vmem>>
      %dma_start3A_2251 = tpu.memref_squeeze %dma_start3A_2250 : memref<1x64xf32, #tpu.memory_space<vmem>> -> memref<64xf32, #tpu.memory_space<vmem>>
      %dma_start3A_2252 = arith.constant 0 : i32
      %dma_start3A_2253 = tpu.memref_slice %arg5[%squeeze3A_2247, %dma_start3A_2252] : memref<16384x64xf32, #tpu.memory_space<hbm>> -> memref<1x64xf32, #tpu.memory_space<hbm>>
      %dma_start3A_2254 = tpu.memref_squeeze %dma_start3A_2253 : memref<1x64xf32, #tpu.memory_space<hbm>> -> memref<64xf32, #tpu.memory_space<hbm>>
      %dma_start3A_2255 = arith.constant 0 : i32
      %dma_start3A_2256 = tpu.memref_slice %arg5[%squeeze3A_2247, %dma_start3A_2255] : memref<16384x64xf32, #tpu.memory_space<hbm>> -> memref<1x64xf32, #tpu.memory_space<hbm>>
      %dma_start3A_2257 = tpu.memref_squeeze %dma_start3A_2256 : memref<1x64xf32, #tpu.memory_space<hbm>> -> memref<64xf32, #tpu.memory_space<hbm>>
      %dma_start3A_2258 = arith.constant 0 : i32
      %dma_start3A_2259 = tpu.memref_slice %arg10[%dma_start3A_2248, %dma_start3A_2258] : memref<16x64xf32, #tpu.memory_space<vmem>> -> memref<1x64xf32, #tpu.memory_space<vmem>>
      %dma_start3A_2260 = tpu.memref_squeeze %dma_start3A_2259 : memref<1x64xf32, #tpu.memory_space<vmem>> -> memref<64xf32, #tpu.memory_space<vmem>>
      tpu.enqueue_dma source(%dma_start3A_2260 : memref<64xf32, #tpu.memory_space<vmem>>) target(%dma_start3A_2257 : memref<64xf32, #tpu.memory_space<hbm>>) target_semaphore(%arg12 : memref<!tpu.dma_semaphore, #tpu.memory_space<semaphore_mem>>)
      %slice3A_2261 = vector.extract_strided_slice %get3A_241 {offsets = [10], sizes = [1], strides = [1]} : vector<16xi32> to vector<1xi32>
      %squeeze3A_2262 = vector.extract %slice3A_2261[0] : i32 from vector<1xi32>
      %dma_start3A_2263 = arith.constant 10 : i32
      %dma_start3A_2264 = arith.constant 0 : i32
      %dma_start3A_2265 = tpu.memref_slice %arg10[%dma_start3A_2263, %dma_start3A_2264] : memref<16x64xf32, #tpu.memory_space<vmem>> -> memref<1x64xf32, #tpu.memory_space<vmem>>
      %dma_start3A_2266 = tpu.memref_squeeze %dma_start3A_2265 : memref<1x64xf32, #tpu.memory_space<vmem>> -> memref<64xf32, #tpu.memory_space<vmem>>
      %dma_start3A_2267 = arith.constant 0 : i32
      %dma_start3A_2268 = tpu.memref_slice %arg5[%squeeze3A_2262, %dma_start3A_2267] : memref<16384x64xf32, #tpu.memory_space<hbm>> -> memref<1x64xf32, #tpu.memory_space<hbm>>
      %dma_start3A_2269 = tpu.memref_squeeze %dma_start3A_2268 : memref<1x64xf32, #tpu.memory_space<hbm>> -> memref<64xf32, #tpu.memory_space<hbm>>
      %dma_start3A_2270 = arith.constant 0 : i32
      %dma_start3A_2271 = tpu.memref_slice %arg5[%squeeze3A_2262, %dma_start3A_2270] : memref<16384x64xf32, #tpu.memory_space<hbm>> -> memref<1x64xf32, #tpu.memory_space<hbm>>
      %dma_start3A_2272 = tpu.memref_squeeze %dma_start3A_2271 : memref<1x64xf32, #tpu.memory_space<hbm>> -> memref<64xf32, #tpu.memory_space<hbm>>
      %dma_start3A_2273 = arith.constant 0 : i32
      %dma_start3A_2274 = tpu.memref_slice %arg10[%dma_start3A_2263, %dma_start3A_2273] : memref<16x64xf32, #tpu.memory_space<vmem>> -> memref<1x64xf32, #tpu.memory_space<vmem>>
      %dma_start3A_2275 = tpu.memref_squeeze %dma_start3A_2274 : memref<1x64xf32, #tpu.memory_space<vmem>> -> memref<64xf32, #tpu.memory_space<vmem>>
      tpu.enqueue_dma source(%dma_start3A_2275 : memref<64xf32, #tpu.memory_space<vmem>>) target(%dma_start3A_2272 : memref<64xf32, #tpu.memory_space<hbm>>) target_semaphore(%arg12 : memref<!tpu.dma_semaphore, #tpu.memory_space<semaphore_mem>>)
      %slice3A_2276 = vector.extract_strided_slice %get3A_241 {offsets = [11], sizes = [1], strides = [1]} : vector<16xi32> to vector<1xi32>
      %squeeze3A_2277 = vector.extract %slice3A_2276[0] : i32 from vector<1xi32>
      %dma_start3A_2278 = arith.constant 11 : i32
      %dma_start3A_2279 = arith.constant 0 : i32
      %dma_start3A_2280 = tpu.memref_slice %arg10[%dma_start3A_2278, %dma_start3A_2279] : memref<16x64xf32, #tpu.memory_space<vmem>> -> memref<1x64xf32, #tpu.memory_space<vmem>>
      %dma_start3A_2281 = tpu.memref_squeeze %dma_start3A_2280 : memref<1x64xf32, #tpu.memory_space<vmem>> -> memref<64xf32, #tpu.memory_space<vmem>>
      %dma_start3A_2282 = arith.constant 0 : i32
      %dma_start3A_2283 = tpu.memref_slice %arg5[%squeeze3A_2277, %dma_start3A_2282] : memref<16384x64xf32, #tpu.memory_space<hbm>> -> memref<1x64xf32, #tpu.memory_space<hbm>>
      %dma_start3A_2284 = tpu.memref_squeeze %dma_start3A_2283 : memref<1x64xf32, #tpu.memory_space<hbm>> -> memref<64xf32, #tpu.memory_space<hbm>>
      %dma_start3A_2285 = arith.constant 0 : i32
      %dma_start3A_2286 = tpu.memref_slice %arg5[%squeeze3A_2277, %dma_start3A_2285] : memref<16384x64xf32, #tpu.memory_space<hbm>> -> memref<1x64xf32, #tpu.memory_space<hbm>>
      %dma_start3A_2287 = tpu.memref_squeeze %dma_start3A_2286 : memref<1x64xf32, #tpu.memory_space<hbm>> -> memref<64xf32, #tpu.memory_space<hbm>>
      %dma_start3A_2288 = arith.constant 0 : i32
      %dma_start3A_2289 = tpu.memref_slice %arg10[%dma_start3A_2278, %dma_start3A_2288] : memref<16x64xf32, #tpu.memory_space<vmem>> -> memref<1x64xf32, #tpu.memory_space<vmem>>
      %dma_start3A_2290 = tpu.memref_squeeze %dma_start3A_2289 : memref<1x64xf32, #tpu.memory_space<vmem>> -> memref<64xf32, #tpu.memory_space<vmem>>
      tpu.enqueue_dma source(%dma_start3A_2290 : memref<64xf32, #tpu.memory_space<vmem>>) target(%dma_start3A_2287 : memref<64xf32, #tpu.memory_space<hbm>>) target_semaphore(%arg12 : memref<!tpu.dma_semaphore, #tpu.memory_space<semaphore_mem>>)
      %slice3A_2291 = vector.extract_strided_slice %get3A_241 {offsets = [12], sizes = [1], strides = [1]} : vector<16xi32> to vector<1xi32>
      %squeeze3A_2292 = vector.extract %slice3A_2291[0] : i32 from vector<1xi32>
      %dma_start3A_2293 = arith.constant 12 : i32
      %dma_start3A_2294 = arith.constant 0 : i32
      %dma_start3A_2295 = tpu.memref_slice %arg10[%dma_start3A_2293, %dma_start3A_2294] : memref<16x64xf32, #tpu.memory_space<vmem>> -> memref<1x64xf32, #tpu.memory_space<vmem>>
      %dma_start3A_2296 = tpu.memref_squeeze %dma_start3A_2295 : memref<1x64xf32, #tpu.memory_space<vmem>> -> memref<64xf32, #tpu.memory_space<vmem>>
      %dma_start3A_2297 = arith.constant 0 : i32
      %dma_start3A_2298 = tpu.memref_slice %arg5[%squeeze3A_2292, %dma_start3A_2297] : memref<16384x64xf32, #tpu.memory_space<hbm>> -> memref<1x64xf32, #tpu.memory_space<hbm>>
      %dma_start3A_2299 = tpu.memref_squeeze %dma_start3A_2298 : memref<1x64xf32, #tpu.memory_space<hbm>> -> memref<64xf32, #tpu.memory_space<hbm>>
      %dma_start3A_2300 = arith.constant 0 : i32
      %dma_start3A_2301 = tpu.memref_slice %arg5[%squeeze3A_2292, %dma_start3A_2300] : memref<16384x64xf32, #tpu.memory_space<hbm>> -> memref<1x64xf32, #tpu.memory_space<hbm>>
      %dma_start3A_2302 = tpu.memref_squeeze %dma_start3A_2301 : memref<1x64xf32, #tpu.memory_space<hbm>> -> memref<64xf32, #tpu.memory_space<hbm>>
      %dma_start3A_2303 = arith.constant 0 : i32
      %dma_start3A_2304 = tpu.memref_slice %arg10[%dma_start3A_2293, %dma_start3A_2303] : memref<16x64xf32, #tpu.memory_space<vmem>> -> memref<1x64xf32, #tpu.memory_space<vmem>>
      %dma_start3A_2305 = tpu.memref_squeeze %dma_start3A_2304 : memref<1x64xf32, #tpu.memory_space<vmem>> -> memref<64xf32, #tpu.memory_space<vmem>>
      tpu.enqueue_dma source(%dma_start3A_2305 : memref<64xf32, #tpu.memory_space<vmem>>) target(%dma_start3A_2302 : memref<64xf32, #tpu.memory_space<hbm>>) target_semaphore(%arg12 : memref<!tpu.dma_semaphore, #tpu.memory_space<semaphore_mem>>)
      %slice3A_2306 = vector.extract_strided_slice %get3A_241 {offsets = [13], sizes = [1], strides = [1]} : vector<16xi32> to vector<1xi32>
      %squeeze3A_2307 = vector.extract %slice3A_2306[0] : i32 from vector<1xi32>
      %dma_start3A_2308 = arith.constant 13 : i32
      %dma_start3A_2309 = arith.constant 0 : i32
      %dma_start3A_2310 = tpu.memref_slice %arg10[%dma_start3A_2308, %dma_start3A_2309] : memref<16x64xf32, #tpu.memory_space<vmem>> -> memref<1x64xf32, #tpu.memory_space<vmem>>
      %dma_start3A_2311 = tpu.memref_squeeze %dma_start3A_2310 : memref<1x64xf32, #tpu.memory_space<vmem>> -> memref<64xf32, #tpu.memory_space<vmem>>
      %dma_start3A_2312 = arith.constant 0 : i32
      %dma_start3A_2313 = tpu.memref_slice %arg5[%squeeze3A_2307, %dma_start3A_2312] : memref<16384x64xf32, #tpu.memory_space<hbm>> -> memref<1x64xf32, #tpu.memory_space<hbm>>
      %dma_start3A_2314 = tpu.memref_squeeze %dma_start3A_2313 : memref<1x64xf32, #tpu.memory_space<hbm>> -> memref<64xf32, #tpu.memory_space<hbm>>
      %dma_start3A_2315 = arith.constant 0 : i32
      %dma_start3A_2316 = tpu.memref_slice %arg5[%squeeze3A_2307, %dma_start3A_2315] : memref<16384x64xf32, #tpu.memory_space<hbm>> -> memref<1x64xf32, #tpu.memory_space<hbm>>
      %dma_start3A_2317 = tpu.memref_squeeze %dma_start3A_2316 : memref<1x64xf32, #tpu.memory_space<hbm>> -> memref<64xf32, #tpu.memory_space<hbm>>
      %dma_start3A_2318 = arith.constant 0 : i32
      %dma_start3A_2319 = tpu.memref_slice %arg10[%dma_start3A_2308, %dma_start3A_2318] : memref<16x64xf32, #tpu.memory_space<vmem>> -> memref<1x64xf32, #tpu.memory_space<vmem>>
      %dma_start3A_2320 = tpu.memref_squeeze %dma_start3A_2319 : memref<1x64xf32, #tpu.memory_space<vmem>> -> memref<64xf32, #tpu.memory_space<vmem>>
      tpu.enqueue_dma source(%dma_start3A_2320 : memref<64xf32, #tpu.memory_space<vmem>>) target(%dma_start3A_2317 : memref<64xf32, #tpu.memory_space<hbm>>) target_semaphore(%arg12 : memref<!tpu.dma_semaphore, #tpu.memory_space<semaphore_mem>>)
      %slice3A_2321 = vector.extract_strided_slice %get3A_241 {offsets = [14], sizes = [1], strides = [1]} : vector<16xi32> to vector<1xi32>
      %squeeze3A_2322 = vector.extract %slice3A_2321[0] : i32 from vector<1xi32>
      %dma_start3A_2323 = arith.constant 14 : i32
      %dma_start3A_2324 = arith.constant 0 : i32
      %dma_start3A_2325 = tpu.memref_slice %arg10[%dma_start3A_2323, %dma_start3A_2324] : memref<16x64xf32, #tpu.memory_space<vmem>> -> memref<1x64xf32, #tpu.memory_space<vmem>>
      %dma_start3A_2326 = tpu.memref_squeeze %dma_start3A_2325 : memref<1x64xf32, #tpu.memory_space<vmem>> -> memref<64xf32, #tpu.memory_space<vmem>>
      %dma_start3A_2327 = arith.constant 0 : i32
      %dma_start3A_2328 = tpu.memref_slice %arg5[%squeeze3A_2322, %dma_start3A_2327] : memref<16384x64xf32, #tpu.memory_space<hbm>> -> memref<1x64xf32, #tpu.memory_space<hbm>>
      %dma_start3A_2329 = tpu.memref_squeeze %dma_start3A_2328 : memref<1x64xf32, #tpu.memory_space<hbm>> -> memref<64xf32, #tpu.memory_space<hbm>>
      %dma_start3A_2330 = arith.constant 0 : i32
      %dma_start3A_2331 = tpu.memref_slice %arg5[%squeeze3A_2322, %dma_start3A_2330] : memref<16384x64xf32, #tpu.memory_space<hbm>> -> memref<1x64xf32, #tpu.memory_space<hbm>>
      %dma_start3A_2332 = tpu.memref_squeeze %dma_start3A_2331 : memref<1x64xf32, #tpu.memory_space<hbm>> -> memref<64xf32, #tpu.memory_space<hbm>>
      %dma_start3A_2333 = arith.constant 0 : i32
      %dma_start3A_2334 = tpu.memref_slice %arg10[%dma_start3A_2323, %dma_start3A_2333] : memref<16x64xf32, #tpu.memory_space<vmem>> -> memref<1x64xf32, #tpu.memory_space<vmem>>
      %dma_start3A_2335 = tpu.memref_squeeze %dma_start3A_2334 : memref<1x64xf32, #tpu.memory_space<vmem>> -> memref<64xf32, #tpu.memory_space<vmem>>
      tpu.enqueue_dma source(%dma_start3A_2335 : memref<64xf32, #tpu.memory_space<vmem>>) target(%dma_start3A_2332 : memref<64xf32, #tpu.memory_space<hbm>>) target_semaphore(%arg12 : memref<!tpu.dma_semaphore, #tpu.memory_space<semaphore_mem>>)
      %slice3A_2336 = vector.extract_strided_slice %get3A_241 {offsets = [15], sizes = [1], strides = [1]} : vector<16xi32> to vector<1xi32>
      %squeeze3A_2337 = vector.extract %slice3A_2336[0] : i32 from vector<1xi32>
      %dma_start3A_2338 = arith.constant 15 : i32
      %dma_start3A_2339 = arith.constant 0 : i32
      %dma_start3A_2340 = tpu.memref_slice %arg10[%dma_start3A_2338, %dma_start3A_2339] : memref<16x64xf32, #tpu.memory_space<vmem>> -> memref<1x64xf32, #tpu.memory_space<vmem>>
      %dma_start3A_2341 = tpu.memref_squeeze %dma_start3A_2340 : memref<1x64xf32, #tpu.memory_space<vmem>> -> memref<64xf32, #tpu.memory_space<vmem>>
      %dma_start3A_2342 = arith.constant 0 : i32
      %dma_start3A_2343 = tpu.memref_slice %arg5[%squeeze3A_2337, %dma_start3A_2342] : memref<16384x64xf32, #tpu.memory_space<hbm>> -> memref<1x64xf32, #tpu.memory_space<hbm>>
      %dma_start3A_2344 = tpu.memref_squeeze %dma_start3A_2343 : memref<1x64xf32, #tpu.memory_space<hbm>> -> memref<64xf32, #tpu.memory_space<hbm>>
      %dma_start3A_2345 = arith.constant 0 : i32
      %dma_start3A_2346 = tpu.memref_slice %arg5[%squeeze3A_2337, %dma_start3A_2345] : memref<16384x64xf32, #tpu.memory_space<hbm>> -> memref<1x64xf32, #tpu.memory_space<hbm>>
      %dma_start3A_2347 = tpu.memref_squeeze %dma_start3A_2346 : memref<1x64xf32, #tpu.memory_space<hbm>> -> memref<64xf32, #tpu.memory_space<hbm>>
      %dma_start3A_2348 = arith.constant 0 : i32
      %dma_start3A_2349 = tpu.memref_slice %arg10[%dma_start3A_2338, %dma_start3A_2348] : memref<16x64xf32, #tpu.memory_space<vmem>> -> memref<1x64xf32, #tpu.memory_space<vmem>>
      %dma_start3A_2350 = tpu.memref_squeeze %dma_start3A_2349 : memref<1x64xf32, #tpu.memory_space<vmem>> -> memref<64xf32, #tpu.memory_space<vmem>>
      tpu.enqueue_dma source(%dma_start3A_2350 : memref<64xf32, #tpu.memory_space<vmem>>) target(%dma_start3A_2347 : memref<64xf32, #tpu.memory_space<hbm>>) target_semaphore(%arg12 : memref<!tpu.dma_semaphore, #tpu.memory_space<semaphore_mem>>)
    }
    %scan3A_12 = arith.constant 32 : i32
    %dma_wait3A = arith.constant 0 : i32
    %dma_wait3A_13 = arith.constant 0 : i32
    %dma_wait3A_14 = arith.constant 0 : i32
    %dma_wait3A_15 = tpu.memref_slice %arg10[%dma_wait3A, %dma_wait3A_14] : memref<16x64xf32, #tpu.memory_space<vmem>> -> memref<1x64xf32, #tpu.memory_space<vmem>>
    %dma_wait3A_16 = tpu.memref_squeeze %dma_wait3A_15 : memref<1x64xf32, #tpu.memory_space<vmem>> -> memref<64xf32, #tpu.memory_space<vmem>>
    %dma_wait3A_17 = arith.constant 0 : i32
    %dma_wait3A_18 = tpu.memref_slice %arg5[%dma_wait3A_13, %dma_wait3A_17] : memref<16384x64xf32, #tpu.memory_space<hbm>> -> memref<1x64xf32, #tpu.memory_space<hbm>>
    %dma_wait3A_19 = tpu.memref_squeeze %dma_wait3A_18 : memref<1x64xf32, #tpu.memory_space<hbm>> -> memref<64xf32, #tpu.memory_space<hbm>>
    %dma_wait3A_20 = arith.constant 0 : i32
    %dma_wait3A_21 = tpu.memref_slice %arg5[%dma_wait3A_13, %dma_wait3A_20] : memref<16384x64xf32, #tpu.memory_space<hbm>> -> memref<1x64xf32, #tpu.memory_space<hbm>>
    %dma_wait3A_22 = tpu.memref_squeeze %dma_wait3A_21 : memref<1x64xf32, #tpu.memory_space<hbm>> -> memref<64xf32, #tpu.memory_space<hbm>>
    %dma_wait3A_23 = arith.constant 0 : i32
    %dma_wait3A_24 = tpu.memref_slice %arg10[%dma_wait3A, %dma_wait3A_23] : memref<16x64xf32, #tpu.memory_space<vmem>> -> memref<1x64xf32, #tpu.memory_space<vmem>>
    %dma_wait3A_25 = tpu.memref_squeeze %dma_wait3A_24 : memref<1x64xf32, #tpu.memory_space<vmem>> -> memref<64xf32, #tpu.memory_space<vmem>>
    tpu.wait_dma2 semaphore(%arg12 : memref<!tpu.dma_semaphore, #tpu.memory_space<semaphore_mem>>) src(%dma_wait3A_25 : memref<64xf32, #tpu.memory_space<vmem>>) dst(%dma_wait3A_22 : memref<64xf32, #tpu.memory_space<hbm>>)
    %dma_wait3A_26 = arith.constant 1 : i32
    %dma_wait3A_27 = arith.constant 0 : i32
    %dma_wait3A_28 = arith.constant 0 : i32
    %dma_wait3A_29 = tpu.memref_slice %arg10[%dma_wait3A_26, %dma_wait3A_28] : memref<16x64xf32, #tpu.memory_space<vmem>> -> memref<1x64xf32, #tpu.memory_space<vmem>>
    %dma_wait3A_30 = tpu.memref_squeeze %dma_wait3A_29 : memref<1x64xf32, #tpu.memory_space<vmem>> -> memref<64xf32, #tpu.memory_space<vmem>>
    %dma_wait3A_31 = arith.constant 0 : i32
    %dma_wait3A_32 = tpu.memref_slice %arg5[%dma_wait3A_27, %dma_wait3A_31] : memref<16384x64xf32, #tpu.memory_space<hbm>> -> memref<1x64xf32, #tpu.memory_space<hbm>>
    %dma_wait3A_33 = tpu.memref_squeeze %dma_wait3A_32 : memref<1x64xf32, #tpu.memory_space<hbm>> -> memref<64xf32, #tpu.memory_space<hbm>>
    %dma_wait3A_34 = arith.constant 0 : i32
    %dma_wait3A_35 = tpu.memref_slice %arg5[%dma_wait3A_27, %dma_wait3A_34] : memref<16384x64xf32, #tpu.memory_space<hbm>> -> memref<1x64xf32, #tpu.memory_space<hbm>>
    %dma_wait3A_36 = tpu.memref_squeeze %dma_wait3A_35 : memref<1x64xf32, #tpu.memory_space<hbm>> -> memref<64xf32, #tpu.memory_space<hbm>>
    %dma_wait3A_37 = arith.constant 0 : i32
    %dma_wait3A_38 = tpu.memref_slice %arg10[%dma_wait3A_26, %dma_wait3A_37] : memref<16x64xf32, #tpu.memory_space<vmem>> -> memref<1x64xf32, #tpu.memory_space<vmem>>
    %dma_wait3A_39 = tpu.memref_squeeze %dma_wait3A_38 : memref<1x64xf32, #tpu.memory_space<vmem>> -> memref<64xf32, #tpu.memory_space<vmem>>
    tpu.wait_dma2 semaphore(%arg12 : memref<!tpu.dma_semaphore, #tpu.memory_space<semaphore_mem>>) src(%dma_wait3A_39 : memref<64xf32, #tpu.memory_space<vmem>>) dst(%dma_wait3A_36 : memref<64xf32, #tpu.memory_space<hbm>>)
    %dma_wait3A_40 = arith.constant 2 : i32
    %dma_wait3A_41 = arith.constant 0 : i32
    %dma_wait3A_42 = arith.constant 0 : i32
    %dma_wait3A_43 = tpu.memref_slice %arg10[%dma_wait3A_40, %dma_wait3A_42] : memref<16x64xf32, #tpu.memory_space<vmem>> -> memref<1x64xf32, #tpu.memory_space<vmem>>
    %dma_wait3A_44 = tpu.memref_squeeze %dma_wait3A_43 : memref<1x64xf32, #tpu.memory_space<vmem>> -> memref<64xf32, #tpu.memory_space<vmem>>
    %dma_wait3A_45 = arith.constant 0 : i32
    %dma_wait3A_46 = tpu.memref_slice %arg5[%dma_wait3A_41, %dma_wait3A_45] : memref<16384x64xf32, #tpu.memory_space<hbm>> -> memref<1x64xf32, #tpu.memory_space<hbm>>
    %dma_wait3A_47 = tpu.memref_squeeze %dma_wait3A_46 : memref<1x64xf32, #tpu.memory_space<hbm>> -> memref<64xf32, #tpu.memory_space<hbm>>
    %dma_wait3A_48 = arith.constant 0 : i32
    %dma_wait3A_49 = tpu.memref_slice %arg5[%dma_wait3A_41, %dma_wait3A_48] : memref<16384x64xf32, #tpu.memory_space<hbm>> -> memref<1x64xf32, #tpu.memory_space<hbm>>
    %dma_wait3A_50 = tpu.memref_squeeze %dma_wait3A_49 : memref<1x64xf32, #tpu.memory_space<hbm>> -> memref<64xf32, #tpu.memory_space<hbm>>
    %dma_wait3A_51 = arith.constant 0 : i32
    %dma_wait3A_52 = tpu.memref_slice %arg10[%dma_wait3A_40, %dma_wait3A_51] : memref<16x64xf32, #tpu.memory_space<vmem>> -> memref<1x64xf32, #tpu.memory_space<vmem>>
    %dma_wait3A_53 = tpu.memref_squeeze %dma_wait3A_52 : memref<1x64xf32, #tpu.memory_space<vmem>> -> memref<64xf32, #tpu.memory_space<vmem>>
    tpu.wait_dma2 semaphore(%arg12 : memref<!tpu.dma_semaphore, #tpu.memory_space<semaphore_mem>>) src(%dma_wait3A_53 : memref<64xf32, #tpu.memory_space<vmem>>) dst(%dma_wait3A_50 : memref<64xf32, #tpu.memory_space<hbm>>)
    %dma_wait3A_54 = arith.constant 3 : i32
    %dma_wait3A_55 = arith.constant 0 : i32
    %dma_wait3A_56 = arith.constant 0 : i32
    %dma_wait3A_57 = tpu.memref_slice %arg10[%dma_wait3A_54, %dma_wait3A_56] : memref<16x64xf32, #tpu.memory_space<vmem>> -> memref<1x64xf32, #tpu.memory_space<vmem>>
    %dma_wait3A_58 = tpu.memref_squeeze %dma_wait3A_57 : memref<1x64xf32, #tpu.memory_space<vmem>> -> memref<64xf32, #tpu.memory_space<vmem>>
    %dma_wait3A_59 = arith.constant 0 : i32
    %dma_wait3A_60 = tpu.memref_slice %arg5[%dma_wait3A_55, %dma_wait3A_59] : memref<16384x64xf32, #tpu.memory_space<hbm>> -> memref<1x64xf32, #tpu.memory_space<hbm>>
    %dma_wait3A_61 = tpu.memref_squeeze %dma_wait3A_60 : memref<1x64xf32, #tpu.memory_space<hbm>> -> memref<64xf32, #tpu.memory_space<hbm>>
    %dma_wait3A_62 = arith.constant 0 : i32
    %dma_wait3A_63 = tpu.memref_slice %arg5[%dma_wait3A_55, %dma_wait3A_62] : memref<16384x64xf32, #tpu.memory_space<hbm>> -> memref<1x64xf32, #tpu.memory_space<hbm>>
    %dma_wait3A_64 = tpu.memref_squeeze %dma_wait3A_63 : memref<1x64xf32, #tpu.memory_space<hbm>> -> memref<64xf32, #tpu.memory_space<hbm>>
    %dma_wait3A_65 = arith.constant 0 : i32
    %dma_wait3A_66 = tpu.memref_slice %arg10[%dma_wait3A_54, %dma_wait3A_65] : memref<16x64xf32, #tpu.memory_space<vmem>> -> memref<1x64xf32, #tpu.memory_space<vmem>>
    %dma_wait3A_67 = tpu.memref_squeeze %dma_wait3A_66 : memref<1x64xf32, #tpu.memory_space<vmem>> -> memref<64xf32, #tpu.memory_space<vmem>>
    tpu.wait_dma2 semaphore(%arg12 : memref<!tpu.dma_semaphore, #tpu.memory_space<semaphore_mem>>) src(%dma_wait3A_67 : memref<64xf32, #tpu.memory_space<vmem>>) dst(%dma_wait3A_64 : memref<64xf32, #tpu.memory_space<hbm>>)
    %dma_wait3A_68 = arith.constant 4 : i32
    %dma_wait3A_69 = arith.constant 0 : i32
    %dma_wait3A_70 = arith.constant 0 : i32
    %dma_wait3A_71 = tpu.memref_slice %arg10[%dma_wait3A_68, %dma_wait3A_70] : memref<16x64xf32, #tpu.memory_space<vmem>> -> memref<1x64xf32, #tpu.memory_space<vmem>>
    %dma_wait3A_72 = tpu.memref_squeeze %dma_wait3A_71 : memref<1x64xf32, #tpu.memory_space<vmem>> -> memref<64xf32, #tpu.memory_space<vmem>>
    %dma_wait3A_73 = arith.constant 0 : i32
    %dma_wait3A_74 = tpu.memref_slice %arg5[%dma_wait3A_69, %dma_wait3A_73] : memref<16384x64xf32, #tpu.memory_space<hbm>> -> memref<1x64xf32, #tpu.memory_space<hbm>>
    %dma_wait3A_75 = tpu.memref_squeeze %dma_wait3A_74 : memref<1x64xf32, #tpu.memory_space<hbm>> -> memref<64xf32, #tpu.memory_space<hbm>>
    %dma_wait3A_76 = arith.constant 0 : i32
    %dma_wait3A_77 = tpu.memref_slice %arg5[%dma_wait3A_69, %dma_wait3A_76] : memref<16384x64xf32, #tpu.memory_space<hbm>> -> memref<1x64xf32, #tpu.memory_space<hbm>>
    %dma_wait3A_78 = tpu.memref_squeeze %dma_wait3A_77 : memref<1x64xf32, #tpu.memory_space<hbm>> -> memref<64xf32, #tpu.memory_space<hbm>>
    %dma_wait3A_79 = arith.constant 0 : i32
    %dma_wait3A_80 = tpu.memref_slice %arg10[%dma_wait3A_68, %dma_wait3A_79] : memref<16x64xf32, #tpu.memory_space<vmem>> -> memref<1x64xf32, #tpu.memory_space<vmem>>
    %dma_wait3A_81 = tpu.memref_squeeze %dma_wait3A_80 : memref<1x64xf32, #tpu.memory_space<vmem>> -> memref<64xf32, #tpu.memory_space<vmem>>
    tpu.wait_dma2 semaphore(%arg12 : memref<!tpu.dma_semaphore, #tpu.memory_space<semaphore_mem>>) src(%dma_wait3A_81 : memref<64xf32, #tpu.memory_space<vmem>>) dst(%dma_wait3A_78 : memref<64xf32, #tpu.memory_space<hbm>>)
    %dma_wait3A_82 = arith.constant 5 : i32
    %dma_wait3A_83 = arith.constant 0 : i32
    %dma_wait3A_84 = arith.constant 0 : i32
    %dma_wait3A_85 = tpu.memref_slice %arg10[%dma_wait3A_82, %dma_wait3A_84] : memref<16x64xf32, #tpu.memory_space<vmem>> -> memref<1x64xf32, #tpu.memory_space<vmem>>
    %dma_wait3A_86 = tpu.memref_squeeze %dma_wait3A_85 : memref<1x64xf32, #tpu.memory_space<vmem>> -> memref<64xf32, #tpu.memory_space<vmem>>
    %dma_wait3A_87 = arith.constant 0 : i32
    %dma_wait3A_88 = tpu.memref_slice %arg5[%dma_wait3A_83, %dma_wait3A_87] : memref<16384x64xf32, #tpu.memory_space<hbm>> -> memref<1x64xf32, #tpu.memory_space<hbm>>
    %dma_wait3A_89 = tpu.memref_squeeze %dma_wait3A_88 : memref<1x64xf32, #tpu.memory_space<hbm>> -> memref<64xf32, #tpu.memory_space<hbm>>
    %dma_wait3A_90 = arith.constant 0 : i32
    %dma_wait3A_91 = tpu.memref_slice %arg5[%dma_wait3A_83, %dma_wait3A_90] : memref<16384x64xf32, #tpu.memory_space<hbm>> -> memref<1x64xf32, #tpu.memory_space<hbm>>
    %dma_wait3A_92 = tpu.memref_squeeze %dma_wait3A_91 : memref<1x64xf32, #tpu.memory_space<hbm>> -> memref<64xf32, #tpu.memory_space<hbm>>
    %dma_wait3A_93 = arith.constant 0 : i32
    %dma_wait3A_94 = tpu.memref_slice %arg10[%dma_wait3A_82, %dma_wait3A_93] : memref<16x64xf32, #tpu.memory_space<vmem>> -> memref<1x64xf32, #tpu.memory_space<vmem>>
    %dma_wait3A_95 = tpu.memref_squeeze %dma_wait3A_94 : memref<1x64xf32, #tpu.memory_space<vmem>> -> memref<64xf32, #tpu.memory_space<vmem>>
    tpu.wait_dma2 semaphore(%arg12 : memref<!tpu.dma_semaphore, #tpu.memory_space<semaphore_mem>>) src(%dma_wait3A_95 : memref<64xf32, #tpu.memory_space<vmem>>) dst(%dma_wait3A_92 : memref<64xf32, #tpu.memory_space<hbm>>)
    %dma_wait3A_96 = arith.constant 6 : i32
    %dma_wait3A_97 = arith.constant 0 : i32
    %dma_wait3A_98 = arith.constant 0 : i32
    %dma_wait3A_99 = tpu.memref_slice %arg10[%dma_wait3A_96, %dma_wait3A_98] : memref<16x64xf32, #tpu.memory_space<vmem>> -> memref<1x64xf32, #tpu.memory_space<vmem>>
    %dma_wait3A_100 = tpu.memref_squeeze %dma_wait3A_99 : memref<1x64xf32, #tpu.memory_space<vmem>> -> memref<64xf32, #tpu.memory_space<vmem>>
    %dma_wait3A_101 = arith.constant 0 : i32
    %dma_wait3A_102 = tpu.memref_slice %arg5[%dma_wait3A_97, %dma_wait3A_101] : memref<16384x64xf32, #tpu.memory_space<hbm>> -> memref<1x64xf32, #tpu.memory_space<hbm>>
    %dma_wait3A_103 = tpu.memref_squeeze %dma_wait3A_102 : memref<1x64xf32, #tpu.memory_space<hbm>> -> memref<64xf32, #tpu.memory_space<hbm>>
    %dma_wait3A_104 = arith.constant 0 : i32
    %dma_wait3A_105 = tpu.memref_slice %arg5[%dma_wait3A_97, %dma_wait3A_104] : memref<16384x64xf32, #tpu.memory_space<hbm>> -> memref<1x64xf32, #tpu.memory_space<hbm>>
    %dma_wait3A_106 = tpu.memref_squeeze %dma_wait3A_105 : memref<1x64xf32, #tpu.memory_space<hbm>> -> memref<64xf32, #tpu.memory_space<hbm>>
    %dma_wait3A_107 = arith.constant 0 : i32
    %dma_wait3A_108 = tpu.memref_slice %arg10[%dma_wait3A_96, %dma_wait3A_107] : memref<16x64xf32, #tpu.memory_space<vmem>> -> memref<1x64xf32, #tpu.memory_space<vmem>>
    %dma_wait3A_109 = tpu.memref_squeeze %dma_wait3A_108 : memref<1x64xf32, #tpu.memory_space<vmem>> -> memref<64xf32, #tpu.memory_space<vmem>>
    tpu.wait_dma2 semaphore(%arg12 : memref<!tpu.dma_semaphore, #tpu.memory_space<semaphore_mem>>) src(%dma_wait3A_109 : memref<64xf32, #tpu.memory_space<vmem>>) dst(%dma_wait3A_106 : memref<64xf32, #tpu.memory_space<hbm>>)
    %dma_wait3A_110 = arith.constant 7 : i32
    %dma_wait3A_111 = arith.constant 0 : i32
    %dma_wait3A_112 = arith.constant 0 : i32
    %dma_wait3A_113 = tpu.memref_slice %arg10[%dma_wait3A_110, %dma_wait3A_112] : memref<16x64xf32, #tpu.memory_space<vmem>> -> memref<1x64xf32, #tpu.memory_space<vmem>>
    %dma_wait3A_114 = tpu.memref_squeeze %dma_wait3A_113 : memref<1x64xf32, #tpu.memory_space<vmem>> -> memref<64xf32, #tpu.memory_space<vmem>>
    %dma_wait3A_115 = arith.constant 0 : i32
    %dma_wait3A_116 = tpu.memref_slice %arg5[%dma_wait3A_111, %dma_wait3A_115] : memref<16384x64xf32, #tpu.memory_space<hbm>> -> memref<1x64xf32, #tpu.memory_space<hbm>>
    %dma_wait3A_117 = tpu.memref_squeeze %dma_wait3A_116 : memref<1x64xf32, #tpu.memory_space<hbm>> -> memref<64xf32, #tpu.memory_space<hbm>>
    %dma_wait3A_118 = arith.constant 0 : i32
    %dma_wait3A_119 = tpu.memref_slice %arg5[%dma_wait3A_111, %dma_wait3A_118] : memref<16384x64xf32, #tpu.memory_space<hbm>> -> memref<1x64xf32, #tpu.memory_space<hbm>>
    %dma_wait3A_120 = tpu.memref_squeeze %dma_wait3A_119 : memref<1x64xf32, #tpu.memory_space<hbm>> -> memref<64xf32, #tpu.memory_space<hbm>>
    %dma_wait3A_121 = arith.constant 0 : i32
    %dma_wait3A_122 = tpu.memref_slice %arg10[%dma_wait3A_110, %dma_wait3A_121] : memref<16x64xf32, #tpu.memory_space<vmem>> -> memref<1x64xf32, #tpu.memory_space<vmem>>
    %dma_wait3A_123 = tpu.memref_squeeze %dma_wait3A_122 : memref<1x64xf32, #tpu.memory_space<vmem>> -> memref<64xf32, #tpu.memory_space<vmem>>
    tpu.wait_dma2 semaphore(%arg12 : memref<!tpu.dma_semaphore, #tpu.memory_space<semaphore_mem>>) src(%dma_wait3A_123 : memref<64xf32, #tpu.memory_space<vmem>>) dst(%dma_wait3A_120 : memref<64xf32, #tpu.memory_space<hbm>>)
    %dma_wait3A_124 = arith.constant 8 : i32
    %dma_wait3A_125 = arith.constant 0 : i32
    %dma_wait3A_126 = arith.constant 0 : i32
    %dma_wait3A_127 = tpu.memref_slice %arg10[%dma_wait3A_124, %dma_wait3A_126] : memref<16x64xf32, #tpu.memory_space<vmem>> -> memref<1x64xf32, #tpu.memory_space<vmem>>
    %dma_wait3A_128 = tpu.memref_squeeze %dma_wait3A_127 : memref<1x64xf32, #tpu.memory_space<vmem>> -> memref<64xf32, #tpu.memory_space<vmem>>
    %dma_wait3A_129 = arith.constant 0 : i32
    %dma_wait3A_130 = tpu.memref_slice %arg5[%dma_wait3A_125, %dma_wait3A_129] : memref<16384x64xf32, #tpu.memory_space<hbm>> -> memref<1x64xf32, #tpu.memory_space<hbm>>
    %dma_wait3A_131 = tpu.memref_squeeze %dma_wait3A_130 : memref<1x64xf32, #tpu.memory_space<hbm>> -> memref<64xf32, #tpu.memory_space<hbm>>
    %dma_wait3A_132 = arith.constant 0 : i32
    %dma_wait3A_133 = tpu.memref_slice %arg5[%dma_wait3A_125, %dma_wait3A_132] : memref<16384x64xf32, #tpu.memory_space<hbm>> -> memref<1x64xf32, #tpu.memory_space<hbm>>
    %dma_wait3A_134 = tpu.memref_squeeze %dma_wait3A_133 : memref<1x64xf32, #tpu.memory_space<hbm>> -> memref<64xf32, #tpu.memory_space<hbm>>
    %dma_wait3A_135 = arith.constant 0 : i32
    %dma_wait3A_136 = tpu.memref_slice %arg10[%dma_wait3A_124, %dma_wait3A_135] : memref<16x64xf32, #tpu.memory_space<vmem>> -> memref<1x64xf32, #tpu.memory_space<vmem>>
    %dma_wait3A_137 = tpu.memref_squeeze %dma_wait3A_136 : memref<1x64xf32, #tpu.memory_space<vmem>> -> memref<64xf32, #tpu.memory_space<vmem>>
    tpu.wait_dma2 semaphore(%arg12 : memref<!tpu.dma_semaphore, #tpu.memory_space<semaphore_mem>>) src(%dma_wait3A_137 : memref<64xf32, #tpu.memory_space<vmem>>) dst(%dma_wait3A_134 : memref<64xf32, #tpu.memory_space<hbm>>)
    %dma_wait3A_138 = arith.constant 9 : i32
    %dma_wait3A_139 = arith.constant 0 : i32
    %dma_wait3A_140 = arith.constant 0 : i32
    %dma_wait3A_141 = tpu.memref_slice %arg10[%dma_wait3A_138, %dma_wait3A_140] : memref<16x64xf32, #tpu.memory_space<vmem>> -> memref<1x64xf32, #tpu.memory_space<vmem>>
    %dma_wait3A_142 = tpu.memref_squeeze %dma_wait3A_141 : memref<1x64xf32, #tpu.memory_space<vmem>> -> memref<64xf32, #tpu.memory_space<vmem>>
    %dma_wait3A_143 = arith.constant 0 : i32
    %dma_wait3A_144 = tpu.memref_slice %arg5[%dma_wait3A_139, %dma_wait3A_143] : memref<16384x64xf32, #tpu.memory_space<hbm>> -> memref<1x64xf32, #tpu.memory_space<hbm>>
    %dma_wait3A_145 = tpu.memref_squeeze %dma_wait3A_144 : memref<1x64xf32, #tpu.memory_space<hbm>> -> memref<64xf32, #tpu.memory_space<hbm>>
    %dma_wait3A_146 = arith.constant 0 : i32
    %dma_wait3A_147 = tpu.memref_slice %arg5[%dma_wait3A_139, %dma_wait3A_146] : memref<16384x64xf32, #tpu.memory_space<hbm>> -> memref<1x64xf32, #tpu.memory_space<hbm>>
    %dma_wait3A_148 = tpu.memref_squeeze %dma_wait3A_147 : memref<1x64xf32, #tpu.memory_space<hbm>> -> memref<64xf32, #tpu.memory_space<hbm>>
    %dma_wait3A_149 = arith.constant 0 : i32
    %dma_wait3A_150 = tpu.memref_slice %arg10[%dma_wait3A_138, %dma_wait3A_149] : memref<16x64xf32, #tpu.memory_space<vmem>> -> memref<1x64xf32, #tpu.memory_space<vmem>>
    %dma_wait3A_151 = tpu.memref_squeeze %dma_wait3A_150 : memref<1x64xf32, #tpu.memory_space<vmem>> -> memref<64xf32, #tpu.memory_space<vmem>>
    tpu.wait_dma2 semaphore(%arg12 : memref<!tpu.dma_semaphore, #tpu.memory_space<semaphore_mem>>) src(%dma_wait3A_151 : memref<64xf32, #tpu.memory_space<vmem>>) dst(%dma_wait3A_148 : memref<64xf32, #tpu.memory_space<hbm>>)
    %dma_wait3A_152 = arith.constant 10 : i32
    %dma_wait3A_153 = arith.constant 0 : i32
    %dma_wait3A_154 = arith.constant 0 : i32
    %dma_wait3A_155 = tpu.memref_slice %arg10[%dma_wait3A_152, %dma_wait3A_154] : memref<16x64xf32, #tpu.memory_space<vmem>> -> memref<1x64xf32, #tpu.memory_space<vmem>>
    %dma_wait3A_156 = tpu.memref_squeeze %dma_wait3A_155 : memref<1x64xf32, #tpu.memory_space<vmem>> -> memref<64xf32, #tpu.memory_space<vmem>>
    %dma_wait3A_157 = arith.constant 0 : i32
    %dma_wait3A_158 = tpu.memref_slice %arg5[%dma_wait3A_153, %dma_wait3A_157] : memref<16384x64xf32, #tpu.memory_space<hbm>> -> memref<1x64xf32, #tpu.memory_space<hbm>>
    %dma_wait3A_159 = tpu.memref_squeeze %dma_wait3A_158 : memref<1x64xf32, #tpu.memory_space<hbm>> -> memref<64xf32, #tpu.memory_space<hbm>>
    %dma_wait3A_160 = arith.constant 0 : i32
    %dma_wait3A_161 = tpu.memref_slice %arg5[%dma_wait3A_153, %dma_wait3A_160] : memref<16384x64xf32, #tpu.memory_space<hbm>> -> memref<1x64xf32, #tpu.memory_space<hbm>>
    %dma_wait3A_162 = tpu.memref_squeeze %dma_wait3A_161 : memref<1x64xf32, #tpu.memory_space<hbm>> -> memref<64xf32, #tpu.memory_space<hbm>>
    %dma_wait3A_163 = arith.constant 0 : i32
    %dma_wait3A_164 = tpu.memref_slice %arg10[%dma_wait3A_152, %dma_wait3A_163] : memref<16x64xf32, #tpu.memory_space<vmem>> -> memref<1x64xf32, #tpu.memory_space<vmem>>
    %dma_wait3A_165 = tpu.memref_squeeze %dma_wait3A_164 : memref<1x64xf32, #tpu.memory_space<vmem>> -> memref<64xf32, #tpu.memory_space<vmem>>
    tpu.wait_dma2 semaphore(%arg12 : memref<!tpu.dma_semaphore, #tpu.memory_space<semaphore_mem>>) src(%dma_wait3A_165 : memref<64xf32, #tpu.memory_space<vmem>>) dst(%dma_wait3A_162 : memref<64xf32, #tpu.memory_space<hbm>>)
    %dma_wait3A_166 = arith.constant 11 : i32
    %dma_wait3A_167 = arith.constant 0 : i32
    %dma_wait3A_168 = arith.constant 0 : i32
    %dma_wait3A_169 = tpu.memref_slice %arg10[%dma_wait3A_166, %dma_wait3A_168] : memref<16x64xf32, #tpu.memory_space<vmem>> -> memref<1x64xf32, #tpu.memory_space<vmem>>
    %dma_wait3A_170 = tpu.memref_squeeze %dma_wait3A_169 : memref<1x64xf32, #tpu.memory_space<vmem>> -> memref<64xf32, #tpu.memory_space<vmem>>
    %dma_wait3A_171 = arith.constant 0 : i32
    %dma_wait3A_172 = tpu.memref_slice %arg5[%dma_wait3A_167, %dma_wait3A_171] : memref<16384x64xf32, #tpu.memory_space<hbm>> -> memref<1x64xf32, #tpu.memory_space<hbm>>
    %dma_wait3A_173 = tpu.memref_squeeze %dma_wait3A_172 : memref<1x64xf32, #tpu.memory_space<hbm>> -> memref<64xf32, #tpu.memory_space<hbm>>
    %dma_wait3A_174 = arith.constant 0 : i32
    %dma_wait3A_175 = tpu.memref_slice %arg5[%dma_wait3A_167, %dma_wait3A_174] : memref<16384x64xf32, #tpu.memory_space<hbm>> -> memref<1x64xf32, #tpu.memory_space<hbm>>
    %dma_wait3A_176 = tpu.memref_squeeze %dma_wait3A_175 : memref<1x64xf32, #tpu.memory_space<hbm>> -> memref<64xf32, #tpu.memory_space<hbm>>
    %dma_wait3A_177 = arith.constant 0 : i32
    %dma_wait3A_178 = tpu.memref_slice %arg10[%dma_wait3A_166, %dma_wait3A_177] : memref<16x64xf32, #tpu.memory_space<vmem>> -> memref<1x64xf32, #tpu.memory_space<vmem>>
    %dma_wait3A_179 = tpu.memref_squeeze %dma_wait3A_178 : memref<1x64xf32, #tpu.memory_space<vmem>> -> memref<64xf32, #tpu.memory_space<vmem>>
    tpu.wait_dma2 semaphore(%arg12 : memref<!tpu.dma_semaphore, #tpu.memory_space<semaphore_mem>>) src(%dma_wait3A_179 : memref<64xf32, #tpu.memory_space<vmem>>) dst(%dma_wait3A_176 : memref<64xf32, #tpu.memory_space<hbm>>)
    %dma_wait3A_180 = arith.constant 12 : i32
    %dma_wait3A_181 = arith.constant 0 : i32
    %dma_wait3A_182 = arith.constant 0 : i32
    %dma_wait3A_183 = tpu.memref_slice %arg10[%dma_wait3A_180, %dma_wait3A_182] : memref<16x64xf32, #tpu.memory_space<vmem>> -> memref<1x64xf32, #tpu.memory_space<vmem>>
    %dma_wait3A_184 = tpu.memref_squeeze %dma_wait3A_183 : memref<1x64xf32, #tpu.memory_space<vmem>> -> memref<64xf32, #tpu.memory_space<vmem>>
    %dma_wait3A_185 = arith.constant 0 : i32
    %dma_wait3A_186 = tpu.memref_slice %arg5[%dma_wait3A_181, %dma_wait3A_185] : memref<16384x64xf32, #tpu.memory_space<hbm>> -> memref<1x64xf32, #tpu.memory_space<hbm>>
    %dma_wait3A_187 = tpu.memref_squeeze %dma_wait3A_186 : memref<1x64xf32, #tpu.memory_space<hbm>> -> memref<64xf32, #tpu.memory_space<hbm>>
    %dma_wait3A_188 = arith.constant 0 : i32
    %dma_wait3A_189 = tpu.memref_slice %arg5[%dma_wait3A_181, %dma_wait3A_188] : memref<16384x64xf32, #tpu.memory_space<hbm>> -> memref<1x64xf32, #tpu.memory_space<hbm>>
    %dma_wait3A_190 = tpu.memref_squeeze %dma_wait3A_189 : memref<1x64xf32, #tpu.memory_space<hbm>> -> memref<64xf32, #tpu.memory_space<hbm>>
    %dma_wait3A_191 = arith.constant 0 : i32
    %dma_wait3A_192 = tpu.memref_slice %arg10[%dma_wait3A_180, %dma_wait3A_191] : memref<16x64xf32, #tpu.memory_space<vmem>> -> memref<1x64xf32, #tpu.memory_space<vmem>>
    %dma_wait3A_193 = tpu.memref_squeeze %dma_wait3A_192 : memref<1x64xf32, #tpu.memory_space<vmem>> -> memref<64xf32, #tpu.memory_space<vmem>>
    tpu.wait_dma2 semaphore(%arg12 : memref<!tpu.dma_semaphore, #tpu.memory_space<semaphore_mem>>) src(%dma_wait3A_193 : memref<64xf32, #tpu.memory_space<vmem>>) dst(%dma_wait3A_190 : memref<64xf32, #tpu.memory_space<hbm>>)
    %dma_wait3A_194 = arith.constant 13 : i32
    %dma_wait3A_195 = arith.constant 0 : i32
    %dma_wait3A_196 = arith.constant 0 : i32
    %dma_wait3A_197 = tpu.memref_slice %arg10[%dma_wait3A_194, %dma_wait3A_196] : memref<16x64xf32, #tpu.memory_space<vmem>> -> memref<1x64xf32, #tpu.memory_space<vmem>>
    %dma_wait3A_198 = tpu.memref_squeeze %dma_wait3A_197 : memref<1x64xf32, #tpu.memory_space<vmem>> -> memref<64xf32, #tpu.memory_space<vmem>>
    %dma_wait3A_199 = arith.constant 0 : i32
    %dma_wait3A_200 = tpu.memref_slice %arg5[%dma_wait3A_195, %dma_wait3A_199] : memref<16384x64xf32, #tpu.memory_space<hbm>> -> memref<1x64xf32, #tpu.memory_space<hbm>>
    %dma_wait3A_201 = tpu.memref_squeeze %dma_wait3A_200 : memref<1x64xf32, #tpu.memory_space<hbm>> -> memref<64xf32, #tpu.memory_space<hbm>>
    %dma_wait3A_202 = arith.constant 0 : i32
    %dma_wait3A_203 = tpu.memref_slice %arg5[%dma_wait3A_195, %dma_wait3A_202] : memref<16384x64xf32, #tpu.memory_space<hbm>> -> memref<1x64xf32, #tpu.memory_space<hbm>>
    %dma_wait3A_204 = tpu.memref_squeeze %dma_wait3A_203 : memref<1x64xf32, #tpu.memory_space<hbm>> -> memref<64xf32, #tpu.memory_space<hbm>>
    %dma_wait3A_205 = arith.constant 0 : i32
    %dma_wait3A_206 = tpu.memref_slice %arg10[%dma_wait3A_194, %dma_wait3A_205] : memref<16x64xf32, #tpu.memory_space<vmem>> -> memref<1x64xf32, #tpu.memory_space<vmem>>
    %dma_wait3A_207 = tpu.memref_squeeze %dma_wait3A_206 : memref<1x64xf32, #tpu.memory_space<vmem>> -> memref<64xf32, #tpu.memory_space<vmem>>
    tpu.wait_dma2 semaphore(%arg12 : memref<!tpu.dma_semaphore, #tpu.memory_space<semaphore_mem>>) src(%dma_wait3A_207 : memref<64xf32, #tpu.memory_space<vmem>>) dst(%dma_wait3A_204 : memref<64xf32, #tpu.memory_space<hbm>>)
    %dma_wait3A_208 = arith.constant 14 : i32
    %dma_wait3A_209 = arith.constant 0 : i32
    %dma_wait3A_210 = arith.constant 0 : i32
    %dma_wait3A_211 = tpu.memref_slice %arg10[%dma_wait3A_208, %dma_wait3A_210] : memref<16x64xf32, #tpu.memory_space<vmem>> -> memref<1x64xf32, #tpu.memory_space<vmem>>
    %dma_wait3A_212 = tpu.memref_squeeze %dma_wait3A_211 : memref<1x64xf32, #tpu.memory_space<vmem>> -> memref<64xf32, #tpu.memory_space<vmem>>
    %dma_wait3A_213 = arith.constant 0 : i32
    %dma_wait3A_214 = tpu.memref_slice %arg5[%dma_wait3A_209, %dma_wait3A_213] : memref<16384x64xf32, #tpu.memory_space<hbm>> -> memref<1x64xf32, #tpu.memory_space<hbm>>
    %dma_wait3A_215 = tpu.memref_squeeze %dma_wait3A_214 : memref<1x64xf32, #tpu.memory_space<hbm>> -> memref<64xf32, #tpu.memory_space<hbm>>
    %dma_wait3A_216 = arith.constant 0 : i32
    %dma_wait3A_217 = tpu.memref_slice %arg5[%dma_wait3A_209, %dma_wait3A_216] : memref<16384x64xf32, #tpu.memory_space<hbm>> -> memref<1x64xf32, #tpu.memory_space<hbm>>
    %dma_wait3A_218 = tpu.memref_squeeze %dma_wait3A_217 : memref<1x64xf32, #tpu.memory_space<hbm>> -> memref<64xf32, #tpu.memory_space<hbm>>
    %dma_wait3A_219 = arith.constant 0 : i32
    %dma_wait3A_220 = tpu.memref_slice %arg10[%dma_wait3A_208, %dma_wait3A_219] : memref<16x64xf32, #tpu.memory_space<vmem>> -> memref<1x64xf32, #tpu.memory_space<vmem>>
    %dma_wait3A_221 = tpu.memref_squeeze %dma_wait3A_220 : memref<1x64xf32, #tpu.memory_space<vmem>> -> memref<64xf32, #tpu.memory_space<vmem>>
    tpu.wait_dma2 semaphore(%arg12 : memref<!tpu.dma_semaphore, #tpu.memory_space<semaphore_mem>>) src(%dma_wait3A_221 : memref<64xf32, #tpu.memory_space<vmem>>) dst(%dma_wait3A_218 : memref<64xf32, #tpu.memory_space<hbm>>)
    %dma_wait3A_222 = arith.constant 15 : i32
    %dma_wait3A_223 = arith.constant 0 : i32
    %dma_wait3A_224 = arith.constant 0 : i32
    %dma_wait3A_225 = tpu.memref_slice %arg10[%dma_wait3A_222, %dma_wait3A_224] : memref<16x64xf32, #tpu.memory_space<vmem>> -> memref<1x64xf32, #tpu.memory_space<vmem>>
    %dma_wait3A_226 = tpu.memref_squeeze %dma_wait3A_225 : memref<1x64xf32, #tpu.memory_space<vmem>> -> memref<64xf32, #tpu.memory_space<vmem>>
    %dma_wait3A_227 = arith.constant 0 : i32
    %dma_wait3A_228 = tpu.memref_slice %arg5[%dma_wait3A_223, %dma_wait3A_227] : memref<16384x64xf32, #tpu.memory_space<hbm>> -> memref<1x64xf32, #tpu.memory_space<hbm>>
    %dma_wait3A_229 = tpu.memref_squeeze %dma_wait3A_228 : memref<1x64xf32, #tpu.memory_space<hbm>> -> memref<64xf32, #tpu.memory_space<hbm>>
    %dma_wait3A_230 = arith.constant 0 : i32
    %dma_wait3A_231 = tpu.memref_slice %arg5[%dma_wait3A_223, %dma_wait3A_230] : memref<16384x64xf32, #tpu.memory_space<hbm>> -> memref<1x64xf32, #tpu.memory_space<hbm>>
    %dma_wait3A_232 = tpu.memref_squeeze %dma_wait3A_231 : memref<1x64xf32, #tpu.memory_space<hbm>> -> memref<64xf32, #tpu.memory_space<hbm>>
    %dma_wait3A_233 = arith.constant 0 : i32
    %dma_wait3A_234 = tpu.memref_slice %arg10[%dma_wait3A_222, %dma_wait3A_233] : memref<16x64xf32, #tpu.memory_space<vmem>> -> memref<1x64xf32, #tpu.memory_space<vmem>>
    %dma_wait3A_235 = tpu.memref_squeeze %dma_wait3A_234 : memref<1x64xf32, #tpu.memory_space<vmem>> -> memref<64xf32, #tpu.memory_space<vmem>>
    tpu.wait_dma2 semaphore(%arg12 : memref<!tpu.dma_semaphore, #tpu.memory_space<semaphore_mem>>) src(%dma_wait3A_235 : memref<64xf32, #tpu.memory_space<vmem>>) dst(%dma_wait3A_232 : memref<64xf32, #tpu.memory_space<hbm>>)
    return
  }
}

</mosaic_0001>

<sc_bundles>
// kernel: kernel.3.cloned.1.call-start
scs
__scs_entry_jumppad:
0x0: {  	(pc) =	sbr.rel $0x88, $3  }
0x1: {  	(tag) =	ssettag $0x0;
	lr =	simm.s32 $0x1  }
0x2: {  	[smem:$0x3F9F] =	sst lr;
	_ =	strace $0xD0000000  }
0x3: {  	_ = 	snop  }
0x4: {  	_ = 	snop  }
0x5: {  	_ = 	snop  }
0x6: {  	_ = 	snop  }
0x7: {  	_ = 	snop  }
__scs_overlays_trampoline_lowered:
0x8: {  	[smem:$0x3FAE] =	sst s0  }
0x9: {  	[smem:$0x3FAF] =	sst s1  }
0xa: {  	[smem:$0x3FB0] =	sst s2  }
0xb: {  	[smem:$0x3FB1] =	sst s3  }
0xc: {  	[smem:$0x3FB2] =	sst s4  }
0xd: {  	[smem:$0x3FB3] =	sst s5  }
0xe: {  	[smem:$0x3FB4] =	sst s6  }
0xf: {  	[smem:$0x3FB5] =	sst s7  }
0x10: {  	[smem:$0x3FB6] =	sst s8  }
0x11: {  	[smem:$0x3FB7] =	sst s9;
	s0 =	simm.s32 @!p0 $0x0  }
0x12: {  	s1 =	sld [smem:$0x3F9D];
	s0 =	simm.s32 @p0 $0x1  }
0x13: {  	[smem:$0x3FB8] =	sst s0;
	s0 =	simm.s32 @!p1 $0x0  }
0x14: {  	s2 =	sld [smem:$0x3F9C];
	s0 =	simm.s32 @p1 $0x1  }
0x15: {  	[smem:$0x3FB9] =	sst s0;
	s0 =	simm.s32 @!p2 $0x0  }
0x16: {  	s3 =	sld [smem:$0x3FDB];
	s0 =	simm.s32 @p2 $0x1  }
0x17: {  	s4 =	simm.s32 $0x1BF5;
	[smem:$0x3FBB] =	sst s0  }
0x18: {  	s0 =	sld [smem:$0x3F9E];
	_ =	swait.ge [sflag:s4], $0x0  }
0x19: {  	s7 =	sld [smem:$0x3F9F]  }
0x1a: {  	s8 =	sadd.s32 $0xFFFFE003, lr  }
0x1b: {  	s9 =	sadd.s32 $0xFFFFFEF7, lr;
	s5 =	simm.s32 $0xFFFFFFFF;
	p2 =	slt.u32 s8, $0xFFFFF086  }
0x1c: {  	p1 =	slt.u32 s9, $0xF7A;
	s5 =	simm.s32 @!p2 $0x0  }
0x1d: {  	s5 =	simm.s32 @p1 $0x1;
	p0 =	seq.s32 s7, s2  }
0x1e: {  	s7 =	smul.u32 @!p0 $0xF7A, s2;
	p2 =	seq.s32 @!p0 s5, $0x0  }
0x1f: {  	s9 =	smul.u32 $0xF7A, s1;
	s8 =	simm.s32 @!p0 $0x1BF5;
	p2 =	por !p2, p0  }
0x20: {  	[sflag:s8] =	ssyncset.s32 @!p0 $0xFFFFF086;
	s6 =	sadd.s32 @!p0 s3, s7;
	s7 =	simm.s32 @!p0 $0x108  }
0x21: {  	s3 =	sadd.s32 s3, s9;
	s6 =	sadd.s32 @!p0 $0x88, s6;
	s7 =	simm.s32 @p2 $0x1082  }
0x22: {  	[simem:s7], [sflag:s8] =	dma.local @!p0 [hbm:s6], $0xF7A  }
0x23: {  	s9 =	sor.u32 $0xD0000000, s2;
	s6 =	simm.s32 $0x108;
	_ =	swait.ge @!p0 [sflag:s8], $0x0  }
0x24: {  	s3 =	sadd.s32 $0x88, s3;
	s6 =	simm.s32 @!p1 $0x1082;
	[sflag:s4] =	ssyncset.s32 $0xFFFFF086  }
0x25: {  	[simem:s6], [sflag:s4] =	dma.local [hbm:s3], $0xF7A  }
0x26: {  	[smem:$0x3F9F] =	sst s1;
	(tag) =	ssettag s2;
	_ =	strace s9  }
0x27: {  	s1 =	sld [smem:$0x3FAF]  }
0x28: {  	s2 =	sld [smem:$0x3FB0]  }
0x29: {  	s4 =	sld [smem:$0x3FB2]  }
0x2a: {  	p0 =	seq.s32 s5, $0x0;
	s5 =	sld [smem:$0x3FB3]  }
0x2b: {  	s6 =	sld [smem:$0x3FB4]  }
0x2c: {  	s7 =	sld [smem:$0x3FB5]  }
0x2d: {  	s3 =	simm.s32 $0x108;
	s8 =	sld [smem:$0x3FB6]  }
0x2e: {  	s3 =	simm.s32 @!p0 $0x1082;
	s9 =	sld [smem:$0x3FB7]  }
0x2f: {  	lr =	sadd.s32 s0, s3;
	s0 =	sld [smem:$0x3FAE]  }
0x30: {  	s3 =	sld [smem:$0x3FB1]  }
0x31: {  	[smem:$0x3FBA] =	sst s10  }
0x32: {  	s10 =	sld [smem:$0x3FB8];
	_ =	sdelay $0x3  }
0x33: {  	p0 =	seq.s32 s10, $0x1;
	s10 =	sld [smem:$0x3FBA];
	_ =	sdelay $0x3  }
0x34: {  	[smem:$0x3FBA] =	sst s10  }
0x35: {  	s10 =	sld [smem:$0x3FB9];
	_ =	sdelay $0x3  }
0x36: {  	p1 =	seq.s32 s10, $0x1;
	s10 =	sld [smem:$0x3FBA];
	_ =	sdelay $0x3  }
0x37: {  	[smem:$0x3FBA] =	sst s10  }
0x38: {  	s10 =	sld [smem:$0x3FBB]  }
0x39: {  	_ = 	snop;
	(pc) =	sbr.ind lr, $3  }
0x3a: {  	_ = 	snop  }
0x3b: {  	_ = 	snop  }
0x3c: {  	p2 =	seq.s32 s10, $0x1;
	s10 =	sld [smem:$0x3FBA]  }
0x3d: {  	_ =	shalt  }
0x3e: {  	_ =	shalt  }
0x3f: {  	_ =	shalt  }
0x40: {  	_ =	shalt  }
0x41: {  	_ =	shalt  }
0x42: {  	_ =	shalt  }
0x43: {  	_ =	shalt  }
0x44: {  	_ =	shalt  }
0x45: {  	_ =	shalt  }
0x46: {  	_ =	shalt  }
0x47: {  	_ =	shalt  }
0x48: {  	_ =	shalt  }
0x49: {  	_ =	shalt  }
0x4a: {  	_ =	shalt  }
0x4b: {  	_ =	shalt  }
0x4c: {  	_ =	shalt  }
0x4d: {  	_ =	shalt  }
0x4e: {  	_ =	shalt  }
0x4f: {  	_ =	shalt  }
0x50: {  	_ =	shalt  }
0x51: {  	_ =	shalt  }
0x52: {  	_ =	shalt  }
0x53: {  	_ =	shalt  }
0x54: {  	_ =	shalt  }
0x55: {  	_ =	shalt  }
0x56: {  	_ =	shalt  }
0x57: {  	_ =	shalt  }
0x58: {  	_ =	shalt  }
0x59: {  	_ =	shalt  }
0x5a: {  	_ =	shalt  }
0x5b: {  	_ =	shalt  }
0x5c: {  	_ =	shalt  }
0x5d: {  	_ =	shalt  }
0x5e: {  	_ =	shalt  }
0x5f: {  	_ =	shalt  }
0x60: {  	_ =	shalt  }
0x61: {  	_ =	shalt  }
0x62: {  	_ =	shalt  }
0x63: {  	_ =	shalt  }
0x64: {  	_ =	shalt  }
0x65: {  	_ =	shalt  }
0x66: {  	_ =	shalt  }
0x67: {  	_ =	shalt  }
0x68: {  	_ =	shalt  }
0x69: {  	_ =	shalt  }
0x6a: {  	_ =	shalt  }
0x6b: {  	_ =	shalt  }
0x6c: {  	_ =	shalt  }
0x6d: {  	_ =	shalt  }
0x6e: {  	_ =	shalt  }
0x6f: {  	_ =	shalt  }
0x70: {  	_ =	shalt  }
0x71: {  	_ =	shalt  }
0x72: {  	_ =	shalt  }
0x73: {  	_ =	shalt  }
0x74: {  	_ =	shalt  }
0x75: {  	_ =	shalt  }
0x76: {  	_ =	shalt  }
0x77: {  	_ =	shalt  }
0x78: {  	_ =	shalt  }
0x79: {  	_ =	shalt  }
0x7a: {  	_ =	shalt  }
0x7b: {  	_ =	shalt  }
0x7c: {  	_ =	shalt  }
0x7d: {  	_ =	shalt  }
0x7e: {  	_ =	shalt  }
0x7f: {  	_ =	shalt  }
0x80: {  	_ =	shalt  }
0x81: {  	_ =	shalt  }
0x82: {  	_ =	shalt  }
0x83: {  	_ =	shalt  }
0x84: {  	_ =	shalt  }
0x85: {  	_ =	shalt  }
0x86: {  	_ =	shalt  }
0x87: {  	_ =	shalt  }
.Lfunc_end0:
.L_simem_size_0:
called_computation_lowered:
.L_overlay_start_0:
0x88: {  	s2 =	sld [smem:$0x3FD9]  }
0x89: {  	s3 =	sld [smem:$0x3FFE];
	_ =	sdelay $0x1  }
0x8a: {  	s1 =	srdreg.scid  }
0x8b: {  	s0 =	sand.u32 $0x1, s1  }
0x8c: {  	s17 =	sshll.u32 s0, $0xA;
	s2 =	sadd.s32 s3, s2  }
0x8d: {  	s2 =	sadd.s32 s2, s17  }
0x8e: {  	[smem:$0x3FC6] =	sst s2  }
0x8f: {  	_ = 	snop  }
0x90: {  	s2 =	sld [smem:$0x3FC9]  }
0x91: {  	s18 =	sld [smem:$0x3FD0];
	(tm) =	ssettm $0x1  }
0x92: {  	s4 =	sld [smem:$0x3FFB];
	_ =	sdelay $0x3  }
0x93: {  	_ =	strace s4  }
0x94: {  	s4 =	sld [smem:$0x3FFC];
	_ =	sdelay $0x3  }
0x95: {  	_ =	strace s4  }
0x96: {  	s4 =	sld [smem:$0x3FFD];
	_ =	sdelay $0x3  }
0x97: {  	_ =	strace s4  }
0x98: {  	_ =	strace $0x8FFFFFFF  }
0x99: {  	s19 =	sld [smem:$0x3FDB];
	_ =	sdelay $0x1  }
0x9a: {  	s5 =	simm.s32 $_scs_section_size  }
0x9b: {  	s6 =	simm.s32 $_size__tile_overlayer_lowered;
	s7 =	simm.s32 $_tile_overlayer_lowered  }
0x9c: {  	s22 =	simm.s32 $0x1BFF;
	s21 =	sshll.u32 s7, $0x1;
	s4 =	sadd.s32 s5, s19  }
0x9d: {  	s8 =	simm.s32 $0x0;
	s20 =	sshll.u32 s6, $0x1;
	s6 =	sadd.s32 s21, s4  }
0x9e: {  	[timem:s8], [sflag:s22] =	dma.local [hbm:s6], s20  }
0x9f: {  	_ =	swait.ge [sflag:s22], s20  }
0xa0: {  	s5 =	ssub.s32 $0x0, s20;
	[sflag:s22] =	ssyncset.done $0x0  }
0xa1: {  	[sflag:s22] =	ssyncadd.s32 s5;
	_ =	sdelay $0x1  }
0xa2: {  	s23 =	simm.s32 $0x1B8B  }
0xa3: {  	_ =	swait.ge [sflag:s23], $0x1  }
0xa4: {  	[sflag:s23] =	ssyncset.done $0x0  }
0xa5: {  	s25 =	simm.s32 $0x1B8E;
	s24 =	sld [smem:$0x3FFE];
	[sflag:s23] =	ssyncadd.s32 $0xFFFFFFFF  }
0xa6: {  	s26 =	simm.s32 $execute0_lowered;
	[smem:$0x3FD2] =	sst s25  }
0xa7: {  	s6 =	sshll.u32 s26, $0x1;
	_ =	strace $0x80000046;
	[dreg:$0x1] =	wrdreg $0xFFFFFFFF  }
0xa8: {  	s28 =	simm.s32 $_size_execute0_lowered;
	s4 =	sadd.s32 s4, s6;
	[dreg:$0x0] =	wrdreg $0x0  }
0xa9: {  	s6 =	sshll.u32 s28, $0x1;
	[dreg:$0x2] =	wrdreg s4  }
0xaa: {  	[dreg:$0x3] =	wrdreg s6  }
0xab: {  	[dreg:$0x4] =	wrdreg $0xC0  }
0xac: {  	_ =	task [dreg:s8], $0x5FFFF  }
0xad: {  	[dreg:$0x1] =	wrdreg $0xFFFFFFFF  }
0xae: {  	[dreg:$0x0] =	wrdreg $0x60  }
0xaf: {  	[dreg:$0x2] =	wrdreg s2  }
0xb0: {  	[dreg:$0x3] =	wrdreg s18  }
0xb1: {  	[dreg:$0x4] =	wrdreg s24  }
0xb2: {  	[dreg:$0x5] =	wrdreg $0x9  }
0xb3: {  	_ =	task.clear_ibuf [dreg:s8], $0x6FFFF;
	_ =	strace $0x90000046  }
0xb4: {  	s29 =	simm.s32 $0x9;
	_ =	strace $0x80000048  }
0xb5: {  	_ =	swait.ge [sflag:s29], $0x1  }
0xb6: {  	[sflag:s29] =	ssyncadd.s32 $0xFFFFFFFF  }
0xb7: {  	_ =	strace $0x90000048  }
0xb8: {  	_ =	sfence  }
0xb9: {  	s30 =	sld [smem:$0x0];
	_ =	sdelay $0x2  }
0xba: {  	s31 =	sshll.u32 s1, $0xD;
	s1 =	sshrl.u32 s1, $0x2  }
0xbb: {  	s3 =	sand.u32 $0x4000, s31;
	s1 =	sadd.s32 s1, s30  }
0xbc: {  	s0 =	sor.u32 s3, s0;
	s1 =	sshll.u32 s1, $0x11  }
0xbd: {  	s0 =	sor.u32 s1, s0  }
0xbe: {  	s0 =	sadd.s32 $0x8F2B, s0  }
0xbf: {  	[sflag:s0] =	ssyncadd.remote.s32 $0x1  }
0xc0: {  	_ =	sfence.sel $0xFFFF  }
0xc1: {  	[dreg:$0x0] =	wrdreg $0xFFFFFFFF;
	(pc) =	sbr.abs _section_cstart, $3  }
0xc2: {  	[dreg:$0x1] =	wrdreg $0xFFFFFFFF  }
0xc3: {  	_ =	task.clear_ibuf [dreg:s8], $0x2FFFF;
	_ =	strace $0x9FFFFFFF  }
0xc4: {  	(tm) =	ssettm $0x7FFFFFFF  }
0xc5: {  	_ =	shalt  }
tec
execute0_lowered:
.L_overlay_start_1:
0x0: {  	(tag) =	ssettag $0x1  }
0x1: {  	s4 =	rddreg [dreg:$0x0]  }
0x2: {  	s0 =	rddreg [dreg:$0x1]  }
0x3: {  	s1 =	rddreg [dreg:$0x2];
	s7 =	simm.s32 $0x0  }
0x4: {  	s5 =	simm.s32 $0x10480;
	[smem:$0x7FF] =	sst s7  }
0x5: {  	s11 =	simm.s32 $0x10500;
	_ =	strace $0x80000047;
	[dreg:$0x4] =	wrdreg s5  }
0x6: {  	s12 =	simm.s32 $0x10580;
	[dreg:$0x5] =	wrdreg s11  }
0x7: {  	s14 =	simm.s32 $0x10600;
	[dreg:$0x6] =	wrdreg s12  }
0x8: {  	s15 =	simm.s32 $0x10680;
	[dreg:$0x7] =	wrdreg s14  }
0x9: {  	s16 =	simm.s32 $0x10700;
	[dreg:$0x8] =	wrdreg s15  }
0xa: {  	s17 =	simm.s32 $0x10780;
	[dreg:$0x9] =	wrdreg s16  }
0xb: {  	s18 =	simm.s32 $0x10800;
	[dreg:$0xa] =	wrdreg s17  }
0xc: {  	s2 =	srdreg.scid;
	s19 =	simm.s32 $0x10880;
	[dreg:$0xb] =	wrdreg s18  }
0xd: {  	s8 =	stileid.u32;
	s21 =	simm.s32 $0x10900;
	[dreg:$0xc] =	wrdreg s19  }
0xe: {  	s22 =	simm.s32 $0x10980;
	s23 =	simm.s32 $0x10A00;
	[dreg:$0xd] =	wrdreg s21  }
0xf: {  	s24 =	simm.s32 $0x10A80;
	s29 =	simm.s32 $0x7A1400;
	[dreg:$0xe] =	wrdreg s22  }
0x10: {  	s25 =	simm.s32 $0x10B00;
	s30 =	simm.s32 $0x1;
	[dreg:$0xf] =	wrdreg s23  }
0x11: {  	v0 =	vimm.s32 $0xEDCBA987;
	s28 =	simm.s32 $0x10B80;
	s31 =	simm.s32 $0x10C00;
	[dreg:$0x10] =	wrdreg s24  }
0x12: {  	s2 =	sand.u32 $0x1, s2;
	s13 =	sshll.u32 s8, $0x7;
	v0 =	vunpack.c.l.s4.s8 v0;
	[dreg:$0x11] =	wrdreg s25  }
0x13: {  	v1 =	vimm.s32 $0x65432100;
	s3 =	ssub.s32 $0x2, s2;
	s2 =	sshll.u32 s2, $0x6;
	[dreg:$0x12] =	wrdreg s28  }
0x14: {  	s9 =	sadd.s32 $0x800, s1;
	v1 =	vunpack.c.l.s4.s8 v1;
	[dreg:$0x13] =	wrdreg s31;
	s2 =	sor.u32 s2, s13;
	v0 =	vunpack.c.0.s8.s32 v0  }
0x15: {  	v2 =	vlaneseq.u32;
	[dreg:$0x14] =	wrdreg s9;
	s6 =	sshrl.u32 s3, $0x1;
	s0 =	sadd.s32 s0, s2  }
0x16: {  	v1 =	vunpack.c.0.s8.s32 v1;
	s3 =	ssub.s32 s3, s6;
	s1 =	sadd.s32 s1, s2;
	[dreg:$0x15] =	wrdreg s0;
	v3 =	vand.u32 $0xF, v0;
	v0 =	vmul.u32 $0x80, v2  }
0x17: {  	vm0 =	vmmov $0x1;
	s26 =	sadd.s32 $0x3D0A00, s4;
	[dreg:$0x16] =	wrdreg s1;
	s20 =	smax.u32 s3, $0x1  }
0x18: {  	s14 =	simm.s32 $0x480;
	s2 =	simm.s32 $0x0;
	v2 =	vimm.s32 $0x0;
	[dreg:$0x17] =	wrdreg s20;
	v1 =	vcombine.low v1, v3;
	v3 =	vor.u32 $0x800, v0  }
.LBB2_1:
0x19: {  	[dreg:$0x18] =	wrdreg s2  }
0x1a: {  	s0 =	rddreg [dreg:$0x15];
	s1 =	simm.s32 $0x3  }
0x1b: {  	[tilespmem:s7], [sflag:$0x3] =	stream.linear.gather [hbm4b:s0+s7], $0x200, $0x38;
	[tilespmem:$0x10C80] =	vst v63  }
0x1c: {  	_ =	swait.ge [sflag:s1], $0x200  }
0x1d: {  	[sflag:s1] =	ssyncset.done $0x0  }
0x1e: {  	s31 =	simm.s32 $0x200;
	s28 =	rddreg [dreg:$0x16];
	[sflag:s1] =	ssyncadd.s32 $0xFFFFFE00  }
0x1f: {  	[tilespmem:s31], [sflag:$0x3] =	stream.linear.gather [hbm4b:s28+s7], $0x200, $0x38;
	[tilespmem:$0x10C80] =	vst v63  }
0x20: {  	_ =	swait.ge [sflag:s1], $0x200  }
0x21: {  	[sflag:s1] =	ssyncset.done $0x0  }
0x22: {  	s0 =	simm.s32 $0x0;
	[sflag:s1] =	ssyncadd.s32 $0xFFFFFE00  }
.LBB2_2:
0x23: {  	[dreg:$0x19] =	wrdreg s0  }
0x24: {  	s0 =	rddreg [dreg:$0x19]  }
0x25: {  	s0 =	sshra.s32 s0, $0x2  }
0x26: {  	v5 =	vld [tilespmem:s0+$0x0];
	_ =	sdelay $0x4  }
0x27: {  	v6 =	vshrl.u32 v5, $0x7  }
0x28: {  	s28 =	simm.s32 $0x400;
	v4 =	vld [tilespmem:s0+$0x200];
	[tilespmem:$0x400] =	vst v6  }
0x29: {  	v7 =	vld.idx.msk [tilespmem:v1+s28+$0x0], $0xffff;
	_ =	sdelay $0x4  }
0x2a: {  	vm1 =	vne.s32 v6, v7  }
0x2b: {  	vm1 =	vmor vm1, vm0  }
0x2c: {  	v43 =	vsel vm1, $0x1, v2  }
0x2d: {  	(xrf0) =	vadd.scan.msk.s32 $0xffff, v43;
	_ =	sdelay $0x5  }
0x2e: {  	v44, _, _ =	vpop (xrf0)  }
0x2f: {  	(v2sf) =	vpush v5, $0x0;
	v6 =	vadd.s32 $0xFFFFFFFF, v44  }
0x30: {  	(v2sf) =	vpush v6, $0x0  }
0x31: {  	(v2sf) =	vpush v43, $0x1;
	_ =	sdelay $0xc  }
0x32: {  	s5 =	spop (v2sf)  }
0x33: {  	s6 =	spop (v2sf)  }
0x34: {  	s18 =	spop (v2sf)  }
0x35: {  	p3 =	seq.s32 s18, $0x0  }
0x36: {  	(v2sf) =	vpush @!p3 v5, $0x1  }
0x37: {  	(v2sf) =	vpush @!p3 v6, $0x1  }
0x38: {  	(v2sf) =	vpush v43, $0x2;
	_ =	sdelay $0xc  }
0x39: {  	s22 =	spop @!p3 (v2sf)  }
0x3a: {  	s25 =	spop @!p3 (v2sf)  }
0x3b: {  	s19 =	spop (v2sf)  }
0x3c: {  	p5 =	seq.s32 s19, $0x0  }
0x3d: {  	(v2sf) =	vpush @!p5 v5, $0x2  }
0x3e: {  	(v2sf) =	vpush @!p5 v6, $0x2  }
0x3f: {  	(v2sf) =	vpush v43, $0x3;
	_ =	sdelay $0xc  }
0x40: {  	s2 =	spop @!p5 (v2sf)  }
0x41: {  	s24 =	spop @!p5 (v2sf)  }
0x42: {  	s20 =	spop (v2sf)  }
0x43: {  	p1 =	seq.s32 s20, $0x0  }
0x44: {  	(v2sf) =	vpush @!p1 v5, $0x3  }
0x45: {  	(v2sf) =	vpush @!p1 v6, $0x3  }
0x46: {  	(v2sf) =	vpush v43, $0x4;
	_ =	sdelay $0xc  }
0x47: {  	s19 =	spop @!p1 (v2sf)  }
0x48: {  	s23 =	spop @!p1 (v2sf)  }
0x49: {  	s21 =	spop (v2sf)  }
0x4a: {  	p2 =	seq.s32 s21, $0x0  }
0x4b: {  	(v2sf) =	vpush @!p2 v5, $0x4  }
0x4c: {  	(v2sf) =	vpush @!p2 v6, $0x4  }
0x4d: {  	(v2sf) =	vpush v43, $0x5;
	_ =	sdelay $0xc  }
0x4e: {  	s18 =	spop @!p2 (v2sf)  }
0x4f: {  	s21 =	spop @!p2 (v2sf)  }
0x50: {  	s31 =	spop (v2sf)  }
0x51: {  	p4 =	seq.s32 s31, $0x0  }
0x52: {  	(v2sf) =	vpush @!p4 v5, $0x5  }
0x53: {  	(v2sf) =	vpush @!p4 v6, $0x5  }
0x54: {  	(v2sf) =	vpush v43, $0x6;
	_ =	sdelay $0xc  }
0x55: {  	s16 =	spop @!p4 (v2sf)  }
0x56: {  	s20 =	spop @!p4 (v2sf)  }
0x57: {  	s1 =	spop (v2sf)  }
0x58: {  	p6 =	seq.s32 s1, $0x0  }
0x59: {  	(v2sf) =	vpush @!p6 v5, $0x6  }
0x5a: {  	(v2sf) =	vpush @!p6 v6, $0x6  }
0x5b: {  	(v2sf) =	vpush v43, $0x7;
	_ =	sdelay $0xc  }
0x5c: {  	s11 =	spop @!p6 (v2sf)  }
0x5d: {  	s15 =	spop @!p6 (v2sf)  }
0x5e: {  	s3 =	spop (v2sf)  }
0x5f: {  	p0 =	seq.s32 s3, $0x0  }
0x60: {  	(v2sf) =	vpush @!p0 v5, $0x7  }
0x61: {  	(v2sf) =	vpush @!p0 v6, $0x7  }
0x62: {  	(v2sf) =	vpush v43, $0x8;
	_ =	sdelay $0xc  }
0x63: {  	s10 =	spop @!p0 (v2sf)  }
0x64: {  	s13 =	spop @!p0 (v2sf)  }
0x65: {  	s0 =	simm.s32 @!p0 $0x0;
	s7 =	spop (v2sf)  }
0x66: {  	s0 =	simm.s32 @p0 $0x1;
	p0 =	seq.s32 s7, $0x0  }
0x67: {  	(v2sf) =	vpush @!p0 v5, $0x8  }
0x68: {  	(v2sf) =	vpush @!p0 v6, $0x8  }
0x69: {  	(v2sf) =	vpush v43, $0x9;
	_ =	sdelay $0xc  }
0x6a: {  	s9 =	spop @!p0 (v2sf)  }
0x6b: {  	s12 =	spop @!p0 (v2sf)  }
0x6c: {  	[smem:$0x7FB] =	sst s0;
	s0 =	simm.s32 @!p0 $0x0;
	s8 =	spop (v2sf)  }
0x6d: {  	s0 =	simm.s32 @p0 $0x1;
	p0 =	seq.s32 s8, $0x0  }
0x6e: {  	(v2sf) =	vpush @!p0 v5, $0x9  }
0x6f: {  	(v2sf) =	vpush @!p0 v6, $0x9  }
0x70: {  	(v2sf) =	vpush v43, $0xA;
	_ =	sdelay $0xc  }
0x71: {  	s1 =	spop @!p0 (v2sf)  }
0x72: {  	s8 =	spop @!p0 (v2sf)  }
0x73: {  	[smem:$0x7FC] =	sst s0;
	s0 =	simm.s32 @!p0 $0x0;
	s17 =	spop (v2sf)  }
0x74: {  	s0 =	simm.s32 @p0 $0x1;
	p0 =	seq.s32 s17, $0x0  }
0x75: {  	(v2sf) =	vpush @!p0 v5, $0xA  }
0x76: {  	(v2sf) =	vpush @!p0 v6, $0xA  }
0x77: {  	(v2sf) =	vpush v43, $0xB;
	_ =	sdelay $0xa  }
0x78: {  	[smem:$0x7FD] =	sst s0;
	s0 =	simm.s32 @!p0 $0x0  }
0x79: {  	s0 =	simm.s32 @p0 $0x1  }
0x7a: {  	[smem:$0x7E4] =	sst s0;
	s0 =	spop @!p0 (v2sf)  }
0x7b: {  	s3 =	spop @!p0 (v2sf)  }
0x7c: {  	s6 =	sshll.u32 s6, $0xE;
	s17 =	spop (v2sf)  }
0x7d: {  	s6 =	sshra.s32 s6, $0x2;
	s22 =	sand.u32 @!p3 $0xFFFFF80, s22;
	p0 =	seq.s32 s17, $0x0  }
0x7e: {  	s5 =	sand.u32 $0xFFFFF80, s5;
	s6 =	sor.u32 $0x480, s6;
	s22 =	sadd.s32 @!p3 s4, s22;
	(v2sf) =	vpush @!p0 v5, $0xB  }
0x7f: {  	s31 =	sadd.s32 s4, s5;
	s7 =	simm.s32 @!p3 $0x0;
	s17 =	sshll.u32 @!p3 s25, $0xE;
	(v2sf) =	vpush @!p0 v6, $0xB  }
0x80: {  	s7 =	simm.s32 @p3 $0x1;
	s25 =	simm.s32 @!p3 $0x7A1400;
	s17 =	sshra.s32 @!p3 s17, $0x2;
	(v2sf) =	vpush v43, $0xC  }
0x81: {  	[tilespmem:s6], [sflag:$0x1] =	stream.strided.gather [hbm4b:s31+s28], $0x1000, s29, s28, $0x38;
	[tilespmem:$0x10C80] =	vst v63  }
0x82: {  	s17 =	sor.u32 @!p3 $0x480, s17;
	[smem:$0x7F5] =	sst s7;
	s7 =	simm.s32 @!p3 $0x400  }
0x83: {  	[tilespmem:s17], [sflag:$0x1] =	stream.strided.gather @!p3 [hbm4b:s22+s7], $0x1000, s25, s7, $0x38;
	[tilespmem:$0x10C80] =	vst v63  }
0x84: {  	s2 =	sand.u32 @!p5 $0xFFFFF80, s2;
	s7 =	simm.s32 @!p3 $0x7A1400  }
0x85: {  	s2 =	sadd.s32 @!p5 s4, s2;
	[dreg:$0x1d] =	wrdreg s7;
	s7 =	simm.s32 @!p3 $0x400  }
0x86: {  	s17 =	sshll.u32 @!p5 s24, $0xE;
	[dreg:$0x1a] =	wrdreg s7;
	s7 =	simm.s32 @!p5 $0x0  }
0x87: {  	s22 =	simm.s32 @!p5 $0x7A1400;
	s17 =	sshra.s32 @!p5 s17, $0x2;
	s7 =	simm.s32 @p5 $0x1  }
0x88: {  	s17 =	sor.u32 @!p5 $0x480, s17;
	[smem:$0x7F6] =	sst s7;
	s7 =	simm.s32 @!p5 $0x400  }
0x89: {  	[tilespmem:s17], [sflag:$0x1] =	stream.strided.gather @!p5 [hbm4b:s2+s7], $0x1000, s22, s7, $0x38;
	[tilespmem:$0x10C80] =	vst v63  }
0x8a: {  	s2 =	simm.s32 @!p5 $0x7A1400  }
0x8b: {  	[dreg:$0x1b] =	wrdreg s2;
	s2 =	simm.s32 @!p5 $0x400  }
0x8c: {  	s19 =	sand.u32 @!p1 $0xFFFFF80, s19;
	[dreg:$0x1c] =	wrdreg s2;
	s2 =	simm.s32 @!p0 $0x0  }
0x8d: {  	s19 =	sadd.s32 @!p1 s4, s19;
	s2 =	simm.s32 @p0 $0x1  }
0x8e: {  	s18 =	sand.u32 @!p2 $0xFFFFF80, s18;
	[smem:$0x7E7] =	sst s2;
	s2 =	spop @!p0 (v2sf)  }
0x8f: {  	s18 =	sadd.s32 @!p2 s4, s18;
	s16 =	sand.u32 @!p4 $0xFFFFF80, s16;
	s22 =	spop @!p0 (v2sf)  }
0x90: {  	s16 =	sadd.s32 @!p4 s4, s16;
	s11 =	sand.u32 @!p6 $0xFFFFF80, s11;
	s7 =	spop (v2sf)  }
0x91: {  	s17 =	sshll.u32 @!p1 s23, $0xE;
	p3 =	seq.s32 s7, $0x0;
	s7 =	simm.s32 @!p1 $0x0  }
0x92: {  	s23 =	simm.s32 @!p1 $0x7A1400;
	s17 =	sshra.s32 @!p1 s17, $0x2;
	s7 =	simm.s32 @p1 $0x1  }
0x93: {  	s17 =	sor.u32 @!p1 $0x480, s17;
	[smem:$0x7F7] =	sst s7;
	s7 =	simm.s32 @!p1 $0x400  }
0x94: {  	(v2sf) =	vpush @!p3 v5, $0xC;
	[tilespmem:s17], [sflag:$0x1] =	stream.strided.gather @!p1 [hbm4b:s19+s7], $0x1000, s23, s7, $0x38;
	[tilespmem:$0x10C80] =	vst v63  }
0x95: {  	s15 =	sshll.u32 @!p6 s15, $0xE;
	s31 =	sld [smem:$0x7FD];
	(v2sf) =	vpush @!p3 v6, $0xC;
	s7 =	simm.s32 @!p1 $0x7A1400  }
0x96: {  	s11 =	sadd.s32 @!p6 s4, s11;
	(v2sf) =	vpush v43, $0xD;
	[smem:$0x7E0] =	sst s7;
	s7 =	simm.s32 @!p1 $0x400  }
0x97: {  	s17 =	sshll.u32 @!p2 s21, $0xE;
	[dreg:$0x1e] =	wrdreg s7;
	s7 =	simm.s32 @!p2 $0x0  }
0x98: {  	s19 =	simm.s32 @!p2 $0x7A1400;
	s17 =	sshra.s32 @!p2 s17, $0x2;
	s7 =	simm.s32 @p2 $0x1  }
0x99: {  	s17 =	sor.u32 @!p2 $0x480, s17;
	[smem:$0x7F8] =	sst s7;
	s7 =	simm.s32 @!p2 $0x400  }
0x9a: {  	[tilespmem:s17], [sflag:$0x1] =	stream.strided.gather @!p2 [hbm4b:s18+s7], $0x1000, s19, s7, $0x38;
	[tilespmem:$0x10C80] =	vst v63  }
0x9b: {  	s15 =	sshra.s32 @!p6 s15, $0x2;
	s24 =	sld [smem:$0x7FC];
	s7 =	simm.s32 @!p2 $0x7A1400  }
0x9c: {  	s15 =	sor.u32 @!p6 $0x480, s15;
	[smem:$0x7E1] =	sst s7;
	s7 =	simm.s32 @!p2 $0x400  }
0x9d: {  	s17 =	sshll.u32 @!p4 s20, $0xE;
	[smem:$0x7E2] =	sst s7;
	s7 =	simm.s32 @!p4 $0x0  }
0x9e: {  	s18 =	simm.s32 @!p4 $0x7A1400;
	s17 =	sshra.s32 @!p4 s17, $0x2;
	s7 =	simm.s32 @p4 $0x1  }
0x9f: {  	s17 =	sor.u32 @!p4 $0x480, s17;
	[smem:$0x7F9] =	sst s7;
	s7 =	simm.s32 @!p4 $0x400  }
0xa0: {  	[tilespmem:s17], [sflag:$0x1] =	stream.strided.gather @!p4 [hbm4b:s16+s7], $0x1000, s18, s7, $0x38;
	[tilespmem:$0x10C80] =	vst v63  }
0xa1: {  	p0 =	seq.s32 s24, $0x1;
	s23 =	sld [smem:$0x7FB];
	s7 =	simm.s32 @!p4 $0x7A1400  }
0xa2: {  	s9 =	sand.u32 @!p0 $0xFFFFF80, s9;
	[smem:$0x7E3] =	sst s7;
	s7 =	simm.s32 @!p4 $0x400  }
0xa3: {  	[dreg:$0x1f] =	wrdreg s7;
	s7 =	simm.s32 @!p6 $0x0;
	s16 =	spop @!p3 (v2sf)  }
0xa4: {  	s18 =	simm.s32 @!p6 $0x7A1400;
	s7 =	simm.s32 @p6 $0x1;
	s17 =	spop @!p3 (v2sf)  }
0xa5: {  	[smem:$0x7FA] =	sst s7;
	s7 =	simm.s32 @!p6 $0x400;
	s21 =	spop (v2sf)  }
0xa6: {  	[tilespmem:s15], [sflag:$0x1] =	stream.strided.gather @!p6 [hbm4b:s11+s7], $0x1000, s18, s7, $0x38;
	[tilespmem:$0x10C80] =	vst v63  }
0xa7: {  	p2 =	por p3, p3;
	s7 =	simm.s32 @!p6 $0x7A1400;
	p3 =	seq.s32 s21, $0x0  }
0xa8: {  	[smem:$0x7E6] =	sst s7;
	s7 =	simm.s32 @!p6 $0x400;
	p6 =	seq.s32 s23, $0x1;
	(v2sf) =	vpush @!p3 v5, $0xD  }
0xa9: {  	s9 =	sadd.s32 @!p0 s4, s9;
	[smem:$0x7E5] =	sst s7;
	s11 =	sshll.u32 @!p6 s13, $0xE;
	(v2sf) =	vpush @!p3 v6, $0xD  }
0xaa: {  	s10 =	sand.u32 @!p6 $0xFFFFF80, s10;
	s7 =	simm.s32 @!p6 $0x400;
	s11 =	sshra.s32 @!p6 s11, $0x2;
	(v2sf) =	vpush v43, $0xE  }
0xab: {  	s13 =	simm.s32 @!p6 $0x7A1400;
	s10 =	sadd.s32 @!p6 s4, s10;
	s11 =	sor.u32 @!p6 $0x480, s11  }
0xac: {  	[tilespmem:s11], [sflag:$0x1] =	stream.strided.gather @!p6 [hbm4b:s10+s7], $0x1000, s13, s7, $0x38;
	[tilespmem:$0x10C80] =	vst v63  }
0xad: {  	s7 =	simm.s32 @!p6 $0x7A1400;
	s10 =	sshll.u32 @!p0 s12, $0xE;
	s11 =	simm.s32 @!p0 $0x7A1400  }
0xae: {  	[smem:$0x7E9] =	sst s7;
	s7 =	simm.s32 @!p6 $0x400;
	s10 =	sshra.s32 @!p0 s10, $0x2  }
0xaf: {  	[smem:$0x7E8] =	sst s7;
	s10 =	sor.u32 @!p0 $0x480, s10;
	s7 =	simm.s32 @!p0 $0x400  }
0xb0: {  	[tilespmem:s10], [sflag:$0x1] =	stream.strided.gather @!p0 [hbm4b:s9+s7], $0x1000, s11, s7, $0x38;
	[tilespmem:$0x10C80] =	vst v63  }
0xb1: {  	s7 =	simm.s32 @!p0 $0x7A1400  }
0xb2: {  	[smem:$0x7EB] =	sst s7;
	s7 =	simm.s32 @!p0 $0x400;
	p0 =	seq.s32 s31, $0x1  }
0xb3: {  	[smem:$0x7EA] =	sst s7;
	s8 =	sshll.u32 @!p0 s8, $0xE  }
0xb4: {  	s1 =	sand.u32 @!p0 $0xFFFFF80, s1;
	s7 =	simm.s32 @!p0 $0x400;
	s8 =	sshra.s32 @!p0 s8, $0x2  }
0xb5: {  	s11 =	simm.s32 @!p0 $0x7A1400;
	s1 =	sadd.s32 @!p0 s4, s1;
	s8 =	sor.u32 @!p0 $0x480, s8  }
0xb6: {  	[tilespmem:s8], [sflag:$0x1] =	stream.strided.gather @!p0 [hbm4b:s1+s7], $0x1000, s11, s7, $0x38;
	[tilespmem:$0x10C80] =	vst v63  }
0xb7: {  	s9 =	spop @!p3 (v2sf)  }
0xb8: {  	s10 =	spop @!p3 (v2sf)  }
0xb9: {  	s25 =	spop (v2sf)  }
0xba: {  	s7 =	sld [smem:$0x7E4];
	p5 =	seq.s32 s25, $0x0  }
0xbb: {  	(v2sf) =	vpush @!p5 v5, $0xE  }
0xbc: {  	s1 =	simm.s32 @!p0 $0x7A1400;
	s8 =	sld [smem:$0x7E7];
	(v2sf) =	vpush @!p5 v6, $0xE  }
0xbd: {  	[smem:$0x7EE] =	sst s1;
	s1 =	simm.s32 @!p0 $0x400;
	p0 =	seq.s32 s7, $0x1;
	(v2sf) =	vpush v43, $0xF  }
0xbe: {  	[smem:$0x7ED] =	sst s1;
	s1 =	sshll.u32 @!p0 s3, $0xE  }
0xbf: {  	s0 =	sand.u32 @!p0 $0xFFFFF80, s0;
	s3 =	simm.s32 @!p0 $0x400;
	s1 =	sshra.s32 @!p0 s1, $0x2  }
0xc0: {  	s7 =	simm.s32 @!p0 $0x7A1400;
	s0 =	sadd.s32 @!p0 s4, s0;
	s1 =	sor.u32 @!p0 $0x480, s1  }
0xc1: {  	[tilespmem:s1], [sflag:$0x1] =	stream.strided.gather @!p0 [hbm4b:s0+s3], $0x1000, s7, s3, $0x38;
	[tilespmem:$0x10C80] =	vst v63  }
0xc2: {  	s0 =	simm.s32 @!p0 $0x7A1400  }
0xc3: {  	[smem:$0x7F0] =	sst s0;
	s0 =	simm.s32 @!p0 $0x400;
	p0 =	seq.s32 s8, $0x1  }
0xc4: {  	[smem:$0x7EF] =	sst s0;
	s0 =	sshll.u32 @!p0 s22, $0xE  }
0xc5: {  	s1 =	sand.u32 @!p0 $0xFFFFF80, s2;
	s2 =	simm.s32 @!p0 $0x400;
	s0 =	sshra.s32 @!p0 s0, $0x2  }
0xc6: {  	s3 =	simm.s32 @!p0 $0x7A1400;
	s1 =	sadd.s32 @!p0 s4, s1;
	s0 =	sor.u32 @!p0 $0x480, s0  }
0xc7: {  	[tilespmem:s0], [sflag:$0x1] =	stream.strided.gather @!p0 [hbm4b:s1+s2], $0x1000, s3, s2, $0x38;
	[tilespmem:$0x10C80] =	vst v63  }
0xc8: {  	s0 =	simm.s32 @!p0 $0x7A1400  }
0xc9: {  	[smem:$0x7F2] =	sst s0;
	s0 =	simm.s32 @!p0 $0x400  }
0xca: {  	[smem:$0x7F1] =	sst s0;
	s0 =	spop @!p5 (v2sf)  }
0xcb: {  	s1 =	spop @!p5 (v2sf)  }
0xcc: {  	s11 =	spop (v2sf)  }
0xcd: {  	p1 =	seq.s32 s11, $0x0  }
0xce: {  	(v2sf) =	vpush @!p1 v5, $0xF  }
0xcf: {  	(v2sf) =	vpush @!p1 v6, $0xF;
	_ =	sdelay $0x1  }
0xd0: {  	s2 =	sshll.u32 @!p2 s17, $0xE  }
0xd1: {  	s7 =	simm.s32 @!p2 $0x400;
	s3 =	sand.u32 @!p2 $0xFFFFF80, s16;
	s2 =	sshra.s32 @!p2 s2, $0x2  }
0xd2: {  	s8 =	simm.s32 @!p2 $0x7A1400;
	s3 =	sadd.s32 @!p2 s4, s3;
	s2 =	sor.u32 @!p2 $0x480, s2  }
0xd3: {  	[tilespmem:s2], [sflag:$0x1] =	stream.strided.gather @!p2 [hbm4b:s3+s7], $0x1000, s8, s7, $0x38;
	[tilespmem:$0x10C80] =	vst v63  }
0xd4: {  	s2 =	sshll.u32 @!p3 s10, $0xE  }
0xd5: {  	s3 =	sand.u32 @!p3 $0xFFFFF80, s9;
	s7 =	simm.s32 @!p3 $0x400;
	s2 =	sshra.s32 @!p3 s2, $0x2  }
0xd6: {  	s8 =	simm.s32 @!p3 $0x7A1400;
	s3 =	sadd.s32 @!p3 s4, s3;
	s2 =	sor.u32 @!p3 $0x480, s2  }
0xd7: {  	[tilespmem:s2], [sflag:$0x1] =	stream.strided.gather @!p3 [hbm4b:s3+s7], $0x1000, s8, s7, $0x38;
	[tilespmem:$0x10C80] =	vst v63  }
0xd8: {  	s1 =	sshll.u32 @!p5 s1, $0xE  }
0xd9: {  	s2 =	simm.s32 @!p5 $0x400;
	s0 =	sand.u32 @!p5 $0xFFFFF80, s0;
	s1 =	sshra.s32 @!p5 s1, $0x2  }
0xda: {  	s3 =	simm.s32 @!p5 $0x7A1400;
	s0 =	sadd.s32 @!p5 s4, s0;
	s1 =	sor.u32 @!p5 $0x480, s1  }
0xdb: {  	[tilespmem:s1], [sflag:$0x1] =	stream.strided.gather @!p5 [hbm4b:s0+s2], $0x1000, s3, s2, $0x38;
	[tilespmem:$0x10C80] =	vst v63  }
0xdc: {  	s0 =	spop @!p1 (v2sf)  }
0xdd: {  	s12 =	rddreg [dreg:$0x19];
	s1 =	spop @!p1 (v2sf)  }
0xde: {  	p0 =	seq.s32 s12, $0x0;
	s1 =	sshll.u32 @!p1 s1, $0xE  }
0xdf: {  	s2 =	simm.s32 @!p1 $0x400;
	s0 =	sand.u32 @!p1 $0xFFFFF80, s0;
	s1 =	sshra.s32 @!p1 s1, $0x2  }
0xe0: {  	s3 =	simm.s32 @!p1 $0x7A1400;
	s0 =	sadd.s32 @!p1 s4, s0;
	s1 =	sor.u32 @!p1 $0x480, s1  }
0xe1: {  	[tilespmem:s1], [sflag:$0x1] =	stream.strided.gather @!p1 [hbm4b:s0+s2], $0x1000, s3, s2, $0x38;
	[tilespmem:$0x10C80] =	vst v63  }
0xe2: {  	s0 =	simm.s32 @!p0 $0x2  }
0xe3: {  	_ =	swait.ge @!p0 [sflag:s0], $0x80  }
0xe4: {  	[sflag:s0] =	ssyncset.done @!p0 $0x0  }
0xe5: {  	[sflag:s0] =	ssyncadd.s32 @!p0 $0xFFFFFF80  }
0xe6: {  	_ =	swait.ge @!p0 [sflag:s0], $0x80  }
0xe7: {  	[sflag:s0] =	ssyncset.done @!p0 $0x0  }
0xe8: {  	[sflag:s0] =	ssyncadd.s32 @!p0 $0xFFFFFF80  }
0xe9: {  	_ =	swait.ge @!p0 [sflag:s0], $0x80  }
0xea: {  	[sflag:s0] =	ssyncset.done @!p0 $0x0  }
0xeb: {  	[sflag:s0] =	ssyncadd.s32 @!p0 $0xFFFFFF80  }
0xec: {  	_ =	swait.ge @!p0 [sflag:s0], $0x80  }
0xed: {  	[sflag:s0] =	ssyncset.done @!p0 $0x0  }
0xee: {  	[sflag:s0] =	ssyncadd.s32 @!p0 $0xFFFFFF80  }
0xef: {  	_ =	swait.ge @!p0 [sflag:s0], $0x80  }
0xf0: {  	[sflag:s0] =	ssyncset.done @!p0 $0x0  }
0xf1: {  	[sflag:s0] =	ssyncadd.s32 @!p0 $0xFFFFFF80  }
0xf2: {  	_ =	swait.ge @!p0 [sflag:s0], $0x80  }
0xf3: {  	[sflag:s0] =	ssyncset.done @!p0 $0x0  }
0xf4: {  	[sflag:s0] =	ssyncadd.s32 @!p0 $0xFFFFFF80  }
0xf5: {  	_ =	swait.ge @!p0 [sflag:s0], $0x80  }
0xf6: {  	[sflag:s0] =	ssyncset.done @!p0 $0x0  }
0xf7: {  	[sflag:s0] =	ssyncadd.s32 @!p0 $0xFFFFFF80  }
0xf8: {  	_ =	swait.ge @!p0 [sflag:s0], $0x80  }
0xf9: {  	[sflag:s0] =	ssyncset.done @!p0 $0x0  }
0xfa: {  	[sflag:s0] =	ssyncadd.s32 @!p0 $0xFFFFFF80  }
0xfb: {  	_ =	swait.ge @!p0 [sflag:s0], $0x80  }
0xfc: {  	[sflag:s0] =	ssyncset.done @!p0 $0x0  }
0xfd: {  	[sflag:s0] =	ssyncadd.s32 @!p0 $0xFFFFFF80  }
0xfe: {  	_ =	swait.ge @!p0 [sflag:s0], $0x80  }
0xff: {  	[sflag:s0] =	ssyncset.done @!p0 $0x0  }
0x100: {  	[sflag:s0] =	ssyncadd.s32 @!p0 $0xFFFFFF80  }
0x101: {  	_ =	swait.ge @!p0 [sflag:s0], $0x80  }
0x102: {  	[sflag:s0] =	ssyncset.done @!p0 $0x0  }
0x103: {  	[sflag:s0] =	ssyncadd.s32 @!p0 $0xFFFFFF80  }
0x104: {  	_ =	swait.ge @!p0 [sflag:s0], $0x80  }
0x105: {  	[sflag:s0] =	ssyncset.done @!p0 $0x0  }
0x106: {  	[sflag:s0] =	ssyncadd.s32 @!p0 $0xFFFFFF80  }
0x107: {  	_ =	swait.ge @!p0 [sflag:s0], $0x80  }
0x108: {  	[sflag:s0] =	ssyncset.done @!p0 $0x0  }
0x109: {  	[sflag:s0] =	ssyncadd.s32 @!p0 $0xFFFFFF80  }
0x10a: {  	_ =	swait.ge @!p0 [sflag:s0], $0x80  }
0x10b: {  	[sflag:s0] =	ssyncset.done @!p0 $0x0  }
0x10c: {  	[sflag:s0] =	ssyncadd.s32 @!p0 $0xFFFFFF80  }
0x10d: {  	_ =	swait.ge @!p0 [sflag:s0], $0x80  }
0x10e: {  	[sflag:s0] =	ssyncset.done @!p0 $0x0  }
0x10f: {  	[sflag:s0] =	ssyncadd.s32 @!p0 $0xFFFFFF80  }
0x110: {  	_ =	swait.ge @!p0 [sflag:s0], $0x80  }
0x111: {  	[sflag:s0] =	ssyncset.done @!p0 $0x0  }
0x112: {  	[sflag:s0] =	ssyncadd.s32 @!p0 $0xFFFFFF80  }
0x113: {  	_ =	swait.ge [sflag:s30], $0x1000  }
0x114: {  	s13 =	sld [smem:$0x7F5];
	_ =	sdelay $0x2  }
0x115: {  	[sflag:s30] =	ssyncset.done $0x0;
	p4 =	seq.s32 s13, $0x1  }
0x116: {  	[sflag:s30] =	ssyncadd.s32 $0xFFFFF000;
	s0 =	simm.s32 @!p4 $0x1  }
0x117: {  	_ =	swait.ge @!p4 [sflag:s0], $0x1000  }
0x118: {  	s15 =	sld [smem:$0x7F6];
	_ =	sdelay $0x1  }
0x119: {  	[sflag:s0] =	ssyncset.done @!p4 $0x0  }
0x11a: {  	[sflag:s0] =	ssyncadd.s32 @!p4 $0xFFFFF000;
	s0 =	simm.s32 @!p4 $0x1;
	p0 =	seq.s32 s15, $0x1  }
0x11b: {  	[smem:$0x7F4] =	sst s0;
	s0 =	simm.s32 @!p0 $0x1  }
0x11c: {  	_ =	swait.ge @!p0 [sflag:s0], $0x1000  }
0x11d: {  	s16 =	sld [smem:$0x7F7];
	_ =	sdelay $0x2  }
0x11e: {  	[sflag:s0] =	ssyncset.done @!p0 $0x0;
	p6 =	seq.s32 s16, $0x1  }
0x11f: {  	[sflag:s0] =	ssyncadd.s32 @!p0 $0xFFFFF000;
	s0 =	simm.s32 @!p6 $0x1  }
0x120: {  	_ =	swait.ge @!p6 [sflag:s0], $0x1000  }
0x121: {  	s17 =	sld [smem:$0x7F8];
	_ =	sdelay $0x2  }
0x122: {  	s25 =	simm.s32 @!p0 $0x1;
	[sflag:s0] =	ssyncset.done @!p6 $0x0;
	p0 =	seq.s32 s17, $0x1  }
0x123: {  	[sflag:s0] =	ssyncadd.s32 @!p6 $0xFFFFF000;
	s0 =	simm.s32 @!p0 $0x1  }
0x124: {  	_ =	swait.ge @!p0 [sflag:s0], $0x1000  }
0x125: {  	s18 =	sld [smem:$0x7F9];
	_ =	sdelay $0x1  }
0x126: {  	[sflag:s0] =	ssyncset.done @!p0 $0x0  }
0x127: {  	s23 =	simm.s32 @!p0 $0x1;
	[sflag:s0] =	ssyncadd.s32 @!p0 $0xFFFFF000;
	p0 =	seq.s32 s18, $0x1  }
0x128: {  	s0 =	simm.s32 @!p0 $0x1  }
0x129: {  	_ =	swait.ge @!p0 [sflag:s0], $0x1000  }
0x12a: {  	s19 =	sld [smem:$0x7FA];
	_ =	sdelay $0x1  }
0x12b: {  	[sflag:s0] =	ssyncset.done @!p0 $0x0  }
0x12c: {  	s22 =	simm.s32 @!p0 $0x1;
	[sflag:s0] =	ssyncadd.s32 @!p0 $0xFFFFF000;
	p0 =	seq.s32 s19, $0x1  }
0x12d: {  	s0 =	simm.s32 @!p0 $0x1  }
0x12e: {  	_ =	swait.ge @!p0 [sflag:s0], $0x1000  }
0x12f: {  	s20 =	sld [smem:$0x7FB];
	_ =	sdelay $0x1  }
0x130: {  	[sflag:s0] =	ssyncset.done @!p0 $0x0  }
0x131: {  	s21 =	simm.s32 @!p0 $0x1;
	[sflag:s0] =	ssyncadd.s32 @!p0 $0xFFFFF000;
	p0 =	seq.s32 s20, $0x1  }
0x132: {  	s0 =	simm.s32 @!p0 $0x1  }
0x133: {  	_ =	swait.ge @!p0 [sflag:s0], $0x1000  }
0x134: {  	s31 =	sld [smem:$0x7FC];
	_ =	sdelay $0x1  }
0x135: {  	[sflag:s0] =	ssyncset.done @!p0 $0x0  }
0x136: {  	s20 =	simm.s32 @!p0 $0x1;
	[sflag:s0] =	ssyncadd.s32 @!p0 $0xFFFFF000;
	p0 =	seq.s32 s31, $0x1  }
0x137: {  	s0 =	simm.s32 @!p0 $0x1  }
0x138: {  	_ =	swait.ge @!p0 [sflag:s0], $0x1000  }
0x139: {  	s1 =	sld [smem:$0x7FD];
	_ =	sdelay $0x1  }
0x13a: {  	[sflag:s0] =	ssyncset.done @!p0 $0x0  }
0x13b: {  	s18 =	simm.s32 @!p0 $0x1;
	[sflag:s0] =	ssyncadd.s32 @!p0 $0xFFFFF000;
	p0 =	seq.s32 s1, $0x1  }
0x13c: {  	s0 =	simm.s32 @!p0 $0x1  }
0x13d: {  	_ =	swait.ge @!p0 [sflag:s0], $0x1000  }
0x13e: {  	s2 =	sld [smem:$0x7E4];
	_ =	sdelay $0x1  }
0x13f: {  	[sflag:s0] =	ssyncset.done @!p0 $0x0  }
0x140: {  	s16 =	simm.s32 @!p0 $0x1;
	[sflag:s0] =	ssyncadd.s32 @!p0 $0xFFFFF000;
	p0 =	seq.s32 s2, $0x1  }
0x141: {  	s0 =	simm.s32 @!p0 $0x1  }
0x142: {  	_ =	swait.ge @!p0 [sflag:s0], $0x1000  }
0x143: {  	s3 =	sld [smem:$0x7E7];
	_ =	sdelay $0x1  }
0x144: {  	[sflag:s0] =	ssyncset.done @!p0 $0x0  }
0x145: {  	s10 =	simm.s32 @!p0 $0x1;
	[sflag:s0] =	ssyncadd.s32 @!p0 $0xFFFFF000;
	p0 =	seq.s32 s3, $0x1  }
0x146: {  	s0 =	simm.s32 @!p0 $0x1  }
0x147: {  	_ =	swait.ge @!p0 [sflag:s0], $0x1000  }
0x148: {  	[sflag:s0] =	ssyncset.done @!p0 $0x0  }
0x149: {  	[sflag:s0] =	ssyncadd.s32 @!p0 $0xFFFFF000;
	s0 =	simm.s32 @!p2 $0x0  }
0x14a: {  	s0 =	simm.s32 @p2 $0x1  }
0x14b: {  	[smem:$0x7F3] =	sst s0;
	s0 =	simm.s32 @!p2 $0x1  }
0x14c: {  	_ =	swait.ge @!p2 [sflag:s0], $0x1000  }
0x14d: {  	[sflag:s0] =	ssyncset.done @!p2 $0x0  }
0x14e: {  	[sflag:s0] =	ssyncadd.s32 @!p2 $0xFFFFF000;
	s0 =	simm.s32 @!p3 $0x0  }
0x14f: {  	s0 =	simm.s32 @p3 $0x1  }
0x150: {  	[smem:$0x7EC] =	sst s0;
	s0 =	simm.s32 @!p3 $0x1  }
0x151: {  	v45 =	vand.u32 $0x7F, v5;
	v8 =	vshll.u32 v6, $0xC;
	_ =	swait.ge @!p3 [sflag:s0], $0x1000  }
0x152: {  	v22 =	vor.u32 v45, v8;
	[sflag:s0] =	ssyncset.done @!p3 $0x0  }
0x153: {  	v23 =	vbroadcast v22, $0x0;
	[sflag:s0] =	ssyncadd.s32 @!p3 $0xFFFFF000;
	s0 =	simm.s32 @!p5 $0x1  }
0x154: {  	_ =	swait.ge @!p5 [sflag:s0], $0x1000  }
0x155: {  	v46 =	vor.u32 v0, v23;
	[sflag:s0] =	ssyncset.done @!p5 $0x0  }
0x156: {  	[sflag:s0] =	ssyncadd.s32 @!p5 $0xFFFFF000;
	s0 =	simm.s32 @!p1 $0x1  }
0x157: {  	_ =	swait.ge @!p1 [sflag:s0], $0x1000  }
0x158: {  	[sflag:s0] =	ssyncset.done @!p1 $0x0  }
0x159: {  	v24 =	vbroadcast v22, $0x1;
	[sflag:s0] =	ssyncadd.s32 @!p1 $0xFFFFF000  }
0x15a: {  	v9 =	vld.idx.msk [tilespmem:v46+s14+$0x0], $0xffff  }
0x15b: {  	v47 =	vor.u32 v0, v24;
	_ =	sdelay $0x3  }
0x15c: {  	v25 =	vbroadcast v22, $0x2;
	[tilespmem:$0x10480] =	vst v9  }
0x15d: {  	v10 =	vld.idx.msk [tilespmem:v47+s14+$0x0], $0xffff  }
0x15e: {  	v48 =	vor.u32 v0, v25;
	_ =	sdelay $0x3  }
0x15f: {  	v26 =	vbroadcast v22, $0x3;
	[tilespmem:$0x10500] =	vst v10  }
0x160: {  	v11 =	vld.idx.msk [tilespmem:v48+s14+$0x0], $0xffff  }
0x161: {  	v49 =	vor.u32 v0, v26;
	_ =	sdelay $0x3  }
0x162: {  	v27 =	vbroadcast v22, $0x4;
	[tilespmem:$0x10580] =	vst v11  }
0x163: {  	v12 =	vld.idx.msk [tilespmem:v49+s14+$0x0], $0xffff  }
0x164: {  	v50 =	vor.u32 v0, v27;
	_ =	sdelay $0x3  }
0x165: {  	v28 =	vbroadcast v22, $0x5;
	[tilespmem:$0x10600] =	vst v12  }
0x166: {  	v13 =	vld.idx.msk [tilespmem:v50+s14+$0x0], $0xffff  }
0x167: {  	v51 =	vor.u32 v0, v28;
	_ =	sdelay $0x3  }
0x168: {  	v29 =	vbroadcast v22, $0x6;
	[tilespmem:$0x10680] =	vst v13  }
0x169: {  	v14 =	vld.idx.msk [tilespmem:v51+s14+$0x0], $0xffff  }
0x16a: {  	v52 =	vor.u32 v0, v29;
	_ =	sdelay $0x3  }
0x16b: {  	v30 =	vbroadcast v22, $0x7;
	[tilespmem:$0x10700] =	vst v14  }
0x16c: {  	v15 =	vld.idx.msk [tilespmem:v52+s14+$0x0], $0xffff  }
0x16d: {  	v53 =	vor.u32 v0, v30;
	_ =	sdelay $0x3  }
0x16e: {  	v31 =	vbroadcast v22, $0x8;
	[tilespmem:$0x10780] =	vst v15  }
0x16f: {  	v16 =	vld.idx.msk [tilespmem:v53+s14+$0x0], $0xffff  }
0x170: {  	v54 =	vor.u32 v0, v31;
	_ =	sdelay $0x3  }
0x171: {  	v32 =	vbroadcast v22, $0x9;
	[tilespmem:$0x10800] =	vst v16  }
0x172: {  	v17 =	vld.idx.msk [tilespmem:v54+s14+$0x0], $0xffff  }
0x173: {  	v55 =	vor.u32 v0, v32;
	_ =	sdelay $0x3  }
0x174: {  	v33 =	vbroadcast v22, $0xA;
	[tilespmem:$0x10880] =	vst v17  }
0x175: {  	v18 =	vld.idx.msk [tilespmem:v55+s14+$0x0], $0xffff  }
0x176: {  	v56 =	vor.u32 v0, v33;
	_ =	sdelay $0x3  }
0x177: {  	v34 =	vbroadcast v22, $0xB;
	[tilespmem:$0x10900] =	vst v18  }
0x178: {  	v19 =	vld.idx.msk [tilespmem:v56+s14+$0x0], $0xffff  }
0x179: {  	v57 =	vor.u32 v0, v34;
	_ =	sdelay $0x3  }
0x17a: {  	v35 =	vbroadcast v22, $0xC;
	[tilespmem:$0x10980] =	vst v19  }
0x17b: {  	v20 =	vld.idx.msk [tilespmem:v57+s14+$0x0], $0xffff  }
0x17c: {  	v58 =	vor.u32 v0, v35;
	_ =	sdelay $0x3  }
0x17d: {  	v37 =	vbroadcast v22, $0xD;
	[tilespmem:$0x10A00] =	vst v20  }
0x17e: {  	v21 =	vld.idx.msk [tilespmem:v58+s14+$0x0], $0xffff  }
0x17f: {  	v59 =	vor.u32 v0, v37;
	_ =	sdelay $0x3  }
0x180: {  	v38 =	vbroadcast v22, $0xE;
	[tilespmem:$0x10A80] =	vst v21  }
0x181: {  	v36 =	vld.idx.msk [tilespmem:v59+s14+$0x0], $0xffff  }
0x182: {  	v60 =	vor.u32 v0, v38;
	_ =	sdelay $0x3  }
0x183: {  	v39 =	vbroadcast v22, $0xF;
	[tilespmem:$0x10B00] =	vst v36  }
0x184: {  	v36 =	vld.idx.msk [tilespmem:v60+s14+$0x0], $0xffff  }
0x185: {  	v22 =	vor.u32 v0, v39;
	_ =	sdelay $0x3  }
0x186: {  	[tilespmem:$0x10B80] =	vst v36  }
0x187: {  	v36 =	vld.idx.msk [tilespmem:v22+s14+$0x0], $0xffff  }
0x188: {  	v23 =	vor.u32 v3, v23;
	_ =	sdelay $0x3  }
0x189: {  	[tilespmem:$0x10C00] =	vst v36  }
0x18a: {  	v36 =	vld.idx.msk [tilespmem:v23+s14+$0x0], $0xffff  }
0x18b: {  	v24 =	vor.u32 v3, v24;
	_ =	sdelay $0x3  }
0x18c: {  	[tilespmem:$0x10490] =	vst v36  }
0x18d: {  	v36 =	vld.idx.msk [tilespmem:v24+s14+$0x0], $0xffff  }
0x18e: {  	v25 =	vor.u32 v3, v25;
	_ =	sdelay $0x3  }
0x18f: {  	[tilespmem:$0x10510] =	vst v36  }
0x190: {  	v36 =	vld.idx.msk [tilespmem:v25+s14+$0x0], $0xffff  }
0x191: {  	v26 =	vor.u32 v3, v26;
	_ =	sdelay $0x3  }
0x192: {  	[tilespmem:$0x10590] =	vst v36  }
0x193: {  	v36 =	vld.idx.msk [tilespmem:v26+s14+$0x0], $0xffff  }
0x194: {  	v27 =	vor.u32 v3, v27;
	_ =	sdelay $0x3  }
0x195: {  	[tilespmem:$0x10610] =	vst v36  }
0x196: {  	v36 =	vld.idx.msk [tilespmem:v27+s14+$0x0], $0xffff  }
0x197: {  	v28 =	vor.u32 v3, v28;
	_ =	sdelay $0x3  }
0x198: {  	[tilespmem:$0x10690] =	vst v36  }
0x199: {  	v36 =	vld.idx.msk [tilespmem:v28+s14+$0x0], $0xffff  }
0x19a: {  	v29 =	vor.u32 v3, v29;
	_ =	sdelay $0x3  }
0x19b: {  	[tilespmem:$0x10710] =	vst v36  }
0x19c: {  	v36 =	vld.idx.msk [tilespmem:v29+s14+$0x0], $0xffff  }
0x19d: {  	v30 =	vor.u32 v3, v30;
	_ =	sdelay $0x3  }
0x19e: {  	[tilespmem:$0x10790] =	vst v36  }
0x19f: {  	v36 =	vld.idx.msk [tilespmem:v30+s14+$0x0], $0xffff  }
0x1a0: {  	v31 =	vor.u32 v3, v31;
	_ =	sdelay $0x3  }
0x1a1: {  	[tilespmem:$0x10810] =	vst v36  }
0x1a2: {  	v36 =	vld.idx.msk [tilespmem:v31+s14+$0x0], $0xffff  }
0x1a3: {  	v32 =	vor.u32 v3, v32;
	_ =	sdelay $0x3  }
0x1a4: {  	[tilespmem:$0x10890] =	vst v36  }
0x1a5: {  	v36 =	vld.idx.msk [tilespmem:v32+s14+$0x0], $0xffff  }
0x1a6: {  	v33 =	vor.u32 v3, v33;
	_ =	sdelay $0x3  }
0x1a7: {  	[tilespmem:$0x10910] =	vst v36  }
0x1a8: {  	v36 =	vld.idx.msk [tilespmem:v33+s14+$0x0], $0xffff  }
0x1a9: {  	v34 =	vor.u32 v3, v34;
	_ =	sdelay $0x3  }
0x1aa: {  	[tilespmem:$0x10990] =	vst v36  }
0x1ab: {  	v40 =	vld.idx.msk [tilespmem:v34+s14+$0x0], $0xffff  }
0x1ac: {  	v61 =	vor.u32 v3, v35;
	_ =	sdelay $0x3  }
0x1ad: {  	[tilespmem:$0x10A10] =	vst v40  }
0x1ae: {  	v35 =	vld.idx.msk [tilespmem:v61+s14+$0x0], $0xffff  }
0x1af: {  	v37 =	vor.u32 v3, v37;
	_ =	sdelay $0x3  }
0x1b0: {  	[tilespmem:$0x10A90] =	vst v35  }
0x1b1: {  	v40 =	vld.idx.msk [tilespmem:v37+s14+$0x0], $0xffff  }
0x1b2: {  	v62 =	vor.u32 v3, v38;
	_ =	sdelay $0x2  }
0x1b3: {  	(v2sf) =	vpush v6, $0x2  }
0x1b4: {  	(v2sf) =	vpush v6, $0x3;
	[tilespmem:$0x10B10] =	vst v40  }
0x1b5: {  	(v2sf) =	vpush v6, $0x4;
	v40 =	vld.idx.msk [tilespmem:v62+s14+$0x0], $0xffff  }
0x1b6: {  	v63 =	vor.u32 v3, v39;
	(v2sf) =	vpush v6, $0x5  }
0x1b7: {  	(v2sf) =	vpush v6, $0x6  }
0x1b8: {  	(v2sf) =	vpush v6, $0x7  }
0x1b9: {  	(v2sf) =	vpush v6, $0x8  }
0x1ba: {  	(v2sf) =	vpush v6, $0x9;
	[tilespmem:$0x10B90] =	vst v40  }
0x1bb: {  	(v2sf) =	vpush v6, $0xA;
	v39 =	vld.idx.msk [tilespmem:v63+s14+$0x0], $0xffff  }
0x1bc: {  	(v2sf) =	vpush v6, $0xB  }
0x1bd: {  	(v2sf) =	vpush v6, $0xC  }
0x1be: {  	(v2sf) =	vpush v6, $0xD  }
0x1bf: {  	(v2sf) =	vpush v6, $0xE  }
0x1c0: {  	s5 =	sadd.s32 s5, s26;
	(v2sf) =	vpush v6, $0xF;
	[tilespmem:$0x10C10] =	vst v39  }
0x1c1: {  	(v2sf) =	vpush @!p4 v6, $0x1;
	[tilespmem:s6], [sflag:$0x1] =	stream.strided.gather [hbm4b:s5+s28], $0x1000, s29, s28, $0x38;
	[tilespmem:$0x10C80] =	vst v63  }
0x1c2: {  	(v2sf) =	vpush @!p4 v5, $0x1;
	s28 =	spop (v2sf)  }
0x1c3: {  	s7 =	sld [smem:$0x7F6];
	s29 =	spop (v2sf)  }
0x1c4: {  	s30 =	spop (v2sf)  }
0x1c5: {  	s3 =	smov.u32 s4;
	s31 =	spop (v2sf)  }
0x1c6: {  	s8 =	simm.s32 @!p0 $0x1;
	p0 =	seq.s32 s7, $0x1;
	s4 =	spop (v2sf)  }
0x1c7: {  	(v2sf) =	vpush @!p0 v5, $0x2;
	s7 =	spop (v2sf)  }
0x1c8: {  	s0 =	spop (v2sf)  }
0x1c9: {  	s17 =	spop (v2sf)  }
0x1ca: {  	s1 =	spop (v2sf)  }
0x1cb: {  	s2 =	spop (v2sf)  }
0x1cc: {  	(v2sf) =	vpush @!p6 v5, $0x3;
	s15 =	spop (v2sf)  }
0x1cd: {  	s9 =	sld [smem:$0x7F8];
	s19 =	spop (v2sf)  }
0x1ce: {  	s11 =	sld [smem:$0x7F9];
	s6 =	spop (v2sf)  }
0x1cf: {  	s5 =	spop (v2sf)  }
0x1d0: {  	p3 =	seq.s32 s9, $0x1;
	s13 =	spop @!p4 (v2sf)  }
0x1d1: {  	p2 =	seq.s32 s11, $0x1;
	s13 =	sshll.u32 @!p4 s13, $0xE;
	s12 =	spop @!p4 (v2sf)  }
0x1d2: {  	s11 =	rddreg [dreg:$0x1a];
	s12 =	sand.u32 @!p4 $0xFFFFF80, s12;
	s13 =	sshra.s32 @!p4 s13, $0x2  }
0x1d3: {  	s9 =	rddreg [dreg:$0x1d];
	(v2sf) =	vpush @!p3 v5, $0x4;
	s13 =	sor.u32 @!p4 $0x480, s13;
	s12 =	sadd.s32 @!p4 s12, s26  }
0x1d4: {  	[tilespmem:s13], [sflag:$0x1] =	stream.strided.gather @!p4 [hbm4b:s12+s11], $0x1000, s9, s11, $0x38;
	[tilespmem:$0x10C80] =	vst v63  }
0x1d5: {  	s12 =	sshll.u32 @!p0 s28, $0xE;
	s28 =	sld [smem:$0x7FA]  }
0x1d6: {  	s13 =	spop @!p0 (v2sf);
	s12 =	sshra.s32 @!p0 s12, $0x2  }
0x1d7: {  	s11 =	rddreg [dreg:$0x1b];
	s13 =	sand.u32 @!p0 $0xFFFFF80, s13;
	s12 =	sor.u32 @!p0 $0x480, s12  }
0x1d8: {  	(v2sf) =	vpush @!p2 v5, $0x5;
	s13 =	sadd.s32 @!p0 s13, s26;
	p4 =	seq.s32 s28, $0x1;
	s28 =	rddreg [dreg:$0x1c]  }
0x1d9: {  	[tilespmem:s12], [sflag:$0x1] =	stream.strided.gather @!p0 [hbm4b:s13+s28], $0x1000, s11, s28, $0x38;
	[tilespmem:$0x10C80] =	vst v63  }
0x1da: {  	s11 =	sld [smem:$0x7FB]  }
0x1db: {  	s24 =	simm.s32 @!p6 $0x1;
	s13 =	spop @!p6 (v2sf)  }
0x1dc: {  	p0 =	por p6, p6;
	s12 =	sshll.u32 @!p6 s29, $0xE;
	s13 =	sand.u32 @!p6 $0xFFFFF80, s13  }
0x1dd: {  	s12 =	sshra.s32 @!p6 s12, $0x2;
	p6 =	seq.s32 s11, $0x1;
	s11 =	sld [smem:$0x7E0]  }
0x1de: {  	s9 =	rddreg [dreg:$0x1e];
	(v2sf) =	vpush @!p4 v5, $0x6  }
0x1df: {  	s28 =	sld [smem:$0x7FC];
	s12 =	sor.u32 @!p0 $0x480, s12;
	s13 =	sadd.s32 @!p0 s13, s26  }
0x1e0: {  	[tilespmem:s12], [sflag:$0x1] =	stream.strided.gather @!p0 [hbm4b:s13+s9], $0x1000, s11, s9, $0x38;
	[tilespmem:$0x10C80] =	vst v63  }
0x1e1: {  	s9 =	sld [smem:$0x7E1]  }
0x1e2: {  	s12 =	sshll.u32 @!p3 s30, $0xE;
	s13 =	spop @!p3 (v2sf);
	s11 =	sld [smem:$0x7E2]  }
0x1e3: {  	p0 =	por p3, p3;
	s13 =	sand.u32 @!p3 $0xFFFFF80, s13;
	s12 =	sshra.s32 @!p3 s12, $0x2  }
0x1e4: {  	(v2sf) =	vpush @!p6 v5, $0x7;
	s12 =	sor.u32 @!p0 $0x480, s12;
	s13 =	sadd.s32 @!p0 s13, s26  }
0x1e5: {  	[tilespmem:s12], [sflag:$0x1] =	stream.strided.gather @!p0 [hbm4b:s13+s11], $0x1000, s9, s11, $0x38;
	[tilespmem:$0x10C80] =	vst v63  }
0x1e6: {  	p3 =	seq.s32 s28, $0x1;
	p0 =	por p2, p2  }
0x1e7: {  	s12 =	sshll.u32 @!p2 s31, $0xE;
	s13 =	spop @!p2 (v2sf);
	s11 =	sld [smem:$0x7E3]  }
0x1e8: {  	s31 =	sld [smem:$0x7FD];
	s13 =	sand.u32 @!p2 $0xFFFFF80, s13;
	s12 =	sshra.s32 @!p2 s12, $0x2  }
0x1e9: {  	(v2sf) =	vpush @!p3 v5, $0x8;
	s9 =	rddreg [dreg:$0x1f];
	s12 =	sor.u32 @!p0 $0x480, s12;
	s13 =	sadd.s32 @!p0 s13, s26  }
0x1ea: {  	[tilespmem:s12], [sflag:$0x1] =	stream.strided.gather @!p0 [hbm4b:s13+s9], $0x1000, s11, s9, $0x38;
	[tilespmem:$0x10C80] =	vst v63  }
0x1eb: {  	s4 =	sshll.u32 @!p4 s4, $0xE;
	s11 =	sld [smem:$0x7E4]  }
0x1ec: {  	s4 =	sshra.s32 @!p4 s4, $0x2;
	p2 =	seq.s32 s31, $0x1  }
0x1ed: {  	p0 =	por p4, p4;
	s9 =	sld [smem:$0x7E5];
	s12 =	spop @!p4 (v2sf)  }
0x1ee: {  	(v2sf) =	vpush @!p2 v5, $0x9;
	s12 =	sand.u32 @!p4 $0xFFFFF80, s12;
	p4 =	seq.s32 s11, $0x1;
	s11 =	sld [smem:$0x7E6]  }
0x1ef: {  	_ = 	snop  }
0x1f0: {  	s13 =	sld [smem:$0x7E7];
	s4 =	sor.u32 @!p0 $0x480, s4;
	s12 =	sadd.s32 @!p0 s12, s26  }
0x1f1: {  	[tilespmem:s4], [sflag:$0x1] =	stream.strided.gather @!p0 [hbm4b:s12+s9], $0x1000, s11, s9, $0x38;
	[tilespmem:$0x10C80] =	vst v63  }
0x1f2: {  	s9 =	sld [smem:$0x7E8]  }
0x1f3: {  	(v2sf) =	vpush @!p4 v5, $0xA;
	s4 =	sshll.u32 @!p6 s7, $0xE;
	s7 =	spop @!p6 (v2sf);
	s11 =	sld [smem:$0x7E9]  }
0x1f4: {  	p0 =	por p6, p6;
	s7 =	sand.u32 @!p6 $0xFFFFF80, s7;
	s4 =	sshra.s32 @!p6 s4, $0x2  }
0x1f5: {  	s4 =	sor.u32 @!p0 $0x480, s4;
	s7 =	sadd.s32 @!p0 s7, s26  }
0x1f6: {  	[tilespmem:s4], [sflag:$0x1] =	stream.strided.gather @!p0 [hbm4b:s7+s9], $0x1000, s11, s9, $0x38;
	[tilespmem:$0x10C80] =	vst v63  }
0x1f7: {  	p6 =	seq.s32 s13, $0x1;
	s4 =	sshll.u32 @!p3 s0, $0xE;
	s0 =	sld [smem:$0x7EA]  }
0x1f8: {  	(v2sf) =	vpush @!p6 v5, $0xB;
	s9 =	sld [smem:$0x7EB];
	s7 =	spop @!p3 (v2sf)  }
0x1f9: {  	p0 =	por p3, p3;
	s4 =	sshra.s32 @!p3 s4, $0x2;
	s7 =	sand.u32 @!p3 $0xFFFFF80, s7  }
0x1fa: {  	s28 =	sld [smem:$0x7F3];
	s4 =	sor.u32 @!p0 $0x480, s4;
	s7 =	sadd.s32 @!p0 s7, s26  }
0x1fb: {  	[tilespmem:s4], [sflag:$0x1] =	stream.strided.gather @!p0 [hbm4b:s7+s0], $0x1000, s9, s0, $0x38;
	[tilespmem:$0x10C80] =	vst v63  }
0x1fc: {  	s0 =	sld [smem:$0x7ED]  }
0x1fd: {  	s4 =	sshll.u32 @!p2 s17, $0xE;
	s9 =	sld [smem:$0x7EE];
	s7 =	spop @!p2 (v2sf)  }
0x1fe: {  	s31 =	sld [smem:$0x7EC];
	s4 =	sshra.s32 @!p2 s4, $0x2;
	s7 =	sand.u32 @!p2 $0xFFFFF80, s7  }
0x1ff: {  	p3 =	seq.s32 s28, $0x1;
	s4 =	sor.u32 @!p2 $0x480, s4;
	s7 =	sadd.s32 @!p2 s7, s26  }
0x200: {  	(v2sf) =	vpush @!p3 v5, $0xC;
	[tilespmem:s4], [sflag:$0x1] =	stream.strided.gather @!p2 [hbm4b:s7+s0], $0x1000, s9, s0, $0x38;
	[tilespmem:$0x10C80] =	vst v63  }
0x201: {  	s0 =	sshll.u32 @!p4 s1, $0xE;
	s1 =	sld [smem:$0x7EF]  }
0x202: {  	s9 =	sld [smem:$0x7F0];
	s4 =	spop @!p4 (v2sf)  }
0x203: {  	p3 =	seq.s32 s31, $0x1;
	s0 =	sshra.s32 @!p4 s0, $0x2;
	s4 =	sand.u32 @!p4 $0xFFFFF80, s4  }
0x204: {  	(v2sf) =	vpush @!p3 v5, $0xD;
	s0 =	sor.u32 @!p4 $0x480, s0;
	s4 =	sadd.s32 @!p4 s4, s26  }
0x205: {  	[tilespmem:s0], [sflag:$0x1] =	stream.strided.gather @!p4 [hbm4b:s4+s1], $0x1000, s9, s1, $0x38;
	[tilespmem:$0x10C80] =	vst v63  }
0x206: {  	s4 =	smov.u32 s3;
	s1 =	sld [smem:$0x7F1]  }
0x207: {  	s0 =	sshll.u32 @!p6 s2, $0xE;
	s3 =	sld [smem:$0x7F2];
	s2 =	spop @!p6 (v2sf)  }
0x208: {  	(v2sf) =	vpush @!p5 v5, $0xE;
	s0 =	sshra.s32 @!p6 s0, $0x2;
	s2 =	sand.u32 @!p6 $0xFFFFF80, s2  }
0x209: {  	s0 =	sor.u32 @!p6 $0x480, s0;
	s2 =	sadd.s32 @!p6 s2, s26  }
0x20a: {  	[tilespmem:s0], [sflag:$0x1] =	stream.strided.gather @!p6 [hbm4b:s2+s1], $0x1000, s3, s1, $0x38;
	[tilespmem:$0x10C80] =	vst v63  }
0x20b: {  	s2 =	sld [smem:$0x7F3]  }
0x20c: {  	(v2sf) =	vpush @!p1 v5, $0xF;
	_ =	sdelay $0x1  }
0x20d: {  	p2 =	seq.s32 s2, $0x1  }
0x20e: {  	s0 =	sshll.u32 @!p2 s15, $0xE;
	s2 =	spop @!p2 (v2sf)  }
0x20f: {  	s1 =	simm.s32 @!p2 $0x7A1400;
	s2 =	sand.u32 @!p2 $0xFFFFF80, s2;
	s0 =	sshra.s32 @!p2 s0, $0x2  }
0x210: {  	s3 =	simm.s32 @!p2 $0x400;
	s0 =	sor.u32 @!p2 $0x480, s0;
	s2 =	sadd.s32 @!p2 s2, s26  }
0x211: {  	[tilespmem:s0], [sflag:$0x1] =	stream.strided.gather @!p2 [hbm4b:s2+s3], $0x1000, s1, s3, $0x38;
	[tilespmem:$0x10C80] =	vst v63  }
0x212: {  	s0 =	spop @!p3 (v2sf);
	s2 =	sshll.u32 @!p3 s19, $0xE  }
0x213: {  	s1 =	simm.s32 @!p3 $0x7A1400;
	s0 =	sand.u32 @!p3 $0xFFFFF80, s0;
	s2 =	sshra.s32 @!p3 s2, $0x2  }
0x214: {  	s3 =	simm.s32 @!p3 $0x400;
	s2 =	sor.u32 @!p3 $0x480, s2;
	s0 =	sadd.s32 @!p3 s0, s26  }
0x215: {  	[tilespmem:s2], [sflag:$0x1] =	stream.strided.gather @!p3 [hbm4b:s0+s3], $0x1000, s1, s3, $0x38;
	[tilespmem:$0x10C80] =	vst v63  }
0x216: {  	s0 =	spop @!p5 (v2sf);
	s2 =	sshll.u32 @!p5 s6, $0xE  }
0x217: {  	s1 =	simm.s32 @!p5 $0x7A1400;
	s0 =	sand.u32 @!p5 $0xFFFFF80, s0;
	s2 =	sshra.s32 @!p5 s2, $0x2  }
0x218: {  	s3 =	simm.s32 @!p5 $0x400;
	s2 =	sor.u32 @!p5 $0x480, s2;
	s0 =	sadd.s32 @!p5 s0, s26  }
0x219: {  	[tilespmem:s2], [sflag:$0x1] =	stream.strided.gather @!p5 [hbm4b:s0+s3], $0x1000, s1, s3, $0x38;
	[tilespmem:$0x10C80] =	vst v63  }
0x21a: {  	s30 =	simm.s32 $0x1;
	s0 =	spop @!p1 (v2sf);
	s2 =	sshll.u32 @!p1 s5, $0xE  }
0x21b: {  	s1 =	simm.s32 @!p1 $0x400;
	s0 =	sand.u32 @!p1 $0xFFFFF80, s0;
	s2 =	sshra.s32 @!p1 s2, $0x2  }
0x21c: {  	s3 =	simm.s32 @!p1 $0x7A1400;
	s2 =	sor.u32 @!p1 $0x480, s2;
	s0 =	sadd.s32 @!p1 s0, s26  }
0x21d: {  	[tilespmem:s2], [sflag:$0x1] =	stream.strided.gather @!p1 [hbm4b:s0+s1], $0x1000, s3, s1, $0x38;
	[tilespmem:$0x10C80] =	vst v63  }
0x21e: {  	_ =	swait.ge [sflag:s30], $0x1000  }
0x21f: {  	s3 =	sld [smem:$0x7F5]  }
0x220: {  	s0 =	sld [smem:$0x7F4]  }
0x221: {  	[sflag:s30] =	ssyncset.done $0x0  }
0x222: {  	p0 =	por p6, p6;
	[sflag:s30] =	ssyncadd.s32 $0xFFFFF000;
	p6 =	seq.s32 s3, $0x1  }
0x223: {  	_ =	swait.ge @!p6 [sflag:s0], $0x1000  }
0x224: {  	s5 =	sld [smem:$0x7F6];
	_ =	sdelay $0x1  }
0x225: {  	[sflag:s0] =	ssyncset.done @!p6 $0x0  }
0x226: {  	[sflag:s0] =	ssyncadd.s32 @!p6 $0xFFFFF000;
	p6 =	seq.s32 s5, $0x1  }
0x227: {  	_ =	swait.ge @!p6 [sflag:s25], $0x1000  }
0x228: {  	s6 =	sld [smem:$0x7F7];
	_ =	sdelay $0x1  }
0x229: {  	[sflag:s25] =	ssyncset.done @!p6 $0x0  }
0x22a: {  	[sflag:s25] =	ssyncadd.s32 @!p6 $0xFFFFF000;
	p6 =	seq.s32 s6, $0x1  }
0x22b: {  	_ =	swait.ge @!p6 [sflag:s24], $0x1000  }
0x22c: {  	s9 =	sld [smem:$0x7F8];
	_ =	sdelay $0x1  }
0x22d: {  	[sflag:s24] =	ssyncset.done @!p6 $0x0  }
0x22e: {  	[sflag:s24] =	ssyncadd.s32 @!p6 $0xFFFFF000;
	p6 =	seq.s32 s9, $0x1  }
0x22f: {  	_ =	swait.ge @!p6 [sflag:s23], $0x1000  }
0x230: {  	s11 =	sld [smem:$0x7F9];
	_ =	sdelay $0x1  }
0x231: {  	[sflag:s23] =	ssyncset.done @!p6 $0x0  }
0x232: {  	[sflag:s23] =	ssyncadd.s32 @!p6 $0xFFFFF000;
	p6 =	seq.s32 s11, $0x1  }
0x233: {  	_ =	swait.ge @!p6 [sflag:s22], $0x1000  }
0x234: {  	s12 =	sld [smem:$0x7FA];
	_ =	sdelay $0x1  }
0x235: {  	[sflag:s22] =	ssyncset.done @!p6 $0x0  }
0x236: {  	[sflag:s22] =	ssyncadd.s32 @!p6 $0xFFFFF000;
	p6 =	seq.s32 s12, $0x1  }
0x237: {  	s9 =	rddreg [dreg:$0x14];
	_ =	swait.ge @!p6 [sflag:s21], $0x1000  }
0x238: {  	s13 =	sld [smem:$0x7FB];
	_ =	sdelay $0x1  }
0x239: {  	[sflag:s21] =	ssyncset.done @!p6 $0x0  }
0x23a: {  	[sflag:s21] =	ssyncadd.s32 @!p6 $0xFFFFF000;
	p6 =	seq.s32 s13, $0x1  }
0x23b: {  	_ =	swait.ge @!p6 [sflag:s20], $0x1000  }
0x23c: {  	s15 =	sld [smem:$0x7FC];
	_ =	sdelay $0x1  }
0x23d: {  	[sflag:s20] =	ssyncset.done @!p6 $0x0  }
0x23e: {  	[sflag:s20] =	ssyncadd.s32 @!p6 $0xFFFFF000;
	p6 =	seq.s32 s15, $0x1  }
0x23f: {  	_ =	swait.ge @!p6 [sflag:s18], $0x1000  }
0x240: {  	s17 =	sld [smem:$0x7FD];
	_ =	sdelay $0x1  }
0x241: {  	[sflag:s18] =	ssyncset.done @!p6 $0x0  }
0x242: {  	[sflag:s18] =	ssyncadd.s32 @!p6 $0xFFFFF000;
	p6 =	seq.s32 s17, $0x1  }
0x243: {  	_ =	swait.ge @!p6 [sflag:s16], $0x1000  }
0x244: {  	[sflag:s16] =	ssyncset.done @!p6 $0x0  }
0x245: {  	[sflag:s16] =	ssyncadd.s32 @!p6 $0xFFFFF000  }
0x246: {  	_ =	swait.ge @!p4 [sflag:s10], $0x1000  }
0x247: {  	[sflag:s10] =	ssyncset.done @!p4 $0x0  }
0x248: {  	[sflag:s10] =	ssyncadd.s32 @!p4 $0xFFFFF000  }
0x249: {  	_ =	swait.ge @!p0 [sflag:s8], $0x1000  }
0x24a: {  	[sflag:s8] =	ssyncset.done @!p0 $0x0  }
0x24b: {  	s0 =	simm.s32 @!p2 $0x1;
	[sflag:s8] =	ssyncadd.s32 @!p0 $0xFFFFF000  }
0x24c: {  	_ =	swait.ge @!p2 [sflag:s0], $0x1000  }
0x24d: {  	[sflag:s0] =	ssyncset.done @!p2 $0x0  }
0x24e: {  	[sflag:s0] =	ssyncadd.s32 @!p2 $0xFFFFF000;
	s0 =	simm.s32 @!p3 $0x1  }
0x24f: {  	_ =	swait.ge @!p3 [sflag:s0], $0x1000  }
0x250: {  	[sflag:s0] =	ssyncset.done @!p3 $0x0  }
0x251: {  	[sflag:s0] =	ssyncadd.s32 @!p3 $0xFFFFF000;
	s0 =	simm.s32 @!p5 $0x1  }
0x252: {  	_ =	swait.ge @!p5 [sflag:s0], $0x1000  }
0x253: {  	[sflag:s0] =	ssyncset.done @!p5 $0x0  }
0x254: {  	[sflag:s0] =	ssyncadd.s32 @!p5 $0xFFFFF000;
	s0 =	simm.s32 @!p1 $0x1  }
0x255: {  	_ =	swait.ge @!p1 [sflag:s0], $0x1000  }
0x256: {  	[sflag:s0] =	ssyncset.done @!p1 $0x0  }
0x257: {  	[sflag:s0] =	ssyncadd.s32 @!p1 $0xFFFFF000  }
0x258: {  	v5 =	vld.idx.msk [tilespmem:v46+s14+$0x0], $0xffff;
	_ =	sdelay $0x4  }
0x259: {  	[tilespmem:$0x104A0] =	vst v5  }
0x25a: {  	v5 =	vld.idx.msk [tilespmem:v47+s14+$0x0], $0xffff;
	_ =	sdelay $0x4  }
0x25b: {  	[tilespmem:$0x10520] =	vst v5  }
0x25c: {  	v5 =	vld.idx.msk [tilespmem:v48+s14+$0x0], $0xffff;
	_ =	sdelay $0x4  }
0x25d: {  	[tilespmem:$0x105A0] =	vst v5  }
0x25e: {  	v5 =	vld.idx.msk [tilespmem:v49+s14+$0x0], $0xffff;
	_ =	sdelay $0x4  }
0x25f: {  	[tilespmem:$0x10620] =	vst v5  }
0x260: {  	v5 =	vld.idx.msk [tilespmem:v50+s14+$0x0], $0xffff;
	_ =	sdelay $0x4  }
0x261: {  	[tilespmem:$0x106A0] =	vst v5  }
0x262: {  	v5 =	vld.idx.msk [tilespmem:v51+s14+$0x0], $0xffff;
	_ =	sdelay $0x4  }
0x263: {  	[tilespmem:$0x10720] =	vst v5  }
0x264: {  	v5 =	vld.idx.msk [tilespmem:v52+s14+$0x0], $0xffff;
	_ =	sdelay $0x4  }
0x265: {  	[tilespmem:$0x107A0] =	vst v5  }
0x266: {  	v5 =	vld.idx.msk [tilespmem:v53+s14+$0x0], $0xffff;
	_ =	sdelay $0x4  }
0x267: {  	[tilespmem:$0x10820] =	vst v5  }
0x268: {  	v5 =	vld.idx.msk [tilespmem:v54+s14+$0x0], $0xffff;
	_ =	sdelay $0x4  }
0x269: {  	[tilespmem:$0x108A0] =	vst v5  }
0x26a: {  	v5 =	vld.idx.msk [tilespmem:v55+s14+$0x0], $0xffff;
	_ =	sdelay $0x4  }
0x26b: {  	[tilespmem:$0x10920] =	vst v5  }
0x26c: {  	v5 =	vld.idx.msk [tilespmem:v56+s14+$0x0], $0xffff;
	_ =	sdelay $0x4  }
0x26d: {  	[tilespmem:$0x109A0] =	vst v5  }
0x26e: {  	v5 =	vld.idx.msk [tilespmem:v57+s14+$0x0], $0xffff;
	_ =	sdelay $0x4  }
0x26f: {  	[tilespmem:$0x10A20] =	vst v5  }
0x270: {  	v5 =	vld.idx.msk [tilespmem:v58+s14+$0x0], $0xffff;
	_ =	sdelay $0x4  }
0x271: {  	[tilespmem:$0x10AA0] =	vst v5  }
0x272: {  	v5 =	vld.idx.msk [tilespmem:v59+s14+$0x0], $0xffff;
	_ =	sdelay $0x4  }
0x273: {  	[tilespmem:$0x10B20] =	vst v5  }
0x274: {  	v5 =	vld.idx.msk [tilespmem:v60+s14+$0x0], $0xffff;
	_ =	sdelay $0x4  }
0x275: {  	[tilespmem:$0x10BA0] =	vst v5  }
0x276: {  	v5 =	vld.idx.msk [tilespmem:v22+s14+$0x0], $0xffff;
	_ =	sdelay $0x4  }
0x277: {  	[tilespmem:$0x10C20] =	vst v5  }
0x278: {  	v5 =	vld.idx.msk [tilespmem:v23+s14+$0x0], $0xffff;
	_ =	sdelay $0x4  }
0x279: {  	[tilespmem:$0x104B0] =	vst v5  }
0x27a: {  	v5 =	vld.idx.msk [tilespmem:v24+s14+$0x0], $0xffff;
	_ =	sdelay $0x4  }
0x27b: {  	[tilespmem:$0x10530] =	vst v5  }
0x27c: {  	v5 =	vld.idx.msk [tilespmem:v25+s14+$0x0], $0xffff;
	_ =	sdelay $0x4  }
0x27d: {  	[tilespmem:$0x105B0] =	vst v5  }
0x27e: {  	v5 =	vld.idx.msk [tilespmem:v26+s14+$0x0], $0xffff;
	_ =	sdelay $0x4  }
0x27f: {  	[tilespmem:$0x10630] =	vst v5  }
0x280: {  	v5 =	vld.idx.msk [tilespmem:v27+s14+$0x0], $0xffff;
	_ =	sdelay $0x4  }
0x281: {  	[tilespmem:$0x106B0] =	vst v5  }
0x282: {  	v5 =	vld.idx.msk [tilespmem:v28+s14+$0x0], $0xffff;
	_ =	sdelay $0x4  }
0x283: {  	[tilespmem:$0x10730] =	vst v5  }
0x284: {  	v5 =	vld.idx.msk [tilespmem:v29+s14+$0x0], $0xffff;
	_ =	sdelay $0x4  }
0x285: {  	[tilespmem:$0x107B0] =	vst v5  }
0x286: {  	v5 =	vld.idx.msk [tilespmem:v30+s14+$0x0], $0xffff;
	_ =	sdelay $0x4  }
0x287: {  	[tilespmem:$0x10830] =	vst v5  }
0x288: {  	v5 =	vld.idx.msk [tilespmem:v31+s14+$0x0], $0xffff;
	_ =	sdelay $0x4  }
0x289: {  	[tilespmem:$0x108B0] =	vst v5  }
0x28a: {  	v5 =	vld.idx.msk [tilespmem:v32+s14+$0x0], $0xffff;
	_ =	sdelay $0x4  }
0x28b: {  	[tilespmem:$0x10930] =	vst v5  }
0x28c: {  	v5 =	vld.idx.msk [tilespmem:v33+s14+$0x0], $0xffff;
	_ =	sdelay $0x4  }
0x28d: {  	[tilespmem:$0x109B0] =	vst v5  }
0x28e: {  	v5 =	vld.idx.msk [tilespmem:v34+s14+$0x0], $0xffff  }
0x28f: {  	v4 =	vshll.u32 v4, $0x4  }
0x290: {  	(v2sf) =	vpush v4, $0x0;
	_ =	sdelay $0x2  }
0x291: {  	(v2sf) =	vpush v4, $0x1;
	[tilespmem:$0x10A30] =	vst v5  }
0x292: {  	v5 =	vld.idx.msk [tilespmem:v61+s14+$0x0], $0xffff;
	_ =	sdelay $0x1  }
0x293: {  	(v2sf) =	vpush v4, $0x2;
	_ =	sdelay $0x2  }
0x294: {  	(v2sf) =	vpush v4, $0x3;
	[tilespmem:$0x10AB0] =	vst v5  }
0x295: {  	v5 =	vld.idx.msk [tilespmem:v37+s14+$0x0], $0xffff;
	_ =	sdelay $0x4  }
0x296: {  	s18 =	spop (v2sf);
	(v2sf) =	vpush v4, $0x4;
	[tilespmem:$0x10B30] =	vst v5  }
0x297: {  	v5 =	vld.idx.msk [tilespmem:v62+s14+$0x0], $0xffff;
	_ =	sdelay $0x1  }
0x298: {  	s20 =	spop (v2sf);
	(v2sf) =	vpush v4, $0x5;
	_ =	sdelay $0x2  }
0x299: {  	s22 =	spop (v2sf);
	(v2sf) =	vpush v4, $0x6;
	[tilespmem:$0x10BB0] =	vst v5  }
0x29a: {  	v5 =	vld.idx.msk [tilespmem:v63+s14+$0x0], $0xffff;
	_ =	sdelay $0x1  }
0x29b: {  	s24 =	spop (v2sf);
	(v2sf) =	vpush v4, $0x7;
	_ =	sdelay $0x1  }
0x29c: {  	s0 =	sand.u32 $0x1FFFFFF0, s18  }
0x29d: {  	s7 =	simm.s32 $0x0;
	s19 =	rddreg [dreg:$0x4];
	s0 =	sadd.s32 s9, s0;
	[tilespmem:$0x10C30] =	vst v5  }
0x29e: {  	[hbm4b:s0+s7] =	stream.linear.scatter [tilespmem:s19], [sflag:$0x2], $0x80, $0x38;
	[tilespmem:$0x10C80] =	vst v63  }
0x29f: {  	s0 =	sand.u32 $0x1FFFFFF0, s20  }
0x2a0: {  	s21 =	rddreg [dreg:$0x5];
	s28 =	spop (v2sf);
	(v2sf) =	vpush v4, $0x8;
	s0 =	sadd.s32 s9, s0  }
0x2a1: {  	[hbm4b:s0+s7] =	stream.linear.scatter [tilespmem:s21], [sflag:$0x2], $0x80, $0x38;
	[tilespmem:$0x10C80] =	vst v63  }
0x2a2: {  	s0 =	sand.u32 $0x1FFFFFF0, s22  }
0x2a3: {  	s23 =	rddreg [dreg:$0x6];
	s1 =	spop (v2sf);
	(v2sf) =	vpush v4, $0x9;
	s0 =	sadd.s32 s9, s0  }
0x2a4: {  	[hbm4b:s0+s7] =	stream.linear.scatter [tilespmem:s23], [sflag:$0x2], $0x80, $0x38;
	[tilespmem:$0x10C80] =	vst v63  }
0x2a5: {  	s0 =	sand.u32 $0x1FFFFFF0, s24  }
0x2a6: {  	s25 =	rddreg [dreg:$0x7];
	s3 =	spop (v2sf);
	(v2sf) =	vpush v4, $0xA;
	s0 =	sadd.s32 s9, s0  }
0x2a7: {  	[hbm4b:s0+s7] =	stream.linear.scatter [tilespmem:s25], [sflag:$0x2], $0x80, $0x38;
	[tilespmem:$0x10C80] =	vst v63  }
0x2a8: {  	s0 =	sand.u32 $0x1FFFFFF0, s28  }
0x2a9: {  	s31 =	rddreg [dreg:$0x8];
	s6 =	spop (v2sf);
	(v2sf) =	vpush v4, $0xB;
	s0 =	sadd.s32 s9, s0  }
0x2aa: {  	[hbm4b:s0+s7] =	stream.linear.scatter [tilespmem:s31], [sflag:$0x2], $0x80, $0x38;
	[tilespmem:$0x10C80] =	vst v63  }
0x2ab: {  	s0 =	sand.u32 $0x1FFFFFF0, s1  }
0x2ac: {  	s2 =	rddreg [dreg:$0x9];
	s0 =	sadd.s32 s9, s0  }
0x2ad: {  	[hbm4b:s0+s7] =	stream.linear.scatter [tilespmem:s2], [sflag:$0x2], $0x80, $0x38;
	[tilespmem:$0x10C80] =	vst v63  }
0x2ae: {  	s0 =	sand.u32 $0x1FFFFFF0, s3  }
0x2af: {  	s5 =	rddreg [dreg:$0xa];
	s10 =	spop (v2sf);
	(v2sf) =	vpush v4, $0xC;
	s0 =	sadd.s32 s9, s0  }
0x2b0: {  	[hbm4b:s0+s7] =	stream.linear.scatter [tilespmem:s5], [sflag:$0x2], $0x80, $0x38;
	[tilespmem:$0x10C80] =	vst v63  }
0x2b1: {  	s0 =	sand.u32 $0x1FFFFFF0, s6  }
0x2b2: {  	s8 =	rddreg [dreg:$0xb];
	s12 =	spop (v2sf);
	(v2sf) =	vpush v4, $0xD;
	s0 =	sadd.s32 s9, s0  }
0x2b3: {  	[hbm4b:s0+s7] =	stream.linear.scatter [tilespmem:s8], [sflag:$0x2], $0x80, $0x38;
	[tilespmem:$0x10C80] =	vst v63  }
0x2b4: {  	s0 =	sand.u32 $0x1FFFFFF0, s10  }
0x2b5: {  	s11 =	rddreg [dreg:$0xc];
	s15 =	spop (v2sf);
	(v2sf) =	vpush v4, $0xE;
	s0 =	sadd.s32 s9, s0  }
0x2b6: {  	[hbm4b:s0+s7] =	stream.linear.scatter [tilespmem:s11], [sflag:$0x2], $0x80, $0x38;
	[tilespmem:$0x10C80] =	vst v63  }
0x2b7: {  	s0 =	sand.u32 $0x1FFFFFF0, s12  }
0x2b8: {  	s13 =	rddreg [dreg:$0xd];
	s17 =	spop (v2sf);
	(v2sf) =	vpush v4, $0xF;
	s0 =	sadd.s32 s9, s0  }
0x2b9: {  	[hbm4b:s0+s7] =	stream.linear.scatter [tilespmem:s13], [sflag:$0x2], $0x80, $0x38;
	[tilespmem:$0x10C80] =	vst v63  }
0x2ba: {  	s0 =	sand.u32 $0x1FFFFFF0, s15  }
0x2bb: {  	s16 =	rddreg [dreg:$0xe];
	s0 =	sadd.s32 s9, s0  }
0x2bc: {  	[hbm4b:s0+s7] =	stream.linear.scatter [tilespmem:s16], [sflag:$0x2], $0x80, $0x38;
	[tilespmem:$0x10C80] =	vst v63  }
0x2bd: {  	s0 =	sand.u32 $0x1FFFFFF0, s17  }
0x2be: {  	s18 =	rddreg [dreg:$0xf];
	s19 =	spop (v2sf);
	s0 =	sadd.s32 s9, s0  }
0x2bf: {  	[hbm4b:s0+s7] =	stream.linear.scatter [tilespmem:s18], [sflag:$0x2], $0x80, $0x38;
	[tilespmem:$0x10C80] =	vst v63  }
0x2c0: {  	s0 =	sand.u32 $0x1FFFFFF0, s19  }
0x2c1: {  	s20 =	rddreg [dreg:$0x10];
	s21 =	spop (v2sf);
	s0 =	sadd.s32 s9, s0  }
0x2c2: {  	[hbm4b:s0+s7] =	stream.linear.scatter [tilespmem:s20], [sflag:$0x2], $0x80, $0x38;
	[tilespmem:$0x10C80] =	vst v63  }
0x2c3: {  	s0 =	sand.u32 $0x1FFFFFF0, s21  }
0x2c4: {  	s22 =	rddreg [dreg:$0x11];
	s23 =	spop (v2sf);
	s0 =	sadd.s32 s9, s0  }
0x2c5: {  	[hbm4b:s0+s7] =	stream.linear.scatter [tilespmem:s22], [sflag:$0x2], $0x80, $0x38;
	[tilespmem:$0x10C80] =	vst v63  }
0x2c6: {  	s0 =	sand.u32 $0x1FFFFFF0, s23  }
0x2c7: {  	s24 =	rddreg [dreg:$0x12];
	s25 =	spop (v2sf);
	s0 =	sadd.s32 s9, s0  }
0x2c8: {  	[hbm4b:s0+s7] =	stream.linear.scatter [tilespmem:s24], [sflag:$0x2], $0x80, $0x38;
	[tilespmem:$0x10C80] =	vst v63  }
0x2c9: {  	s28 =	rddreg [dreg:$0x13];
	s0 =	sand.u32 $0x1FFFFFF0, s25  }
0x2ca: {  	s31 =	rddreg [dreg:$0x19];
	s0 =	sadd.s32 s9, s0  }
0x2cb: {  	[hbm4b:s0+s7] =	stream.linear.scatter [tilespmem:s28], [sflag:$0x2], $0x80, $0x38;
	[tilespmem:$0x10C80] =	vst v63  }
0x2cc: {  	s0 =	sadd.s32 $0x40, s31  }
0x2cd: {  	p0 =	sne.s32 s0, $0x800  }
.Ltmp0:
0x2ce: {  	_ = 	snop;
	(pc) =	sbr.rel @p0 .LBB2_2-.Ltmp0, $2  }
0x2cf: {  	_ =	sdelay $0x2  }
0x2d0: {  	s29 =	simm.s32 $0x7A1400  }
0x2d1: {  	s1 =	simm.s32 $0x2  }
0x2d2: {  	_ =	swait.ge [sflag:s1], $0x80  }
0x2d3: {  	[sflag:s1] =	ssyncset.done $0x0  }
0x2d4: {  	[sflag:s1] =	ssyncadd.s32 $0xFFFFFF80  }
0x2d5: {  	_ =	swait.ge [sflag:s1], $0x80  }
0x2d6: {  	[sflag:s1] =	ssyncset.done $0x0  }
0x2d7: {  	[sflag:s1] =	ssyncadd.s32 $0xFFFFFF80  }
0x2d8: {  	_ =	swait.ge [sflag:s1], $0x80  }
0x2d9: {  	[sflag:s1] =	ssyncset.done $0x0  }
0x2da: {  	[sflag:s1] =	ssyncadd.s32 $0xFFFFFF80  }
0x2db: {  	_ =	swait.ge [sflag:s1], $0x80  }
0x2dc: {  	[sflag:s1] =	ssyncset.done $0x0  }
0x2dd: {  	[sflag:s1] =	ssyncadd.s32 $0xFFFFFF80  }
0x2de: {  	_ =	swait.ge [sflag:s1], $0x80  }
0x2df: {  	[sflag:s1] =	ssyncset.done $0x0  }
0x2e0: {  	[sflag:s1] =	ssyncadd.s32 $0xFFFFFF80  }
0x2e1: {  	_ =	swait.ge [sflag:s1], $0x80  }
0x2e2: {  	[sflag:s1] =	ssyncset.done $0x0  }
0x2e3: {  	[sflag:s1] =	ssyncadd.s32 $0xFFFFFF80  }
0x2e4: {  	_ =	swait.ge [sflag:s1], $0x80  }
0x2e5: {  	[sflag:s1] =	ssyncset.done $0x0  }
0x2e6: {  	[sflag:s1] =	ssyncadd.s32 $0xFFFFFF80  }
0x2e7: {  	_ =	swait.ge [sflag:s1], $0x80  }
0x2e8: {  	[sflag:s1] =	ssyncset.done $0x0  }
0x2e9: {  	[sflag:s1] =	ssyncadd.s32 $0xFFFFFF80  }
0x2ea: {  	_ =	swait.ge [sflag:s1], $0x80  }
0x2eb: {  	[sflag:s1] =	ssyncset.done $0x0  }
0x2ec: {  	[sflag:s1] =	ssyncadd.s32 $0xFFFFFF80  }
0x2ed: {  	_ =	swait.ge [sflag:s1], $0x80  }
0x2ee: {  	[sflag:s1] =	ssyncset.done $0x0  }
0x2ef: {  	[sflag:s1] =	ssyncadd.s32 $0xFFFFFF80  }
0x2f0: {  	_ =	swait.ge [sflag:s1], $0x80  }
0x2f1: {  	[sflag:s1] =	ssyncset.done $0x0  }
0x2f2: {  	[sflag:s1] =	ssyncadd.s32 $0xFFFFFF80  }
0x2f3: {  	_ =	swait.ge [sflag:s1], $0x80  }
0x2f4: {  	[sflag:s1] =	ssyncset.done $0x0  }
0x2f5: {  	[sflag:s1] =	ssyncadd.s32 $0xFFFFFF80  }
0x2f6: {  	_ =	swait.ge [sflag:s1], $0x80  }
0x2f7: {  	[sflag:s1] =	ssyncset.done $0x0  }
0x2f8: {  	[sflag:s1] =	ssyncadd.s32 $0xFFFFFF80  }
0x2f9: {  	_ =	swait.ge [sflag:s1], $0x80  }
0x2fa: {  	[sflag:s1] =	ssyncset.done $0x0  }
0x2fb: {  	[sflag:s1] =	ssyncadd.s32 $0xFFFFFF80  }
0x2fc: {  	_ =	swait.ge [sflag:s1], $0x80  }
0x2fd: {  	[sflag:s1] =	ssyncset.done $0x0  }
0x2fe: {  	[sflag:s1] =	ssyncadd.s32 $0xFFFFFF80  }
0x2ff: {  	_ =	swait.ge [sflag:s1], $0x80  }
0x300: {  	s2 =	rddreg [dreg:$0x18]  }
0x301: {  	s0 =	rddreg [dreg:$0x17];
	s2 =	sadd.s32 $0x1, s2  }
0x302: {  	p0 =	sne.s32 s2, s0  }
.Ltmp1:
0x303: {  	_ = 	snop;
	(pc) =	sbr.rel @p0 .LBB2_1-.Ltmp1, $3  }
0x304: {  	_ =	sdelay $0x1  }
0x305: {  	[sflag:s1] =	ssyncset.done $0x0  }
0x306: {  	[sflag:s1] =	ssyncadd.s32 $0xFFFFFF80  }
0x307: {  	_ =	sfence.sel $0x180000  }
0x308: {  	[bflag:$0x0] =	sbarrier.arrive $0xFFFF  }
0x309: {  	_ =	strace $0x90000047  }
0x30a: {  	s0 =	stileid.u32;
	[bflag:$0x2] =	sbarrier.arrive $0xFFFF  }
0x30b: {  	p0 =	sne.s32 s0, $0x0;
	s0 =	rddreg [dreg:$0x3]  }
0x30c: {  	s0 =	sadd.s32 @!p0 $0x100000, s0  }
0x30d: {  	[sflag:s0] =	ssyncadd.tile.s32 @!p0 $0x1;
	_ =	shalt  }
.Lfunc_end2:
_tile_overlayer_lowered:
.L_overlay_start_2:
0x30e: {  	(tag) =	ssettag $0x2  }
0x30f: {  	s0 =	rddreg [dreg:$0x0];
	s2 =	stileid.u32  }
0x310: {  	s1 =	rddreg [dreg:$0x1];
	p0 =	sne.s32 s2, $0x0  }
0x311: {  	s3 =	rddreg [dreg:$0x2];
	[bflag:$0x3] =	sbarrier.arrive $0xFFFF;
	s2 =	simm.s32 @!p0 $0x1C03  }
0x312: {  	[timem:s3], [sflag:s2] =	dma.local @!p0 [hbm:s0], s1  }
0x313: {  	s0 =	simm.s32 @!p0 $0x3  }
0x314: {  	_ =	swait.ge @!p0 [sflag:s0], s1  }
0x315: {  	s1 =	ssub.s32 @!p0 $0x0, s1;
	[sflag:s0] =	ssyncset.done @!p0 $0x0  }
0x316: {  	[sflag:s0] =	ssyncadd.s32 @!p0 s1  }
0x317: {  	[bflag:$0x3] =	sbarrier.arrive $0xFFFF  }
0x318: {  	_ =	shalt  }

</sc_bundles>
